<compile_context>
chip_gen: v7x
topology: tpu7x:2x2x1
jax: 0.10.2.dev20260603
libtpu: 0.0.44.dev20260713+nightly
codegen_flags: <defaults>
</compile_context>

<pallas_src>
import numpy as np
import jax
import jax.numpy as jnp
from jax import lax
from jax.experimental import pallas as pl
from jax.experimental.pallas import tpu as pltpu
from jax.experimental.pallas import tpu_sc as plsc

_D = 128
_T = 200
_B = 1024

_NC, _NS = 2, 16
_NW = _NC * _NS
_RPW = _B // _NW

_H0 = 104
_H1 = _T - _H0
_NBUF = 6


def _pe_table():
    pos = np.arange(_T)[:, None].astype(np.float32)
    i = np.arange(0, _D, 2).astype(np.float32)
    denom = np.power(10000.0, i / _D)
    pe = np.zeros((_T, _D), dtype=np.float32)
    pe[:, 0::2] = np.sin(pos / denom)
    pe[:, 1::2] = np.cos(pos / denom)
    return pe


def _ulen(h):
    return _H0 if h == 0 else _H1


def _body(tok_hbm, table_hbm, pe_hbm, out_hbm,
          pe_v, idx_v, rows_v, gsems, wsems, psem):
    c = lax.axis_index("c")
    s = lax.axis_index("s")
    wid = s * _NC + c
    base = wid * _RPW
    pe_cp = pltpu.make_async_copy(pe_hbm, pe_v, psem)
    pe_cp.start()
    pltpu.sync_copy(tok_hbm.at[pl.ds(base * _T, _RPW * _T)], idx_v)

    def gather_copy(r, h, buf):
        n = _ulen(h)
        cp = pltpu.make_async_copy(
            table_hbm.at[idx_v.at[pl.ds(r * _T + h * _H0, n)]],
            rows_v.at[buf, pl.ds(0, n)], gsems[buf])
        return cp

    def issue(r, h, buf, wait_wb):
        if wait_wb:
            n = _ulen(h)
            pltpu.make_async_copy(rows_v.at[buf, pl.ds(0, n)],
                                  out_hbm.at[0, pl.ds(0, n)],
                                  wsems[buf]).wait()
        gather_copy(r, h, buf).start()

    def consume(r, h, buf):
        n = _ulen(h)
        gather_copy(r, h, buf).wait()

        def add_row(i, inner):
            for j in range(_D // 16):
                sl = pl.ds(j * 16, 16)
                rows_v[buf, i, sl] = rows_v[buf, i, sl] + pe_v[h * _H0 + i, sl]
            return inner

        lax.fori_loop(0, n, add_row, 0)
        pltpu.make_async_copy(rows_v.at[buf, pl.ds(0, n)],
                              out_hbm.at[base + r, pl.ds(h * _H0, n)],
                              wsems[buf]).start()

    issue(0, 0, 0, False)
    issue(0, 1, 1, False)
    issue(1, 0, 2, False)
    issue(1, 1, 3, False)
    issue(2, 0, 4, False)
    pe_cp.wait()
    consume(0, 0, 0)
    issue(2, 1, 5, False)
    consume(0, 1, 1)

    def pipe(k, carry):
        for cc in range(_NBUF):
            issue(3 * k + 3 + (cc // 2), cc % 2, cc, True)
            consume(3 * k + ((2 + cc) // 2), cc % 2, (2 + cc) % 6)
        return carry

    lax.fori_loop(0, 9, pipe, 0)

    issue(30, 0, 0, True)
    consume(28, 0, 2)
    issue(30, 1, 1, True)
    consume(28, 1, 3)
    issue(31, 0, 2, True)
    consume(29, 0, 4)
    issue(31, 1, 3, True)
    consume(29, 1, 5)
    consume(30, 0, 0)
    consume(30, 1, 1)
    consume(31, 0, 2)
    consume(31, 1, 3)
    for buf in range(_NBUF):
        n = _ulen(buf % 2)
        pltpu.make_async_copy(rows_v.at[buf, pl.ds(0, n)],
                              out_hbm.at[0, pl.ds(0, n)],
                              wsems[buf]).wait()


def kernel(token_ids, table, StartToken, EndToken):
    tok = token_ids.astype(jnp.int32).reshape(-1)
    pe = jnp.asarray(_pe_table())
    mesh = plsc.VectorSubcoreMesh(core_axis_name="c", subcore_axis_name="s")
    k = pl.kernel(
        _body,
        mesh=mesh,
        out_type=jax.ShapeDtypeStruct((_B, _T, _D), jnp.float32),
        scratch_types=[
            pltpu.VMEM((_T, _D), jnp.float32),
            pltpu.VMEM((_RPW * _T,), jnp.int32),
            pltpu.VMEM((_NBUF, _H0, _D), jnp.float32),
            [pltpu.SemaphoreType.DMA] * _NBUF,
            [pltpu.SemaphoreType.DMA] * _NBUF,
            pltpu.SemaphoreType.DMA,
        ],
    )
    return k(tok, table, pe)

# --- scband reference (transcript-rebuilt; emitter-appended) ---
"""Pipeline reference for scband-sentence-embedding-5274219839567 (READ-ONLY COPY).

The authoritative reference and input builder live on the scoring server;
editing this copy changes nothing except your own understanding.
"""

import jax, jax.numpy as jnp
import numpy as np

VOCAB = 100000
D_MODEL = 128
MAX_SEQ = 200
BATCH = 1024

def _positional_encoding(max_len, d_model):
    pos = np.arange(max_len)[:, None].astype(np.float32)
    i = np.arange(0, d_model, 2).astype(np.float32)
    denom = np.power(10000.0, i / d_model)
    pe = np.zeros((max_len, d_model), dtype=np.float32)
    pe[:, 0::2] = np.sin(pos / denom)
    pe[:, 1::2] = np.cos(pos / denom)
    return jnp.asarray(pe)

def setup_inputs(seed: int = 0) -> dict:
    key = jax.random.key(seed)
    k1, k2 = jax.random.split(key)
    token_ids = jax.random.randint(k1, (BATCH, MAX_SEQ), 0, VOCAB)
    table = jax.random.normal(k2, (VOCAB, D_MODEL), dtype=jnp.float32)
    return {"token_ids": token_ids, "table": table, "StartToken": 1, "EndToken": 1}

def reference(token_ids, table, StartToken, EndToken):
    # Tokenization (string -> index) is bypassed: token_ids are already in-vocab
    # integer indices shaped [batch, MaxSequenceLength], matching the output of
    # BatchTokenize. Embedding lookup + sinusoidal positional encoding; dropout
    # is identity in eval mode.
    emb = jnp.take(table, token_ids, axis=0)
    pe = _positional_encoding(MAX_SEQ, D_MODEL)
    out = emb + pe[None, :, :]
    return out

if __name__ == "__main__":
    import jax
    _d = setup_inputs()
    print(jax.jit(kernel)(*tuple(_d.values())))

</pallas_src>

<mosaic_0001>
#map = affine_map<(d0, d1) -> (0)>
#map1 = affine_map<(d0, d1) -> (0, 0)>
#map2 = affine_map<(d0, d1) -> (0, 0, 0)>
module attributes {stable_mosaic.version = 14 : i64} {
  func.func @_body(%arg0: i32, %arg1: i32, %arg2: memref<204800xi32, #tpu.memory_space<hbm>>, %arg3: memref<100000x128xf32, #tpu.memory_space<hbm>>, %arg4: memref<200x128xf32, #tpu.memory_space<hbm>>, %arg5: memref<1024x200x128xf32, #tpu.memory_space<hbm>>, %arg6: memref<200x128xf32, #tpu.memory_space<vmem>>, %arg7: memref<6400xi32, #tpu.memory_space<vmem>>, %arg8: memref<6x104x128xf32, #tpu.memory_space<vmem>>, %arg9: memref<!tpu.dma_semaphore, #tpu.memory_space<semaphore_mem>>, %arg10: memref<!tpu.dma_semaphore, #tpu.memory_space<semaphore_mem>>, %arg11: memref<!tpu.dma_semaphore, #tpu.memory_space<semaphore_mem>>, %arg12: memref<!tpu.dma_semaphore, #tpu.memory_space<semaphore_mem>>, %arg13: memref<!tpu.dma_semaphore, #tpu.memory_space<semaphore_mem>>, %arg14: memref<!tpu.dma_semaphore, #tpu.memory_space<semaphore_mem>>, %arg15: memref<!tpu.dma_semaphore, #tpu.memory_space<semaphore_mem>>, %arg16: memref<!tpu.dma_semaphore, #tpu.memory_space<semaphore_mem>>, %arg17: memref<!tpu.dma_semaphore, #tpu.memory_space<semaphore_mem>>, %arg18: memref<!tpu.dma_semaphore, #tpu.memory_space<semaphore_mem>>, %arg19: memref<!tpu.dma_semaphore, #tpu.memory_space<semaphore_mem>>, %arg20: memref<!tpu.dma_semaphore, #tpu.memory_space<semaphore_mem>>, %arg21: memref<!tpu.dma_semaphore, #tpu.memory_space<semaphore_mem>>) attributes {dimension_semantics = [#tpu.dimension_semantics<core_parallel>, #tpu.dimension_semantics<subcore_parallel>], iteration_bounds = array<i64: 2, 16>, scalar_prefetch = 0 : i64, scratch_operands = 16 : i64, tpu.core_type = #tpu.core_type<sc_vector_subcore>, window_params = [{transform_indices = #map}, {transform_indices = #map1}, {transform_indices = #map1}, {transform_indices = #map2}]} {
    %mul3A = arith.constant 2 : i32
    %mul3A_0 = arith.muli %arg1, %mul3A : i32
    %add3A = arith.addi %mul3A_0, %arg0 : i32
    %mul3A_1 = arith.constant 32 : i32
    %mul3A_2 = arith.muli %add3A, %mul3A_1 : i32
    tpu.enqueue_dma source(%arg4 : memref<200x128xf32, #tpu.memory_space<hbm>>) target(%arg6 : memref<200x128xf32, #tpu.memory_space<vmem>>) target_semaphore(%arg21 : memref<!tpu.dma_semaphore, #tpu.memory_space<semaphore_mem>>)
    %mul3A_3 = arith.constant 200 : i32
    %mul3A_4 = arith.muli %mul3A_2, %mul3A_3 : i32
    "tpu.region"() ({
      %run_scoped3A = tpu.sem_alloc : memref<!tpu.dma_semaphore, #tpu.memory_space<semaphore_mem>>
      %dma_start3A_638 = tpu.memref_slice %arg2[%mul3A_4] : memref<204800xi32, #tpu.memory_space<hbm>> -> memref<6400xi32, #tpu.memory_space<hbm>>
      %dma_start3A_639 = tpu.memref_slice %arg2[%mul3A_4] : memref<204800xi32, #tpu.memory_space<hbm>> -> memref<6400xi32, #tpu.memory_space<hbm>>
      tpu.enqueue_dma source(%dma_start3A_639 : memref<6400xi32, #tpu.memory_space<hbm>>) target(%arg7 : memref<6400xi32, #tpu.memory_space<vmem>>) target_semaphore(%run_scoped3A : memref<!tpu.dma_semaphore, #tpu.memory_space<semaphore_mem>>)
      %dma_wait3A_640 = tpu.memref_slice %arg2[%mul3A_4] : memref<204800xi32, #tpu.memory_space<hbm>> -> memref<6400xi32, #tpu.memory_space<hbm>>
      %dma_wait3A_641 = tpu.memref_slice %arg2[%mul3A_4] : memref<204800xi32, #tpu.memory_space<hbm>> -> memref<6400xi32, #tpu.memory_space<hbm>>
      tpu.wait_dma2 semaphore(%run_scoped3A : memref<!tpu.dma_semaphore, #tpu.memory_space<semaphore_mem>>) src(%dma_wait3A_641 : memref<6400xi32, #tpu.memory_space<hbm>>) dst(%arg7 : memref<6400xi32, #tpu.memory_space<vmem>>)
      tpu.yield
    }) : () -> ()
    %dma_start3A = arith.constant 0 : i32
    %dma_start3A_5 = arith.constant 0 : i32
    %dma_start3A_6 = arith.constant 0 : i32
    %dma_start3A_7 = tpu.memref_slice %arg8[%dma_start3A, %dma_start3A_5, %dma_start3A_6] : memref<6x104x128xf32, #tpu.memory_space<vmem>> -> memref<1x104x128xf32, #tpu.memory_space<vmem>>
    %dma_start3A_8 = tpu.memref_squeeze %dma_start3A_7 : memref<1x104x128xf32, #tpu.memory_space<vmem>> -> memref<104x128xf32, #tpu.memory_space<vmem>>
    %dma_start3A_9 = arith.constant 0 : i32
    %dma_start3A_10 = tpu.memref_slice %arg7[%dma_start3A_9] : memref<6400xi32, #tpu.memory_space<vmem>> -> memref<104xi32, #tpu.memory_space<vmem>>
    %dma_start3A_11 = arith.constant 0 : i32
    %dma_start3A_12 = arith.constant 0 : i32
    %dma_start3A_13 = tpu.memref_slice %arg3[%dma_start3A_11, %dma_start3A_12] : memref<100000x128xf32, #tpu.memory_space<hbm>> -> memref<100000x128xf32, #tpu.memory_space<hbm>>
    tpu.enqueue_indirect_dma source(%dma_start3A_13 : memref<100000x128xf32, #tpu.memory_space<hbm>>) target(%dma_start3A_8 : memref<104x128xf32, #tpu.memory_space<vmem>>) offsets(%dma_start3A_10 : memref<104xi32, #tpu.memory_space<vmem>>) semaphore(%arg9 : memref<!tpu.dma_semaphore, #tpu.memory_space<semaphore_mem>>)
    %dma_start3A_14 = arith.constant 1 : i32
    %dma_start3A_15 = arith.constant 0 : i32
    %dma_start3A_16 = arith.constant 0 : i32
    %dma_start3A_17 = tpu.memref_slice %arg8[%dma_start3A_14, %dma_start3A_15, %dma_start3A_16] : memref<6x104x128xf32, #tpu.memory_space<vmem>> -> memref<1x96x128xf32, #tpu.memory_space<vmem>>
    %dma_start3A_18 = tpu.memref_squeeze %dma_start3A_17 : memref<1x96x128xf32, #tpu.memory_space<vmem>> -> memref<96x128xf32, #tpu.memory_space<vmem>>
    %dma_start3A_19 = arith.constant 104 : i32
    %dma_start3A_20 = tpu.memref_slice %arg7[%dma_start3A_19] : memref<6400xi32, #tpu.memory_space<vmem>> -> memref<96xi32, #tpu.memory_space<vmem>>
    %dma_start3A_21 = arith.constant 0 : i32
    %dma_start3A_22 = arith.constant 0 : i32
    %dma_start3A_23 = tpu.memref_slice %arg3[%dma_start3A_21, %dma_start3A_22] : memref<100000x128xf32, #tpu.memory_space<hbm>> -> memref<100000x128xf32, #tpu.memory_space<hbm>>
    tpu.enqueue_indirect_dma source(%dma_start3A_23 : memref<100000x128xf32, #tpu.memory_space<hbm>>) target(%dma_start3A_18 : memref<96x128xf32, #tpu.memory_space<vmem>>) offsets(%dma_start3A_20 : memref<96xi32, #tpu.memory_space<vmem>>) semaphore(%arg10 : memref<!tpu.dma_semaphore, #tpu.memory_space<semaphore_mem>>)
    %dma_start3A_24 = arith.constant 2 : i32
    %dma_start3A_25 = arith.constant 0 : i32
    %dma_start3A_26 = arith.constant 0 : i32
    %dma_start3A_27 = tpu.memref_slice %arg8[%dma_start3A_24, %dma_start3A_25, %dma_start3A_26] : memref<6x104x128xf32, #tpu.memory_space<vmem>> -> memref<1x104x128xf32, #tpu.memory_space<vmem>>
    %dma_start3A_28 = tpu.memref_squeeze %dma_start3A_27 : memref<1x104x128xf32, #tpu.memory_space<vmem>> -> memref<104x128xf32, #tpu.memory_space<vmem>>
    %dma_start3A_29 = arith.constant 200 : i32
    %dma_start3A_30 = tpu.memref_slice %arg7[%dma_start3A_29] : memref<6400xi32, #tpu.memory_space<vmem>> -> memref<104xi32, #tpu.memory_space<vmem>>
    %dma_start3A_31 = arith.constant 0 : i32
    %dma_start3A_32 = arith.constant 0 : i32
    %dma_start3A_33 = tpu.memref_slice %arg3[%dma_start3A_31, %dma_start3A_32] : memref<100000x128xf32, #tpu.memory_space<hbm>> -> memref<100000x128xf32, #tpu.memory_space<hbm>>
    tpu.enqueue_indirect_dma source(%dma_start3A_33 : memref<100000x128xf32, #tpu.memory_space<hbm>>) target(%dma_start3A_28 : memref<104x128xf32, #tpu.memory_space<vmem>>) offsets(%dma_start3A_30 : memref<104xi32, #tpu.memory_space<vmem>>) semaphore(%arg11 : memref<!tpu.dma_semaphore, #tpu.memory_space<semaphore_mem>>)
    %dma_start3A_34 = arith.constant 3 : i32
    %dma_start3A_35 = arith.constant 0 : i32
    %dma_start3A_36 = arith.constant 0 : i32
    %dma_start3A_37 = tpu.memref_slice %arg8[%dma_start3A_34, %dma_start3A_35, %dma_start3A_36] : memref<6x104x128xf32, #tpu.memory_space<vmem>> -> memref<1x96x128xf32, #tpu.memory_space<vmem>>
    %dma_start3A_38 = tpu.memref_squeeze %dma_start3A_37 : memref<1x96x128xf32, #tpu.memory_space<vmem>> -> memref<96x128xf32, #tpu.memory_space<vmem>>
    %dma_start3A_39 = arith.constant 304 : i32
    %dma_start3A_40 = tpu.memref_slice %arg7[%dma_start3A_39] : memref<6400xi32, #tpu.memory_space<vmem>> -> memref<96xi32, #tpu.memory_space<vmem>>
    %dma_start3A_41 = arith.constant 0 : i32
    %dma_start3A_42 = arith.constant 0 : i32
    %dma_start3A_43 = tpu.memref_slice %arg3[%dma_start3A_41, %dma_start3A_42] : memref<100000x128xf32, #tpu.memory_space<hbm>> -> memref<100000x128xf32, #tpu.memory_space<hbm>>
    tpu.enqueue_indirect_dma source(%dma_start3A_43 : memref<100000x128xf32, #tpu.memory_space<hbm>>) target(%dma_start3A_38 : memref<96x128xf32, #tpu.memory_space<vmem>>) offsets(%dma_start3A_40 : memref<96xi32, #tpu.memory_space<vmem>>) semaphore(%arg12 : memref<!tpu.dma_semaphore, #tpu.memory_space<semaphore_mem>>)
    %dma_start3A_44 = arith.constant 4 : i32
    %dma_start3A_45 = arith.constant 0 : i32
    %dma_start3A_46 = arith.constant 0 : i32
    %dma_start3A_47 = tpu.memref_slice %arg8[%dma_start3A_44, %dma_start3A_45, %dma_start3A_46] : memref<6x104x128xf32, #tpu.memory_space<vmem>> -> memref<1x104x128xf32, #tpu.memory_space<vmem>>
    %dma_start3A_48 = tpu.memref_squeeze %dma_start3A_47 : memref<1x104x128xf32, #tpu.memory_space<vmem>> -> memref<104x128xf32, #tpu.memory_space<vmem>>
    %dma_start3A_49 = arith.constant 400 : i32
    %dma_start3A_50 = tpu.memref_slice %arg7[%dma_start3A_49] : memref<6400xi32, #tpu.memory_space<vmem>> -> memref<104xi32, #tpu.memory_space<vmem>>
    %dma_start3A_51 = arith.constant 0 : i32
    %dma_start3A_52 = arith.constant 0 : i32
    %dma_start3A_53 = tpu.memref_slice %arg3[%dma_start3A_51, %dma_start3A_52] : memref<100000x128xf32, #tpu.memory_space<hbm>> -> memref<100000x128xf32, #tpu.memory_space<hbm>>
    tpu.enqueue_indirect_dma source(%dma_start3A_53 : memref<100000x128xf32, #tpu.memory_space<hbm>>) target(%dma_start3A_48 : memref<104x128xf32, #tpu.memory_space<vmem>>) offsets(%dma_start3A_50 : memref<104xi32, #tpu.memory_space<vmem>>) semaphore(%arg13 : memref<!tpu.dma_semaphore, #tpu.memory_space<semaphore_mem>>)
    tpu.wait_dma2 semaphore(%arg21 : memref<!tpu.dma_semaphore, #tpu.memory_space<semaphore_mem>>) src(%arg4 : memref<200x128xf32, #tpu.memory_space<hbm>>) dst(%arg6 : memref<200x128xf32, #tpu.memory_space<vmem>>)
    %dma_wait3A = arith.constant 0 : i32
    %dma_wait3A_54 = arith.constant 0 : i32
    %dma_wait3A_55 = arith.constant 0 : i32
    %dma_wait3A_56 = tpu.memref_slice %arg8[%dma_wait3A, %dma_wait3A_54, %dma_wait3A_55] : memref<6x104x128xf32, #tpu.memory_space<vmem>> -> memref<1x104x128xf32, #tpu.memory_space<vmem>>
    %dma_wait3A_57 = tpu.memref_squeeze %dma_wait3A_56 : memref<1x104x128xf32, #tpu.memory_space<vmem>> -> memref<104x128xf32, #tpu.memory_space<vmem>>
    %dma_wait3A_58 = arith.constant 0 : i32
    %dma_wait3A_59 = tpu.memref_slice %arg7[%dma_wait3A_58] : memref<6400xi32, #tpu.memory_space<vmem>> -> memref<104xi32, #tpu.memory_space<vmem>>
    %dma_wait3A_60 = arith.constant 0 : i32
    %dma_wait3A_61 = arith.constant 0 : i32
    %dma_wait3A_62 = tpu.memref_slice %arg3[%dma_wait3A_60, %dma_wait3A_61] : memref<100000x128xf32, #tpu.memory_space<hbm>> -> memref<100000x128xf32, #tpu.memory_space<hbm>>
    tpu.wait_indirect_dma semaphore(%arg9 : memref<!tpu.dma_semaphore, #tpu.memory_space<semaphore_mem>>) src(%dma_wait3A_62 : memref<100000x128xf32, #tpu.memory_space<hbm>>) dst(%dma_wait3A_57 : memref<104x128xf32, #tpu.memory_space<vmem>>)
    %scan3A = arith.constant 0 : i32
    %scan3A_63 = arith.constant 0 : i32
    %scan3A_64 = arith.constant 104 : i32
    %scan3A_65 = arith.addi %scan3A_63, %scan3A_64 : i32
    %scan3A_66 = arith.constant 1 : i32
    scf.for %scan3A_638 = %scan3A_63 to %scan3A_65 step %scan3A_66  : i32 {
      %get3A = arith.constant 0 : i32
      %get3A_639 = arith.index_cast %get3A : i32 to index
      %get3A_640 = arith.index_cast %scan3A_638 : i32 to index
      %get3A_641 = arith.constant 0 : index
      %get3A_642 = tpu.vector_load %arg8[%get3A_639, %get3A_640, %get3A_641] {strides = array<i32>} : memref<6x104x128xf32, #tpu.memory_space<vmem>>, vector<1x1x16xf32>,
      %get3A_643 = vector.shape_cast %get3A_642 : vector<1x1x16xf32> to vector<16xf32>
      %add3A_644 = arith.constant 0 : i32
      %add3A_645 = arith.addi %add3A_644, %scan3A_638 : i32
      %get3A_646 = arith.index_cast %add3A_645 : i32 to index
      %get3A_647 = arith.constant 0 : index
      %get3A_648 = tpu.vector_load %arg6[%get3A_646, %get3A_647] {strides = array<i32>} : memref<200x128xf32, #tpu.memory_space<vmem>>, vector<1x16xf32>,
      %get3A_649 = vector.shape_cast %get3A_648 : vector<1x16xf32> to vector<16xf32>
      %add3A_650 = arith.addf %get3A_643, %get3A_649 : vector<16xf32>
      %swap3A = arith.constant 0 : i32
      %swap3A_651 = arith.index_cast %swap3A : i32 to index
      %swap3A_652 = arith.index_cast %scan3A_638 : i32 to index
      %swap3A_653 = arith.constant 0 : index
      %swap3A_654 = tpu.vector_load %arg8[%swap3A_651, %swap3A_652, %swap3A_653] {strides = array<i32>} : memref<6x104x128xf32, #tpu.memory_space<vmem>>, vector<1x1x16xf32>,
      %swap3A_655 = vector.shape_cast %swap3A_654 : vector<1x1x16xf32> to vector<16xf32>
      %swap3A_656 = vector.shape_cast %add3A_650 : vector<16xf32> to vector<1x1x16xf32>
      tpu.vector_store %arg8[%swap3A_651, %swap3A_652, %swap3A_653], %swap3A_656 {strides = array<i32>} : memref<6x104x128xf32, #tpu.memory_space<vmem>>, vector<1x1x16xf32>,
      %get3A_657 = arith.constant 0 : i32
      %get3A_658 = arith.index_cast %get3A_657 : i32 to index
      %get3A_659 = arith.index_cast %scan3A_638 : i32 to index
      %get3A_660 = arith.constant 16 : index
      %get3A_661 = tpu.vector_load %arg8[%get3A_658, %get3A_659, %get3A_660] {strides = array<i32>} : memref<6x104x128xf32, #tpu.memory_space<vmem>>, vector<1x1x16xf32>,
      %get3A_662 = vector.shape_cast %get3A_661 : vector<1x1x16xf32> to vector<16xf32>
      %add3A_663 = arith.constant 0 : i32
      %add3A_664 = arith.addi %add3A_663, %scan3A_638 : i32
      %get3A_665 = arith.index_cast %add3A_664 : i32 to index
      %get3A_666 = arith.constant 16 : index
      %get3A_667 = tpu.vector_load %arg6[%get3A_665, %get3A_666] {strides = array<i32>} : memref<200x128xf32, #tpu.memory_space<vmem>>, vector<1x16xf32>,
      %get3A_668 = vector.shape_cast %get3A_667 : vector<1x16xf32> to vector<16xf32>
      %add3A_669 = arith.addf %get3A_662, %get3A_668 : vector<16xf32>
      %swap3A_670 = arith.constant 0 : i32
      %swap3A_671 = arith.index_cast %swap3A_670 : i32 to index
      %swap3A_672 = arith.index_cast %scan3A_638 : i32 to index
      %swap3A_673 = arith.constant 16 : index
      %swap3A_674 = tpu.vector_load %arg8[%swap3A_671, %swap3A_672, %swap3A_673] {strides = array<i32>} : memref<6x104x128xf32, #tpu.memory_space<vmem>>, vector<1x1x16xf32>,
      %swap3A_675 = vector.shape_cast %swap3A_674 : vector<1x1x16xf32> to vector<16xf32>
      %swap3A_676 = vector.shape_cast %add3A_669 : vector<16xf32> to vector<1x1x16xf32>
      tpu.vector_store %arg8[%swap3A_671, %swap3A_672, %swap3A_673], %swap3A_676 {strides = array<i32>} : memref<6x104x128xf32, #tpu.memory_space<vmem>>, vector<1x1x16xf32>,
      %get3A_677 = arith.constant 0 : i32
      %get3A_678 = arith.index_cast %get3A_677 : i32 to index
      %get3A_679 = arith.index_cast %scan3A_638 : i32 to index
      %get3A_680 = arith.constant 32 : index
      %get3A_681 = tpu.vector_load %arg8[%get3A_678, %get3A_679, %get3A_680] {strides = array<i32>} : memref<6x104x128xf32, #tpu.memory_space<vmem>>, vector<1x1x16xf32>,
      %get3A_682 = vector.shape_cast %get3A_681 : vector<1x1x16xf32> to vector<16xf32>
      %add3A_683 = arith.constant 0 : i32
      %add3A_684 = arith.addi %add3A_683, %scan3A_638 : i32
      %get3A_685 = arith.index_cast %add3A_684 : i32 to index
      %get3A_686 = arith.constant 32 : index
      %get3A_687 = tpu.vector_load %arg6[%get3A_685, %get3A_686] {strides = array<i32>} : memref<200x128xf32, #tpu.memory_space<vmem>>, vector<1x16xf32>,
      %get3A_688 = vector.shape_cast %get3A_687 : vector<1x16xf32> to vector<16xf32>
      %add3A_689 = arith.addf %get3A_682, %get3A_688 : vector<16xf32>
      %swap3A_690 = arith.constant 0 : i32
      %swap3A_691 = arith.index_cast %swap3A_690 : i32 to index
      %swap3A_692 = arith.index_cast %scan3A_638 : i32 to index
      %swap3A_693 = arith.constant 32 : index
      %swap3A_694 = tpu.vector_load %arg8[%swap3A_691, %swap3A_692, %swap3A_693] {strides = array<i32>} : memref<6x104x128xf32, #tpu.memory_space<vmem>>, vector<1x1x16xf32>,
      %swap3A_695 = vector.shape_cast %swap3A_694 : vector<1x1x16xf32> to vector<16xf32>
      %swap3A_696 = vector.shape_cast %add3A_689 : vector<16xf32> to vector<1x1x16xf32>
      tpu.vector_store %arg8[%swap3A_691, %swap3A_692, %swap3A_693], %swap3A_696 {strides = array<i32>} : memref<6x104x128xf32, #tpu.memory_space<vmem>>, vector<1x1x16xf32>,
      %get3A_697 = arith.constant 0 : i32
      %get3A_698 = arith.index_cast %get3A_697 : i32 to index
      %get3A_699 = arith.index_cast %scan3A_638 : i32 to index
      %get3A_700 = arith.constant 48 : index
      %get3A_701 = tpu.vector_load %arg8[%get3A_698, %get3A_699, %get3A_700] {strides = array<i32>} : memref<6x104x128xf32, #tpu.memory_space<vmem>>, vector<1x1x16xf32>,
      %get3A_702 = vector.shape_cast %get3A_701 : vector<1x1x16xf32> to vector<16xf32>
      %add3A_703 = arith.constant 0 : i32
      %add3A_704 = arith.addi %add3A_703, %scan3A_638 : i32
      %get3A_705 = arith.index_cast %add3A_704 : i32 to index
      %get3A_706 = arith.constant 48 : index
      %get3A_707 = tpu.vector_load %arg6[%get3A_705, %get3A_706] {strides = array<i32>} : memref<200x128xf32, #tpu.memory_space<vmem>>, vector<1x16xf32>,
      %get3A_708 = vector.shape_cast %get3A_707 : vector<1x16xf32> to vector<16xf32>
      %add3A_709 = arith.addf %get3A_702, %get3A_708 : vector<16xf32>
      %swap3A_710 = arith.constant 0 : i32
      %swap3A_711 = arith.index_cast %swap3A_710 : i32 to index
      %swap3A_712 = arith.index_cast %scan3A_638 : i32 to index
      %swap3A_713 = arith.constant 48 : index
      %swap3A_714 = tpu.vector_load %arg8[%swap3A_711, %swap3A_712, %swap3A_713] {strides = array<i32>} : memref<6x104x128xf32, #tpu.memory_space<vmem>>, vector<1x1x16xf32>,
      %swap3A_715 = vector.shape_cast %swap3A_714 : vector<1x1x16xf32> to vector<16xf32>
      %swap3A_716 = vector.shape_cast %add3A_709 : vector<16xf32> to vector<1x1x16xf32>
      tpu.vector_store %arg8[%swap3A_711, %swap3A_712, %swap3A_713], %swap3A_716 {strides = array<i32>} : memref<6x104x128xf32, #tpu.memory_space<vmem>>, vector<1x1x16xf32>,
      %get3A_717 = arith.constant 0 : i32
      %get3A_718 = arith.index_cast %get3A_717 : i32 to index
      %get3A_719 = arith.index_cast %scan3A_638 : i32 to index
      %get3A_720 = arith.constant 64 : index
      %get3A_721 = tpu.vector_load %arg8[%get3A_718, %get3A_719, %get3A_720] {strides = array<i32>} : memref<6x104x128xf32, #tpu.memory_space<vmem>>, vector<1x1x16xf32>,
      %get3A_722 = vector.shape_cast %get3A_721 : vector<1x1x16xf32> to vector<16xf32>
      %add3A_723 = arith.constant 0 : i32
      %add3A_724 = arith.addi %add3A_723, %scan3A_638 : i32
      %get3A_725 = arith.index_cast %add3A_724 : i32 to index
      %get3A_726 = arith.constant 64 : index
      %get3A_727 = tpu.vector_load %arg6[%get3A_725, %get3A_726] {strides = array<i32>} : memref<200x128xf32, #tpu.memory_space<vmem>>, vector<1x16xf32>,
      %get3A_728 = vector.shape_cast %get3A_727 : vector<1x16xf32> to vector<16xf32>
      %add3A_729 = arith.addf %get3A_722, %get3A_728 : vector<16xf32>
      %swap3A_730 = arith.constant 0 : i32
      %swap3A_731 = arith.index_cast %swap3A_730 : i32 to index
      %swap3A_732 = arith.index_cast %scan3A_638 : i32 to index
      %swap3A_733 = arith.constant 64 : index
      %swap3A_734 = tpu.vector_load %arg8[%swap3A_731, %swap3A_732, %swap3A_733] {strides = array<i32>} : memref<6x104x128xf32, #tpu.memory_space<vmem>>, vector<1x1x16xf32>,
      %swap3A_735 = vector.shape_cast %swap3A_734 : vector<1x1x16xf32> to vector<16xf32>
      %swap3A_736 = vector.shape_cast %add3A_729 : vector<16xf32> to vector<1x1x16xf32>
      tpu.vector_store %arg8[%swap3A_731, %swap3A_732, %swap3A_733], %swap3A_736 {strides = array<i32>} : memref<6x104x128xf32, #tpu.memory_space<vmem>>, vector<1x1x16xf32>,
      %get3A_737 = arith.constant 0 : i32
      %get3A_738 = arith.index_cast %get3A_737 : i32 to index
      %get3A_739 = arith.index_cast %scan3A_638 : i32 to index
      %get3A_740 = arith.constant 80 : index
      %get3A_741 = tpu.vector_load %arg8[%get3A_738, %get3A_739, %get3A_740] {strides = array<i32>} : memref<6x104x128xf32, #tpu.memory_space<vmem>>, vector<1x1x16xf32>,
      %get3A_742 = vector.shape_cast %get3A_741 : vector<1x1x16xf32> to vector<16xf32>
      %add3A_743 = arith.constant 0 : i32
      %add3A_744 = arith.addi %add3A_743, %scan3A_638 : i32
      %get3A_745 = arith.index_cast %add3A_744 : i32 to index
      %get3A_746 = arith.constant 80 : index
      %get3A_747 = tpu.vector_load %arg6[%get3A_745, %get3A_746] {strides = array<i32>} : memref<200x128xf32, #tpu.memory_space<vmem>>, vector<1x16xf32>,
      %get3A_748 = vector.shape_cast %get3A_747 : vector<1x16xf32> to vector<16xf32>
      %add3A_749 = arith.addf %get3A_742, %get3A_748 : vector<16xf32>
      %swap3A_750 = arith.constant 0 : i32
      %swap3A_751 = arith.index_cast %swap3A_750 : i32 to index
      %swap3A_752 = arith.index_cast %scan3A_638 : i32 to index
      %swap3A_753 = arith.constant 80 : index
      %swap3A_754 = tpu.vector_load %arg8[%swap3A_751, %swap3A_752, %swap3A_753] {strides = array<i32>} : memref<6x104x128xf32, #tpu.memory_space<vmem>>, vector<1x1x16xf32>,
      %swap3A_755 = vector.shape_cast %swap3A_754 : vector<1x1x16xf32> to vector<16xf32>
      %swap3A_756 = vector.shape_cast %add3A_749 : vector<16xf32> to vector<1x1x16xf32>
      tpu.vector_store %arg8[%swap3A_751, %swap3A_752, %swap3A_753], %swap3A_756 {strides = array<i32>} : memref<6x104x128xf32, #tpu.memory_space<vmem>>, vector<1x1x16xf32>,
      %get3A_757 = arith.constant 0 : i32
      %get3A_758 = arith.index_cast %get3A_757 : i32 to index
      %get3A_759 = arith.index_cast %scan3A_638 : i32 to index
      %get3A_760 = arith.constant 96 : index
      %get3A_761 = tpu.vector_load %arg8[%get3A_758, %get3A_759, %get3A_760] {strides = array<i32>} : memref<6x104x128xf32, #tpu.memory_space<vmem>>, vector<1x1x16xf32>,
      %get3A_762 = vector.shape_cast %get3A_761 : vector<1x1x16xf32> to vector<16xf32>
      %add3A_763 = arith.constant 0 : i32
      %add3A_764 = arith.addi %add3A_763, %scan3A_638 : i32
      %get3A_765 = arith.index_cast %add3A_764 : i32 to index
      %get3A_766 = arith.constant 96 : index
      %get3A_767 = tpu.vector_load %arg6[%get3A_765, %get3A_766] {strides = array<i32>} : memref<200x128xf32, #tpu.memory_space<vmem>>, vector<1x16xf32>,
      %get3A_768 = vector.shape_cast %get3A_767 : vector<1x16xf32> to vector<16xf32>
      %add3A_769 = arith.addf %get3A_762, %get3A_768 : vector<16xf32>
      %swap3A_770 = arith.constant 0 : i32
      %swap3A_771 = arith.index_cast %swap3A_770 : i32 to index
      %swap3A_772 = arith.index_cast %scan3A_638 : i32 to index
      %swap3A_773 = arith.constant 96 : index
      %swap3A_774 = tpu.vector_load %arg8[%swap3A_771, %swap3A_772, %swap3A_773] {strides = array<i32>} : memref<6x104x128xf32, #tpu.memory_space<vmem>>, vector<1x1x16xf32>,
      %swap3A_775 = vector.shape_cast %swap3A_774 : vector<1x1x16xf32> to vector<16xf32>
      %swap3A_776 = vector.shape_cast %add3A_769 : vector<16xf32> to vector<1x1x16xf32>
      tpu.vector_store %arg8[%swap3A_771, %swap3A_772, %swap3A_773], %swap3A_776 {strides = array<i32>} : memref<6x104x128xf32, #tpu.memory_space<vmem>>, vector<1x1x16xf32>,
      %get3A_777 = arith.constant 0 : i32
      %get3A_778 = arith.index_cast %get3A_777 : i32 to index
      %get3A_779 = arith.index_cast %scan3A_638 : i32 to index
      %get3A_780 = arith.constant 112 : index
      %get3A_781 = tpu.vector_load %arg8[%get3A_778, %get3A_779, %get3A_780] {strides = array<i32>} : memref<6x104x128xf32, #tpu.memory_space<vmem>>, vector<1x1x16xf32>,
      %get3A_782 = vector.shape_cast %get3A_781 : vector<1x1x16xf32> to vector<16xf32>
      %add3A_783 = arith.constant 0 : i32
      %add3A_784 = arith.addi %add3A_783, %scan3A_638 : i32
      %get3A_785 = arith.index_cast %add3A_784 : i32 to index
      %get3A_786 = arith.constant 112 : index
      %get3A_787 = tpu.vector_load %arg6[%get3A_785, %get3A_786] {strides = array<i32>} : memref<200x128xf32, #tpu.memory_space<vmem>>, vector<1x16xf32>,
      %get3A_788 = vector.shape_cast %get3A_787 : vector<1x16xf32> to vector<16xf32>
      %add3A_789 = arith.addf %get3A_782, %get3A_788 : vector<16xf32>
      %swap3A_790 = arith.constant 0 : i32
      %swap3A_791 = arith.index_cast %swap3A_790 : i32 to index
      %swap3A_792 = arith.index_cast %scan3A_638 : i32 to index
      %swap3A_793 = arith.constant 112 : index
      %swap3A_794 = tpu.vector_load %arg8[%swap3A_791, %swap3A_792, %swap3A_793] {strides = array<i32>} : memref<6x104x128xf32, #tpu.memory_space<vmem>>, vector<1x1x16xf32>,
      %swap3A_795 = vector.shape_cast %swap3A_794 : vector<1x1x16xf32> to vector<16xf32>
      %swap3A_796 = vector.shape_cast %add3A_789 : vector<16xf32> to vector<1x1x16xf32>
      tpu.vector_store %arg8[%swap3A_791, %swap3A_792, %swap3A_793], %swap3A_796 {strides = array<i32>} : memref<6x104x128xf32, #tpu.memory_space<vmem>>, vector<1x1x16xf32>,
    }
    %scan3A_67 = arith.constant 104 : i32
    %add3A_68 = arith.constant 0 : i32
    %add3A_69 = arith.addi %mul3A_2, %add3A_68 : i32
    %dma_start3A_70 = arith.constant 0 : i32
    %dma_start3A_71 = arith.constant 0 : i32
    %dma_start3A_72 = arith.constant 0 : i32
    %dma_start3A_73 = tpu.memref_slice %arg8[%dma_start3A_70, %dma_start3A_71, %dma_start3A_72] : memref<6x104x128xf32, #tpu.memory_space<vmem>> -> memref<1x104x128xf32, #tpu.memory_space<vmem>>
    %dma_start3A_74 = tpu.memref_squeeze %dma_start3A_73 : memref<1x104x128xf32, #tpu.memory_space<vmem>> -> memref<104x128xf32, #tpu.memory_space<vmem>>
    %dma_start3A_75 = arith.constant 0 : i32
    %dma_start3A_76 = arith.constant 0 : i32
    %dma_start3A_77 = tpu.memref_slice %arg5[%add3A_69, %dma_start3A_75, %dma_start3A_76] : memref<1024x200x128xf32, #tpu.memory_space<hbm>> -> memref<1x104x128xf32, #tpu.memory_space<hbm>>
    %dma_start3A_78 = tpu.memref_squeeze %dma_start3A_77 : memref<1x104x128xf32, #tpu.memory_space<hbm>> -> memref<104x128xf32, #tpu.memory_space<hbm>>
    %dma_start3A_79 = arith.constant 0 : i32
    %dma_start3A_80 = arith.constant 0 : i32
    %dma_start3A_81 = tpu.memref_slice %arg5[%add3A_69, %dma_start3A_79, %dma_start3A_80] : memref<1024x200x128xf32, #tpu.memory_space<hbm>> -> memref<1x104x128xf32, #tpu.memory_space<hbm>>
    %dma_start3A_82 = tpu.memref_squeeze %dma_start3A_81 : memref<1x104x128xf32, #tpu.memory_space<hbm>> -> memref<104x128xf32, #tpu.memory_space<hbm>>
    %dma_start3A_83 = arith.constant 0 : i32
    %dma_start3A_84 = arith.constant 0 : i32
    %dma_start3A_85 = tpu.memref_slice %arg8[%dma_start3A_70, %dma_start3A_83, %dma_start3A_84] : memref<6x104x128xf32, #tpu.memory_space<vmem>> -> memref<1x104x128xf32, #tpu.memory_space<vmem>>
    %dma_start3A_86 = tpu.memref_squeeze %dma_start3A_85 : memref<1x104x128xf32, #tpu.memory_space<vmem>> -> memref<104x128xf32, #tpu.memory_space<vmem>>
    tpu.enqueue_dma source(%dma_start3A_86 : memref<104x128xf32, #tpu.memory_space<vmem>>) target(%dma_start3A_82 : memref<104x128xf32, #tpu.memory_space<hbm>>) target_semaphore(%arg15 : memref<!tpu.dma_semaphore, #tpu.memory_space<semaphore_mem>>)
    %dma_start3A_87 = arith.constant 5 : i32
    %dma_start3A_88 = arith.constant 0 : i32
    %dma_start3A_89 = arith.constant 0 : i32
    %dma_start3A_90 = tpu.memref_slice %arg8[%dma_start3A_87, %dma_start3A_88, %dma_start3A_89] : memref<6x104x128xf32, #tpu.memory_space<vmem>> -> memref<1x96x128xf32, #tpu.memory_space<vmem>>
    %dma_start3A_91 = tpu.memref_squeeze %dma_start3A_90 : memref<1x96x128xf32, #tpu.memory_space<vmem>> -> memref<96x128xf32, #tpu.memory_space<vmem>>
    %dma_start3A_92 = arith.constant 504 : i32
    %dma_start3A_93 = tpu.memref_slice %arg7[%dma_start3A_92] : memref<6400xi32, #tpu.memory_space<vmem>> -> memref<96xi32, #tpu.memory_space<vmem>>
    %dma_start3A_94 = arith.constant 0 : i32
    %dma_start3A_95 = arith.constant 0 : i32
    %dma_start3A_96 = tpu.memref_slice %arg3[%dma_start3A_94, %dma_start3A_95] : memref<100000x128xf32, #tpu.memory_space<hbm>> -> memref<100000x128xf32, #tpu.memory_space<hbm>>
    tpu.enqueue_indirect_dma source(%dma_start3A_96 : memref<100000x128xf32, #tpu.memory_space<hbm>>) target(%dma_start3A_91 : memref<96x128xf32, #tpu.memory_space<vmem>>) offsets(%dma_start3A_93 : memref<96xi32, #tpu.memory_space<vmem>>) semaphore(%arg14 : memref<!tpu.dma_semaphore, #tpu.memory_space<semaphore_mem>>)
    %dma_wait3A_97 = arith.constant 1 : i32
    %dma_wait3A_98 = arith.constant 0 : i32
    %dma_wait3A_99 = arith.constant 0 : i32
    %dma_wait3A_100 = tpu.memref_slice %arg8[%dma_wait3A_97, %dma_wait3A_98, %dma_wait3A_99] : memref<6x104x128xf32, #tpu.memory_space<vmem>> -> memref<1x96x128xf32, #tpu.memory_space<vmem>>
    %dma_wait3A_101 = tpu.memref_squeeze %dma_wait3A_100 : memref<1x96x128xf32, #tpu.memory_space<vmem>> -> memref<96x128xf32, #tpu.memory_space<vmem>>
    %dma_wait3A_102 = arith.constant 104 : i32
    %dma_wait3A_103 = tpu.memref_slice %arg7[%dma_wait3A_102] : memref<6400xi32, #tpu.memory_space<vmem>> -> memref<96xi32, #tpu.memory_space<vmem>>
    %dma_wait3A_104 = arith.constant 0 : i32
    %dma_wait3A_105 = arith.constant 0 : i32
    %dma_wait3A_106 = tpu.memref_slice %arg3[%dma_wait3A_104, %dma_wait3A_105] : memref<100000x128xf32, #tpu.memory_space<hbm>> -> memref<100000x128xf32, #tpu.memory_space<hbm>>
    tpu.wait_indirect_dma semaphore(%arg10 : memref<!tpu.dma_semaphore, #tpu.memory_space<semaphore_mem>>) src(%dma_wait3A_106 : memref<100000x128xf32, #tpu.memory_space<hbm>>) dst(%dma_wait3A_101 : memref<96x128xf32, #tpu.memory_space<vmem>>)
    %scan3A_107 = arith.constant 0 : i32
    %scan3A_108 = arith.constant 0 : i32
    %scan3A_109 = arith.constant 96 : i32
    %scan3A_110 = arith.addi %scan3A_108, %scan3A_109 : i32
    %scan3A_111 = arith.constant 1 : i32
    scf.for %scan3A_638 = %scan3A_108 to %scan3A_110 step %scan3A_111  : i32 {
      %get3A = arith.constant 1 : i32
      %get3A_639 = arith.index_cast %get3A : i32 to index
      %get3A_640 = arith.index_cast %scan3A_638 : i32 to index
      %get3A_641 = arith.constant 0 : index
      %get3A_642 = tpu.vector_load %arg8[%get3A_639, %get3A_640, %get3A_641] {strides = array<i32>} : memref<6x104x128xf32, #tpu.memory_space<vmem>>, vector<1x1x16xf32>,
      %get3A_643 = vector.shape_cast %get3A_642 : vector<1x1x16xf32> to vector<16xf32>
      %add3A_644 = arith.constant 104 : i32
      %add3A_645 = arith.addi %add3A_644, %scan3A_638 : i32
      %get3A_646 = arith.index_cast %add3A_645 : i32 to index
      %get3A_647 = arith.constant 0 : index
      %get3A_648 = tpu.vector_load %arg6[%get3A_646, %get3A_647] {strides = array<i32>} : memref<200x128xf32, #tpu.memory_space<vmem>>, vector<1x16xf32>,
      %get3A_649 = vector.shape_cast %get3A_648 : vector<1x16xf32> to vector<16xf32>
      %add3A_650 = arith.addf %get3A_643, %get3A_649 : vector<16xf32>
      %swap3A = arith.constant 1 : i32
      %swap3A_651 = arith.index_cast %swap3A : i32 to index
      %swap3A_652 = arith.index_cast %scan3A_638 : i32 to index
      %swap3A_653 = arith.constant 0 : index
      %swap3A_654 = tpu.vector_load %arg8[%swap3A_651, %swap3A_652, %swap3A_653] {strides = array<i32>} : memref<6x104x128xf32, #tpu.memory_space<vmem>>, vector<1x1x16xf32>,
      %swap3A_655 = vector.shape_cast %swap3A_654 : vector<1x1x16xf32> to vector<16xf32>
      %swap3A_656 = vector.shape_cast %add3A_650 : vector<16xf32> to vector<1x1x16xf32>
      tpu.vector_store %arg8[%swap3A_651, %swap3A_652, %swap3A_653], %swap3A_656 {strides = array<i32>} : memref<6x104x128xf32, #tpu.memory_space<vmem>>, vector<1x1x16xf32>,
      %get3A_657 = arith.constant 1 : i32
      %get3A_658 = arith.index_cast %get3A_657 : i32 to index
      %get3A_659 = arith.index_cast %scan3A_638 : i32 to index
      %get3A_660 = arith.constant 16 : index
      %get3A_661 = tpu.vector_load %arg8[%get3A_658, %get3A_659, %get3A_660] {strides = array<i32>} : memref<6x104x128xf32, #tpu.memory_space<vmem>>, vector<1x1x16xf32>,
      %get3A_662 = vector.shape_cast %get3A_661 : vector<1x1x16xf32> to vector<16xf32>
      %add3A_663 = arith.constant 104 : i32
      %add3A_664 = arith.addi %add3A_663, %scan3A_638 : i32
      %get3A_665 = arith.index_cast %add3A_664 : i32 to index
      %get3A_666 = arith.constant 16 : index
      %get3A_667 = tpu.vector_load %arg6[%get3A_665, %get3A_666] {strides = array<i32>} : memref<200x128xf32, #tpu.memory_space<vmem>>, vector<1x16xf32>,
      %get3A_668 = vector.shape_cast %get3A_667 : vector<1x16xf32> to vector<16xf32>
      %add3A_669 = arith.addf %get3A_662, %get3A_668 : vector<16xf32>
      %swap3A_670 = arith.constant 1 : i32
      %swap3A_671 = arith.index_cast %swap3A_670 : i32 to index
      %swap3A_672 = arith.index_cast %scan3A_638 : i32 to index
      %swap3A_673 = arith.constant 16 : index
      %swap3A_674 = tpu.vector_load %arg8[%swap3A_671, %swap3A_672, %swap3A_673] {strides = array<i32>} : memref<6x104x128xf32, #tpu.memory_space<vmem>>, vector<1x1x16xf32>,
      %swap3A_675 = vector.shape_cast %swap3A_674 : vector<1x1x16xf32> to vector<16xf32>
      %swap3A_676 = vector.shape_cast %add3A_669 : vector<16xf32> to vector<1x1x16xf32>
      tpu.vector_store %arg8[%swap3A_671, %swap3A_672, %swap3A_673], %swap3A_676 {strides = array<i32>} : memref<6x104x128xf32, #tpu.memory_space<vmem>>, vector<1x1x16xf32>,
      %get3A_677 = arith.constant 1 : i32
      %get3A_678 = arith.index_cast %get3A_677 : i32 to index
      %get3A_679 = arith.index_cast %scan3A_638 : i32 to index
      %get3A_680 = arith.constant 32 : index
      %get3A_681 = tpu.vector_load %arg8[%get3A_678, %get3A_679, %get3A_680] {strides = array<i32>} : memref<6x104x128xf32, #tpu.memory_space<vmem>>, vector<1x1x16xf32>,
      %get3A_682 = vector.shape_cast %get3A_681 : vector<1x1x16xf32> to vector<16xf32>
      %add3A_683 = arith.constant 104 : i32
      %add3A_684 = arith.addi %add3A_683, %scan3A_638 : i32
      %get3A_685 = arith.index_cast %add3A_684 : i32 to index
      %get3A_686 = arith.constant 32 : index
      %get3A_687 = tpu.vector_load %arg6[%get3A_685, %get3A_686] {strides = array<i32>} : memref<200x128xf32, #tpu.memory_space<vmem>>, vector<1x16xf32>,
      %get3A_688 = vector.shape_cast %get3A_687 : vector<1x16xf32> to vector<16xf32>
      %add3A_689 = arith.addf %get3A_682, %get3A_688 : vector<16xf32>
      %swap3A_690 = arith.constant 1 : i32
      %swap3A_691 = arith.index_cast %swap3A_690 : i32 to index
      %swap3A_692 = arith.index_cast %scan3A_638 : i32 to index
      %swap3A_693 = arith.constant 32 : index
      %swap3A_694 = tpu.vector_load %arg8[%swap3A_691, %swap3A_692, %swap3A_693] {strides = array<i32>} : memref<6x104x128xf32, #tpu.memory_space<vmem>>, vector<1x1x16xf32>,
      %swap3A_695 = vector.shape_cast %swap3A_694 : vector<1x1x16xf32> to vector<16xf32>
      %swap3A_696 = vector.shape_cast %add3A_689 : vector<16xf32> to vector<1x1x16xf32>
      tpu.vector_store %arg8[%swap3A_691, %swap3A_692, %swap3A_693], %swap3A_696 {strides = array<i32>} : memref<6x104x128xf32, #tpu.memory_space<vmem>>, vector<1x1x16xf32>,
      %get3A_697 = arith.constant 1 : i32
      %get3A_698 = arith.index_cast %get3A_697 : i32 to index
      %get3A_699 = arith.index_cast %scan3A_638 : i32 to index
      %get3A_700 = arith.constant 48 : index
      %get3A_701 = tpu.vector_load %arg8[%get3A_698, %get3A_699, %get3A_700] {strides = array<i32>} : memref<6x104x128xf32, #tpu.memory_space<vmem>>, vector<1x1x16xf32>,
      %get3A_702 = vector.shape_cast %get3A_701 : vector<1x1x16xf32> to vector<16xf32>
      %add3A_703 = arith.constant 104 : i32
      %add3A_704 = arith.addi %add3A_703, %scan3A_638 : i32
      %get3A_705 = arith.index_cast %add3A_704 : i32 to index
      %get3A_706 = arith.constant 48 : index
      %get3A_707 = tpu.vector_load %arg6[%get3A_705, %get3A_706] {strides = array<i32>} : memref<200x128xf32, #tpu.memory_space<vmem>>, vector<1x16xf32>,
      %get3A_708 = vector.shape_cast %get3A_707 : vector<1x16xf32> to vector<16xf32>
      %add3A_709 = arith.addf %get3A_702, %get3A_708 : vector<16xf32>
      %swap3A_710 = arith.constant 1 : i32
      %swap3A_711 = arith.index_cast %swap3A_710 : i32 to index
      %swap3A_712 = arith.index_cast %scan3A_638 : i32 to index
      %swap3A_713 = arith.constant 48 : index
      %swap3A_714 = tpu.vector_load %arg8[%swap3A_711, %swap3A_712, %swap3A_713] {strides = array<i32>} : memref<6x104x128xf32, #tpu.memory_space<vmem>>, vector<1x1x16xf32>,
      %swap3A_715 = vector.shape_cast %swap3A_714 : vector<1x1x16xf32> to vector<16xf32>
      %swap3A_716 = vector.shape_cast %add3A_709 : vector<16xf32> to vector<1x1x16xf32>
      tpu.vector_store %arg8[%swap3A_711, %swap3A_712, %swap3A_713], %swap3A_716 {strides = array<i32>} : memref<6x104x128xf32, #tpu.memory_space<vmem>>, vector<1x1x16xf32>,
      %get3A_717 = arith.constant 1 : i32
      %get3A_718 = arith.index_cast %get3A_717 : i32 to index
      %get3A_719 = arith.index_cast %scan3A_638 : i32 to index
      %get3A_720 = arith.constant 64 : index
      %get3A_721 = tpu.vector_load %arg8[%get3A_718, %get3A_719, %get3A_720] {strides = array<i32>} : memref<6x104x128xf32, #tpu.memory_space<vmem>>, vector<1x1x16xf32>,
      %get3A_722 = vector.shape_cast %get3A_721 : vector<1x1x16xf32> to vector<16xf32>
      %add3A_723 = arith.constant 104 : i32
      %add3A_724 = arith.addi %add3A_723, %scan3A_638 : i32
      %get3A_725 = arith.index_cast %add3A_724 : i32 to index
      %get3A_726 = arith.constant 64 : index
      %get3A_727 = tpu.vector_load %arg6[%get3A_725, %get3A_726] {strides = array<i32>} : memref<200x128xf32, #tpu.memory_space<vmem>>, vector<1x16xf32>,
      %get3A_728 = vector.shape_cast %get3A_727 : vector<1x16xf32> to vector<16xf32>
      %add3A_729 = arith.addf %get3A_722, %get3A_728 : vector<16xf32>
      %swap3A_730 = arith.constant 1 : i32
      %swap3A_731 = arith.index_cast %swap3A_730 : i32 to index
      %swap3A_732 = arith.index_cast %scan3A_638 : i32 to index
      %swap3A_733 = arith.constant 64 : index
      %swap3A_734 = tpu.vector_load %arg8[%swap3A_731, %swap3A_732, %swap3A_733] {strides = array<i32>} : memref<6x104x128xf32, #tpu.memory_space<vmem>>, vector<1x1x16xf32>,
      %swap3A_735 = vector.shape_cast %swap3A_734 : vector<1x1x16xf32> to vector<16xf32>
      %swap3A_736 = vector.shape_cast %add3A_729 : vector<16xf32> to vector<1x1x16xf32>
      tpu.vector_store %arg8[%swap3A_731, %swap3A_732, %swap3A_733], %swap3A_736 {strides = array<i32>} : memref<6x104x128xf32, #tpu.memory_space<vmem>>, vector<1x1x16xf32>,
      %get3A_737 = arith.constant 1 : i32
      %get3A_738 = arith.index_cast %get3A_737 : i32 to index
      %get3A_739 = arith.index_cast %scan3A_638 : i32 to index
      %get3A_740 = arith.constant 80 : index
      %get3A_741 = tpu.vector_load %arg8[%get3A_738, %get3A_739, %get3A_740] {strides = array<i32>} : memref<6x104x128xf32, #tpu.memory_space<vmem>>, vector<1x1x16xf32>,
      %get3A_742 = vector.shape_cast %get3A_741 : vector<1x1x16xf32> to vector<16xf32>
      %add3A_743 = arith.constant 104 : i32
      %add3A_744 = arith.addi %add3A_743, %scan3A_638 : i32
      %get3A_745 = arith.index_cast %add3A_744 : i32 to index
      %get3A_746 = arith.constant 80 : index
      %get3A_747 = tpu.vector_load %arg6[%get3A_745, %get3A_746] {strides = array<i32>} : memref<200x128xf32, #tpu.memory_space<vmem>>, vector<1x16xf32>,
      %get3A_748 = vector.shape_cast %get3A_747 : vector<1x16xf32> to vector<16xf32>
      %add3A_749 = arith.addf %get3A_742, %get3A_748 : vector<16xf32>
      %swap3A_750 = arith.constant 1 : i32
      %swap3A_751 = arith.index_cast %swap3A_750 : i32 to index
      %swap3A_752 = arith.index_cast %scan3A_638 : i32 to index
      %swap3A_753 = arith.constant 80 : index
      %swap3A_754 = tpu.vector_load %arg8[%swap3A_751, %swap3A_752, %swap3A_753] {strides = array<i32>} : memref<6x104x128xf32, #tpu.memory_space<vmem>>, vector<1x1x16xf32>,
      %swap3A_755 = vector.shape_cast %swap3A_754 : vector<1x1x16xf32> to vector<16xf32>
      %swap3A_756 = vector.shape_cast %add3A_749 : vector<16xf32> to vector<1x1x16xf32>
      tpu.vector_store %arg8[%swap3A_751, %swap3A_752, %swap3A_753], %swap3A_756 {strides = array<i32>} : memref<6x104x128xf32, #tpu.memory_space<vmem>>, vector<1x1x16xf32>,
      %get3A_757 = arith.constant 1 : i32
      %get3A_758 = arith.index_cast %get3A_757 : i32 to index
      %get3A_759 = arith.index_cast %scan3A_638 : i32 to index
      %get3A_760 = arith.constant 96 : index
      %get3A_761 = tpu.vector_load %arg8[%get3A_758, %get3A_759, %get3A_760] {strides = array<i32>} : memref<6x104x128xf32, #tpu.memory_space<vmem>>, vector<1x1x16xf32>,
      %get3A_762 = vector.shape_cast %get3A_761 : vector<1x1x16xf32> to vector<16xf32>
      %add3A_763 = arith.constant 104 : i32
      %add3A_764 = arith.addi %add3A_763, %scan3A_638 : i32
      %get3A_765 = arith.index_cast %add3A_764 : i32 to index
      %get3A_766 = arith.constant 96 : index
      %get3A_767 = tpu.vector_load %arg6[%get3A_765, %get3A_766] {strides = array<i32>} : memref<200x128xf32, #tpu.memory_space<vmem>>, vector<1x16xf32>,
      %get3A_768 = vector.shape_cast %get3A_767 : vector<1x16xf32> to vector<16xf32>
      %add3A_769 = arith.addf %get3A_762, %get3A_768 : vector<16xf32>
      %swap3A_770 = arith.constant 1 : i32
      %swap3A_771 = arith.index_cast %swap3A_770 : i32 to index
      %swap3A_772 = arith.index_cast %scan3A_638 : i32 to index
      %swap3A_773 = arith.constant 96 : index
      %swap3A_774 = tpu.vector_load %arg8[%swap3A_771, %swap3A_772, %swap3A_773] {strides = array<i32>} : memref<6x104x128xf32, #tpu.memory_space<vmem>>, vector<1x1x16xf32>,
      %swap3A_775 = vector.shape_cast %swap3A_774 : vector<1x1x16xf32> to vector<16xf32>
      %swap3A_776 = vector.shape_cast %add3A_769 : vector<16xf32> to vector<1x1x16xf32>
      tpu.vector_store %arg8[%swap3A_771, %swap3A_772, %swap3A_773], %swap3A_776 {strides = array<i32>} : memref<6x104x128xf32, #tpu.memory_space<vmem>>, vector<1x1x16xf32>,
      %get3A_777 = arith.constant 1 : i32
      %get3A_778 = arith.index_cast %get3A_777 : i32 to index
      %get3A_779 = arith.index_cast %scan3A_638 : i32 to index
      %get3A_780 = arith.constant 112 : index
      %get3A_781 = tpu.vector_load %arg8[%get3A_778, %get3A_779, %get3A_780] {strides = array<i32>} : memref<6x104x128xf32, #tpu.memory_space<vmem>>, vector<1x1x16xf32>,
      %get3A_782 = vector.shape_cast %get3A_781 : vector<1x1x16xf32> to vector<16xf32>
      %add3A_783 = arith.constant 104 : i32
      %add3A_784 = arith.addi %add3A_783, %scan3A_638 : i32
      %get3A_785 = arith.index_cast %add3A_784 : i32 to index
      %get3A_786 = arith.constant 112 : index
      %get3A_787 = tpu.vector_load %arg6[%get3A_785, %get3A_786] {strides = array<i32>} : memref<200x128xf32, #tpu.memory_space<vmem>>, vector<1x16xf32>,
      %get3A_788 = vector.shape_cast %get3A_787 : vector<1x16xf32> to vector<16xf32>
      %add3A_789 = arith.addf %get3A_782, %get3A_788 : vector<16xf32>
      %swap3A_790 = arith.constant 1 : i32
      %swap3A_791 = arith.index_cast %swap3A_790 : i32 to index
      %swap3A_792 = arith.index_cast %scan3A_638 : i32 to index
      %swap3A_793 = arith.constant 112 : index
      %swap3A_794 = tpu.vector_load %arg8[%swap3A_791, %swap3A_792, %swap3A_793] {strides = array<i32>} : memref<6x104x128xf32, #tpu.memory_space<vmem>>, vector<1x1x16xf32>,
      %swap3A_795 = vector.shape_cast %swap3A_794 : vector<1x1x16xf32> to vector<16xf32>
      %swap3A_796 = vector.shape_cast %add3A_789 : vector<16xf32> to vector<1x1x16xf32>
      tpu.vector_store %arg8[%swap3A_791, %swap3A_792, %swap3A_793], %swap3A_796 {strides = array<i32>} : memref<6x104x128xf32, #tpu.memory_space<vmem>>, vector<1x1x16xf32>,
    }
    %scan3A_112 = arith.constant 96 : i32
    %add3A_113 = arith.constant 0 : i32
    %add3A_114 = arith.addi %mul3A_2, %add3A_113 : i32
    %dma_start3A_115 = arith.constant 1 : i32
    %dma_start3A_116 = arith.constant 0 : i32
    %dma_start3A_117 = arith.constant 0 : i32
    %dma_start3A_118 = tpu.memref_slice %arg8[%dma_start3A_115, %dma_start3A_116, %dma_start3A_117] : memref<6x104x128xf32, #tpu.memory_space<vmem>> -> memref<1x96x128xf32, #tpu.memory_space<vmem>>
    %dma_start3A_119 = tpu.memref_squeeze %dma_start3A_118 : memref<1x96x128xf32, #tpu.memory_space<vmem>> -> memref<96x128xf32, #tpu.memory_space<vmem>>
    %dma_start3A_120 = arith.constant 104 : i32
    %dma_start3A_121 = arith.constant 0 : i32
    %dma_start3A_122 = tpu.memref_slice %arg5[%add3A_114, %dma_start3A_120, %dma_start3A_121] : memref<1024x200x128xf32, #tpu.memory_space<hbm>> -> memref<1x96x128xf32, #tpu.memory_space<hbm>>
    %dma_start3A_123 = tpu.memref_squeeze %dma_start3A_122 : memref<1x96x128xf32, #tpu.memory_space<hbm>> -> memref<96x128xf32, #tpu.memory_space<hbm>>
    %dma_start3A_124 = arith.constant 104 : i32
    %dma_start3A_125 = arith.constant 0 : i32
    %dma_start3A_126 = tpu.memref_slice %arg5[%add3A_114, %dma_start3A_124, %dma_start3A_125] : memref<1024x200x128xf32, #tpu.memory_space<hbm>> -> memref<1x96x128xf32, #tpu.memory_space<hbm>>
    %dma_start3A_127 = tpu.memref_squeeze %dma_start3A_126 : memref<1x96x128xf32, #tpu.memory_space<hbm>> -> memref<96x128xf32, #tpu.memory_space<hbm>>
    %dma_start3A_128 = arith.constant 0 : i32
    %dma_start3A_129 = arith.constant 0 : i32
    %dma_start3A_130 = tpu.memref_slice %arg8[%dma_start3A_115, %dma_start3A_128, %dma_start3A_129] : memref<6x104x128xf32, #tpu.memory_space<vmem>> -> memref<1x96x128xf32, #tpu.memory_space<vmem>>
    %dma_start3A_131 = tpu.memref_squeeze %dma_start3A_130 : memref<1x96x128xf32, #tpu.memory_space<vmem>> -> memref<96x128xf32, #tpu.memory_space<vmem>>
    tpu.enqueue_dma source(%dma_start3A_131 : memref<96x128xf32, #tpu.memory_space<vmem>>) target(%dma_start3A_127 : memref<96x128xf32, #tpu.memory_space<hbm>>) target_semaphore(%arg16 : memref<!tpu.dma_semaphore, #tpu.memory_space<semaphore_mem>>)
    %scan3A_132 = arith.constant 0 : i32
    %scan3A_133 = arith.constant 0 : i32
    %scan3A_134 = arith.constant 9 : i32
    %scan3A_135 = arith.addi %scan3A_133, %scan3A_134 : i32
    %scan3A_136 = arith.constant 1 : i32
    scf.for %scan3A_638 = %scan3A_133 to %scan3A_135 step %scan3A_136  : i32 {
      %mul3A_639 = arith.constant 3 : i32
      %mul3A_640 = arith.muli %mul3A_639, %scan3A_638 : i32
      %add3A_641 = arith.constant 3 : i32
      %add3A_642 = arith.addi %mul3A_640, %add3A_641 : i32
      %add3A_643 = arith.constant 0 : i32
      %add3A_644 = arith.addi %add3A_642, %add3A_643 : i32
      %dma_wait3A_645 = arith.constant 0 : i32
      %dma_wait3A_646 = arith.constant 0 : i32
      %dma_wait3A_647 = arith.constant 0 : i32
      %dma_wait3A_648 = arith.constant 0 : i32
      %dma_wait3A_649 = tpu.memref_slice %arg8[%dma_wait3A_645, %dma_wait3A_647, %dma_wait3A_648] : memref<6x104x128xf32, #tpu.memory_space<vmem>> -> memref<1x104x128xf32, #tpu.memory_space<vmem>>
      %dma_wait3A_650 = tpu.memref_squeeze %dma_wait3A_649 : memref<1x104x128xf32, #tpu.memory_space<vmem>> -> memref<104x128xf32, #tpu.memory_space<vmem>>
      %dma_wait3A_651 = arith.constant 0 : i32
      %dma_wait3A_652 = arith.constant 0 : i32
      %dma_wait3A_653 = tpu.memref_slice %arg5[%dma_wait3A_646, %dma_wait3A_651, %dma_wait3A_652] : memref<1024x200x128xf32, #tpu.memory_space<hbm>> -> memref<1x104x128xf32, #tpu.memory_space<hbm>>
      %dma_wait3A_654 = tpu.memref_squeeze %dma_wait3A_653 : memref<1x104x128xf32, #tpu.memory_space<hbm>> -> memref<104x128xf32, #tpu.memory_space<hbm>>
      %dma_wait3A_655 = arith.constant 0 : i32
      %dma_wait3A_656 = arith.constant 0 : i32
      %dma_wait3A_657 = tpu.memref_slice %arg5[%dma_wait3A_646, %dma_wait3A_655, %dma_wait3A_656] : memref<1024x200x128xf32, #tpu.memory_space<hbm>> -> memref<1x104x128xf32, #tpu.memory_space<hbm>>
      %dma_wait3A_658 = tpu.memref_squeeze %dma_wait3A_657 : memref<1x104x128xf32, #tpu.memory_space<hbm>> -> memref<104x128xf32, #tpu.memory_space<hbm>>
      %dma_wait3A_659 = arith.constant 0 : i32
      %dma_wait3A_660 = arith.constant 0 : i32
      %dma_wait3A_661 = tpu.memref_slice %arg8[%dma_wait3A_645, %dma_wait3A_659, %dma_wait3A_660] : memref<6x104x128xf32, #tpu.memory_space<vmem>> -> memref<1x104x128xf32, #tpu.memory_space<vmem>>
      %dma_wait3A_662 = tpu.memref_squeeze %dma_wait3A_661 : memref<1x104x128xf32, #tpu.memory_space<vmem>> -> memref<104x128xf32, #tpu.memory_space<vmem>>
      tpu.wait_dma2 semaphore(%arg15 : memref<!tpu.dma_semaphore, #tpu.memory_space<semaphore_mem>>) src(%dma_wait3A_662 : memref<104x128xf32, #tpu.memory_space<vmem>>) dst(%dma_wait3A_658 : memref<104x128xf32, #tpu.memory_space<hbm>>)
      %mul3A_663 = arith.constant 200 : i32
      %mul3A_664 = arith.muli %add3A_644, %mul3A_663 : i32
      %add3A_665 = arith.constant 0 : i32
      %add3A_666 = arith.addi %mul3A_664, %add3A_665 : i32
      %dma_start3A_667 = arith.constant 0 : i32
      %dma_start3A_668 = arith.constant 0 : i32
      %dma_start3A_669 = arith.constant 0 : i32
      %dma_start3A_670 = tpu.memref_slice %arg8[%dma_start3A_667, %dma_start3A_668, %dma_start3A_669] : memref<6x104x128xf32, #tpu.memory_space<vmem>> -> memref<1x104x128xf32, #tpu.memory_space<vmem>>
      %dma_start3A_671 = tpu.memref_squeeze %dma_start3A_670 : memref<1x104x128xf32, #tpu.memory_space<vmem>> -> memref<104x128xf32, #tpu.memory_space<vmem>>
      %dma_start3A_672 = tpu.memref_slice %arg7[%add3A_666] : memref<6400xi32, #tpu.memory_space<vmem>> -> memref<104xi32, #tpu.memory_space<vmem>>
      %dma_start3A_673 = arith.constant 0 : i32
      %dma_start3A_674 = arith.constant 0 : i32
      %dma_start3A_675 = tpu.memref_slice %arg3[%dma_start3A_673, %dma_start3A_674] : memref<100000x128xf32, #tpu.memory_space<hbm>> -> memref<100000x128xf32, #tpu.memory_space<hbm>>
      tpu.enqueue_indirect_dma source(%dma_start3A_675 : memref<100000x128xf32, #tpu.memory_space<hbm>>) target(%dma_start3A_671 : memref<104x128xf32, #tpu.memory_space<vmem>>) offsets(%dma_start3A_672 : memref<104xi32, #tpu.memory_space<vmem>>) semaphore(%arg9 : memref<!tpu.dma_semaphore, #tpu.memory_space<semaphore_mem>>)
      %mul3A_676 = arith.constant 3 : i32
      %mul3A_677 = arith.muli %mul3A_676, %scan3A_638 : i32
      %add3A_678 = arith.constant 1 : i32
      %add3A_679 = arith.addi %mul3A_677, %add3A_678 : i32
      %mul3A_680 = arith.constant 200 : i32
      %mul3A_681 = arith.muli %add3A_679, %mul3A_680 : i32
      %add3A_682 = arith.constant 0 : i32
      %add3A_683 = arith.addi %mul3A_681, %add3A_682 : i32
      %dma_wait3A_684 = arith.constant 2 : i32
      %dma_wait3A_685 = arith.constant 0 : i32
      %dma_wait3A_686 = arith.constant 0 : i32
      %dma_wait3A_687 = tpu.memref_slice %arg8[%dma_wait3A_684, %dma_wait3A_685, %dma_wait3A_686] : memref<6x104x128xf32, #tpu.memory_space<vmem>> -> memref<1x104x128xf32, #tpu.memory_space<vmem>>
      %dma_wait3A_688 = tpu.memref_squeeze %dma_wait3A_687 : memref<1x104x128xf32, #tpu.memory_space<vmem>> -> memref<104x128xf32, #tpu.memory_space<vmem>>
      %dma_wait3A_689 = tpu.memref_slice %arg7[%add3A_683] : memref<6400xi32, #tpu.memory_space<vmem>> -> memref<104xi32, #tpu.memory_space<vmem>>
      %dma_wait3A_690 = arith.constant 0 : i32
      %dma_wait3A_691 = arith.constant 0 : i32
      %dma_wait3A_692 = tpu.memref_slice %arg3[%dma_wait3A_690, %dma_wait3A_691] : memref<100000x128xf32, #tpu.memory_space<hbm>> -> memref<100000x128xf32, #tpu.memory_space<hbm>>
      tpu.wait_indirect_dma semaphore(%arg11 : memref<!tpu.dma_semaphore, #tpu.memory_space<semaphore_mem>>) src(%dma_wait3A_692 : memref<100000x128xf32, #tpu.memory_space<hbm>>) dst(%dma_wait3A_688 : memref<104x128xf32, #tpu.memory_space<vmem>>)
      %scan3A_693 = arith.constant 0 : i32
      %scan3A_694 = arith.constant 0 : i32
      %scan3A_695 = arith.constant 104 : i32
      %scan3A_696 = arith.addi %scan3A_694, %scan3A_695 : i32
      %scan3A_697 = arith.constant 1 : i32
      scf.for %scan3A_1107 = %scan3A_694 to %scan3A_696 step %scan3A_697  : i32 {
        %get3A = arith.constant 2 : i32
        %get3A_1108 = arith.index_cast %get3A : i32 to index
        %get3A_1109 = arith.index_cast %scan3A_1107 : i32 to index
        %get3A_1110 = arith.constant 0 : index
        %get3A_1111 = tpu.vector_load %arg8[%get3A_1108, %get3A_1109, %get3A_1110] {strides = array<i32>} : memref<6x104x128xf32, #tpu.memory_space<vmem>>, vector<1x1x16xf32>,
        %get3A_1112 = vector.shape_cast %get3A_1111 : vector<1x1x16xf32> to vector<16xf32>
        %add3A_1113 = arith.constant 0 : i32
        %add3A_1114 = arith.addi %add3A_1113, %scan3A_1107 : i32
        %get3A_1115 = arith.index_cast %add3A_1114 : i32 to index
        %get3A_1116 = arith.constant 0 : index
        %get3A_1117 = tpu.vector_load %arg6[%get3A_1115, %get3A_1116] {strides = array<i32>} : memref<200x128xf32, #tpu.memory_space<vmem>>, vector<1x16xf32>,
        %get3A_1118 = vector.shape_cast %get3A_1117 : vector<1x16xf32> to vector<16xf32>
        %add3A_1119 = arith.addf %get3A_1112, %get3A_1118 : vector<16xf32>
        %swap3A = arith.constant 2 : i32
        %swap3A_1120 = arith.index_cast %swap3A : i32 to index
        %swap3A_1121 = arith.index_cast %scan3A_1107 : i32 to index
        %swap3A_1122 = arith.constant 0 : index
        %swap3A_1123 = tpu.vector_load %arg8[%swap3A_1120, %swap3A_1121, %swap3A_1122] {strides = array<i32>} : memref<6x104x128xf32, #tpu.memory_space<vmem>>, vector<1x1x16xf32>,
        %swap3A_1124 = vector.shape_cast %swap3A_1123 : vector<1x1x16xf32> to vector<16xf32>
        %swap3A_1125 = vector.shape_cast %add3A_1119 : vector<16xf32> to vector<1x1x16xf32>
        tpu.vector_store %arg8[%swap3A_1120, %swap3A_1121, %swap3A_1122], %swap3A_1125 {strides = array<i32>} : memref<6x104x128xf32, #tpu.memory_space<vmem>>, vector<1x1x16xf32>,
        %get3A_1126 = arith.constant 2 : i32
        %get3A_1127 = arith.index_cast %get3A_1126 : i32 to index
        %get3A_1128 = arith.index_cast %scan3A_1107 : i32 to index
        %get3A_1129 = arith.constant 16 : index
        %get3A_1130 = tpu.vector_load %arg8[%get3A_1127, %get3A_1128, %get3A_1129] {strides = array<i32>} : memref<6x104x128xf32, #tpu.memory_space<vmem>>, vector<1x1x16xf32>,
        %get3A_1131 = vector.shape_cast %get3A_1130 : vector<1x1x16xf32> to vector<16xf32>
        %add3A_1132 = arith.constant 0 : i32
        %add3A_1133 = arith.addi %add3A_1132, %scan3A_1107 : i32
        %get3A_1134 = arith.index_cast %add3A_1133 : i32 to index
        %get3A_1135 = arith.constant 16 : index
        %get3A_1136 = tpu.vector_load %arg6[%get3A_1134, %get3A_1135] {strides = array<i32>} : memref<200x128xf32, #tpu.memory_space<vmem>>, vector<1x16xf32>,
        %get3A_1137 = vector.shape_cast %get3A_1136 : vector<1x16xf32> to vector<16xf32>
        %add3A_1138 = arith.addf %get3A_1131, %get3A_1137 : vector<16xf32>
        %swap3A_1139 = arith.constant 2 : i32
        %swap3A_1140 = arith.index_cast %swap3A_1139 : i32 to index
        %swap3A_1141 = arith.index_cast %scan3A_1107 : i32 to index
        %swap3A_1142 = arith.constant 16 : index
        %swap3A_1143 = tpu.vector_load %arg8[%swap3A_1140, %swap3A_1141, %swap3A_1142] {strides = array<i32>} : memref<6x104x128xf32, #tpu.memory_space<vmem>>, vector<1x1x16xf32>,
        %swap3A_1144 = vector.shape_cast %swap3A_1143 : vector<1x1x16xf32> to vector<16xf32>
        %swap3A_1145 = vector.shape_cast %add3A_1138 : vector<16xf32> to vector<1x1x16xf32>
        tpu.vector_store %arg8[%swap3A_1140, %swap3A_1141, %swap3A_1142], %swap3A_1145 {strides = array<i32>} : memref<6x104x128xf32, #tpu.memory_space<vmem>>, vector<1x1x16xf32>,
        %get3A_1146 = arith.constant 2 : i32
        %get3A_1147 = arith.index_cast %get3A_1146 : i32 to index
        %get3A_1148 = arith.index_cast %scan3A_1107 : i32 to index
        %get3A_1149 = arith.constant 32 : index
        %get3A_1150 = tpu.vector_load %arg8[%get3A_1147, %get3A_1148, %get3A_1149] {strides = array<i32>} : memref<6x104x128xf32, #tpu.memory_space<vmem>>, vector<1x1x16xf32>,
        %get3A_1151 = vector.shape_cast %get3A_1150 : vector<1x1x16xf32> to vector<16xf32>
        %add3A_1152 = arith.constant 0 : i32
        %add3A_1153 = arith.addi %add3A_1152, %scan3A_1107 : i32
        %get3A_1154 = arith.index_cast %add3A_1153 : i32 to index
        %get3A_1155 = arith.constant 32 : index
        %get3A_1156 = tpu.vector_load %arg6[%get3A_1154, %get3A_1155] {strides = array<i32>} : memref<200x128xf32, #tpu.memory_space<vmem>>, vector<1x16xf32>,
        %get3A_1157 = vector.shape_cast %get3A_1156 : vector<1x16xf32> to vector<16xf32>
        %add3A_1158 = arith.addf %get3A_1151, %get3A_1157 : vector<16xf32>
        %swap3A_1159 = arith.constant 2 : i32
        %swap3A_1160 = arith.index_cast %swap3A_1159 : i32 to index
        %swap3A_1161 = arith.index_cast %scan3A_1107 : i32 to index
        %swap3A_1162 = arith.constant 32 : index
        %swap3A_1163 = tpu.vector_load %arg8[%swap3A_1160, %swap3A_1161, %swap3A_1162] {strides = array<i32>} : memref<6x104x128xf32, #tpu.memory_space<vmem>>, vector<1x1x16xf32>,
        %swap3A_1164 = vector.shape_cast %swap3A_1163 : vector<1x1x16xf32> to vector<16xf32>
        %swap3A_1165 = vector.shape_cast %add3A_1158 : vector<16xf32> to vector<1x1x16xf32>
        tpu.vector_store %arg8[%swap3A_1160, %swap3A_1161, %swap3A_1162], %swap3A_1165 {strides = array<i32>} : memref<6x104x128xf32, #tpu.memory_space<vmem>>, vector<1x1x16xf32>,
        %get3A_1166 = arith.constant 2 : i32
        %get3A_1167 = arith.index_cast %get3A_1166 : i32 to index
        %get3A_1168 = arith.index_cast %scan3A_1107 : i32 to index
        %get3A_1169 = arith.constant 48 : index
        %get3A_1170 = tpu.vector_load %arg8[%get3A_1167, %get3A_1168, %get3A_1169] {strides = array<i32>} : memref<6x104x128xf32, #tpu.memory_space<vmem>>, vector<1x1x16xf32>,
        %get3A_1171 = vector.shape_cast %get3A_1170 : vector<1x1x16xf32> to vector<16xf32>
        %add3A_1172 = arith.constant 0 : i32
        %add3A_1173 = arith.addi %add3A_1172, %scan3A_1107 : i32
        %get3A_1174 = arith.index_cast %add3A_1173 : i32 to index
        %get3A_1175 = arith.constant 48 : index
        %get3A_1176 = tpu.vector_load %arg6[%get3A_1174, %get3A_1175] {strides = array<i32>} : memref<200x128xf32, #tpu.memory_space<vmem>>, vector<1x16xf32>,
        %get3A_1177 = vector.shape_cast %get3A_1176 : vector<1x16xf32> to vector<16xf32>
        %add3A_1178 = arith.addf %get3A_1171, %get3A_1177 : vector<16xf32>
        %swap3A_1179 = arith.constant 2 : i32
        %swap3A_1180 = arith.index_cast %swap3A_1179 : i32 to index
        %swap3A_1181 = arith.index_cast %scan3A_1107 : i32 to index
        %swap3A_1182 = arith.constant 48 : index
        %swap3A_1183 = tpu.vector_load %arg8[%swap3A_1180, %swap3A_1181, %swap3A_1182] {strides = array<i32>} : memref<6x104x128xf32, #tpu.memory_space<vmem>>, vector<1x1x16xf32>,
        %swap3A_1184 = vector.shape_cast %swap3A_1183 : vector<1x1x16xf32> to vector<16xf32>
        %swap3A_1185 = vector.shape_cast %add3A_1178 : vector<16xf32> to vector<1x1x16xf32>
        tpu.vector_store %arg8[%swap3A_1180, %swap3A_1181, %swap3A_1182], %swap3A_1185 {strides = array<i32>} : memref<6x104x128xf32, #tpu.memory_space<vmem>>, vector<1x1x16xf32>,
        %get3A_1186 = arith.constant 2 : i32
        %get3A_1187 = arith.index_cast %get3A_1186 : i32 to index
        %get3A_1188 = arith.index_cast %scan3A_1107 : i32 to index
        %get3A_1189 = arith.constant 64 : index
        %get3A_1190 = tpu.vector_load %arg8[%get3A_1187, %get3A_1188, %get3A_1189] {strides = array<i32>} : memref<6x104x128xf32, #tpu.memory_space<vmem>>, vector<1x1x16xf32>,
        %get3A_1191 = vector.shape_cast %get3A_1190 : vector<1x1x16xf32> to vector<16xf32>
        %add3A_1192 = arith.constant 0 : i32
        %add3A_1193 = arith.addi %add3A_1192, %scan3A_1107 : i32
        %get3A_1194 = arith.index_cast %add3A_1193 : i32 to index
        %get3A_1195 = arith.constant 64 : index
        %get3A_1196 = tpu.vector_load %arg6[%get3A_1194, %get3A_1195] {strides = array<i32>} : memref<200x128xf32, #tpu.memory_space<vmem>>, vector<1x16xf32>,
        %get3A_1197 = vector.shape_cast %get3A_1196 : vector<1x16xf32> to vector<16xf32>
        %add3A_1198 = arith.addf %get3A_1191, %get3A_1197 : vector<16xf32>
        %swap3A_1199 = arith.constant 2 : i32
        %swap3A_1200 = arith.index_cast %swap3A_1199 : i32 to index
        %swap3A_1201 = arith.index_cast %scan3A_1107 : i32 to index
        %swap3A_1202 = arith.constant 64 : index
        %swap3A_1203 = tpu.vector_load %arg8[%swap3A_1200, %swap3A_1201, %swap3A_1202] {strides = array<i32>} : memref<6x104x128xf32, #tpu.memory_space<vmem>>, vector<1x1x16xf32>,
        %swap3A_1204 = vector.shape_cast %swap3A_1203 : vector<1x1x16xf32> to vector<16xf32>
        %swap3A_1205 = vector.shape_cast %add3A_1198 : vector<16xf32> to vector<1x1x16xf32>
        tpu.vector_store %arg8[%swap3A_1200, %swap3A_1201, %swap3A_1202], %swap3A_1205 {strides = array<i32>} : memref<6x104x128xf32, #tpu.memory_space<vmem>>, vector<1x1x16xf32>,
        %get3A_1206 = arith.constant 2 : i32
        %get3A_1207 = arith.index_cast %get3A_1206 : i32 to index
        %get3A_1208 = arith.index_cast %scan3A_1107 : i32 to index
        %get3A_1209 = arith.constant 80 : index
        %get3A_1210 = tpu.vector_load %arg8[%get3A_1207, %get3A_1208, %get3A_1209] {strides = array<i32>} : memref<6x104x128xf32, #tpu.memory_space<vmem>>, vector<1x1x16xf32>,
        %get3A_1211 = vector.shape_cast %get3A_1210 : vector<1x1x16xf32> to vector<16xf32>
        %add3A_1212 = arith.constant 0 : i32
        %add3A_1213 = arith.addi %add3A_1212, %scan3A_1107 : i32
        %get3A_1214 = arith.index_cast %add3A_1213 : i32 to index
        %get3A_1215 = arith.constant 80 : index
        %get3A_1216 = tpu.vector_load %arg6[%get3A_1214, %get3A_1215] {strides = array<i32>} : memref<200x128xf32, #tpu.memory_space<vmem>>, vector<1x16xf32>,
        %get3A_1217 = vector.shape_cast %get3A_1216 : vector<1x16xf32> to vector<16xf32>
        %add3A_1218 = arith.addf %get3A_1211, %get3A_1217 : vector<16xf32>
        %swap3A_1219 = arith.constant 2 : i32
        %swap3A_1220 = arith.index_cast %swap3A_1219 : i32 to index
        %swap3A_1221 = arith.index_cast %scan3A_1107 : i32 to index
        %swap3A_1222 = arith.constant 80 : index
        %swap3A_1223 = tpu.vector_load %arg8[%swap3A_1220, %swap3A_1221, %swap3A_1222] {strides = array<i32>} : memref<6x104x128xf32, #tpu.memory_space<vmem>>, vector<1x1x16xf32>,
        %swap3A_1224 = vector.shape_cast %swap3A_1223 : vector<1x1x16xf32> to vector<16xf32>
        %swap3A_1225 = vector.shape_cast %add3A_1218 : vector<16xf32> to vector<1x1x16xf32>
        tpu.vector_store %arg8[%swap3A_1220, %swap3A_1221, %swap3A_1222], %swap3A_1225 {strides = array<i32>} : memref<6x104x128xf32, #tpu.memory_space<vmem>>, vector<1x1x16xf32>,
        %get3A_1226 = arith.constant 2 : i32
        %get3A_1227 = arith.index_cast %get3A_1226 : i32 to index
        %get3A_1228 = arith.index_cast %scan3A_1107 : i32 to index
        %get3A_1229 = arith.constant 96 : index
        %get3A_1230 = tpu.vector_load %arg8[%get3A_1227, %get3A_1228, %get3A_1229] {strides = array<i32>} : memref<6x104x128xf32, #tpu.memory_space<vmem>>, vector<1x1x16xf32>,
        %get3A_1231 = vector.shape_cast %get3A_1230 : vector<1x1x16xf32> to vector<16xf32>
        %add3A_1232 = arith.constant 0 : i32
        %add3A_1233 = arith.addi %add3A_1232, %scan3A_1107 : i32
        %get3A_1234 = arith.index_cast %add3A_1233 : i32 to index
        %get3A_1235 = arith.constant 96 : index
        %get3A_1236 = tpu.vector_load %arg6[%get3A_1234, %get3A_1235] {strides = array<i32>} : memref<200x128xf32, #tpu.memory_space<vmem>>, vector<1x16xf32>,
        %get3A_1237 = vector.shape_cast %get3A_1236 : vector<1x16xf32> to vector<16xf32>
        %add3A_1238 = arith.addf %get3A_1231, %get3A_1237 : vector<16xf32>
        %swap3A_1239 = arith.constant 2 : i32
        %swap3A_1240 = arith.index_cast %swap3A_1239 : i32 to index
        %swap3A_1241 = arith.index_cast %scan3A_1107 : i32 to index
        %swap3A_1242 = arith.constant 96 : index
        %swap3A_1243 = tpu.vector_load %arg8[%swap3A_1240, %swap3A_1241, %swap3A_1242] {strides = array<i32>} : memref<6x104x128xf32, #tpu.memory_space<vmem>>, vector<1x1x16xf32>,
        %swap3A_1244 = vector.shape_cast %swap3A_1243 : vector<1x1x16xf32> to vector<16xf32>
        %swap3A_1245 = vector.shape_cast %add3A_1238 : vector<16xf32> to vector<1x1x16xf32>
        tpu.vector_store %arg8[%swap3A_1240, %swap3A_1241, %swap3A_1242], %swap3A_1245 {strides = array<i32>} : memref<6x104x128xf32, #tpu.memory_space<vmem>>, vector<1x1x16xf32>,
        %get3A_1246 = arith.constant 2 : i32
        %get3A_1247 = arith.index_cast %get3A_1246 : i32 to index
        %get3A_1248 = arith.index_cast %scan3A_1107 : i32 to index
        %get3A_1249 = arith.constant 112 : index
        %get3A_1250 = tpu.vector_load %arg8[%get3A_1247, %get3A_1248, %get3A_1249] {strides = array<i32>} : memref<6x104x128xf32, #tpu.memory_space<vmem>>, vector<1x1x16xf32>,
        %get3A_1251 = vector.shape_cast %get3A_1250 : vector<1x1x16xf32> to vector<16xf32>
        %add3A_1252 = arith.constant 0 : i32
        %add3A_1253 = arith.addi %add3A_1252, %scan3A_1107 : i32
        %get3A_1254 = arith.index_cast %add3A_1253 : i32 to index
        %get3A_1255 = arith.constant 112 : index
        %get3A_1256 = tpu.vector_load %arg6[%get3A_1254, %get3A_1255] {strides = array<i32>} : memref<200x128xf32, #tpu.memory_space<vmem>>, vector<1x16xf32>,
        %get3A_1257 = vector.shape_cast %get3A_1256 : vector<1x16xf32> to vector<16xf32>
        %add3A_1258 = arith.addf %get3A_1251, %get3A_1257 : vector<16xf32>
        %swap3A_1259 = arith.constant 2 : i32
        %swap3A_1260 = arith.index_cast %swap3A_1259 : i32 to index
        %swap3A_1261 = arith.index_cast %scan3A_1107 : i32 to index
        %swap3A_1262 = arith.constant 112 : index
        %swap3A_1263 = tpu.vector_load %arg8[%swap3A_1260, %swap3A_1261, %swap3A_1262] {strides = array<i32>} : memref<6x104x128xf32, #tpu.memory_space<vmem>>, vector<1x1x16xf32>,
        %swap3A_1264 = vector.shape_cast %swap3A_1263 : vector<1x1x16xf32> to vector<16xf32>
        %swap3A_1265 = vector.shape_cast %add3A_1258 : vector<16xf32> to vector<1x1x16xf32>
        tpu.vector_store %arg8[%swap3A_1260, %swap3A_1261, %swap3A_1262], %swap3A_1265 {strides = array<i32>} : memref<6x104x128xf32, #tpu.memory_space<vmem>>, vector<1x1x16xf32>,
      }
      %scan3A_698 = arith.constant 104 : i32
      %add3A_699 = arith.addi %mul3A_2, %add3A_679 : i32
      %dma_start3A_700 = arith.constant 2 : i32
      %dma_start3A_701 = arith.constant 0 : i32
      %dma_start3A_702 = arith.constant 0 : i32
      %dma_start3A_703 = tpu.memref_slice %arg8[%dma_start3A_700, %dma_start3A_701, %dma_start3A_702] : memref<6x104x128xf32, #tpu.memory_space<vmem>> -> memref<1x104x128xf32, #tpu.memory_space<vmem>>
      %dma_start3A_704 = tpu.memref_squeeze %dma_start3A_703 : memref<1x104x128xf32, #tpu.memory_space<vmem>> -> memref<104x128xf32, #tpu.memory_space<vmem>>
      %dma_start3A_705 = arith.constant 0 : i32
      %dma_start3A_706 = arith.constant 0 : i32
      %dma_start3A_707 = tpu.memref_slice %arg5[%add3A_699, %dma_start3A_705, %dma_start3A_706] : memref<1024x200x128xf32, #tpu.memory_space<hbm>> -> memref<1x104x128xf32, #tpu.memory_space<hbm>>
      %dma_start3A_708 = tpu.memref_squeeze %dma_start3A_707 : memref<1x104x128xf32, #tpu.memory_space<hbm>> -> memref<104x128xf32, #tpu.memory_space<hbm>>
      %dma_start3A_709 = arith.constant 0 : i32
      %dma_start3A_710 = arith.constant 0 : i32
      %dma_start3A_711 = tpu.memref_slice %arg5[%add3A_699, %dma_start3A_709, %dma_start3A_710] : memref<1024x200x128xf32, #tpu.memory_space<hbm>> -> memref<1x104x128xf32, #tpu.memory_space<hbm>>
      %dma_start3A_712 = tpu.memref_squeeze %dma_start3A_711 : memref<1x104x128xf32, #tpu.memory_space<hbm>> -> memref<104x128xf32, #tpu.memory_space<hbm>>
      %dma_start3A_713 = arith.constant 0 : i32
      %dma_start3A_714 = arith.constant 0 : i32
      %dma_start3A_715 = tpu.memref_slice %arg8[%dma_start3A_700, %dma_start3A_713, %dma_start3A_714] : memref<6x104x128xf32, #tpu.memory_space<vmem>> -> memref<1x104x128xf32, #tpu.memory_space<vmem>>
      %dma_start3A_716 = tpu.memref_squeeze %dma_start3A_715 : memref<1x104x128xf32, #tpu.memory_space<vmem>> -> memref<104x128xf32, #tpu.memory_space<vmem>>
      tpu.enqueue_dma source(%dma_start3A_716 : memref<104x128xf32, #tpu.memory_space<vmem>>) target(%dma_start3A_712 : memref<104x128xf32, #tpu.memory_space<hbm>>) target_semaphore(%arg17 : memref<!tpu.dma_semaphore, #tpu.memory_space<semaphore_mem>>)
      %mul3A_717 = arith.constant 3 : i32
      %mul3A_718 = arith.muli %mul3A_717, %scan3A_638 : i32
      %add3A_719 = arith.constant 3 : i32
      %add3A_720 = arith.addi %mul3A_718, %add3A_719 : i32
      %add3A_721 = arith.constant 0 : i32
      %add3A_722 = arith.addi %add3A_720, %add3A_721 : i32
      %dma_wait3A_723 = arith.constant 1 : i32
      %dma_wait3A_724 = arith.constant 0 : i32
      %dma_wait3A_725 = arith.constant 0 : i32
      %dma_wait3A_726 = arith.constant 0 : i32
      %dma_wait3A_727 = tpu.memref_slice %arg8[%dma_wait3A_723, %dma_wait3A_725, %dma_wait3A_726] : memref<6x104x128xf32, #tpu.memory_space<vmem>> -> memref<1x96x128xf32, #tpu.memory_space<vmem>>
      %dma_wait3A_728 = tpu.memref_squeeze %dma_wait3A_727 : memref<1x96x128xf32, #tpu.memory_space<vmem>> -> memref<96x128xf32, #tpu.memory_space<vmem>>
      %dma_wait3A_729 = arith.constant 0 : i32
      %dma_wait3A_730 = arith.constant 0 : i32
      %dma_wait3A_731 = tpu.memref_slice %arg5[%dma_wait3A_724, %dma_wait3A_729, %dma_wait3A_730] : memref<1024x200x128xf32, #tpu.memory_space<hbm>> -> memref<1x96x128xf32, #tpu.memory_space<hbm>>
      %dma_wait3A_732 = tpu.memref_squeeze %dma_wait3A_731 : memref<1x96x128xf32, #tpu.memory_space<hbm>> -> memref<96x128xf32, #tpu.memory_space<hbm>>
      %dma_wait3A_733 = arith.constant 0 : i32
      %dma_wait3A_734 = arith.constant 0 : i32
      %dma_wait3A_735 = tpu.memref_slice %arg5[%dma_wait3A_724, %dma_wait3A_733, %dma_wait3A_734] : memref<1024x200x128xf32, #tpu.memory_space<hbm>> -> memref<1x96x128xf32, #tpu.memory_space<hbm>>
      %dma_wait3A_736 = tpu.memref_squeeze %dma_wait3A_735 : memref<1x96x128xf32, #tpu.memory_space<hbm>> -> memref<96x128xf32, #tpu.memory_space<hbm>>
      %dma_wait3A_737 = arith.constant 0 : i32
      %dma_wait3A_738 = arith.constant 0 : i32
      %dma_wait3A_739 = tpu.memref_slice %arg8[%dma_wait3A_723, %dma_wait3A_737, %dma_wait3A_738] : memref<6x104x128xf32, #tpu.memory_space<vmem>> -> memref<1x96x128xf32, #tpu.memory_space<vmem>>
      %dma_wait3A_740 = tpu.memref_squeeze %dma_wait3A_739 : memref<1x96x128xf32, #tpu.memory_space<vmem>> -> memref<96x128xf32, #tpu.memory_space<vmem>>
      tpu.wait_dma2 semaphore(%arg16 : memref<!tpu.dma_semaphore, #tpu.memory_space<semaphore_mem>>) src(%dma_wait3A_740 : memref<96x128xf32, #tpu.memory_space<vmem>>) dst(%dma_wait3A_736 : memref<96x128xf32, #tpu.memory_space<hbm>>)
      %mul3A_741 = arith.constant 200 : i32
      %mul3A_742 = arith.muli %add3A_722, %mul3A_741 : i32
      %add3A_743 = arith.constant 104 : i32
      %add3A_744 = arith.addi %mul3A_742, %add3A_743 : i32
      %dma_start3A_745 = arith.constant 1 : i32
      %dma_start3A_746 = arith.constant 0 : i32
      %dma_start3A_747 = arith.constant 0 : i32
      %dma_start3A_748 = tpu.memref_slice %arg8[%dma_start3A_745, %dma_start3A_746, %dma_start3A_747] : memref<6x104x128xf32, #tpu.memory_space<vmem>> -> memref<1x96x128xf32, #tpu.memory_space<vmem>>
      %dma_start3A_749 = tpu.memref_squeeze %dma_start3A_748 : memref<1x96x128xf32, #tpu.memory_space<vmem>> -> memref<96x128xf32, #tpu.memory_space<vmem>>
      %dma_start3A_750 = tpu.memref_slice %arg7[%add3A_744] : memref<6400xi32, #tpu.memory_space<vmem>> -> memref<96xi32, #tpu.memory_space<vmem>>
      %dma_start3A_751 = arith.constant 0 : i32
      %dma_start3A_752 = arith.constant 0 : i32
      %dma_start3A_753 = tpu.memref_slice %arg3[%dma_start3A_751, %dma_start3A_752] : memref<100000x128xf32, #tpu.memory_space<hbm>> -> memref<100000x128xf32, #tpu.memory_space<hbm>>
      tpu.enqueue_indirect_dma source(%dma_start3A_753 : memref<100000x128xf32, #tpu.memory_space<hbm>>) target(%dma_start3A_749 : memref<96x128xf32, #tpu.memory_space<vmem>>) offsets(%dma_start3A_750 : memref<96xi32, #tpu.memory_space<vmem>>) semaphore(%arg10 : memref<!tpu.dma_semaphore, #tpu.memory_space<semaphore_mem>>)
      %mul3A_754 = arith.constant 3 : i32
      %mul3A_755 = arith.muli %mul3A_754, %scan3A_638 : i32
      %add3A_756 = arith.constant 1 : i32
      %add3A_757 = arith.addi %mul3A_755, %add3A_756 : i32
      %mul3A_758 = arith.constant 200 : i32
      %mul3A_759 = arith.muli %add3A_757, %mul3A_758 : i32
      %add3A_760 = arith.constant 104 : i32
      %add3A_761 = arith.addi %mul3A_759, %add3A_760 : i32
      %dma_wait3A_762 = arith.constant 3 : i32
      %dma_wait3A_763 = arith.constant 0 : i32
      %dma_wait3A_764 = arith.constant 0 : i32
      %dma_wait3A_765 = tpu.memref_slice %arg8[%dma_wait3A_762, %dma_wait3A_763, %dma_wait3A_764] : memref<6x104x128xf32, #tpu.memory_space<vmem>> -> memref<1x96x128xf32, #tpu.memory_space<vmem>>
      %dma_wait3A_766 = tpu.memref_squeeze %dma_wait3A_765 : memref<1x96x128xf32, #tpu.memory_space<vmem>> -> memref<96x128xf32, #tpu.memory_space<vmem>>
      %dma_wait3A_767 = tpu.memref_slice %arg7[%add3A_761] : memref<6400xi32, #tpu.memory_space<vmem>> -> memref<96xi32, #tpu.memory_space<vmem>>
      %dma_wait3A_768 = arith.constant 0 : i32
      %dma_wait3A_769 = arith.constant 0 : i32
      %dma_wait3A_770 = tpu.memref_slice %arg3[%dma_wait3A_768, %dma_wait3A_769] : memref<100000x128xf32, #tpu.memory_space<hbm>> -> memref<100000x128xf32, #tpu.memory_space<hbm>>
      tpu.wait_indirect_dma semaphore(%arg12 : memref<!tpu.dma_semaphore, #tpu.memory_space<semaphore_mem>>) src(%dma_wait3A_770 : memref<100000x128xf32, #tpu.memory_space<hbm>>) dst(%dma_wait3A_766 : memref<96x128xf32, #tpu.memory_space<vmem>>)
      %scan3A_771 = arith.constant 0 : i32
      %scan3A_772 = arith.constant 0 : i32
      %scan3A_773 = arith.constant 96 : i32
      %scan3A_774 = arith.addi %scan3A_772, %scan3A_773 : i32
      %scan3A_775 = arith.constant 1 : i32
      scf.for %scan3A_1107 = %scan3A_772 to %scan3A_774 step %scan3A_775  : i32 {
        %get3A = arith.constant 3 : i32
        %get3A_1108 = arith.index_cast %get3A : i32 to index
        %get3A_1109 = arith.index_cast %scan3A_1107 : i32 to index
        %get3A_1110 = arith.constant 0 : index
        %get3A_1111 = tpu.vector_load %arg8[%get3A_1108, %get3A_1109, %get3A_1110] {strides = array<i32>} : memref<6x104x128xf32, #tpu.memory_space<vmem>>, vector<1x1x16xf32>,
        %get3A_1112 = vector.shape_cast %get3A_1111 : vector<1x1x16xf32> to vector<16xf32>
        %add3A_1113 = arith.constant 104 : i32
        %add3A_1114 = arith.addi %add3A_1113, %scan3A_1107 : i32
        %get3A_1115 = arith.index_cast %add3A_1114 : i32 to index
        %get3A_1116 = arith.constant 0 : index
        %get3A_1117 = tpu.vector_load %arg6[%get3A_1115, %get3A_1116] {strides = array<i32>} : memref<200x128xf32, #tpu.memory_space<vmem>>, vector<1x16xf32>,
        %get3A_1118 = vector.shape_cast %get3A_1117 : vector<1x16xf32> to vector<16xf32>
        %add3A_1119 = arith.addf %get3A_1112, %get3A_1118 : vector<16xf32>
        %swap3A = arith.constant 3 : i32
        %swap3A_1120 = arith.index_cast %swap3A : i32 to index
        %swap3A_1121 = arith.index_cast %scan3A_1107 : i32 to index
        %swap3A_1122 = arith.constant 0 : index
        %swap3A_1123 = tpu.vector_load %arg8[%swap3A_1120, %swap3A_1121, %swap3A_1122] {strides = array<i32>} : memref<6x104x128xf32, #tpu.memory_space<vmem>>, vector<1x1x16xf32>,
        %swap3A_1124 = vector.shape_cast %swap3A_1123 : vector<1x1x16xf32> to vector<16xf32>
        %swap3A_1125 = vector.shape_cast %add3A_1119 : vector<16xf32> to vector<1x1x16xf32>
        tpu.vector_store %arg8[%swap3A_1120, %swap3A_1121, %swap3A_1122], %swap3A_1125 {strides = array<i32>} : memref<6x104x128xf32, #tpu.memory_space<vmem>>, vector<1x1x16xf32>,
        %get3A_1126 = arith.constant 3 : i32
        %get3A_1127 = arith.index_cast %get3A_1126 : i32 to index
        %get3A_1128 = arith.index_cast %scan3A_1107 : i32 to index
        %get3A_1129 = arith.constant 16 : index
        %get3A_1130 = tpu.vector_load %arg8[%get3A_1127, %get3A_1128, %get3A_1129] {strides = array<i32>} : memref<6x104x128xf32, #tpu.memory_space<vmem>>, vector<1x1x16xf32>,
        %get3A_1131 = vector.shape_cast %get3A_1130 : vector<1x1x16xf32> to vector<16xf32>
        %add3A_1132 = arith.constant 104 : i32
        %add3A_1133 = arith.addi %add3A_1132, %scan3A_1107 : i32
        %get3A_1134 = arith.index_cast %add3A_1133 : i32 to index
        %get3A_1135 = arith.constant 16 : index
        %get3A_1136 = tpu.vector_load %arg6[%get3A_1134, %get3A_1135] {strides = array<i32>} : memref<200x128xf32, #tpu.memory_space<vmem>>, vector<1x16xf32>,
        %get3A_1137 = vector.shape_cast %get3A_1136 : vector<1x16xf32> to vector<16xf32>
        %add3A_1138 = arith.addf %get3A_1131, %get3A_1137 : vector<16xf32>
        %swap3A_1139 = arith.constant 3 : i32
        %swap3A_1140 = arith.index_cast %swap3A_1139 : i32 to index
        %swap3A_1141 = arith.index_cast %scan3A_1107 : i32 to index
        %swap3A_1142 = arith.constant 16 : index
        %swap3A_1143 = tpu.vector_load %arg8[%swap3A_1140, %swap3A_1141, %swap3A_1142] {strides = array<i32>} : memref<6x104x128xf32, #tpu.memory_space<vmem>>, vector<1x1x16xf32>,
        %swap3A_1144 = vector.shape_cast %swap3A_1143 : vector<1x1x16xf32> to vector<16xf32>
        %swap3A_1145 = vector.shape_cast %add3A_1138 : vector<16xf32> to vector<1x1x16xf32>
        tpu.vector_store %arg8[%swap3A_1140, %swap3A_1141, %swap3A_1142], %swap3A_1145 {strides = array<i32>} : memref<6x104x128xf32, #tpu.memory_space<vmem>>, vector<1x1x16xf32>,
        %get3A_1146 = arith.constant 3 : i32
        %get3A_1147 = arith.index_cast %get3A_1146 : i32 to index
        %get3A_1148 = arith.index_cast %scan3A_1107 : i32 to index
        %get3A_1149 = arith.constant 32 : index
        %get3A_1150 = tpu.vector_load %arg8[%get3A_1147, %get3A_1148, %get3A_1149] {strides = array<i32>} : memref<6x104x128xf32, #tpu.memory_space<vmem>>, vector<1x1x16xf32>,
        %get3A_1151 = vector.shape_cast %get3A_1150 : vector<1x1x16xf32> to vector<16xf32>
        %add3A_1152 = arith.constant 104 : i32
        %add3A_1153 = arith.addi %add3A_1152, %scan3A_1107 : i32
        %get3A_1154 = arith.index_cast %add3A_1153 : i32 to index
        %get3A_1155 = arith.constant 32 : index
        %get3A_1156 = tpu.vector_load %arg6[%get3A_1154, %get3A_1155] {strides = array<i32>} : memref<200x128xf32, #tpu.memory_space<vmem>>, vector<1x16xf32>,
        %get3A_1157 = vector.shape_cast %get3A_1156 : vector<1x16xf32> to vector<16xf32>
        %add3A_1158 = arith.addf %get3A_1151, %get3A_1157 : vector<16xf32>
        %swap3A_1159 = arith.constant 3 : i32
        %swap3A_1160 = arith.index_cast %swap3A_1159 : i32 to index
        %swap3A_1161 = arith.index_cast %scan3A_1107 : i32 to index
        %swap3A_1162 = arith.constant 32 : index
        %swap3A_1163 = tpu.vector_load %arg8[%swap3A_1160, %swap3A_1161, %swap3A_1162] {strides = array<i32>} : memref<6x104x128xf32, #tpu.memory_space<vmem>>, vector<1x1x16xf32>,
        %swap3A_1164 = vector.shape_cast %swap3A_1163 : vector<1x1x16xf32> to vector<16xf32>
        %swap3A_1165 = vector.shape_cast %add3A_1158 : vector<16xf32> to vector<1x1x16xf32>
        tpu.vector_store %arg8[%swap3A_1160, %swap3A_1161, %swap3A_1162], %swap3A_1165 {strides = array<i32>} : memref<6x104x128xf32, #tpu.memory_space<vmem>>, vector<1x1x16xf32>,
        %get3A_1166 = arith.constant 3 : i32
        %get3A_1167 = arith.index_cast %get3A_1166 : i32 to index
        %get3A_1168 = arith.index_cast %scan3A_1107 : i32 to index
        %get3A_1169 = arith.constant 48 : index
        %get3A_1170 = tpu.vector_load %arg8[%get3A_1167, %get3A_1168, %get3A_1169] {strides = array<i32>} : memref<6x104x128xf32, #tpu.memory_space<vmem>>, vector<1x1x16xf32>,
        %get3A_1171 = vector.shape_cast %get3A_1170 : vector<1x1x16xf32> to vector<16xf32>
        %add3A_1172 = arith.constant 104 : i32
        %add3A_1173 = arith.addi %add3A_1172, %scan3A_1107 : i32
        %get3A_1174 = arith.index_cast %add3A_1173 : i32 to index
        %get3A_1175 = arith.constant 48 : index
        %get3A_1176 = tpu.vector_load %arg6[%get3A_1174, %get3A_1175] {strides = array<i32>} : memref<200x128xf32, #tpu.memory_space<vmem>>, vector<1x16xf32>,
        %get3A_1177 = vector.shape_cast %get3A_1176 : vector<1x16xf32> to vector<16xf32>
        %add3A_1178 = arith.addf %get3A_1171, %get3A_1177 : vector<16xf32>
        %swap3A_1179 = arith.constant 3 : i32
        %swap3A_1180 = arith.index_cast %swap3A_1179 : i32 to index
        %swap3A_1181 = arith.index_cast %scan3A_1107 : i32 to index
        %swap3A_1182 = arith.constant 48 : index
        %swap3A_1183 = tpu.vector_load %arg8[%swap3A_1180, %swap3A_1181, %swap3A_1182] {strides = array<i32>} : memref<6x104x128xf32, #tpu.memory_space<vmem>>, vector<1x1x16xf32>,
        %swap3A_1184 = vector.shape_cast %swap3A_1183 : vector<1x1x16xf32> to vector<16xf32>
        %swap3A_1185 = vector.shape_cast %add3A_1178 : vector<16xf32> to vector<1x1x16xf32>
        tpu.vector_store %arg8[%swap3A_1180, %swap3A_1181, %swap3A_1182], %swap3A_1185 {strides = array<i32>} : memref<6x104x128xf32, #tpu.memory_space<vmem>>, vector<1x1x16xf32>,
        %get3A_1186 = arith.constant 3 : i32
        %get3A_1187 = arith.index_cast %get3A_1186 : i32 to index
        %get3A_1188 = arith.index_cast %scan3A_1107 : i32 to index
        %get3A_1189 = arith.constant 64 : index
        %get3A_1190 = tpu.vector_load %arg8[%get3A_1187, %get3A_1188, %get3A_1189] {strides = array<i32>} : memref<6x104x128xf32, #tpu.memory_space<vmem>>, vector<1x1x16xf32>,
        %get3A_1191 = vector.shape_cast %get3A_1190 : vector<1x1x16xf32> to vector<16xf32>
        %add3A_1192 = arith.constant 104 : i32
        %add3A_1193 = arith.addi %add3A_1192, %scan3A_1107 : i32
        %get3A_1194 = arith.index_cast %add3A_1193 : i32 to index
        %get3A_1195 = arith.constant 64 : index
        %get3A_1196 = tpu.vector_load %arg6[%get3A_1194, %get3A_1195] {strides = array<i32>} : memref<200x128xf32, #tpu.memory_space<vmem>>, vector<1x16xf32>,
        %get3A_1197 = vector.shape_cast %get3A_1196 : vector<1x16xf32> to vector<16xf32>
        %add3A_1198 = arith.addf %get3A_1191, %get3A_1197 : vector<16xf32>
        %swap3A_1199 = arith.constant 3 : i32
        %swap3A_1200 = arith.index_cast %swap3A_1199 : i32 to index
        %swap3A_1201 = arith.index_cast %scan3A_1107 : i32 to index
        %swap3A_1202 = arith.constant 64 : index
        %swap3A_1203 = tpu.vector_load %arg8[%swap3A_1200, %swap3A_1201, %swap3A_1202] {strides = array<i32>} : memref<6x104x128xf32, #tpu.memory_space<vmem>>, vector<1x1x16xf32>,
        %swap3A_1204 = vector.shape_cast %swap3A_1203 : vector<1x1x16xf32> to vector<16xf32>
        %swap3A_1205 = vector.shape_cast %add3A_1198 : vector<16xf32> to vector<1x1x16xf32>
        tpu.vector_store %arg8[%swap3A_1200, %swap3A_1201, %swap3A_1202], %swap3A_1205 {strides = array<i32>} : memref<6x104x128xf32, #tpu.memory_space<vmem>>, vector<1x1x16xf32>,
        %get3A_1206 = arith.constant 3 : i32
        %get3A_1207 = arith.index_cast %get3A_1206 : i32 to index
        %get3A_1208 = arith.index_cast %scan3A_1107 : i32 to index
        %get3A_1209 = arith.constant 80 : index
        %get3A_1210 = tpu.vector_load %arg8[%get3A_1207, %get3A_1208, %get3A_1209] {strides = array<i32>} : memref<6x104x128xf32, #tpu.memory_space<vmem>>, vector<1x1x16xf32>,
        %get3A_1211 = vector.shape_cast %get3A_1210 : vector<1x1x16xf32> to vector<16xf32>
        %add3A_1212 = arith.constant 104 : i32
        %add3A_1213 = arith.addi %add3A_1212, %scan3A_1107 : i32
        %get3A_1214 = arith.index_cast %add3A_1213 : i32 to index
        %get3A_1215 = arith.constant 80 : index
        %get3A_1216 = tpu.vector_load %arg6[%get3A_1214, %get3A_1215] {strides = array<i32>} : memref<200x128xf32, #tpu.memory_space<vmem>>, vector<1x16xf32>,
        %get3A_1217 = vector.shape_cast %get3A_1216 : vector<1x16xf32> to vector<16xf32>
        %add3A_1218 = arith.addf %get3A_1211, %get3A_1217 : vector<16xf32>
        %swap3A_1219 = arith.constant 3 : i32
        %swap3A_1220 = arith.index_cast %swap3A_1219 : i32 to index
        %swap3A_1221 = arith.index_cast %scan3A_1107 : i32 to index
        %swap3A_1222 = arith.constant 80 : index
        %swap3A_1223 = tpu.vector_load %arg8[%swap3A_1220, %swap3A_1221, %swap3A_1222] {strides = array<i32>} : memref<6x104x128xf32, #tpu.memory_space<vmem>>, vector<1x1x16xf32>,
        %swap3A_1224 = vector.shape_cast %swap3A_1223 : vector<1x1x16xf32> to vector<16xf32>
        %swap3A_1225 = vector.shape_cast %add3A_1218 : vector<16xf32> to vector<1x1x16xf32>
        tpu.vector_store %arg8[%swap3A_1220, %swap3A_1221, %swap3A_1222], %swap3A_1225 {strides = array<i32>} : memref<6x104x128xf32, #tpu.memory_space<vmem>>, vector<1x1x16xf32>,
        %get3A_1226 = arith.constant 3 : i32
        %get3A_1227 = arith.index_cast %get3A_1226 : i32 to index
        %get3A_1228 = arith.index_cast %scan3A_1107 : i32 to index
        %get3A_1229 = arith.constant 96 : index
        %get3A_1230 = tpu.vector_load %arg8[%get3A_1227, %get3A_1228, %get3A_1229] {strides = array<i32>} : memref<6x104x128xf32, #tpu.memory_space<vmem>>, vector<1x1x16xf32>,
        %get3A_1231 = vector.shape_cast %get3A_1230 : vector<1x1x16xf32> to vector<16xf32>
        %add3A_1232 = arith.constant 104 : i32
        %add3A_1233 = arith.addi %add3A_1232, %scan3A_1107 : i32
        %get3A_1234 = arith.index_cast %add3A_1233 : i32 to index
        %get3A_1235 = arith.constant 96 : index
        %get3A_1236 = tpu.vector_load %arg6[%get3A_1234, %get3A_1235] {strides = array<i32>} : memref<200x128xf32, #tpu.memory_space<vmem>>, vector<1x16xf32>,
        %get3A_1237 = vector.shape_cast %get3A_1236 : vector<1x16xf32> to vector<16xf32>
        %add3A_1238 = arith.addf %get3A_1231, %get3A_1237 : vector<16xf32>
        %swap3A_1239 = arith.constant 3 : i32
        %swap3A_1240 = arith.index_cast %swap3A_1239 : i32 to index
        %swap3A_1241 = arith.index_cast %scan3A_1107 : i32 to index
        %swap3A_1242 = arith.constant 96 : index
        %swap3A_1243 = tpu.vector_load %arg8[%swap3A_1240, %swap3A_1241, %swap3A_1242] {strides = array<i32>} : memref<6x104x128xf32, #tpu.memory_space<vmem>>, vector<1x1x16xf32>,
        %swap3A_1244 = vector.shape_cast %swap3A_1243 : vector<1x1x16xf32> to vector<16xf32>
        %swap3A_1245 = vector.shape_cast %add3A_1238 : vector<16xf32> to vector<1x1x16xf32>
        tpu.vector_store %arg8[%swap3A_1240, %swap3A_1241, %swap3A_1242], %swap3A_1245 {strides = array<i32>} : memref<6x104x128xf32, #tpu.memory_space<vmem>>, vector<1x1x16xf32>,
        %get3A_1246 = arith.constant 3 : i32
        %get3A_1247 = arith.index_cast %get3A_1246 : i32 to index
        %get3A_1248 = arith.index_cast %scan3A_1107 : i32 to index
        %get3A_1249 = arith.constant 112 : index
        %get3A_1250 = tpu.vector_load %arg8[%get3A_1247, %get3A_1248, %get3A_1249] {strides = array<i32>} : memref<6x104x128xf32, #tpu.memory_space<vmem>>, vector<1x1x16xf32>,
        %get3A_1251 = vector.shape_cast %get3A_1250 : vector<1x1x16xf32> to vector<16xf32>
        %add3A_1252 = arith.constant 104 : i32
        %add3A_1253 = arith.addi %add3A_1252, %scan3A_1107 : i32
        %get3A_1254 = arith.index_cast %add3A_1253 : i32 to index
        %get3A_1255 = arith.constant 112 : index
        %get3A_1256 = tpu.vector_load %arg6[%get3A_1254, %get3A_1255] {strides = array<i32>} : memref<200x128xf32, #tpu.memory_space<vmem>>, vector<1x16xf32>,
        %get3A_1257 = vector.shape_cast %get3A_1256 : vector<1x16xf32> to vector<16xf32>
        %add3A_1258 = arith.addf %get3A_1251, %get3A_1257 : vector<16xf32>
        %swap3A_1259 = arith.constant 3 : i32
        %swap3A_1260 = arith.index_cast %swap3A_1259 : i32 to index
        %swap3A_1261 = arith.index_cast %scan3A_1107 : i32 to index
        %swap3A_1262 = arith.constant 112 : index
        %swap3A_1263 = tpu.vector_load %arg8[%swap3A_1260, %swap3A_1261, %swap3A_1262] {strides = array<i32>} : memref<6x104x128xf32, #tpu.memory_space<vmem>>, vector<1x1x16xf32>,
        %swap3A_1264 = vector.shape_cast %swap3A_1263 : vector<1x1x16xf32> to vector<16xf32>
        %swap3A_1265 = vector.shape_cast %add3A_1258 : vector<16xf32> to vector<1x1x16xf32>
        tpu.vector_store %arg8[%swap3A_1260, %swap3A_1261, %swap3A_1262], %swap3A_1265 {strides = array<i32>} : memref<6x104x128xf32, #tpu.memory_space<vmem>>, vector<1x1x16xf32>,
      }
      %scan3A_776 = arith.constant 96 : i32
      %add3A_777 = arith.addi %mul3A_2, %add3A_757 : i32
      %dma_start3A_778 = arith.constant 3 : i32
      %dma_start3A_779 = arith.constant 0 : i32
      %dma_start3A_780 = arith.constant 0 : i32
      %dma_start3A_781 = tpu.memref_slice %arg8[%dma_start3A_778, %dma_start3A_779, %dma_start3A_780] : memref<6x104x128xf32, #tpu.memory_space<vmem>> -> memref<1x96x128xf32, #tpu.memory_space<vmem>>
      %dma_start3A_782 = tpu.memref_squeeze %dma_start3A_781 : memref<1x96x128xf32, #tpu.memory_space<vmem>> -> memref<96x128xf32, #tpu.memory_space<vmem>>
      %dma_start3A_783 = arith.constant 104 : i32
      %dma_start3A_784 = arith.constant 0 : i32
      %dma_start3A_785 = tpu.memref_slice %arg5[%add3A_777, %dma_start3A_783, %dma_start3A_784] : memref<1024x200x128xf32, #tpu.memory_space<hbm>> -> memref<1x96x128xf32, #tpu.memory_space<hbm>>
      %dma_start3A_786 = tpu.memref_squeeze %dma_start3A_785 : memref<1x96x128xf32, #tpu.memory_space<hbm>> -> memref<96x128xf32, #tpu.memory_space<hbm>>
      %dma_start3A_787 = arith.constant 104 : i32
      %dma_start3A_788 = arith.constant 0 : i32
      %dma_start3A_789 = tpu.memref_slice %arg5[%add3A_777, %dma_start3A_787, %dma_start3A_788] : memref<1024x200x128xf32, #tpu.memory_space<hbm>> -> memref<1x96x128xf32, #tpu.memory_space<hbm>>
      %dma_start3A_790 = tpu.memref_squeeze %dma_start3A_789 : memref<1x96x128xf32, #tpu.memory_space<hbm>> -> memref<96x128xf32, #tpu.memory_space<hbm>>
      %dma_start3A_791 = arith.constant 0 : i32
      %dma_start3A_792 = arith.constant 0 : i32
      %dma_start3A_793 = tpu.memref_slice %arg8[%dma_start3A_778, %dma_start3A_791, %dma_start3A_792] : memref<6x104x128xf32, #tpu.memory_space<vmem>> -> memref<1x96x128xf32, #tpu.memory_space<vmem>>
      %dma_start3A_794 = tpu.memref_squeeze %dma_start3A_793 : memref<1x96x128xf32, #tpu.memory_space<vmem>> -> memref<96x128xf32, #tpu.memory_space<vmem>>
      tpu.enqueue_dma source(%dma_start3A_794 : memref<96x128xf32, #tpu.memory_space<vmem>>) target(%dma_start3A_790 : memref<96x128xf32, #tpu.memory_space<hbm>>) target_semaphore(%arg18 : memref<!tpu.dma_semaphore, #tpu.memory_space<semaphore_mem>>)
      %mul3A_795 = arith.constant 3 : i32
      %mul3A_796 = arith.muli %mul3A_795, %scan3A_638 : i32
      %add3A_797 = arith.constant 3 : i32
      %add3A_798 = arith.addi %mul3A_796, %add3A_797 : i32
      %add3A_799 = arith.constant 1 : i32
      %add3A_800 = arith.addi %add3A_798, %add3A_799 : i32
      %dma_wait3A_801 = arith.constant 2 : i32
      %dma_wait3A_802 = arith.constant 0 : i32
      %dma_wait3A_803 = arith.constant 0 : i32
      %dma_wait3A_804 = arith.constant 0 : i32
      %dma_wait3A_805 = tpu.memref_slice %arg8[%dma_wait3A_801, %dma_wait3A_803, %dma_wait3A_804] : memref<6x104x128xf32, #tpu.memory_space<vmem>> -> memref<1x104x128xf32, #tpu.memory_space<vmem>>
      %dma_wait3A_806 = tpu.memref_squeeze %dma_wait3A_805 : memref<1x104x128xf32, #tpu.memory_space<vmem>> -> memref<104x128xf32, #tpu.memory_space<vmem>>
      %dma_wait3A_807 = arith.constant 0 : i32
      %dma_wait3A_808 = arith.constant 0 : i32
      %dma_wait3A_809 = tpu.memref_slice %arg5[%dma_wait3A_802, %dma_wait3A_807, %dma_wait3A_808] : memref<1024x200x128xf32, #tpu.memory_space<hbm>> -> memref<1x104x128xf32, #tpu.memory_space<hbm>>
      %dma_wait3A_810 = tpu.memref_squeeze %dma_wait3A_809 : memref<1x104x128xf32, #tpu.memory_space<hbm>> -> memref<104x128xf32, #tpu.memory_space<hbm>>
      %dma_wait3A_811 = arith.constant 0 : i32
      %dma_wait3A_812 = arith.constant 0 : i32
      %dma_wait3A_813 = tpu.memref_slice %arg5[%dma_wait3A_802, %dma_wait3A_811, %dma_wait3A_812] : memref<1024x200x128xf32, #tpu.memory_space<hbm>> -> memref<1x104x128xf32, #tpu.memory_space<hbm>>
      %dma_wait3A_814 = tpu.memref_squeeze %dma_wait3A_813 : memref<1x104x128xf32, #tpu.memory_space<hbm>> -> memref<104x128xf32, #tpu.memory_space<hbm>>
      %dma_wait3A_815 = arith.constant 0 : i32
      %dma_wait3A_816 = arith.constant 0 : i32
      %dma_wait3A_817 = tpu.memref_slice %arg8[%dma_wait3A_801, %dma_wait3A_815, %dma_wait3A_816] : memref<6x104x128xf32, #tpu.memory_space<vmem>> -> memref<1x104x128xf32, #tpu.memory_space<vmem>>
      %dma_wait3A_818 = tpu.memref_squeeze %dma_wait3A_817 : memref<1x104x128xf32, #tpu.memory_space<vmem>> -> memref<104x128xf32, #tpu.memory_space<vmem>>
      tpu.wait_dma2 semaphore(%arg17 : memref<!tpu.dma_semaphore, #tpu.memory_space<semaphore_mem>>) src(%dma_wait3A_818 : memref<104x128xf32, #tpu.memory_space<vmem>>) dst(%dma_wait3A_814 : memref<104x128xf32, #tpu.memory_space<hbm>>)
      %mul3A_819 = arith.constant 200 : i32
      %mul3A_820 = arith.muli %add3A_800, %mul3A_819 : i32
      %add3A_821 = arith.constant 0 : i32
      %add3A_822 = arith.addi %mul3A_820, %add3A_821 : i32
      %dma_start3A_823 = arith.constant 2 : i32
      %dma_start3A_824 = arith.constant 0 : i32
      %dma_start3A_825 = arith.constant 0 : i32
      %dma_start3A_826 = tpu.memref_slice %arg8[%dma_start3A_823, %dma_start3A_824, %dma_start3A_825] : memref<6x104x128xf32, #tpu.memory_space<vmem>> -> memref<1x104x128xf32, #tpu.memory_space<vmem>>
      %dma_start3A_827 = tpu.memref_squeeze %dma_start3A_826 : memref<1x104x128xf32, #tpu.memory_space<vmem>> -> memref<104x128xf32, #tpu.memory_space<vmem>>
      %dma_start3A_828 = tpu.memref_slice %arg7[%add3A_822] : memref<6400xi32, #tpu.memory_space<vmem>> -> memref<104xi32, #tpu.memory_space<vmem>>
      %dma_start3A_829 = arith.constant 0 : i32
      %dma_start3A_830 = arith.constant 0 : i32
      %dma_start3A_831 = tpu.memref_slice %arg3[%dma_start3A_829, %dma_start3A_830] : memref<100000x128xf32, #tpu.memory_space<hbm>> -> memref<100000x128xf32, #tpu.memory_space<hbm>>
      tpu.enqueue_indirect_dma source(%dma_start3A_831 : memref<100000x128xf32, #tpu.memory_space<hbm>>) target(%dma_start3A_827 : memref<104x128xf32, #tpu.memory_space<vmem>>) offsets(%dma_start3A_828 : memref<104xi32, #tpu.memory_space<vmem>>) semaphore(%arg11 : memref<!tpu.dma_semaphore, #tpu.memory_space<semaphore_mem>>)
      %mul3A_832 = arith.constant 3 : i32
      %mul3A_833 = arith.muli %mul3A_832, %scan3A_638 : i32
      %add3A_834 = arith.constant 2 : i32
      %add3A_835 = arith.addi %mul3A_833, %add3A_834 : i32
      %mul3A_836 = arith.constant 200 : i32
      %mul3A_837 = arith.muli %add3A_835, %mul3A_836 : i32
      %add3A_838 = arith.constant 0 : i32
      %add3A_839 = arith.addi %mul3A_837, %add3A_838 : i32
      %dma_wait3A_840 = arith.constant 4 : i32
      %dma_wait3A_841 = arith.constant 0 : i32
      %dma_wait3A_842 = arith.constant 0 : i32
      %dma_wait3A_843 = tpu.memref_slice %arg8[%dma_wait3A_840, %dma_wait3A_841, %dma_wait3A_842] : memref<6x104x128xf32, #tpu.memory_space<vmem>> -> memref<1x104x128xf32, #tpu.memory_space<vmem>>
      %dma_wait3A_844 = tpu.memref_squeeze %dma_wait3A_843 : memref<1x104x128xf32, #tpu.memory_space<vmem>> -> memref<104x128xf32, #tpu.memory_space<vmem>>
      %dma_wait3A_845 = tpu.memref_slice %arg7[%add3A_839] : memref<6400xi32, #tpu.memory_space<vmem>> -> memref<104xi32, #tpu.memory_space<vmem>>
      %dma_wait3A_846 = arith.constant 0 : i32
      %dma_wait3A_847 = arith.constant 0 : i32
      %dma_wait3A_848 = tpu.memref_slice %arg3[%dma_wait3A_846, %dma_wait3A_847] : memref<100000x128xf32, #tpu.memory_space<hbm>> -> memref<100000x128xf32, #tpu.memory_space<hbm>>
      tpu.wait_indirect_dma semaphore(%arg13 : memref<!tpu.dma_semaphore, #tpu.memory_space<semaphore_mem>>) src(%dma_wait3A_848 : memref<100000x128xf32, #tpu.memory_space<hbm>>) dst(%dma_wait3A_844 : memref<104x128xf32, #tpu.memory_space<vmem>>)
      %scan3A_849 = arith.constant 0 : i32
      %scan3A_850 = arith.constant 0 : i32
      %scan3A_851 = arith.constant 104 : i32
      %scan3A_852 = arith.addi %scan3A_850, %scan3A_851 : i32
      %scan3A_853 = arith.constant 1 : i32
      scf.for %scan3A_1107 = %scan3A_850 to %scan3A_852 step %scan3A_853  : i32 {
        %get3A = arith.constant 4 : i32
        %get3A_1108 = arith.index_cast %get3A : i32 to index
        %get3A_1109 = arith.index_cast %scan3A_1107 : i32 to index
        %get3A_1110 = arith.constant 0 : index
        %get3A_1111 = tpu.vector_load %arg8[%get3A_1108, %get3A_1109, %get3A_1110] {strides = array<i32>} : memref<6x104x128xf32, #tpu.memory_space<vmem>>, vector<1x1x16xf32>,
        %get3A_1112 = vector.shape_cast %get3A_1111 : vector<1x1x16xf32> to vector<16xf32>
        %add3A_1113 = arith.constant 0 : i32
        %add3A_1114 = arith.addi %add3A_1113, %scan3A_1107 : i32
        %get3A_1115 = arith.index_cast %add3A_1114 : i32 to index
        %get3A_1116 = arith.constant 0 : index
        %get3A_1117 = tpu.vector_load %arg6[%get3A_1115, %get3A_1116] {strides = array<i32>} : memref<200x128xf32, #tpu.memory_space<vmem>>, vector<1x16xf32>,
        %get3A_1118 = vector.shape_cast %get3A_1117 : vector<1x16xf32> to vector<16xf32>
        %add3A_1119 = arith.addf %get3A_1112, %get3A_1118 : vector<16xf32>
        %swap3A = arith.constant 4 : i32
        %swap3A_1120 = arith.index_cast %swap3A : i32 to index
        %swap3A_1121 = arith.index_cast %scan3A_1107 : i32 to index
        %swap3A_1122 = arith.constant 0 : index
        %swap3A_1123 = tpu.vector_load %arg8[%swap3A_1120, %swap3A_1121, %swap3A_1122] {strides = array<i32>} : memref<6x104x128xf32, #tpu.memory_space<vmem>>, vector<1x1x16xf32>,
        %swap3A_1124 = vector.shape_cast %swap3A_1123 : vector<1x1x16xf32> to vector<16xf32>
        %swap3A_1125 = vector.shape_cast %add3A_1119 : vector<16xf32> to vector<1x1x16xf32>
        tpu.vector_store %arg8[%swap3A_1120, %swap3A_1121, %swap3A_1122], %swap3A_1125 {strides = array<i32>} : memref<6x104x128xf32, #tpu.memory_space<vmem>>, vector<1x1x16xf32>,
        %get3A_1126 = arith.constant 4 : i32
        %get3A_1127 = arith.index_cast %get3A_1126 : i32 to index
        %get3A_1128 = arith.index_cast %scan3A_1107 : i32 to index
        %get3A_1129 = arith.constant 16 : index
        %get3A_1130 = tpu.vector_load %arg8[%get3A_1127, %get3A_1128, %get3A_1129] {strides = array<i32>} : memref<6x104x128xf32, #tpu.memory_space<vmem>>, vector<1x1x16xf32>,
        %get3A_1131 = vector.shape_cast %get3A_1130 : vector<1x1x16xf32> to vector<16xf32>
        %add3A_1132 = arith.constant 0 : i32
        %add3A_1133 = arith.addi %add3A_1132, %scan3A_1107 : i32
        %get3A_1134 = arith.index_cast %add3A_1133 : i32 to index
        %get3A_1135 = arith.constant 16 : index
        %get3A_1136 = tpu.vector_load %arg6[%get3A_1134, %get3A_1135] {strides = array<i32>} : memref<200x128xf32, #tpu.memory_space<vmem>>, vector<1x16xf32>,
        %get3A_1137 = vector.shape_cast %get3A_1136 : vector<1x16xf32> to vector<16xf32>
        %add3A_1138 = arith.addf %get3A_1131, %get3A_1137 : vector<16xf32>
        %swap3A_1139 = arith.constant 4 : i32
        %swap3A_1140 = arith.index_cast %swap3A_1139 : i32 to index
        %swap3A_1141 = arith.index_cast %scan3A_1107 : i32 to index
        %swap3A_1142 = arith.constant 16 : index
        %swap3A_1143 = tpu.vector_load %arg8[%swap3A_1140, %swap3A_1141, %swap3A_1142] {strides = array<i32>} : memref<6x104x128xf32, #tpu.memory_space<vmem>>, vector<1x1x16xf32>,
        %swap3A_1144 = vector.shape_cast %swap3A_1143 : vector<1x1x16xf32> to vector<16xf32>
        %swap3A_1145 = vector.shape_cast %add3A_1138 : vector<16xf32> to vector<1x1x16xf32>
        tpu.vector_store %arg8[%swap3A_1140, %swap3A_1141, %swap3A_1142], %swap3A_1145 {strides = array<i32>} : memref<6x104x128xf32, #tpu.memory_space<vmem>>, vector<1x1x16xf32>,
        %get3A_1146 = arith.constant 4 : i32
        %get3A_1147 = arith.index_cast %get3A_1146 : i32 to index
        %get3A_1148 = arith.index_cast %scan3A_1107 : i32 to index
        %get3A_1149 = arith.constant 32 : index
        %get3A_1150 = tpu.vector_load %arg8[%get3A_1147, %get3A_1148, %get3A_1149] {strides = array<i32>} : memref<6x104x128xf32, #tpu.memory_space<vmem>>, vector<1x1x16xf32>,
        %get3A_1151 = vector.shape_cast %get3A_1150 : vector<1x1x16xf32> to vector<16xf32>
        %add3A_1152 = arith.constant 0 : i32
        %add3A_1153 = arith.addi %add3A_1152, %scan3A_1107 : i32
        %get3A_1154 = arith.index_cast %add3A_1153 : i32 to index
        %get3A_1155 = arith.constant 32 : index
        %get3A_1156 = tpu.vector_load %arg6[%get3A_1154, %get3A_1155] {strides = array<i32>} : memref<200x128xf32, #tpu.memory_space<vmem>>, vector<1x16xf32>,
        %get3A_1157 = vector.shape_cast %get3A_1156 : vector<1x16xf32> to vector<16xf32>
        %add3A_1158 = arith.addf %get3A_1151, %get3A_1157 : vector<16xf32>
        %swap3A_1159 = arith.constant 4 : i32
        %swap3A_1160 = arith.index_cast %swap3A_1159 : i32 to index
        %swap3A_1161 = arith.index_cast %scan3A_1107 : i32 to index
        %swap3A_1162 = arith.constant 32 : index
        %swap3A_1163 = tpu.vector_load %arg8[%swap3A_1160, %swap3A_1161, %swap3A_1162] {strides = array<i32>} : memref<6x104x128xf32, #tpu.memory_space<vmem>>, vector<1x1x16xf32>,
        %swap3A_1164 = vector.shape_cast %swap3A_1163 : vector<1x1x16xf32> to vector<16xf32>
        %swap3A_1165 = vector.shape_cast %add3A_1158 : vector<16xf32> to vector<1x1x16xf32>
        tpu.vector_store %arg8[%swap3A_1160, %swap3A_1161, %swap3A_1162], %swap3A_1165 {strides = array<i32>} : memref<6x104x128xf32, #tpu.memory_space<vmem>>, vector<1x1x16xf32>,
        %get3A_1166 = arith.constant 4 : i32
        %get3A_1167 = arith.index_cast %get3A_1166 : i32 to index
        %get3A_1168 = arith.index_cast %scan3A_1107 : i32 to index
        %get3A_1169 = arith.constant 48 : index
        %get3A_1170 = tpu.vector_load %arg8[%get3A_1167, %get3A_1168, %get3A_1169] {strides = array<i32>} : memref<6x104x128xf32, #tpu.memory_space<vmem>>, vector<1x1x16xf32>,
        %get3A_1171 = vector.shape_cast %get3A_1170 : vector<1x1x16xf32> to vector<16xf32>
        %add3A_1172 = arith.constant 0 : i32
        %add3A_1173 = arith.addi %add3A_1172, %scan3A_1107 : i32
        %get3A_1174 = arith.index_cast %add3A_1173 : i32 to index
        %get3A_1175 = arith.constant 48 : index
        %get3A_1176 = tpu.vector_load %arg6[%get3A_1174, %get3A_1175] {strides = array<i32>} : memref<200x128xf32, #tpu.memory_space<vmem>>, vector<1x16xf32>,
        %get3A_1177 = vector.shape_cast %get3A_1176 : vector<1x16xf32> to vector<16xf32>
        %add3A_1178 = arith.addf %get3A_1171, %get3A_1177 : vector<16xf32>
        %swap3A_1179 = arith.constant 4 : i32
        %swap3A_1180 = arith.index_cast %swap3A_1179 : i32 to index
        %swap3A_1181 = arith.index_cast %scan3A_1107 : i32 to index
        %swap3A_1182 = arith.constant 48 : index
        %swap3A_1183 = tpu.vector_load %arg8[%swap3A_1180, %swap3A_1181, %swap3A_1182] {strides = array<i32>} : memref<6x104x128xf32, #tpu.memory_space<vmem>>, vector<1x1x16xf32>,
        %swap3A_1184 = vector.shape_cast %swap3A_1183 : vector<1x1x16xf32> to vector<16xf32>
        %swap3A_1185 = vector.shape_cast %add3A_1178 : vector<16xf32> to vector<1x1x16xf32>
        tpu.vector_store %arg8[%swap3A_1180, %swap3A_1181, %swap3A_1182], %swap3A_1185 {strides = array<i32>} : memref<6x104x128xf32, #tpu.memory_space<vmem>>, vector<1x1x16xf32>,
        %get3A_1186 = arith.constant 4 : i32
        %get3A_1187 = arith.index_cast %get3A_1186 : i32 to index
        %get3A_1188 = arith.index_cast %scan3A_1107 : i32 to index
        %get3A_1189 = arith.constant 64 : index
        %get3A_1190 = tpu.vector_load %arg8[%get3A_1187, %get3A_1188, %get3A_1189] {strides = array<i32>} : memref<6x104x128xf32, #tpu.memory_space<vmem>>, vector<1x1x16xf32>,
        %get3A_1191 = vector.shape_cast %get3A_1190 : vector<1x1x16xf32> to vector<16xf32>
        %add3A_1192 = arith.constant 0 : i32
        %add3A_1193 = arith.addi %add3A_1192, %scan3A_1107 : i32
        %get3A_1194 = arith.index_cast %add3A_1193 : i32 to index
        %get3A_1195 = arith.constant 64 : index
        %get3A_1196 = tpu.vector_load %arg6[%get3A_1194, %get3A_1195] {strides = array<i32>} : memref<200x128xf32, #tpu.memory_space<vmem>>, vector<1x16xf32>,
        %get3A_1197 = vector.shape_cast %get3A_1196 : vector<1x16xf32> to vector<16xf32>
        %add3A_1198 = arith.addf %get3A_1191, %get3A_1197 : vector<16xf32>
        %swap3A_1199 = arith.constant 4 : i32
        %swap3A_1200 = arith.index_cast %swap3A_1199 : i32 to index
        %swap3A_1201 = arith.index_cast %scan3A_1107 : i32 to index
        %swap3A_1202 = arith.constant 64 : index
        %swap3A_1203 = tpu.vector_load %arg8[%swap3A_1200, %swap3A_1201, %swap3A_1202] {strides = array<i32>} : memref<6x104x128xf32, #tpu.memory_space<vmem>>, vector<1x1x16xf32>,
        %swap3A_1204 = vector.shape_cast %swap3A_1203 : vector<1x1x16xf32> to vector<16xf32>
        %swap3A_1205 = vector.shape_cast %add3A_1198 : vector<16xf32> to vector<1x1x16xf32>
        tpu.vector_store %arg8[%swap3A_1200, %swap3A_1201, %swap3A_1202], %swap3A_1205 {strides = array<i32>} : memref<6x104x128xf32, #tpu.memory_space<vmem>>, vector<1x1x16xf32>,
        %get3A_1206 = arith.constant 4 : i32
        %get3A_1207 = arith.index_cast %get3A_1206 : i32 to index
        %get3A_1208 = arith.index_cast %scan3A_1107 : i32 to index
        %get3A_1209 = arith.constant 80 : index
        %get3A_1210 = tpu.vector_load %arg8[%get3A_1207, %get3A_1208, %get3A_1209] {strides = array<i32>} : memref<6x104x128xf32, #tpu.memory_space<vmem>>, vector<1x1x16xf32>,
        %get3A_1211 = vector.shape_cast %get3A_1210 : vector<1x1x16xf32> to vector<16xf32>
        %add3A_1212 = arith.constant 0 : i32
        %add3A_1213 = arith.addi %add3A_1212, %scan3A_1107 : i32
        %get3A_1214 = arith.index_cast %add3A_1213 : i32 to index
        %get3A_1215 = arith.constant 80 : index
        %get3A_1216 = tpu.vector_load %arg6[%get3A_1214, %get3A_1215] {strides = array<i32>} : memref<200x128xf32, #tpu.memory_space<vmem>>, vector<1x16xf32>,
        %get3A_1217 = vector.shape_cast %get3A_1216 : vector<1x16xf32> to vector<16xf32>
        %add3A_1218 = arith.addf %get3A_1211, %get3A_1217 : vector<16xf32>
        %swap3A_1219 = arith.constant 4 : i32
        %swap3A_1220 = arith.index_cast %swap3A_1219 : i32 to index
        %swap3A_1221 = arith.index_cast %scan3A_1107 : i32 to index
        %swap3A_1222 = arith.constant 80 : index
        %swap3A_1223 = tpu.vector_load %arg8[%swap3A_1220, %swap3A_1221, %swap3A_1222] {strides = array<i32>} : memref<6x104x128xf32, #tpu.memory_space<vmem>>, vector<1x1x16xf32>,
        %swap3A_1224 = vector.shape_cast %swap3A_1223 : vector<1x1x16xf32> to vector<16xf32>
        %swap3A_1225 = vector.shape_cast %add3A_1218 : vector<16xf32> to vector<1x1x16xf32>
        tpu.vector_store %arg8[%swap3A_1220, %swap3A_1221, %swap3A_1222], %swap3A_1225 {strides = array<i32>} : memref<6x104x128xf32, #tpu.memory_space<vmem>>, vector<1x1x16xf32>,
        %get3A_1226 = arith.constant 4 : i32
        %get3A_1227 = arith.index_cast %get3A_1226 : i32 to index
        %get3A_1228 = arith.index_cast %scan3A_1107 : i32 to index
        %get3A_1229 = arith.constant 96 : index
        %get3A_1230 = tpu.vector_load %arg8[%get3A_1227, %get3A_1228, %get3A_1229] {strides = array<i32>} : memref<6x104x128xf32, #tpu.memory_space<vmem>>, vector<1x1x16xf32>,
        %get3A_1231 = vector.shape_cast %get3A_1230 : vector<1x1x16xf32> to vector<16xf32>
        %add3A_1232 = arith.constant 0 : i32
        %add3A_1233 = arith.addi %add3A_1232, %scan3A_1107 : i32
        %get3A_1234 = arith.index_cast %add3A_1233 : i32 to index
        %get3A_1235 = arith.constant 96 : index
        %get3A_1236 = tpu.vector_load %arg6[%get3A_1234, %get3A_1235] {strides = array<i32>} : memref<200x128xf32, #tpu.memory_space<vmem>>, vector<1x16xf32>,
        %get3A_1237 = vector.shape_cast %get3A_1236 : vector<1x16xf32> to vector<16xf32>
        %add3A_1238 = arith.addf %get3A_1231, %get3A_1237 : vector<16xf32>
        %swap3A_1239 = arith.constant 4 : i32
        %swap3A_1240 = arith.index_cast %swap3A_1239 : i32 to index
        %swap3A_1241 = arith.index_cast %scan3A_1107 : i32 to index
        %swap3A_1242 = arith.constant 96 : index
        %swap3A_1243 = tpu.vector_load %arg8[%swap3A_1240, %swap3A_1241, %swap3A_1242] {strides = array<i32>} : memref<6x104x128xf32, #tpu.memory_space<vmem>>, vector<1x1x16xf32>,
        %swap3A_1244 = vector.shape_cast %swap3A_1243 : vector<1x1x16xf32> to vector<16xf32>
        %swap3A_1245 = vector.shape_cast %add3A_1238 : vector<16xf32> to vector<1x1x16xf32>
        tpu.vector_store %arg8[%swap3A_1240, %swap3A_1241, %swap3A_1242], %swap3A_1245 {strides = array<i32>} : memref<6x104x128xf32, #tpu.memory_space<vmem>>, vector<1x1x16xf32>,
        %get3A_1246 = arith.constant 4 : i32
        %get3A_1247 = arith.index_cast %get3A_1246 : i32 to index
        %get3A_1248 = arith.index_cast %scan3A_1107 : i32 to index
        %get3A_1249 = arith.constant 112 : index
        %get3A_1250 = tpu.vector_load %arg8[%get3A_1247, %get3A_1248, %get3A_1249] {strides = array<i32>} : memref<6x104x128xf32, #tpu.memory_space<vmem>>, vector<1x1x16xf32>,
        %get3A_1251 = vector.shape_cast %get3A_1250 : vector<1x1x16xf32> to vector<16xf32>
        %add3A_1252 = arith.constant 0 : i32
        %add3A_1253 = arith.addi %add3A_1252, %scan3A_1107 : i32
        %get3A_1254 = arith.index_cast %add3A_1253 : i32 to index
        %get3A_1255 = arith.constant 112 : index
        %get3A_1256 = tpu.vector_load %arg6[%get3A_1254, %get3A_1255] {strides = array<i32>} : memref<200x128xf32, #tpu.memory_space<vmem>>, vector<1x16xf32>,
        %get3A_1257 = vector.shape_cast %get3A_1256 : vector<1x16xf32> to vector<16xf32>
        %add3A_1258 = arith.addf %get3A_1251, %get3A_1257 : vector<16xf32>
        %swap3A_1259 = arith.constant 4 : i32
        %swap3A_1260 = arith.index_cast %swap3A_1259 : i32 to index
        %swap3A_1261 = arith.index_cast %scan3A_1107 : i32 to index
        %swap3A_1262 = arith.constant 112 : index
        %swap3A_1263 = tpu.vector_load %arg8[%swap3A_1260, %swap3A_1261, %swap3A_1262] {strides = array<i32>} : memref<6x104x128xf32, #tpu.memory_space<vmem>>, vector<1x1x16xf32>,
        %swap3A_1264 = vector.shape_cast %swap3A_1263 : vector<1x1x16xf32> to vector<16xf32>
        %swap3A_1265 = vector.shape_cast %add3A_1258 : vector<16xf32> to vector<1x1x16xf32>
        tpu.vector_store %arg8[%swap3A_1260, %swap3A_1261, %swap3A_1262], %swap3A_1265 {strides = array<i32>} : memref<6x104x128xf32, #tpu.memory_space<vmem>>, vector<1x1x16xf32>,
      }
      %scan3A_854 = arith.constant 104 : i32
      %add3A_855 = arith.addi %mul3A_2, %add3A_835 : i32
      %dma_start3A_856 = arith.constant 4 : i32
      %dma_start3A_857 = arith.constant 0 : i32
      %dma_start3A_858 = arith.constant 0 : i32
      %dma_start3A_859 = tpu.memref_slice %arg8[%dma_start3A_856, %dma_start3A_857, %dma_start3A_858] : memref<6x104x128xf32, #tpu.memory_space<vmem>> -> memref<1x104x128xf32, #tpu.memory_space<vmem>>
      %dma_start3A_860 = tpu.memref_squeeze %dma_start3A_859 : memref<1x104x128xf32, #tpu.memory_space<vmem>> -> memref<104x128xf32, #tpu.memory_space<vmem>>
      %dma_start3A_861 = arith.constant 0 : i32
      %dma_start3A_862 = arith.constant 0 : i32
      %dma_start3A_863 = tpu.memref_slice %arg5[%add3A_855, %dma_start3A_861, %dma_start3A_862] : memref<1024x200x128xf32, #tpu.memory_space<hbm>> -> memref<1x104x128xf32, #tpu.memory_space<hbm>>
      %dma_start3A_864 = tpu.memref_squeeze %dma_start3A_863 : memref<1x104x128xf32, #tpu.memory_space<hbm>> -> memref<104x128xf32, #tpu.memory_space<hbm>>
      %dma_start3A_865 = arith.constant 0 : i32
      %dma_start3A_866 = arith.constant 0 : i32
      %dma_start3A_867 = tpu.memref_slice %arg5[%add3A_855, %dma_start3A_865, %dma_start3A_866] : memref<1024x200x128xf32, #tpu.memory_space<hbm>> -> memref<1x104x128xf32, #tpu.memory_space<hbm>>
      %dma_start3A_868 = tpu.memref_squeeze %dma_start3A_867 : memref<1x104x128xf32, #tpu.memory_space<hbm>> -> memref<104x128xf32, #tpu.memory_space<hbm>>
      %dma_start3A_869 = arith.constant 0 : i32
      %dma_start3A_870 = arith.constant 0 : i32
      %dma_start3A_871 = tpu.memref_slice %arg8[%dma_start3A_856, %dma_start3A_869, %dma_start3A_870] : memref<6x104x128xf32, #tpu.memory_space<vmem>> -> memref<1x104x128xf32, #tpu.memory_space<vmem>>
      %dma_start3A_872 = tpu.memref_squeeze %dma_start3A_871 : memref<1x104x128xf32, #tpu.memory_space<vmem>> -> memref<104x128xf32, #tpu.memory_space<vmem>>
      tpu.enqueue_dma source(%dma_start3A_872 : memref<104x128xf32, #tpu.memory_space<vmem>>) target(%dma_start3A_868 : memref<104x128xf32, #tpu.memory_space<hbm>>) target_semaphore(%arg19 : memref<!tpu.dma_semaphore, #tpu.memory_space<semaphore_mem>>)
      %mul3A_873 = arith.constant 3 : i32
      %mul3A_874 = arith.muli %mul3A_873, %scan3A_638 : i32
      %add3A_875 = arith.constant 3 : i32
      %add3A_876 = arith.addi %mul3A_874, %add3A_875 : i32
      %add3A_877 = arith.constant 1 : i32
      %add3A_878 = arith.addi %add3A_876, %add3A_877 : i32
      %dma_wait3A_879 = arith.constant 3 : i32
      %dma_wait3A_880 = arith.constant 0 : i32
      %dma_wait3A_881 = arith.constant 0 : i32
      %dma_wait3A_882 = arith.constant 0 : i32
      %dma_wait3A_883 = tpu.memref_slice %arg8[%dma_wait3A_879, %dma_wait3A_881, %dma_wait3A_882] : memref<6x104x128xf32, #tpu.memory_space<vmem>> -> memref<1x96x128xf32, #tpu.memory_space<vmem>>
      %dma_wait3A_884 = tpu.memref_squeeze %dma_wait3A_883 : memref<1x96x128xf32, #tpu.memory_space<vmem>> -> memref<96x128xf32, #tpu.memory_space<vmem>>
      %dma_wait3A_885 = arith.constant 0 : i32
      %dma_wait3A_886 = arith.constant 0 : i32
      %dma_wait3A_887 = tpu.memref_slice %arg5[%dma_wait3A_880, %dma_wait3A_885, %dma_wait3A_886] : memref<1024x200x128xf32, #tpu.memory_space<hbm>> -> memref<1x96x128xf32, #tpu.memory_space<hbm>>
      %dma_wait3A_888 = tpu.memref_squeeze %dma_wait3A_887 : memref<1x96x128xf32, #tpu.memory_space<hbm>> -> memref<96x128xf32, #tpu.memory_space<hbm>>
      %dma_wait3A_889 = arith.constant 0 : i32
      %dma_wait3A_890 = arith.constant 0 : i32
      %dma_wait3A_891 = tpu.memref_slice %arg5[%dma_wait3A_880, %dma_wait3A_889, %dma_wait3A_890] : memref<1024x200x128xf32, #tpu.memory_space<hbm>> -> memref<1x96x128xf32, #tpu.memory_space<hbm>>
      %dma_wait3A_892 = tpu.memref_squeeze %dma_wait3A_891 : memref<1x96x128xf32, #tpu.memory_space<hbm>> -> memref<96x128xf32, #tpu.memory_space<hbm>>
      %dma_wait3A_893 = arith.constant 0 : i32
      %dma_wait3A_894 = arith.constant 0 : i32
      %dma_wait3A_895 = tpu.memref_slice %arg8[%dma_wait3A_879, %dma_wait3A_893, %dma_wait3A_894] : memref<6x104x128xf32, #tpu.memory_space<vmem>> -> memref<1x96x128xf32, #tpu.memory_space<vmem>>
      %dma_wait3A_896 = tpu.memref_squeeze %dma_wait3A_895 : memref<1x96x128xf32, #tpu.memory_space<vmem>> -> memref<96x128xf32, #tpu.memory_space<vmem>>
      tpu.wait_dma2 semaphore(%arg18 : memref<!tpu.dma_semaphore, #tpu.memory_space<semaphore_mem>>) src(%dma_wait3A_896 : memref<96x128xf32, #tpu.memory_space<vmem>>) dst(%dma_wait3A_892 : memref<96x128xf32, #tpu.memory_space<hbm>>)
      %mul3A_897 = arith.constant 200 : i32
      %mul3A_898 = arith.muli %add3A_878, %mul3A_897 : i32
      %add3A_899 = arith.constant 104 : i32
      %add3A_900 = arith.addi %mul3A_898, %add3A_899 : i32
      %dma_start3A_901 = arith.constant 3 : i32
      %dma_start3A_902 = arith.constant 0 : i32
      %dma_start3A_903 = arith.constant 0 : i32
      %dma_start3A_904 = tpu.memref_slice %arg8[%dma_start3A_901, %dma_start3A_902, %dma_start3A_903] : memref<6x104x128xf32, #tpu.memory_space<vmem>> -> memref<1x96x128xf32, #tpu.memory_space<vmem>>
      %dma_start3A_905 = tpu.memref_squeeze %dma_start3A_904 : memref<1x96x128xf32, #tpu.memory_space<vmem>> -> memref<96x128xf32, #tpu.memory_space<vmem>>
      %dma_start3A_906 = tpu.memref_slice %arg7[%add3A_900] : memref<6400xi32, #tpu.memory_space<vmem>> -> memref<96xi32, #tpu.memory_space<vmem>>
      %dma_start3A_907 = arith.constant 0 : i32
      %dma_start3A_908 = arith.constant 0 : i32
      %dma_start3A_909 = tpu.memref_slice %arg3[%dma_start3A_907, %dma_start3A_908] : memref<100000x128xf32, #tpu.memory_space<hbm>> -> memref<100000x128xf32, #tpu.memory_space<hbm>>
      tpu.enqueue_indirect_dma source(%dma_start3A_909 : memref<100000x128xf32, #tpu.memory_space<hbm>>) target(%dma_start3A_905 : memref<96x128xf32, #tpu.memory_space<vmem>>) offsets(%dma_start3A_906 : memref<96xi32, #tpu.memory_space<vmem>>) semaphore(%arg12 : memref<!tpu.dma_semaphore, #tpu.memory_space<semaphore_mem>>)
      %mul3A_910 = arith.constant 3 : i32
      %mul3A_911 = arith.muli %mul3A_910, %scan3A_638 : i32
      %add3A_912 = arith.constant 2 : i32
      %add3A_913 = arith.addi %mul3A_911, %add3A_912 : i32
      %mul3A_914 = arith.constant 200 : i32
      %mul3A_915 = arith.muli %add3A_913, %mul3A_914 : i32
      %add3A_916 = arith.constant 104 : i32
      %add3A_917 = arith.addi %mul3A_915, %add3A_916 : i32
      %dma_wait3A_918 = arith.constant 5 : i32
      %dma_wait3A_919 = arith.constant 0 : i32
      %dma_wait3A_920 = arith.constant 0 : i32
      %dma_wait3A_921 = tpu.memref_slice %arg8[%dma_wait3A_918, %dma_wait3A_919, %dma_wait3A_920] : memref<6x104x128xf32, #tpu.memory_space<vmem>> -> memref<1x96x128xf32, #tpu.memory_space<vmem>>
      %dma_wait3A_922 = tpu.memref_squeeze %dma_wait3A_921 : memref<1x96x128xf32, #tpu.memory_space<vmem>> -> memref<96x128xf32, #tpu.memory_space<vmem>>
      %dma_wait3A_923 = tpu.memref_slice %arg7[%add3A_917] : memref<6400xi32, #tpu.memory_space<vmem>> -> memref<96xi32, #tpu.memory_space<vmem>>
      %dma_wait3A_924 = arith.constant 0 : i32
      %dma_wait3A_925 = arith.constant 0 : i32
      %dma_wait3A_926 = tpu.memref_slice %arg3[%dma_wait3A_924, %dma_wait3A_925] : memref<100000x128xf32, #tpu.memory_space<hbm>> -> memref<100000x128xf32, #tpu.memory_space<hbm>>
      tpu.wait_indirect_dma semaphore(%arg14 : memref<!tpu.dma_semaphore, #tpu.memory_space<semaphore_mem>>) src(%dma_wait3A_926 : memref<100000x128xf32, #tpu.memory_space<hbm>>) dst(%dma_wait3A_922 : memref<96x128xf32, #tpu.memory_space<vmem>>)
      %scan3A_927 = arith.constant 0 : i32
      %scan3A_928 = arith.constant 0 : i32
      %scan3A_929 = arith.constant 96 : i32
      %scan3A_930 = arith.addi %scan3A_928, %scan3A_929 : i32
      %scan3A_931 = arith.constant 1 : i32
      scf.for %scan3A_1107 = %scan3A_928 to %scan3A_930 step %scan3A_931  : i32 {
        %get3A = arith.constant 5 : i32
        %get3A_1108 = arith.index_cast %get3A : i32 to index
        %get3A_1109 = arith.index_cast %scan3A_1107 : i32 to index
        %get3A_1110 = arith.constant 0 : index
        %get3A_1111 = tpu.vector_load %arg8[%get3A_1108, %get3A_1109, %get3A_1110] {strides = array<i32>} : memref<6x104x128xf32, #tpu.memory_space<vmem>>, vector<1x1x16xf32>,
        %get3A_1112 = vector.shape_cast %get3A_1111 : vector<1x1x16xf32> to vector<16xf32>
        %add3A_1113 = arith.constant 104 : i32
        %add3A_1114 = arith.addi %add3A_1113, %scan3A_1107 : i32
        %get3A_1115 = arith.index_cast %add3A_1114 : i32 to index
        %get3A_1116 = arith.constant 0 : index
        %get3A_1117 = tpu.vector_load %arg6[%get3A_1115, %get3A_1116] {strides = array<i32>} : memref<200x128xf32, #tpu.memory_space<vmem>>, vector<1x16xf32>,
        %get3A_1118 = vector.shape_cast %get3A_1117 : vector<1x16xf32> to vector<16xf32>
        %add3A_1119 = arith.addf %get3A_1112, %get3A_1118 : vector<16xf32>
        %swap3A = arith.constant 5 : i32
        %swap3A_1120 = arith.index_cast %swap3A : i32 to index
        %swap3A_1121 = arith.index_cast %scan3A_1107 : i32 to index
        %swap3A_1122 = arith.constant 0 : index
        %swap3A_1123 = tpu.vector_load %arg8[%swap3A_1120, %swap3A_1121, %swap3A_1122] {strides = array<i32>} : memref<6x104x128xf32, #tpu.memory_space<vmem>>, vector<1x1x16xf32>,
        %swap3A_1124 = vector.shape_cast %swap3A_1123 : vector<1x1x16xf32> to vector<16xf32>
        %swap3A_1125 = vector.shape_cast %add3A_1119 : vector<16xf32> to vector<1x1x16xf32>
        tpu.vector_store %arg8[%swap3A_1120, %swap3A_1121, %swap3A_1122], %swap3A_1125 {strides = array<i32>} : memref<6x104x128xf32, #tpu.memory_space<vmem>>, vector<1x1x16xf32>,
        %get3A_1126 = arith.constant 5 : i32
        %get3A_1127 = arith.index_cast %get3A_1126 : i32 to index
        %get3A_1128 = arith.index_cast %scan3A_1107 : i32 to index
        %get3A_1129 = arith.constant 16 : index
        %get3A_1130 = tpu.vector_load %arg8[%get3A_1127, %get3A_1128, %get3A_1129] {strides = array<i32>} : memref<6x104x128xf32, #tpu.memory_space<vmem>>, vector<1x1x16xf32>,
        %get3A_1131 = vector.shape_cast %get3A_1130 : vector<1x1x16xf32> to vector<16xf32>
        %add3A_1132 = arith.constant 104 : i32
        %add3A_1133 = arith.addi %add3A_1132, %scan3A_1107 : i32
        %get3A_1134 = arith.index_cast %add3A_1133 : i32 to index
        %get3A_1135 = arith.constant 16 : index
        %get3A_1136 = tpu.vector_load %arg6[%get3A_1134, %get3A_1135] {strides = array<i32>} : memref<200x128xf32, #tpu.memory_space<vmem>>, vector<1x16xf32>,
        %get3A_1137 = vector.shape_cast %get3A_1136 : vector<1x16xf32> to vector<16xf32>
        %add3A_1138 = arith.addf %get3A_1131, %get3A_1137 : vector<16xf32>
        %swap3A_1139 = arith.constant 5 : i32
        %swap3A_1140 = arith.index_cast %swap3A_1139 : i32 to index
        %swap3A_1141 = arith.index_cast %scan3A_1107 : i32 to index
        %swap3A_1142 = arith.constant 16 : index
        %swap3A_1143 = tpu.vector_load %arg8[%swap3A_1140, %swap3A_1141, %swap3A_1142] {strides = array<i32>} : memref<6x104x128xf32, #tpu.memory_space<vmem>>, vector<1x1x16xf32>,
        %swap3A_1144 = vector.shape_cast %swap3A_1143 : vector<1x1x16xf32> to vector<16xf32>
        %swap3A_1145 = vector.shape_cast %add3A_1138 : vector<16xf32> to vector<1x1x16xf32>
        tpu.vector_store %arg8[%swap3A_1140, %swap3A_1141, %swap3A_1142], %swap3A_1145 {strides = array<i32>} : memref<6x104x128xf32, #tpu.memory_space<vmem>>, vector<1x1x16xf32>,
        %get3A_1146 = arith.constant 5 : i32
        %get3A_1147 = arith.index_cast %get3A_1146 : i32 to index
        %get3A_1148 = arith.index_cast %scan3A_1107 : i32 to index
        %get3A_1149 = arith.constant 32 : index
        %get3A_1150 = tpu.vector_load %arg8[%get3A_1147, %get3A_1148, %get3A_1149] {strides = array<i32>} : memref<6x104x128xf32, #tpu.memory_space<vmem>>, vector<1x1x16xf32>,
        %get3A_1151 = vector.shape_cast %get3A_1150 : vector<1x1x16xf32> to vector<16xf32>
        %add3A_1152 = arith.constant 104 : i32
        %add3A_1153 = arith.addi %add3A_1152, %scan3A_1107 : i32
        %get3A_1154 = arith.index_cast %add3A_1153 : i32 to index
        %get3A_1155 = arith.constant 32 : index
        %get3A_1156 = tpu.vector_load %arg6[%get3A_1154, %get3A_1155] {strides = array<i32>} : memref<200x128xf32, #tpu.memory_space<vmem>>, vector<1x16xf32>,
        %get3A_1157 = vector.shape_cast %get3A_1156 : vector<1x16xf32> to vector<16xf32>
        %add3A_1158 = arith.addf %get3A_1151, %get3A_1157 : vector<16xf32>
        %swap3A_1159 = arith.constant 5 : i32
        %swap3A_1160 = arith.index_cast %swap3A_1159 : i32 to index
        %swap3A_1161 = arith.index_cast %scan3A_1107 : i32 to index
        %swap3A_1162 = arith.constant 32 : index
        %swap3A_1163 = tpu.vector_load %arg8[%swap3A_1160, %swap3A_1161, %swap3A_1162] {strides = array<i32>} : memref<6x104x128xf32, #tpu.memory_space<vmem>>, vector<1x1x16xf32>,
        %swap3A_1164 = vector.shape_cast %swap3A_1163 : vector<1x1x16xf32> to vector<16xf32>
        %swap3A_1165 = vector.shape_cast %add3A_1158 : vector<16xf32> to vector<1x1x16xf32>
        tpu.vector_store %arg8[%swap3A_1160, %swap3A_1161, %swap3A_1162], %swap3A_1165 {strides = array<i32>} : memref<6x104x128xf32, #tpu.memory_space<vmem>>, vector<1x1x16xf32>,
        %get3A_1166 = arith.constant 5 : i32
        %get3A_1167 = arith.index_cast %get3A_1166 : i32 to index
        %get3A_1168 = arith.index_cast %scan3A_1107 : i32 to index
        %get3A_1169 = arith.constant 48 : index
        %get3A_1170 = tpu.vector_load %arg8[%get3A_1167, %get3A_1168, %get3A_1169] {strides = array<i32>} : memref<6x104x128xf32, #tpu.memory_space<vmem>>, vector<1x1x16xf32>,
        %get3A_1171 = vector.shape_cast %get3A_1170 : vector<1x1x16xf32> to vector<16xf32>
        %add3A_1172 = arith.constant 104 : i32
        %add3A_1173 = arith.addi %add3A_1172, %scan3A_1107 : i32
        %get3A_1174 = arith.index_cast %add3A_1173 : i32 to index
        %get3A_1175 = arith.constant 48 : index
        %get3A_1176 = tpu.vector_load %arg6[%get3A_1174, %get3A_1175] {strides = array<i32>} : memref<200x128xf32, #tpu.memory_space<vmem>>, vector<1x16xf32>,
        %get3A_1177 = vector.shape_cast %get3A_1176 : vector<1x16xf32> to vector<16xf32>
        %add3A_1178 = arith.addf %get3A_1171, %get3A_1177 : vector<16xf32>
        %swap3A_1179 = arith.constant 5 : i32
        %swap3A_1180 = arith.index_cast %swap3A_1179 : i32 to index
        %swap3A_1181 = arith.index_cast %scan3A_1107 : i32 to index
        %swap3A_1182 = arith.constant 48 : index
        %swap3A_1183 = tpu.vector_load %arg8[%swap3A_1180, %swap3A_1181, %swap3A_1182] {strides = array<i32>} : memref<6x104x128xf32, #tpu.memory_space<vmem>>, vector<1x1x16xf32>,
        %swap3A_1184 = vector.shape_cast %swap3A_1183 : vector<1x1x16xf32> to vector<16xf32>
        %swap3A_1185 = vector.shape_cast %add3A_1178 : vector<16xf32> to vector<1x1x16xf32>
        tpu.vector_store %arg8[%swap3A_1180, %swap3A_1181, %swap3A_1182], %swap3A_1185 {strides = array<i32>} : memref<6x104x128xf32, #tpu.memory_space<vmem>>, vector<1x1x16xf32>,
        %get3A_1186 = arith.constant 5 : i32
        %get3A_1187 = arith.index_cast %get3A_1186 : i32 to index
        %get3A_1188 = arith.index_cast %scan3A_1107 : i32 to index
        %get3A_1189 = arith.constant 64 : index
        %get3A_1190 = tpu.vector_load %arg8[%get3A_1187, %get3A_1188, %get3A_1189] {strides = array<i32>} : memref<6x104x128xf32, #tpu.memory_space<vmem>>, vector<1x1x16xf32>,
        %get3A_1191 = vector.shape_cast %get3A_1190 : vector<1x1x16xf32> to vector<16xf32>
        %add3A_1192 = arith.constant 104 : i32
        %add3A_1193 = arith.addi %add3A_1192, %scan3A_1107 : i32
        %get3A_1194 = arith.index_cast %add3A_1193 : i32 to index
        %get3A_1195 = arith.constant 64 : index
        %get3A_1196 = tpu.vector_load %arg6[%get3A_1194, %get3A_1195] {strides = array<i32>} : memref<200x128xf32, #tpu.memory_space<vmem>>, vector<1x16xf32>,
        %get3A_1197 = vector.shape_cast %get3A_1196 : vector<1x16xf32> to vector<16xf32>
        %add3A_1198 = arith.addf %get3A_1191, %get3A_1197 : vector<16xf32>
        %swap3A_1199 = arith.constant 5 : i32
        %swap3A_1200 = arith.index_cast %swap3A_1199 : i32 to index
        %swap3A_1201 = arith.index_cast %scan3A_1107 : i32 to index
        %swap3A_1202 = arith.constant 64 : index
        %swap3A_1203 = tpu.vector_load %arg8[%swap3A_1200, %swap3A_1201, %swap3A_1202] {strides = array<i32>} : memref<6x104x128xf32, #tpu.memory_space<vmem>>, vector<1x1x16xf32>,
        %swap3A_1204 = vector.shape_cast %swap3A_1203 : vector<1x1x16xf32> to vector<16xf32>
        %swap3A_1205 = vector.shape_cast %add3A_1198 : vector<16xf32> to vector<1x1x16xf32>
        tpu.vector_store %arg8[%swap3A_1200, %swap3A_1201, %swap3A_1202], %swap3A_1205 {strides = array<i32>} : memref<6x104x128xf32, #tpu.memory_space<vmem>>, vector<1x1x16xf32>,
        %get3A_1206 = arith.constant 5 : i32
        %get3A_1207 = arith.index_cast %get3A_1206 : i32 to index
        %get3A_1208 = arith.index_cast %scan3A_1107 : i32 to index
        %get3A_1209 = arith.constant 80 : index
        %get3A_1210 = tpu.vector_load %arg8[%get3A_1207, %get3A_1208, %get3A_1209] {strides = array<i32>} : memref<6x104x128xf32, #tpu.memory_space<vmem>>, vector<1x1x16xf32>,
        %get3A_1211 = vector.shape_cast %get3A_1210 : vector<1x1x16xf32> to vector<16xf32>
        %add3A_1212 = arith.constant 104 : i32
        %add3A_1213 = arith.addi %add3A_1212, %scan3A_1107 : i32
        %get3A_1214 = arith.index_cast %add3A_1213 : i32 to index
        %get3A_1215 = arith.constant 80 : index
        %get3A_1216 = tpu.vector_load %arg6[%get3A_1214, %get3A_1215] {strides = array<i32>} : memref<200x128xf32, #tpu.memory_space<vmem>>, vector<1x16xf32>,
        %get3A_1217 = vector.shape_cast %get3A_1216 : vector<1x16xf32> to vector<16xf32>
        %add3A_1218 = arith.addf %get3A_1211, %get3A_1217 : vector<16xf32>
        %swap3A_1219 = arith.constant 5 : i32
        %swap3A_1220 = arith.index_cast %swap3A_1219 : i32 to index
        %swap3A_1221 = arith.index_cast %scan3A_1107 : i32 to index
        %swap3A_1222 = arith.constant 80 : index
        %swap3A_1223 = tpu.vector_load %arg8[%swap3A_1220, %swap3A_1221, %swap3A_1222] {strides = array<i32>} : memref<6x104x128xf32, #tpu.memory_space<vmem>>, vector<1x1x16xf32>,
        %swap3A_1224 = vector.shape_cast %swap3A_1223 : vector<1x1x16xf32> to vector<16xf32>
        %swap3A_1225 = vector.shape_cast %add3A_1218 : vector<16xf32> to vector<1x1x16xf32>
        tpu.vector_store %arg8[%swap3A_1220, %swap3A_1221, %swap3A_1222], %swap3A_1225 {strides = array<i32>} : memref<6x104x128xf32, #tpu.memory_space<vmem>>, vector<1x1x16xf32>,
        %get3A_1226 = arith.constant 5 : i32
        %get3A_1227 = arith.index_cast %get3A_1226 : i32 to index
        %get3A_1228 = arith.index_cast %scan3A_1107 : i32 to index
        %get3A_1229 = arith.constant 96 : index
        %get3A_1230 = tpu.vector_load %arg8[%get3A_1227, %get3A_1228, %get3A_1229] {strides = array<i32>} : memref<6x104x128xf32, #tpu.memory_space<vmem>>, vector<1x1x16xf32>,
        %get3A_1231 = vector.shape_cast %get3A_1230 : vector<1x1x16xf32> to vector<16xf32>
        %add3A_1232 = arith.constant 104 : i32
        %add3A_1233 = arith.addi %add3A_1232, %scan3A_1107 : i32
        %get3A_1234 = arith.index_cast %add3A_1233 : i32 to index
        %get3A_1235 = arith.constant 96 : index
        %get3A_1236 = tpu.vector_load %arg6[%get3A_1234, %get3A_1235] {strides = array<i32>} : memref<200x128xf32, #tpu.memory_space<vmem>>, vector<1x16xf32>,
        %get3A_1237 = vector.shape_cast %get3A_1236 : vector<1x16xf32> to vector<16xf32>
        %add3A_1238 = arith.addf %get3A_1231, %get3A_1237 : vector<16xf32>
        %swap3A_1239 = arith.constant 5 : i32
        %swap3A_1240 = arith.index_cast %swap3A_1239 : i32 to index
        %swap3A_1241 = arith.index_cast %scan3A_1107 : i32 to index
        %swap3A_1242 = arith.constant 96 : index
        %swap3A_1243 = tpu.vector_load %arg8[%swap3A_1240, %swap3A_1241, %swap3A_1242] {strides = array<i32>} : memref<6x104x128xf32, #tpu.memory_space<vmem>>, vector<1x1x16xf32>,
        %swap3A_1244 = vector.shape_cast %swap3A_1243 : vector<1x1x16xf32> to vector<16xf32>
        %swap3A_1245 = vector.shape_cast %add3A_1238 : vector<16xf32> to vector<1x1x16xf32>
        tpu.vector_store %arg8[%swap3A_1240, %swap3A_1241, %swap3A_1242], %swap3A_1245 {strides = array<i32>} : memref<6x104x128xf32, #tpu.memory_space<vmem>>, vector<1x1x16xf32>,
        %get3A_1246 = arith.constant 5 : i32
        %get3A_1247 = arith.index_cast %get3A_1246 : i32 to index
        %get3A_1248 = arith.index_cast %scan3A_1107 : i32 to index
        %get3A_1249 = arith.constant 112 : index
        %get3A_1250 = tpu.vector_load %arg8[%get3A_1247, %get3A_1248, %get3A_1249] {strides = array<i32>} : memref<6x104x128xf32, #tpu.memory_space<vmem>>, vector<1x1x16xf32>,
        %get3A_1251 = vector.shape_cast %get3A_1250 : vector<1x1x16xf32> to vector<16xf32>
        %add3A_1252 = arith.constant 104 : i32
        %add3A_1253 = arith.addi %add3A_1252, %scan3A_1107 : i32
        %get3A_1254 = arith.index_cast %add3A_1253 : i32 to index
        %get3A_1255 = arith.constant 112 : index
        %get3A_1256 = tpu.vector_load %arg6[%get3A_1254, %get3A_1255] {strides = array<i32>} : memref<200x128xf32, #tpu.memory_space<vmem>>, vector<1x16xf32>,
        %get3A_1257 = vector.shape_cast %get3A_1256 : vector<1x16xf32> to vector<16xf32>
        %add3A_1258 = arith.addf %get3A_1251, %get3A_1257 : vector<16xf32>
        %swap3A_1259 = arith.constant 5 : i32
        %swap3A_1260 = arith.index_cast %swap3A_1259 : i32 to index
        %swap3A_1261 = arith.index_cast %scan3A_1107 : i32 to index
        %swap3A_1262 = arith.constant 112 : index
        %swap3A_1263 = tpu.vector_load %arg8[%swap3A_1260, %swap3A_1261, %swap3A_1262] {strides = array<i32>} : memref<6x104x128xf32, #tpu.memory_space<vmem>>, vector<1x1x16xf32>,
        %swap3A_1264 = vector.shape_cast %swap3A_1263 : vector<1x1x16xf32> to vector<16xf32>
        %swap3A_1265 = vector.shape_cast %add3A_1258 : vector<16xf32> to vector<1x1x16xf32>
        tpu.vector_store %arg8[%swap3A_1260, %swap3A_1261, %swap3A_1262], %swap3A_1265 {strides = array<i32>} : memref<6x104x128xf32, #tpu.memory_space<vmem>>, vector<1x1x16xf32>,
      }
      %scan3A_932 = arith.constant 96 : i32
      %add3A_933 = arith.addi %mul3A_2, %add3A_913 : i32
      %dma_start3A_934 = arith.constant 5 : i32
      %dma_start3A_935 = arith.constant 0 : i32
      %dma_start3A_936 = arith.constant 0 : i32
      %dma_start3A_937 = tpu.memref_slice %arg8[%dma_start3A_934, %dma_start3A_935, %dma_start3A_936] : memref<6x104x128xf32, #tpu.memory_space<vmem>> -> memref<1x96x128xf32, #tpu.memory_space<vmem>>
      %dma_start3A_938 = tpu.memref_squeeze %dma_start3A_937 : memref<1x96x128xf32, #tpu.memory_space<vmem>> -> memref<96x128xf32, #tpu.memory_space<vmem>>
      %dma_start3A_939 = arith.constant 104 : i32
      %dma_start3A_940 = arith.constant 0 : i32
      %dma_start3A_941 = tpu.memref_slice %arg5[%add3A_933, %dma_start3A_939, %dma_start3A_940] : memref<1024x200x128xf32, #tpu.memory_space<hbm>> -> memref<1x96x128xf32, #tpu.memory_space<hbm>>
      %dma_start3A_942 = tpu.memref_squeeze %dma_start3A_941 : memref<1x96x128xf32, #tpu.memory_space<hbm>> -> memref<96x128xf32, #tpu.memory_space<hbm>>
      %dma_start3A_943 = arith.constant 104 : i32
      %dma_start3A_944 = arith.constant 0 : i32
      %dma_start3A_945 = tpu.memref_slice %arg5[%add3A_933, %dma_start3A_943, %dma_start3A_944] : memref<1024x200x128xf32, #tpu.memory_space<hbm>> -> memref<1x96x128xf32, #tpu.memory_space<hbm>>
      %dma_start3A_946 = tpu.memref_squeeze %dma_start3A_945 : memref<1x96x128xf32, #tpu.memory_space<hbm>> -> memref<96x128xf32, #tpu.memory_space<hbm>>
      %dma_start3A_947 = arith.constant 0 : i32
      %dma_start3A_948 = arith.constant 0 : i32
      %dma_start3A_949 = tpu.memref_slice %arg8[%dma_start3A_934, %dma_start3A_947, %dma_start3A_948] : memref<6x104x128xf32, #tpu.memory_space<vmem>> -> memref<1x96x128xf32, #tpu.memory_space<vmem>>
      %dma_start3A_950 = tpu.memref_squeeze %dma_start3A_949 : memref<1x96x128xf32, #tpu.memory_space<vmem>> -> memref<96x128xf32, #tpu.memory_space<vmem>>
      tpu.enqueue_dma source(%dma_start3A_950 : memref<96x128xf32, #tpu.memory_space<vmem>>) target(%dma_start3A_946 : memref<96x128xf32, #tpu.memory_space<hbm>>) target_semaphore(%arg20 : memref<!tpu.dma_semaphore, #tpu.memory_space<semaphore_mem>>)
      %mul3A_951 = arith.constant 3 : i32
      %mul3A_952 = arith.muli %mul3A_951, %scan3A_638 : i32
      %add3A_953 = arith.constant 3 : i32
      %add3A_954 = arith.addi %mul3A_952, %add3A_953 : i32
      %add3A_955 = arith.constant 2 : i32
      %add3A_956 = arith.addi %add3A_954, %add3A_955 : i32
      %dma_wait3A_957 = arith.constant 4 : i32
      %dma_wait3A_958 = arith.constant 0 : i32
      %dma_wait3A_959 = arith.constant 0 : i32
      %dma_wait3A_960 = arith.constant 0 : i32
      %dma_wait3A_961 = tpu.memref_slice %arg8[%dma_wait3A_957, %dma_wait3A_959, %dma_wait3A_960] : memref<6x104x128xf32, #tpu.memory_space<vmem>> -> memref<1x104x128xf32, #tpu.memory_space<vmem>>
      %dma_wait3A_962 = tpu.memref_squeeze %dma_wait3A_961 : memref<1x104x128xf32, #tpu.memory_space<vmem>> -> memref<104x128xf32, #tpu.memory_space<vmem>>
      %dma_wait3A_963 = arith.constant 0 : i32
      %dma_wait3A_964 = arith.constant 0 : i32
      %dma_wait3A_965 = tpu.memref_slice %arg5[%dma_wait3A_958, %dma_wait3A_963, %dma_wait3A_964] : memref<1024x200x128xf32, #tpu.memory_space<hbm>> -> memref<1x104x128xf32, #tpu.memory_space<hbm>>
      %dma_wait3A_966 = tpu.memref_squeeze %dma_wait3A_965 : memref<1x104x128xf32, #tpu.memory_space<hbm>> -> memref<104x128xf32, #tpu.memory_space<hbm>>
      %dma_wait3A_967 = arith.constant 0 : i32
      %dma_wait3A_968 = arith.constant 0 : i32
      %dma_wait3A_969 = tpu.memref_slice %arg5[%dma_wait3A_958, %dma_wait3A_967, %dma_wait3A_968] : memref<1024x200x128xf32, #tpu.memory_space<hbm>> -> memref<1x104x128xf32, #tpu.memory_space<hbm>>
      %dma_wait3A_970 = tpu.memref_squeeze %dma_wait3A_969 : memref<1x104x128xf32, #tpu.memory_space<hbm>> -> memref<104x128xf32, #tpu.memory_space<hbm>>
      %dma_wait3A_971 = arith.constant 0 : i32
      %dma_wait3A_972 = arith.constant 0 : i32
      %dma_wait3A_973 = tpu.memref_slice %arg8[%dma_wait3A_957, %dma_wait3A_971, %dma_wait3A_972] : memref<6x104x128xf32, #tpu.memory_space<vmem>> -> memref<1x104x128xf32, #tpu.memory_space<vmem>>
      %dma_wait3A_974 = tpu.memref_squeeze %dma_wait3A_973 : memref<1x104x128xf32, #tpu.memory_space<vmem>> -> memref<104x128xf32, #tpu.memory_space<vmem>>
      tpu.wait_dma2 semaphore(%arg19 : memref<!tpu.dma_semaphore, #tpu.memory_space<semaphore_mem>>) src(%dma_wait3A_974 : memref<104x128xf32, #tpu.memory_space<vmem>>) dst(%dma_wait3A_970 : memref<104x128xf32, #tpu.memory_space<hbm>>)
      %mul3A_975 = arith.constant 200 : i32
      %mul3A_976 = arith.muli %add3A_956, %mul3A_975 : i32
      %add3A_977 = arith.constant 0 : i32
      %add3A_978 = arith.addi %mul3A_976, %add3A_977 : i32
      %dma_start3A_979 = arith.constant 4 : i32
      %dma_start3A_980 = arith.constant 0 : i32
      %dma_start3A_981 = arith.constant 0 : i32
      %dma_start3A_982 = tpu.memref_slice %arg8[%dma_start3A_979, %dma_start3A_980, %dma_start3A_981] : memref<6x104x128xf32, #tpu.memory_space<vmem>> -> memref<1x104x128xf32, #tpu.memory_space<vmem>>
      %dma_start3A_983 = tpu.memref_squeeze %dma_start3A_982 : memref<1x104x128xf32, #tpu.memory_space<vmem>> -> memref<104x128xf32, #tpu.memory_space<vmem>>
      %dma_start3A_984 = tpu.memref_slice %arg7[%add3A_978] : memref<6400xi32, #tpu.memory_space<vmem>> -> memref<104xi32, #tpu.memory_space<vmem>>
      %dma_start3A_985 = arith.constant 0 : i32
      %dma_start3A_986 = arith.constant 0 : i32
      %dma_start3A_987 = tpu.memref_slice %arg3[%dma_start3A_985, %dma_start3A_986] : memref<100000x128xf32, #tpu.memory_space<hbm>> -> memref<100000x128xf32, #tpu.memory_space<hbm>>
      tpu.enqueue_indirect_dma source(%dma_start3A_987 : memref<100000x128xf32, #tpu.memory_space<hbm>>) target(%dma_start3A_983 : memref<104x128xf32, #tpu.memory_space<vmem>>) offsets(%dma_start3A_984 : memref<104xi32, #tpu.memory_space<vmem>>) semaphore(%arg13 : memref<!tpu.dma_semaphore, #tpu.memory_space<semaphore_mem>>)
      %mul3A_988 = arith.constant 3 : i32
      %mul3A_989 = arith.muli %mul3A_988, %scan3A_638 : i32
      %add3A_990 = arith.constant 3 : i32
      %add3A_991 = arith.addi %mul3A_989, %add3A_990 : i32
      %mul3A_992 = arith.constant 200 : i32
      %mul3A_993 = arith.muli %add3A_991, %mul3A_992 : i32
      %add3A_994 = arith.constant 0 : i32
      %add3A_995 = arith.addi %mul3A_993, %add3A_994 : i32
      %dma_wait3A_996 = arith.constant 0 : i32
      %dma_wait3A_997 = arith.constant 0 : i32
      %dma_wait3A_998 = arith.constant 0 : i32
      %dma_wait3A_999 = tpu.memref_slice %arg8[%dma_wait3A_996, %dma_wait3A_997, %dma_wait3A_998] : memref<6x104x128xf32, #tpu.memory_space<vmem>> -> memref<1x104x128xf32, #tpu.memory_space<vmem>>
      %dma_wait3A_1000 = tpu.memref_squeeze %dma_wait3A_999 : memref<1x104x128xf32, #tpu.memory_space<vmem>> -> memref<104x128xf32, #tpu.memory_space<vmem>>
      %dma_wait3A_1001 = tpu.memref_slice %arg7[%add3A_995] : memref<6400xi32, #tpu.memory_space<vmem>> -> memref<104xi32, #tpu.memory_space<vmem>>
      %dma_wait3A_1002 = arith.constant 0 : i32
      %dma_wait3A_1003 = arith.constant 0 : i32
      %dma_wait3A_1004 = tpu.memref_slice %arg3[%dma_wait3A_1002, %dma_wait3A_1003] : memref<100000x128xf32, #tpu.memory_space<hbm>> -> memref<100000x128xf32, #tpu.memory_space<hbm>>
      tpu.wait_indirect_dma semaphore(%arg9 : memref<!tpu.dma_semaphore, #tpu.memory_space<semaphore_mem>>) src(%dma_wait3A_1004 : memref<100000x128xf32, #tpu.memory_space<hbm>>) dst(%dma_wait3A_1000 : memref<104x128xf32, #tpu.memory_space<vmem>>)
      %scan3A_1005 = arith.constant 0 : i32
      %scan3A_1006 = arith.constant 0 : i32
      %scan3A_1007 = arith.constant 104 : i32
      %scan3A_1008 = arith.addi %scan3A_1006, %scan3A_1007 : i32
      %scan3A_1009 = arith.constant 1 : i32
      scf.for %scan3A_1107 = %scan3A_1006 to %scan3A_1008 step %scan3A_1009  : i32 {
        %get3A = arith.constant 0 : i32
        %get3A_1108 = arith.index_cast %get3A : i32 to index
        %get3A_1109 = arith.index_cast %scan3A_1107 : i32 to index
        %get3A_1110 = arith.constant 0 : index
        %get3A_1111 = tpu.vector_load %arg8[%get3A_1108, %get3A_1109, %get3A_1110] {strides = array<i32>} : memref<6x104x128xf32, #tpu.memory_space<vmem>>, vector<1x1x16xf32>,
        %get3A_1112 = vector.shape_cast %get3A_1111 : vector<1x1x16xf32> to vector<16xf32>
        %add3A_1113 = arith.constant 0 : i32
        %add3A_1114 = arith.addi %add3A_1113, %scan3A_1107 : i32
        %get3A_1115 = arith.index_cast %add3A_1114 : i32 to index
        %get3A_1116 = arith.constant 0 : index
        %get3A_1117 = tpu.vector_load %arg6[%get3A_1115, %get3A_1116] {strides = array<i32>} : memref<200x128xf32, #tpu.memory_space<vmem>>, vector<1x16xf32>,
        %get3A_1118 = vector.shape_cast %get3A_1117 : vector<1x16xf32> to vector<16xf32>
        %add3A_1119 = arith.addf %get3A_1112, %get3A_1118 : vector<16xf32>
        %swap3A = arith.constant 0 : i32
        %swap3A_1120 = arith.index_cast %swap3A : i32 to index
        %swap3A_1121 = arith.index_cast %scan3A_1107 : i32 to index
        %swap3A_1122 = arith.constant 0 : index
        %swap3A_1123 = tpu.vector_load %arg8[%swap3A_1120, %swap3A_1121, %swap3A_1122] {strides = array<i32>} : memref<6x104x128xf32, #tpu.memory_space<vmem>>, vector<1x1x16xf32>,
        %swap3A_1124 = vector.shape_cast %swap3A_1123 : vector<1x1x16xf32> to vector<16xf32>
        %swap3A_1125 = vector.shape_cast %add3A_1119 : vector<16xf32> to vector<1x1x16xf32>
        tpu.vector_store %arg8[%swap3A_1120, %swap3A_1121, %swap3A_1122], %swap3A_1125 {strides = array<i32>} : memref<6x104x128xf32, #tpu.memory_space<vmem>>, vector<1x1x16xf32>,
        %get3A_1126 = arith.constant 0 : i32
        %get3A_1127 = arith.index_cast %get3A_1126 : i32 to index
        %get3A_1128 = arith.index_cast %scan3A_1107 : i32 to index
        %get3A_1129 = arith.constant 16 : index
        %get3A_1130 = tpu.vector_load %arg8[%get3A_1127, %get3A_1128, %get3A_1129] {strides = array<i32>} : memref<6x104x128xf32, #tpu.memory_space<vmem>>, vector<1x1x16xf32>,
        %get3A_1131 = vector.shape_cast %get3A_1130 : vector<1x1x16xf32> to vector<16xf32>
        %add3A_1132 = arith.constant 0 : i32
        %add3A_1133 = arith.addi %add3A_1132, %scan3A_1107 : i32
        %get3A_1134 = arith.index_cast %add3A_1133 : i32 to index
        %get3A_1135 = arith.constant 16 : index
        %get3A_1136 = tpu.vector_load %arg6[%get3A_1134, %get3A_1135] {strides = array<i32>} : memref<200x128xf32, #tpu.memory_space<vmem>>, vector<1x16xf32>,
        %get3A_1137 = vector.shape_cast %get3A_1136 : vector<1x16xf32> to vector<16xf32>
        %add3A_1138 = arith.addf %get3A_1131, %get3A_1137 : vector<16xf32>
        %swap3A_1139 = arith.constant 0 : i32
        %swap3A_1140 = arith.index_cast %swap3A_1139 : i32 to index
        %swap3A_1141 = arith.index_cast %scan3A_1107 : i32 to index
        %swap3A_1142 = arith.constant 16 : index
        %swap3A_1143 = tpu.vector_load %arg8[%swap3A_1140, %swap3A_1141, %swap3A_1142] {strides = array<i32>} : memref<6x104x128xf32, #tpu.memory_space<vmem>>, vector<1x1x16xf32>,
        %swap3A_1144 = vector.shape_cast %swap3A_1143 : vector<1x1x16xf32> to vector<16xf32>
        %swap3A_1145 = vector.shape_cast %add3A_1138 : vector<16xf32> to vector<1x1x16xf32>
        tpu.vector_store %arg8[%swap3A_1140, %swap3A_1141, %swap3A_1142], %swap3A_1145 {strides = array<i32>} : memref<6x104x128xf32, #tpu.memory_space<vmem>>, vector<1x1x16xf32>,
        %get3A_1146 = arith.constant 0 : i32
        %get3A_1147 = arith.index_cast %get3A_1146 : i32 to index
        %get3A_1148 = arith.index_cast %scan3A_1107 : i32 to index
        %get3A_1149 = arith.constant 32 : index
        %get3A_1150 = tpu.vector_load %arg8[%get3A_1147, %get3A_1148, %get3A_1149] {strides = array<i32>} : memref<6x104x128xf32, #tpu.memory_space<vmem>>, vector<1x1x16xf32>,
        %get3A_1151 = vector.shape_cast %get3A_1150 : vector<1x1x16xf32> to vector<16xf32>
        %add3A_1152 = arith.constant 0 : i32
        %add3A_1153 = arith.addi %add3A_1152, %scan3A_1107 : i32
        %get3A_1154 = arith.index_cast %add3A_1153 : i32 to index
        %get3A_1155 = arith.constant 32 : index
        %get3A_1156 = tpu.vector_load %arg6[%get3A_1154, %get3A_1155] {strides = array<i32>} : memref<200x128xf32, #tpu.memory_space<vmem>>, vector<1x16xf32>,
        %get3A_1157 = vector.shape_cast %get3A_1156 : vector<1x16xf32> to vector<16xf32>
        %add3A_1158 = arith.addf %get3A_1151, %get3A_1157 : vector<16xf32>
        %swap3A_1159 = arith.constant 0 : i32
        %swap3A_1160 = arith.index_cast %swap3A_1159 : i32 to index
        %swap3A_1161 = arith.index_cast %scan3A_1107 : i32 to index
        %swap3A_1162 = arith.constant 32 : index
        %swap3A_1163 = tpu.vector_load %arg8[%swap3A_1160, %swap3A_1161, %swap3A_1162] {strides = array<i32>} : memref<6x104x128xf32, #tpu.memory_space<vmem>>, vector<1x1x16xf32>,
        %swap3A_1164 = vector.shape_cast %swap3A_1163 : vector<1x1x16xf32> to vector<16xf32>
        %swap3A_1165 = vector.shape_cast %add3A_1158 : vector<16xf32> to vector<1x1x16xf32>
        tpu.vector_store %arg8[%swap3A_1160, %swap3A_1161, %swap3A_1162], %swap3A_1165 {strides = array<i32>} : memref<6x104x128xf32, #tpu.memory_space<vmem>>, vector<1x1x16xf32>,
        %get3A_1166 = arith.constant 0 : i32
        %get3A_1167 = arith.index_cast %get3A_1166 : i32 to index
        %get3A_1168 = arith.index_cast %scan3A_1107 : i32 to index
        %get3A_1169 = arith.constant 48 : index
        %get3A_1170 = tpu.vector_load %arg8[%get3A_1167, %get3A_1168, %get3A_1169] {strides = array<i32>} : memref<6x104x128xf32, #tpu.memory_space<vmem>>, vector<1x1x16xf32>,
        %get3A_1171 = vector.shape_cast %get3A_1170 : vector<1x1x16xf32> to vector<16xf32>
        %add3A_1172 = arith.constant 0 : i32
        %add3A_1173 = arith.addi %add3A_1172, %scan3A_1107 : i32
        %get3A_1174 = arith.index_cast %add3A_1173 : i32 to index
        %get3A_1175 = arith.constant 48 : index
        %get3A_1176 = tpu.vector_load %arg6[%get3A_1174, %get3A_1175] {strides = array<i32>} : memref<200x128xf32, #tpu.memory_space<vmem>>, vector<1x16xf32>,
        %get3A_1177 = vector.shape_cast %get3A_1176 : vector<1x16xf32> to vector<16xf32>
        %add3A_1178 = arith.addf %get3A_1171, %get3A_1177 : vector<16xf32>
        %swap3A_1179 = arith.constant 0 : i32
        %swap3A_1180 = arith.index_cast %swap3A_1179 : i32 to index
        %swap3A_1181 = arith.index_cast %scan3A_1107 : i32 to index
        %swap3A_1182 = arith.constant 48 : index
        %swap3A_1183 = tpu.vector_load %arg8[%swap3A_1180, %swap3A_1181, %swap3A_1182] {strides = array<i32>} : memref<6x104x128xf32, #tpu.memory_space<vmem>>, vector<1x1x16xf32>,
        %swap3A_1184 = vector.shape_cast %swap3A_1183 : vector<1x1x16xf32> to vector<16xf32>
        %swap3A_1185 = vector.shape_cast %add3A_1178 : vector<16xf32> to vector<1x1x16xf32>
        tpu.vector_store %arg8[%swap3A_1180, %swap3A_1181, %swap3A_1182], %swap3A_1185 {strides = array<i32>} : memref<6x104x128xf32, #tpu.memory_space<vmem>>, vector<1x1x16xf32>,
        %get3A_1186 = arith.constant 0 : i32
        %get3A_1187 = arith.index_cast %get3A_1186 : i32 to index
        %get3A_1188 = arith.index_cast %scan3A_1107 : i32 to index
        %get3A_1189 = arith.constant 64 : index
        %get3A_1190 = tpu.vector_load %arg8[%get3A_1187, %get3A_1188, %get3A_1189] {strides = array<i32>} : memref<6x104x128xf32, #tpu.memory_space<vmem>>, vector<1x1x16xf32>,
        %get3A_1191 = vector.shape_cast %get3A_1190 : vector<1x1x16xf32> to vector<16xf32>
        %add3A_1192 = arith.constant 0 : i32
        %add3A_1193 = arith.addi %add3A_1192, %scan3A_1107 : i32
        %get3A_1194 = arith.index_cast %add3A_1193 : i32 to index
        %get3A_1195 = arith.constant 64 : index
        %get3A_1196 = tpu.vector_load %arg6[%get3A_1194, %get3A_1195] {strides = array<i32>} : memref<200x128xf32, #tpu.memory_space<vmem>>, vector<1x16xf32>,
        %get3A_1197 = vector.shape_cast %get3A_1196 : vector<1x16xf32> to vector<16xf32>
        %add3A_1198 = arith.addf %get3A_1191, %get3A_1197 : vector<16xf32>
        %swap3A_1199 = arith.constant 0 : i32
        %swap3A_1200 = arith.index_cast %swap3A_1199 : i32 to index
        %swap3A_1201 = arith.index_cast %scan3A_1107 : i32 to index
        %swap3A_1202 = arith.constant 64 : index
        %swap3A_1203 = tpu.vector_load %arg8[%swap3A_1200, %swap3A_1201, %swap3A_1202] {strides = array<i32>} : memref<6x104x128xf32, #tpu.memory_space<vmem>>, vector<1x1x16xf32>,
        %swap3A_1204 = vector.shape_cast %swap3A_1203 : vector<1x1x16xf32> to vector<16xf32>
        %swap3A_1205 = vector.shape_cast %add3A_1198 : vector<16xf32> to vector<1x1x16xf32>
        tpu.vector_store %arg8[%swap3A_1200, %swap3A_1201, %swap3A_1202], %swap3A_1205 {strides = array<i32>} : memref<6x104x128xf32, #tpu.memory_space<vmem>>, vector<1x1x16xf32>,
        %get3A_1206 = arith.constant 0 : i32
        %get3A_1207 = arith.index_cast %get3A_1206 : i32 to index
        %get3A_1208 = arith.index_cast %scan3A_1107 : i32 to index
        %get3A_1209 = arith.constant 80 : index
        %get3A_1210 = tpu.vector_load %arg8[%get3A_1207, %get3A_1208, %get3A_1209] {strides = array<i32>} : memref<6x104x128xf32, #tpu.memory_space<vmem>>, vector<1x1x16xf32>,
        %get3A_1211 = vector.shape_cast %get3A_1210 : vector<1x1x16xf32> to vector<16xf32>
        %add3A_1212 = arith.constant 0 : i32
        %add3A_1213 = arith.addi %add3A_1212, %scan3A_1107 : i32
        %get3A_1214 = arith.index_cast %add3A_1213 : i32 to index
        %get3A_1215 = arith.constant 80 : index
        %get3A_1216 = tpu.vector_load %arg6[%get3A_1214, %get3A_1215] {strides = array<i32>} : memref<200x128xf32, #tpu.memory_space<vmem>>, vector<1x16xf32>,
        %get3A_1217 = vector.shape_cast %get3A_1216 : vector<1x16xf32> to vector<16xf32>
        %add3A_1218 = arith.addf %get3A_1211, %get3A_1217 : vector<16xf32>
        %swap3A_1219 = arith.constant 0 : i32
        %swap3A_1220 = arith.index_cast %swap3A_1219 : i32 to index
        %swap3A_1221 = arith.index_cast %scan3A_1107 : i32 to index
        %swap3A_1222 = arith.constant 80 : index
        %swap3A_1223 = tpu.vector_load %arg8[%swap3A_1220, %swap3A_1221, %swap3A_1222] {strides = array<i32>} : memref<6x104x128xf32, #tpu.memory_space<vmem>>, vector<1x1x16xf32>,
        %swap3A_1224 = vector.shape_cast %swap3A_1223 : vector<1x1x16xf32> to vector<16xf32>
        %swap3A_1225 = vector.shape_cast %add3A_1218 : vector<16xf32> to vector<1x1x16xf32>
        tpu.vector_store %arg8[%swap3A_1220, %swap3A_1221, %swap3A_1222], %swap3A_1225 {strides = array<i32>} : memref<6x104x128xf32, #tpu.memory_space<vmem>>, vector<1x1x16xf32>,
        %get3A_1226 = arith.constant 0 : i32
        %get3A_1227 = arith.index_cast %get3A_1226 : i32 to index
        %get3A_1228 = arith.index_cast %scan3A_1107 : i32 to index
        %get3A_1229 = arith.constant 96 : index
        %get3A_1230 = tpu.vector_load %arg8[%get3A_1227, %get3A_1228, %get3A_1229] {strides = array<i32>} : memref<6x104x128xf32, #tpu.memory_space<vmem>>, vector<1x1x16xf32>,
        %get3A_1231 = vector.shape_cast %get3A_1230 : vector<1x1x16xf32> to vector<16xf32>
        %add3A_1232 = arith.constant 0 : i32
        %add3A_1233 = arith.addi %add3A_1232, %scan3A_1107 : i32
        %get3A_1234 = arith.index_cast %add3A_1233 : i32 to index
        %get3A_1235 = arith.constant 96 : index
        %get3A_1236 = tpu.vector_load %arg6[%get3A_1234, %get3A_1235] {strides = array<i32>} : memref<200x128xf32, #tpu.memory_space<vmem>>, vector<1x16xf32>,
        %get3A_1237 = vector.shape_cast %get3A_1236 : vector<1x16xf32> to vector<16xf32>
        %add3A_1238 = arith.addf %get3A_1231, %get3A_1237 : vector<16xf32>
        %swap3A_1239 = arith.constant 0 : i32
        %swap3A_1240 = arith.index_cast %swap3A_1239 : i32 to index
        %swap3A_1241 = arith.index_cast %scan3A_1107 : i32 to index
        %swap3A_1242 = arith.constant 96 : index
        %swap3A_1243 = tpu.vector_load %arg8[%swap3A_1240, %swap3A_1241, %swap3A_1242] {strides = array<i32>} : memref<6x104x128xf32, #tpu.memory_space<vmem>>, vector<1x1x16xf32>,
        %swap3A_1244 = vector.shape_cast %swap3A_1243 : vector<1x1x16xf32> to vector<16xf32>
        %swap3A_1245 = vector.shape_cast %add3A_1238 : vector<16xf32> to vector<1x1x16xf32>
        tpu.vector_store %arg8[%swap3A_1240, %swap3A_1241, %swap3A_1242], %swap3A_1245 {strides = array<i32>} : memref<6x104x128xf32, #tpu.memory_space<vmem>>, vector<1x1x16xf32>,
        %get3A_1246 = arith.constant 0 : i32
        %get3A_1247 = arith.index_cast %get3A_1246 : i32 to index
        %get3A_1248 = arith.index_cast %scan3A_1107 : i32 to index
        %get3A_1249 = arith.constant 112 : index
        %get3A_1250 = tpu.vector_load %arg8[%get3A_1247, %get3A_1248, %get3A_1249] {strides = array<i32>} : memref<6x104x128xf32, #tpu.memory_space<vmem>>, vector<1x1x16xf32>,
        %get3A_1251 = vector.shape_cast %get3A_1250 : vector<1x1x16xf32> to vector<16xf32>
        %add3A_1252 = arith.constant 0 : i32
        %add3A_1253 = arith.addi %add3A_1252, %scan3A_1107 : i32
        %get3A_1254 = arith.index_cast %add3A_1253 : i32 to index
        %get3A_1255 = arith.constant 112 : index
        %get3A_1256 = tpu.vector_load %arg6[%get3A_1254, %get3A_1255] {strides = array<i32>} : memref<200x128xf32, #tpu.memory_space<vmem>>, vector<1x16xf32>,
        %get3A_1257 = vector.shape_cast %get3A_1256 : vector<1x16xf32> to vector<16xf32>
        %add3A_1258 = arith.addf %get3A_1251, %get3A_1257 : vector<16xf32>
        %swap3A_1259 = arith.constant 0 : i32
        %swap3A_1260 = arith.index_cast %swap3A_1259 : i32 to index
        %swap3A_1261 = arith.index_cast %scan3A_1107 : i32 to index
        %swap3A_1262 = arith.constant 112 : index
        %swap3A_1263 = tpu.vector_load %arg8[%swap3A_1260, %swap3A_1261, %swap3A_1262] {strides = array<i32>} : memref<6x104x128xf32, #tpu.memory_space<vmem>>, vector<1x1x16xf32>,
        %swap3A_1264 = vector.shape_cast %swap3A_1263 : vector<1x1x16xf32> to vector<16xf32>
        %swap3A_1265 = vector.shape_cast %add3A_1258 : vector<16xf32> to vector<1x1x16xf32>
        tpu.vector_store %arg8[%swap3A_1260, %swap3A_1261, %swap3A_1262], %swap3A_1265 {strides = array<i32>} : memref<6x104x128xf32, #tpu.memory_space<vmem>>, vector<1x1x16xf32>,
      }
      %scan3A_1010 = arith.constant 104 : i32
      %add3A_1011 = arith.addi %mul3A_2, %add3A_991 : i32
      %dma_start3A_1012 = arith.constant 0 : i32
      %dma_start3A_1013 = arith.constant 0 : i32
      %dma_start3A_1014 = arith.constant 0 : i32
      %dma_start3A_1015 = tpu.memref_slice %arg8[%dma_start3A_1012, %dma_start3A_1013, %dma_start3A_1014] : memref<6x104x128xf32, #tpu.memory_space<vmem>> -> memref<1x104x128xf32, #tpu.memory_space<vmem>>
      %dma_start3A_1016 = tpu.memref_squeeze %dma_start3A_1015 : memref<1x104x128xf32, #tpu.memory_space<vmem>> -> memref<104x128xf32, #tpu.memory_space<vmem>>
      %dma_start3A_1017 = arith.constant 0 : i32
      %dma_start3A_1018 = arith.constant 0 : i32
      %dma_start3A_1019 = tpu.memref_slice %arg5[%add3A_1011, %dma_start3A_1017, %dma_start3A_1018] : memref<1024x200x128xf32, #tpu.memory_space<hbm>> -> memref<1x104x128xf32, #tpu.memory_space<hbm>>
      %dma_start3A_1020 = tpu.memref_squeeze %dma_start3A_1019 : memref<1x104x128xf32, #tpu.memory_space<hbm>> -> memref<104x128xf32, #tpu.memory_space<hbm>>
      %dma_start3A_1021 = arith.constant 0 : i32
      %dma_start3A_1022 = arith.constant 0 : i32
      %dma_start3A_1023 = tpu.memref_slice %arg5[%add3A_1011, %dma_start3A_1021, %dma_start3A_1022] : memref<1024x200x128xf32, #tpu.memory_space<hbm>> -> memref<1x104x128xf32, #tpu.memory_space<hbm>>
      %dma_start3A_1024 = tpu.memref_squeeze %dma_start3A_1023 : memref<1x104x128xf32, #tpu.memory_space<hbm>> -> memref<104x128xf32, #tpu.memory_space<hbm>>
      %dma_start3A_1025 = arith.constant 0 : i32
      %dma_start3A_1026 = arith.constant 0 : i32
      %dma_start3A_1027 = tpu.memref_slice %arg8[%dma_start3A_1012, %dma_start3A_1025, %dma_start3A_1026] : memref<6x104x128xf32, #tpu.memory_space<vmem>> -> memref<1x104x128xf32, #tpu.memory_space<vmem>>
      %dma_start3A_1028 = tpu.memref_squeeze %dma_start3A_1027 : memref<1x104x128xf32, #tpu.memory_space<vmem>> -> memref<104x128xf32, #tpu.memory_space<vmem>>
      tpu.enqueue_dma source(%dma_start3A_1028 : memref<104x128xf32, #tpu.memory_space<vmem>>) target(%dma_start3A_1024 : memref<104x128xf32, #tpu.memory_space<hbm>>) target_semaphore(%arg15 : memref<!tpu.dma_semaphore, #tpu.memory_space<semaphore_mem>>)
      %mul3A_1029 = arith.constant 3 : i32
      %mul3A_1030 = arith.muli %mul3A_1029, %scan3A_638 : i32
      %add3A_1031 = arith.constant 3 : i32
      %add3A_1032 = arith.addi %mul3A_1030, %add3A_1031 : i32
      %add3A_1033 = arith.constant 2 : i32
      %add3A_1034 = arith.addi %add3A_1032, %add3A_1033 : i32
      %dma_wait3A_1035 = arith.constant 5 : i32
      %dma_wait3A_1036 = arith.constant 0 : i32
      %dma_wait3A_1037 = arith.constant 0 : i32
      %dma_wait3A_1038 = arith.constant 0 : i32
      %dma_wait3A_1039 = tpu.memref_slice %arg8[%dma_wait3A_1035, %dma_wait3A_1037, %dma_wait3A_1038] : memref<6x104x128xf32, #tpu.memory_space<vmem>> -> memref<1x96x128xf32, #tpu.memory_space<vmem>>
      %dma_wait3A_1040 = tpu.memref_squeeze %dma_wait3A_1039 : memref<1x96x128xf32, #tpu.memory_space<vmem>> -> memref<96x128xf32, #tpu.memory_space<vmem>>
      %dma_wait3A_1041 = arith.constant 0 : i32
      %dma_wait3A_1042 = arith.constant 0 : i32
      %dma_wait3A_1043 = tpu.memref_slice %arg5[%dma_wait3A_1036, %dma_wait3A_1041, %dma_wait3A_1042] : memref<1024x200x128xf32, #tpu.memory_space<hbm>> -> memref<1x96x128xf32, #tpu.memory_space<hbm>>
      %dma_wait3A_1044 = tpu.memref_squeeze %dma_wait3A_1043 : memref<1x96x128xf32, #tpu.memory_space<hbm>> -> memref<96x128xf32, #tpu.memory_space<hbm>>
      %dma_wait3A_1045 = arith.constant 0 : i32
      %dma_wait3A_1046 = arith.constant 0 : i32
      %dma_wait3A_1047 = tpu.memref_slice %arg5[%dma_wait3A_1036, %dma_wait3A_1045, %dma_wait3A_1046] : memref<1024x200x128xf32, #tpu.memory_space<hbm>> -> memref<1x96x128xf32, #tpu.memory_space<hbm>>
      %dma_wait3A_1048 = tpu.memref_squeeze %dma_wait3A_1047 : memref<1x96x128xf32, #tpu.memory_space<hbm>> -> memref<96x128xf32, #tpu.memory_space<hbm>>
      %dma_wait3A_1049 = arith.constant 0 : i32
      %dma_wait3A_1050 = arith.constant 0 : i32
      %dma_wait3A_1051 = tpu.memref_slice %arg8[%dma_wait3A_1035, %dma_wait3A_1049, %dma_wait3A_1050] : memref<6x104x128xf32, #tpu.memory_space<vmem>> -> memref<1x96x128xf32, #tpu.memory_space<vmem>>
      %dma_wait3A_1052 = tpu.memref_squeeze %dma_wait3A_1051 : memref<1x96x128xf32, #tpu.memory_space<vmem>> -> memref<96x128xf32, #tpu.memory_space<vmem>>
      tpu.wait_dma2 semaphore(%arg20 : memref<!tpu.dma_semaphore, #tpu.memory_space<semaphore_mem>>) src(%dma_wait3A_1052 : memref<96x128xf32, #tpu.memory_space<vmem>>) dst(%dma_wait3A_1048 : memref<96x128xf32, #tpu.memory_space<hbm>>)
      %mul3A_1053 = arith.constant 200 : i32
      %mul3A_1054 = arith.muli %add3A_1034, %mul3A_1053 : i32
      %add3A_1055 = arith.constant 104 : i32
      %add3A_1056 = arith.addi %mul3A_1054, %add3A_1055 : i32
      %dma_start3A_1057 = arith.constant 5 : i32
      %dma_start3A_1058 = arith.constant 0 : i32
      %dma_start3A_1059 = arith.constant 0 : i32
      %dma_start3A_1060 = tpu.memref_slice %arg8[%dma_start3A_1057, %dma_start3A_1058, %dma_start3A_1059] : memref<6x104x128xf32, #tpu.memory_space<vmem>> -> memref<1x96x128xf32, #tpu.memory_space<vmem>>
      %dma_start3A_1061 = tpu.memref_squeeze %dma_start3A_1060 : memref<1x96x128xf32, #tpu.memory_space<vmem>> -> memref<96x128xf32, #tpu.memory_space<vmem>>
      %dma_start3A_1062 = tpu.memref_slice %arg7[%add3A_1056] : memref<6400xi32, #tpu.memory_space<vmem>> -> memref<96xi32, #tpu.memory_space<vmem>>
      %dma_start3A_1063 = arith.constant 0 : i32
      %dma_start3A_1064 = arith.constant 0 : i32
      %dma_start3A_1065 = tpu.memref_slice %arg3[%dma_start3A_1063, %dma_start3A_1064] : memref<100000x128xf32, #tpu.memory_space<hbm>> -> memref<100000x128xf32, #tpu.memory_space<hbm>>
      tpu.enqueue_indirect_dma source(%dma_start3A_1065 : memref<100000x128xf32, #tpu.memory_space<hbm>>) target(%dma_start3A_1061 : memref<96x128xf32, #tpu.memory_space<vmem>>) offsets(%dma_start3A_1062 : memref<96xi32, #tpu.memory_space<vmem>>) semaphore(%arg14 : memref<!tpu.dma_semaphore, #tpu.memory_space<semaphore_mem>>)
      %mul3A_1066 = arith.constant 3 : i32
      %mul3A_1067 = arith.muli %mul3A_1066, %scan3A_638 : i32
      %add3A_1068 = arith.constant 3 : i32
      %add3A_1069 = arith.addi %mul3A_1067, %add3A_1068 : i32
      %mul3A_1070 = arith.constant 200 : i32
      %mul3A_1071 = arith.muli %add3A_1069, %mul3A_1070 : i32
      %add3A_1072 = arith.constant 104 : i32
      %add3A_1073 = arith.addi %mul3A_1071, %add3A_1072 : i32
      %dma_wait3A_1074 = arith.constant 1 : i32
      %dma_wait3A_1075 = arith.constant 0 : i32
      %dma_wait3A_1076 = arith.constant 0 : i32
      %dma_wait3A_1077 = tpu.memref_slice %arg8[%dma_wait3A_1074, %dma_wait3A_1075, %dma_wait3A_1076] : memref<6x104x128xf32, #tpu.memory_space<vmem>> -> memref<1x96x128xf32, #tpu.memory_space<vmem>>
      %dma_wait3A_1078 = tpu.memref_squeeze %dma_wait3A_1077 : memref<1x96x128xf32, #tpu.memory_space<vmem>> -> memref<96x128xf32, #tpu.memory_space<vmem>>
      %dma_wait3A_1079 = tpu.memref_slice %arg7[%add3A_1073] : memref<6400xi32, #tpu.memory_space<vmem>> -> memref<96xi32, #tpu.memory_space<vmem>>
      %dma_wait3A_1080 = arith.constant 0 : i32
      %dma_wait3A_1081 = arith.constant 0 : i32
      %dma_wait3A_1082 = tpu.memref_slice %arg3[%dma_wait3A_1080, %dma_wait3A_1081] : memref<100000x128xf32, #tpu.memory_space<hbm>> -> memref<100000x128xf32, #tpu.memory_space<hbm>>
      tpu.wait_indirect_dma semaphore(%arg10 : memref<!tpu.dma_semaphore, #tpu.memory_space<semaphore_mem>>) src(%dma_wait3A_1082 : memref<100000x128xf32, #tpu.memory_space<hbm>>) dst(%dma_wait3A_1078 : memref<96x128xf32, #tpu.memory_space<vmem>>)
      %scan3A_1083 = arith.constant 0 : i32
      %scan3A_1084 = arith.constant 0 : i32
      %scan3A_1085 = arith.constant 96 : i32
      %scan3A_1086 = arith.addi %scan3A_1084, %scan3A_1085 : i32
      %scan3A_1087 = arith.constant 1 : i32
      scf.for %scan3A_1107 = %scan3A_1084 to %scan3A_1086 step %scan3A_1087  : i32 {
        %get3A = arith.constant 1 : i32
        %get3A_1108 = arith.index_cast %get3A : i32 to index
        %get3A_1109 = arith.index_cast %scan3A_1107 : i32 to index
        %get3A_1110 = arith.constant 0 : index
        %get3A_1111 = tpu.vector_load %arg8[%get3A_1108, %get3A_1109, %get3A_1110] {strides = array<i32>} : memref<6x104x128xf32, #tpu.memory_space<vmem>>, vector<1x1x16xf32>,
        %get3A_1112 = vector.shape_cast %get3A_1111 : vector<1x1x16xf32> to vector<16xf32>
        %add3A_1113 = arith.constant 104 : i32
        %add3A_1114 = arith.addi %add3A_1113, %scan3A_1107 : i32
        %get3A_1115 = arith.index_cast %add3A_1114 : i32 to index
        %get3A_1116 = arith.constant 0 : index
        %get3A_1117 = tpu.vector_load %arg6[%get3A_1115, %get3A_1116] {strides = array<i32>} : memref<200x128xf32, #tpu.memory_space<vmem>>, vector<1x16xf32>,
        %get3A_1118 = vector.shape_cast %get3A_1117 : vector<1x16xf32> to vector<16xf32>
        %add3A_1119 = arith.addf %get3A_1112, %get3A_1118 : vector<16xf32>
        %swap3A = arith.constant 1 : i32
        %swap3A_1120 = arith.index_cast %swap3A : i32 to index
        %swap3A_1121 = arith.index_cast %scan3A_1107 : i32 to index
        %swap3A_1122 = arith.constant 0 : index
        %swap3A_1123 = tpu.vector_load %arg8[%swap3A_1120, %swap3A_1121, %swap3A_1122] {strides = array<i32>} : memref<6x104x128xf32, #tpu.memory_space<vmem>>, vector<1x1x16xf32>,
        %swap3A_1124 = vector.shape_cast %swap3A_1123 : vector<1x1x16xf32> to vector<16xf32>
        %swap3A_1125 = vector.shape_cast %add3A_1119 : vector<16xf32> to vector<1x1x16xf32>
        tpu.vector_store %arg8[%swap3A_1120, %swap3A_1121, %swap3A_1122], %swap3A_1125 {strides = array<i32>} : memref<6x104x128xf32, #tpu.memory_space<vmem>>, vector<1x1x16xf32>,
        %get3A_1126 = arith.constant 1 : i32
        %get3A_1127 = arith.index_cast %get3A_1126 : i32 to index
        %get3A_1128 = arith.index_cast %scan3A_1107 : i32 to index
        %get3A_1129 = arith.constant 16 : index
        %get3A_1130 = tpu.vector_load %arg8[%get3A_1127, %get3A_1128, %get3A_1129] {strides = array<i32>} : memref<6x104x128xf32, #tpu.memory_space<vmem>>, vector<1x1x16xf32>,
        %get3A_1131 = vector.shape_cast %get3A_1130 : vector<1x1x16xf32> to vector<16xf32>
        %add3A_1132 = arith.constant 104 : i32
        %add3A_1133 = arith.addi %add3A_1132, %scan3A_1107 : i32
        %get3A_1134 = arith.index_cast %add3A_1133 : i32 to index
        %get3A_1135 = arith.constant 16 : index
        %get3A_1136 = tpu.vector_load %arg6[%get3A_1134, %get3A_1135] {strides = array<i32>} : memref<200x128xf32, #tpu.memory_space<vmem>>, vector<1x16xf32>,
        %get3A_1137 = vector.shape_cast %get3A_1136 : vector<1x16xf32> to vector<16xf32>
        %add3A_1138 = arith.addf %get3A_1131, %get3A_1137 : vector<16xf32>
        %swap3A_1139 = arith.constant 1 : i32
        %swap3A_1140 = arith.index_cast %swap3A_1139 : i32 to index
        %swap3A_1141 = arith.index_cast %scan3A_1107 : i32 to index
        %swap3A_1142 = arith.constant 16 : index
        %swap3A_1143 = tpu.vector_load %arg8[%swap3A_1140, %swap3A_1141, %swap3A_1142] {strides = array<i32>} : memref<6x104x128xf32, #tpu.memory_space<vmem>>, vector<1x1x16xf32>,
        %swap3A_1144 = vector.shape_cast %swap3A_1143 : vector<1x1x16xf32> to vector<16xf32>
        %swap3A_1145 = vector.shape_cast %add3A_1138 : vector<16xf32> to vector<1x1x16xf32>
        tpu.vector_store %arg8[%swap3A_1140, %swap3A_1141, %swap3A_1142], %swap3A_1145 {strides = array<i32>} : memref<6x104x128xf32, #tpu.memory_space<vmem>>, vector<1x1x16xf32>,
        %get3A_1146 = arith.constant 1 : i32
        %get3A_1147 = arith.index_cast %get3A_1146 : i32 to index
        %get3A_1148 = arith.index_cast %scan3A_1107 : i32 to index
        %get3A_1149 = arith.constant 32 : index
        %get3A_1150 = tpu.vector_load %arg8[%get3A_1147, %get3A_1148, %get3A_1149] {strides = array<i32>} : memref<6x104x128xf32, #tpu.memory_space<vmem>>, vector<1x1x16xf32>,
        %get3A_1151 = vector.shape_cast %get3A_1150 : vector<1x1x16xf32> to vector<16xf32>
        %add3A_1152 = arith.constant 104 : i32
        %add3A_1153 = arith.addi %add3A_1152, %scan3A_1107 : i32
        %get3A_1154 = arith.index_cast %add3A_1153 : i32 to index
        %get3A_1155 = arith.constant 32 : index
        %get3A_1156 = tpu.vector_load %arg6[%get3A_1154, %get3A_1155] {strides = array<i32>} : memref<200x128xf32, #tpu.memory_space<vmem>>, vector<1x16xf32>,
        %get3A_1157 = vector.shape_cast %get3A_1156 : vector<1x16xf32> to vector<16xf32>
        %add3A_1158 = arith.addf %get3A_1151, %get3A_1157 : vector<16xf32>
        %swap3A_1159 = arith.constant 1 : i32
        %swap3A_1160 = arith.index_cast %swap3A_1159 : i32 to index
        %swap3A_1161 = arith.index_cast %scan3A_1107 : i32 to index
        %swap3A_1162 = arith.constant 32 : index
        %swap3A_1163 = tpu.vector_load %arg8[%swap3A_1160, %swap3A_1161, %swap3A_1162] {strides = array<i32>} : memref<6x104x128xf32, #tpu.memory_space<vmem>>, vector<1x1x16xf32>,
        %swap3A_1164 = vector.shape_cast %swap3A_1163 : vector<1x1x16xf32> to vector<16xf32>
        %swap3A_1165 = vector.shape_cast %add3A_1158 : vector<16xf32> to vector<1x1x16xf32>
        tpu.vector_store %arg8[%swap3A_1160, %swap3A_1161, %swap3A_1162], %swap3A_1165 {strides = array<i32>} : memref<6x104x128xf32, #tpu.memory_space<vmem>>, vector<1x1x16xf32>,
        %get3A_1166 = arith.constant 1 : i32
        %get3A_1167 = arith.index_cast %get3A_1166 : i32 to index
        %get3A_1168 = arith.index_cast %scan3A_1107 : i32 to index
        %get3A_1169 = arith.constant 48 : index
        %get3A_1170 = tpu.vector_load %arg8[%get3A_1167, %get3A_1168, %get3A_1169] {strides = array<i32>} : memref<6x104x128xf32, #tpu.memory_space<vmem>>, vector<1x1x16xf32>,
        %get3A_1171 = vector.shape_cast %get3A_1170 : vector<1x1x16xf32> to vector<16xf32>
        %add3A_1172 = arith.constant 104 : i32
        %add3A_1173 = arith.addi %add3A_1172, %scan3A_1107 : i32
        %get3A_1174 = arith.index_cast %add3A_1173 : i32 to index
        %get3A_1175 = arith.constant 48 : index
        %get3A_1176 = tpu.vector_load %arg6[%get3A_1174, %get3A_1175] {strides = array<i32>} : memref<200x128xf32, #tpu.memory_space<vmem>>, vector<1x16xf32>,
        %get3A_1177 = vector.shape_cast %get3A_1176 : vector<1x16xf32> to vector<16xf32>
        %add3A_1178 = arith.addf %get3A_1171, %get3A_1177 : vector<16xf32>
        %swap3A_1179 = arith.constant 1 : i32
        %swap3A_1180 = arith.index_cast %swap3A_1179 : i32 to index
        %swap3A_1181 = arith.index_cast %scan3A_1107 : i32 to index
        %swap3A_1182 = arith.constant 48 : index
        %swap3A_1183 = tpu.vector_load %arg8[%swap3A_1180, %swap3A_1181, %swap3A_1182] {strides = array<i32>} : memref<6x104x128xf32, #tpu.memory_space<vmem>>, vector<1x1x16xf32>,
        %swap3A_1184 = vector.shape_cast %swap3A_1183 : vector<1x1x16xf32> to vector<16xf32>
        %swap3A_1185 = vector.shape_cast %add3A_1178 : vector<16xf32> to vector<1x1x16xf32>
        tpu.vector_store %arg8[%swap3A_1180, %swap3A_1181, %swap3A_1182], %swap3A_1185 {strides = array<i32>} : memref<6x104x128xf32, #tpu.memory_space<vmem>>, vector<1x1x16xf32>,
        %get3A_1186 = arith.constant 1 : i32
        %get3A_1187 = arith.index_cast %get3A_1186 : i32 to index
        %get3A_1188 = arith.index_cast %scan3A_1107 : i32 to index
        %get3A_1189 = arith.constant 64 : index
        %get3A_1190 = tpu.vector_load %arg8[%get3A_1187, %get3A_1188, %get3A_1189] {strides = array<i32>} : memref<6x104x128xf32, #tpu.memory_space<vmem>>, vector<1x1x16xf32>,
        %get3A_1191 = vector.shape_cast %get3A_1190 : vector<1x1x16xf32> to vector<16xf32>
        %add3A_1192 = arith.constant 104 : i32
        %add3A_1193 = arith.addi %add3A_1192, %scan3A_1107 : i32
        %get3A_1194 = arith.index_cast %add3A_1193 : i32 to index
        %get3A_1195 = arith.constant 64 : index
        %get3A_1196 = tpu.vector_load %arg6[%get3A_1194, %get3A_1195] {strides = array<i32>} : memref<200x128xf32, #tpu.memory_space<vmem>>, vector<1x16xf32>,
        %get3A_1197 = vector.shape_cast %get3A_1196 : vector<1x16xf32> to vector<16xf32>
        %add3A_1198 = arith.addf %get3A_1191, %get3A_1197 : vector<16xf32>
        %swap3A_1199 = arith.constant 1 : i32
        %swap3A_1200 = arith.index_cast %swap3A_1199 : i32 to index
        %swap3A_1201 = arith.index_cast %scan3A_1107 : i32 to index
        %swap3A_1202 = arith.constant 64 : index
        %swap3A_1203 = tpu.vector_load %arg8[%swap3A_1200, %swap3A_1201, %swap3A_1202] {strides = array<i32>} : memref<6x104x128xf32, #tpu.memory_space<vmem>>, vector<1x1x16xf32>,
        %swap3A_1204 = vector.shape_cast %swap3A_1203 : vector<1x1x16xf32> to vector<16xf32>
        %swap3A_1205 = vector.shape_cast %add3A_1198 : vector<16xf32> to vector<1x1x16xf32>
        tpu.vector_store %arg8[%swap3A_1200, %swap3A_1201, %swap3A_1202], %swap3A_1205 {strides = array<i32>} : memref<6x104x128xf32, #tpu.memory_space<vmem>>, vector<1x1x16xf32>,
        %get3A_1206 = arith.constant 1 : i32
        %get3A_1207 = arith.index_cast %get3A_1206 : i32 to index
        %get3A_1208 = arith.index_cast %scan3A_1107 : i32 to index
        %get3A_1209 = arith.constant 80 : index
        %get3A_1210 = tpu.vector_load %arg8[%get3A_1207, %get3A_1208, %get3A_1209] {strides = array<i32>} : memref<6x104x128xf32, #tpu.memory_space<vmem>>, vector<1x1x16xf32>,
        %get3A_1211 = vector.shape_cast %get3A_1210 : vector<1x1x16xf32> to vector<16xf32>
        %add3A_1212 = arith.constant 104 : i32
        %add3A_1213 = arith.addi %add3A_1212, %scan3A_1107 : i32
        %get3A_1214 = arith.index_cast %add3A_1213 : i32 to index
        %get3A_1215 = arith.constant 80 : index
        %get3A_1216 = tpu.vector_load %arg6[%get3A_1214, %get3A_1215] {strides = array<i32>} : memref<200x128xf32, #tpu.memory_space<vmem>>, vector<1x16xf32>,
        %get3A_1217 = vector.shape_cast %get3A_1216 : vector<1x16xf32> to vector<16xf32>
        %add3A_1218 = arith.addf %get3A_1211, %get3A_1217 : vector<16xf32>
        %swap3A_1219 = arith.constant 1 : i32
        %swap3A_1220 = arith.index_cast %swap3A_1219 : i32 to index
        %swap3A_1221 = arith.index_cast %scan3A_1107 : i32 to index
        %swap3A_1222 = arith.constant 80 : index
        %swap3A_1223 = tpu.vector_load %arg8[%swap3A_1220, %swap3A_1221, %swap3A_1222] {strides = array<i32>} : memref<6x104x128xf32, #tpu.memory_space<vmem>>, vector<1x1x16xf32>,
        %swap3A_1224 = vector.shape_cast %swap3A_1223 : vector<1x1x16xf32> to vector<16xf32>
        %swap3A_1225 = vector.shape_cast %add3A_1218 : vector<16xf32> to vector<1x1x16xf32>
        tpu.vector_store %arg8[%swap3A_1220, %swap3A_1221, %swap3A_1222], %swap3A_1225 {strides = array<i32>} : memref<6x104x128xf32, #tpu.memory_space<vmem>>, vector<1x1x16xf32>,
        %get3A_1226 = arith.constant 1 : i32
        %get3A_1227 = arith.index_cast %get3A_1226 : i32 to index
        %get3A_1228 = arith.index_cast %scan3A_1107 : i32 to index
        %get3A_1229 = arith.constant 96 : index
        %get3A_1230 = tpu.vector_load %arg8[%get3A_1227, %get3A_1228, %get3A_1229] {strides = array<i32>} : memref<6x104x128xf32, #tpu.memory_space<vmem>>, vector<1x1x16xf32>,
        %get3A_1231 = vector.shape_cast %get3A_1230 : vector<1x1x16xf32> to vector<16xf32>
        %add3A_1232 = arith.constant 104 : i32
        %add3A_1233 = arith.addi %add3A_1232, %scan3A_1107 : i32
        %get3A_1234 = arith.index_cast %add3A_1233 : i32 to index
        %get3A_1235 = arith.constant 96 : index
        %get3A_1236 = tpu.vector_load %arg6[%get3A_1234, %get3A_1235] {strides = array<i32>} : memref<200x128xf32, #tpu.memory_space<vmem>>, vector<1x16xf32>,
        %get3A_1237 = vector.shape_cast %get3A_1236 : vector<1x16xf32> to vector<16xf32>
        %add3A_1238 = arith.addf %get3A_1231, %get3A_1237 : vector<16xf32>
        %swap3A_1239 = arith.constant 1 : i32
        %swap3A_1240 = arith.index_cast %swap3A_1239 : i32 to index
        %swap3A_1241 = arith.index_cast %scan3A_1107 : i32 to index
        %swap3A_1242 = arith.constant 96 : index
        %swap3A_1243 = tpu.vector_load %arg8[%swap3A_1240, %swap3A_1241, %swap3A_1242] {strides = array<i32>} : memref<6x104x128xf32, #tpu.memory_space<vmem>>, vector<1x1x16xf32>,
        %swap3A_1244 = vector.shape_cast %swap3A_1243 : vector<1x1x16xf32> to vector<16xf32>
        %swap3A_1245 = vector.shape_cast %add3A_1238 : vector<16xf32> to vector<1x1x16xf32>
        tpu.vector_store %arg8[%swap3A_1240, %swap3A_1241, %swap3A_1242], %swap3A_1245 {strides = array<i32>} : memref<6x104x128xf32, #tpu.memory_space<vmem>>, vector<1x1x16xf32>,
        %get3A_1246 = arith.constant 1 : i32
        %get3A_1247 = arith.index_cast %get3A_1246 : i32 to index
        %get3A_1248 = arith.index_cast %scan3A_1107 : i32 to index
        %get3A_1249 = arith.constant 112 : index
        %get3A_1250 = tpu.vector_load %arg8[%get3A_1247, %get3A_1248, %get3A_1249] {strides = array<i32>} : memref<6x104x128xf32, #tpu.memory_space<vmem>>, vector<1x1x16xf32>,
        %get3A_1251 = vector.shape_cast %get3A_1250 : vector<1x1x16xf32> to vector<16xf32>
        %add3A_1252 = arith.constant 104 : i32
        %add3A_1253 = arith.addi %add3A_1252, %scan3A_1107 : i32
        %get3A_1254 = arith.index_cast %add3A_1253 : i32 to index
        %get3A_1255 = arith.constant 112 : index
        %get3A_1256 = tpu.vector_load %arg6[%get3A_1254, %get3A_1255] {strides = array<i32>} : memref<200x128xf32, #tpu.memory_space<vmem>>, vector<1x16xf32>,
        %get3A_1257 = vector.shape_cast %get3A_1256 : vector<1x16xf32> to vector<16xf32>
        %add3A_1258 = arith.addf %get3A_1251, %get3A_1257 : vector<16xf32>
        %swap3A_1259 = arith.constant 1 : i32
        %swap3A_1260 = arith.index_cast %swap3A_1259 : i32 to index
        %swap3A_1261 = arith.index_cast %scan3A_1107 : i32 to index
        %swap3A_1262 = arith.constant 112 : index
        %swap3A_1263 = tpu.vector_load %arg8[%swap3A_1260, %swap3A_1261, %swap3A_1262] {strides = array<i32>} : memref<6x104x128xf32, #tpu.memory_space<vmem>>, vector<1x1x16xf32>,
        %swap3A_1264 = vector.shape_cast %swap3A_1263 : vector<1x1x16xf32> to vector<16xf32>
        %swap3A_1265 = vector.shape_cast %add3A_1258 : vector<16xf32> to vector<1x1x16xf32>
        tpu.vector_store %arg8[%swap3A_1260, %swap3A_1261, %swap3A_1262], %swap3A_1265 {strides = array<i32>} : memref<6x104x128xf32, #tpu.memory_space<vmem>>, vector<1x1x16xf32>,
      }
      %scan3A_1088 = arith.constant 96 : i32
      %add3A_1089 = arith.addi %mul3A_2, %add3A_1069 : i32
      %dma_start3A_1090 = arith.constant 1 : i32
      %dma_start3A_1091 = arith.constant 0 : i32
      %dma_start3A_1092 = arith.constant 0 : i32
      %dma_start3A_1093 = tpu.memref_slice %arg8[%dma_start3A_1090, %dma_start3A_1091, %dma_start3A_1092] : memref<6x104x128xf32, #tpu.memory_space<vmem>> -> memref<1x96x128xf32, #tpu.memory_space<vmem>>
      %dma_start3A_1094 = tpu.memref_squeeze %dma_start3A_1093 : memref<1x96x128xf32, #tpu.memory_space<vmem>> -> memref<96x128xf32, #tpu.memory_space<vmem>>
      %dma_start3A_1095 = arith.constant 104 : i32
      %dma_start3A_1096 = arith.constant 0 : i32
      %dma_start3A_1097 = tpu.memref_slice %arg5[%add3A_1089, %dma_start3A_1095, %dma_start3A_1096] : memref<1024x200x128xf32, #tpu.memory_space<hbm>> -> memref<1x96x128xf32, #tpu.memory_space<hbm>>
      %dma_start3A_1098 = tpu.memref_squeeze %dma_start3A_1097 : memref<1x96x128xf32, #tpu.memory_space<hbm>> -> memref<96x128xf32, #tpu.memory_space<hbm>>
      %dma_start3A_1099 = arith.constant 104 : i32
      %dma_start3A_1100 = arith.constant 0 : i32
      %dma_start3A_1101 = tpu.memref_slice %arg5[%add3A_1089, %dma_start3A_1099, %dma_start3A_1100] : memref<1024x200x128xf32, #tpu.memory_space<hbm>> -> memref<1x96x128xf32, #tpu.memory_space<hbm>>
      %dma_start3A_1102 = tpu.memref_squeeze %dma_start3A_1101 : memref<1x96x128xf32, #tpu.memory_space<hbm>> -> memref<96x128xf32, #tpu.memory_space<hbm>>
      %dma_start3A_1103 = arith.constant 0 : i32
      %dma_start3A_1104 = arith.constant 0 : i32
      %dma_start3A_1105 = tpu.memref_slice %arg8[%dma_start3A_1090, %dma_start3A_1103, %dma_start3A_1104] : memref<6x104x128xf32, #tpu.memory_space<vmem>> -> memref<1x96x128xf32, #tpu.memory_space<vmem>>
      %dma_start3A_1106 = tpu.memref_squeeze %dma_start3A_1105 : memref<1x96x128xf32, #tpu.memory_space<vmem>> -> memref<96x128xf32, #tpu.memory_space<vmem>>
      tpu.enqueue_dma source(%dma_start3A_1106 : memref<96x128xf32, #tpu.memory_space<vmem>>) target(%dma_start3A_1102 : memref<96x128xf32, #tpu.memory_space<hbm>>) target_semaphore(%arg16 : memref<!tpu.dma_semaphore, #tpu.memory_space<semaphore_mem>>)
    }
    %scan3A_137 = arith.constant 9 : i32
    %dma_wait3A_138 = arith.constant 0 : i32
    %dma_wait3A_139 = arith.constant 0 : i32
    %dma_wait3A_140 = arith.constant 0 : i32
    %dma_wait3A_141 = arith.constant 0 : i32
    %dma_wait3A_142 = tpu.memref_slice %arg8[%dma_wait3A_138, %dma_wait3A_140, %dma_wait3A_141] : memref<6x104x128xf32, #tpu.memory_space<vmem>> -> memref<1x104x128xf32, #tpu.memory_space<vmem>>
    %dma_wait3A_143 = tpu.memref_squeeze %dma_wait3A_142 : memref<1x104x128xf32, #tpu.memory_space<vmem>> -> memref<104x128xf32, #tpu.memory_space<vmem>>
    %dma_wait3A_144 = arith.constant 0 : i32
    %dma_wait3A_145 = arith.constant 0 : i32
    %dma_wait3A_146 = tpu.memref_slice %arg5[%dma_wait3A_139, %dma_wait3A_144, %dma_wait3A_145] : memref<1024x200x128xf32, #tpu.memory_space<hbm>> -> memref<1x104x128xf32, #tpu.memory_space<hbm>>
    %dma_wait3A_147 = tpu.memref_squeeze %dma_wait3A_146 : memref<1x104x128xf32, #tpu.memory_space<hbm>> -> memref<104x128xf32, #tpu.memory_space<hbm>>
    %dma_wait3A_148 = arith.constant 0 : i32
    %dma_wait3A_149 = arith.constant 0 : i32
    %dma_wait3A_150 = tpu.memref_slice %arg5[%dma_wait3A_139, %dma_wait3A_148, %dma_wait3A_149] : memref<1024x200x128xf32, #tpu.memory_space<hbm>> -> memref<1x104x128xf32, #tpu.memory_space<hbm>>
    %dma_wait3A_151 = tpu.memref_squeeze %dma_wait3A_150 : memref<1x104x128xf32, #tpu.memory_space<hbm>> -> memref<104x128xf32, #tpu.memory_space<hbm>>
    %dma_wait3A_152 = arith.constant 0 : i32
    %dma_wait3A_153 = arith.constant 0 : i32
    %dma_wait3A_154 = tpu.memref_slice %arg8[%dma_wait3A_138, %dma_wait3A_152, %dma_wait3A_153] : memref<6x104x128xf32, #tpu.memory_space<vmem>> -> memref<1x104x128xf32, #tpu.memory_space<vmem>>
    %dma_wait3A_155 = tpu.memref_squeeze %dma_wait3A_154 : memref<1x104x128xf32, #tpu.memory_space<vmem>> -> memref<104x128xf32, #tpu.memory_space<vmem>>
    tpu.wait_dma2 semaphore(%arg15 : memref<!tpu.dma_semaphore, #tpu.memory_space<semaphore_mem>>) src(%dma_wait3A_155 : memref<104x128xf32, #tpu.memory_space<vmem>>) dst(%dma_wait3A_151 : memref<104x128xf32, #tpu.memory_space<hbm>>)
    %dma_start3A_156 = arith.constant 0 : i32
    %dma_start3A_157 = arith.constant 0 : i32
    %dma_start3A_158 = arith.constant 0 : i32
    %dma_start3A_159 = tpu.memref_slice %arg8[%dma_start3A_156, %dma_start3A_157, %dma_start3A_158] : memref<6x104x128xf32, #tpu.memory_space<vmem>> -> memref<1x104x128xf32, #tpu.memory_space<vmem>>
    %dma_start3A_160 = tpu.memref_squeeze %dma_start3A_159 : memref<1x104x128xf32, #tpu.memory_space<vmem>> -> memref<104x128xf32, #tpu.memory_space<vmem>>
    %dma_start3A_161 = arith.constant 6000 : i32
    %dma_start3A_162 = tpu.memref_slice %arg7[%dma_start3A_161] : memref<6400xi32, #tpu.memory_space<vmem>> -> memref<104xi32, #tpu.memory_space<vmem>>
    %dma_start3A_163 = arith.constant 0 : i32
    %dma_start3A_164 = arith.constant 0 : i32
    %dma_start3A_165 = tpu.memref_slice %arg3[%dma_start3A_163, %dma_start3A_164] : memref<100000x128xf32, #tpu.memory_space<hbm>> -> memref<100000x128xf32, #tpu.memory_space<hbm>>
    tpu.enqueue_indirect_dma source(%dma_start3A_165 : memref<100000x128xf32, #tpu.memory_space<hbm>>) target(%dma_start3A_160 : memref<104x128xf32, #tpu.memory_space<vmem>>) offsets(%dma_start3A_162 : memref<104xi32, #tpu.memory_space<vmem>>) semaphore(%arg9 : memref<!tpu.dma_semaphore, #tpu.memory_space<semaphore_mem>>)
    %dma_wait3A_166 = arith.constant 2 : i32
    %dma_wait3A_167 = arith.constant 0 : i32
    %dma_wait3A_168 = arith.constant 0 : i32
    %dma_wait3A_169 = tpu.memref_slice %arg8[%dma_wait3A_166, %dma_wait3A_167, %dma_wait3A_168] : memref<6x104x128xf32, #tpu.memory_space<vmem>> -> memref<1x104x128xf32, #tpu.memory_space<vmem>>
    %dma_wait3A_170 = tpu.memref_squeeze %dma_wait3A_169 : memref<1x104x128xf32, #tpu.memory_space<vmem>> -> memref<104x128xf32, #tpu.memory_space<vmem>>
    %dma_wait3A_171 = arith.constant 5600 : i32
    %dma_wait3A_172 = tpu.memref_slice %arg7[%dma_wait3A_171] : memref<6400xi32, #tpu.memory_space<vmem>> -> memref<104xi32, #tpu.memory_space<vmem>>
    %dma_wait3A_173 = arith.constant 0 : i32
    %dma_wait3A_174 = arith.constant 0 : i32
    %dma_wait3A_175 = tpu.memref_slice %arg3[%dma_wait3A_173, %dma_wait3A_174] : memref<100000x128xf32, #tpu.memory_space<hbm>> -> memref<100000x128xf32, #tpu.memory_space<hbm>>
    tpu.wait_indirect_dma semaphore(%arg11 : memref<!tpu.dma_semaphore, #tpu.memory_space<semaphore_mem>>) src(%dma_wait3A_175 : memref<100000x128xf32, #tpu.memory_space<hbm>>) dst(%dma_wait3A_170 : memref<104x128xf32, #tpu.memory_space<vmem>>)
    %scan3A_176 = arith.constant 0 : i32
    %scan3A_177 = arith.constant 0 : i32
    %scan3A_178 = arith.constant 104 : i32
    %scan3A_179 = arith.addi %scan3A_177, %scan3A_178 : i32
    %scan3A_180 = arith.constant 1 : i32
    scf.for %scan3A_638 = %scan3A_177 to %scan3A_179 step %scan3A_180  : i32 {
      %get3A = arith.constant 2 : i32
      %get3A_639 = arith.index_cast %get3A : i32 to index
      %get3A_640 = arith.index_cast %scan3A_638 : i32 to index
      %get3A_641 = arith.constant 0 : index
      %get3A_642 = tpu.vector_load %arg8[%get3A_639, %get3A_640, %get3A_641] {strides = array<i32>} : memref<6x104x128xf32, #tpu.memory_space<vmem>>, vector<1x1x16xf32>,
      %get3A_643 = vector.shape_cast %get3A_642 : vector<1x1x16xf32> to vector<16xf32>
      %add3A_644 = arith.constant 0 : i32
      %add3A_645 = arith.addi %add3A_644, %scan3A_638 : i32
      %get3A_646 = arith.index_cast %add3A_645 : i32 to index
      %get3A_647 = arith.constant 0 : index
      %get3A_648 = tpu.vector_load %arg6[%get3A_646, %get3A_647] {strides = array<i32>} : memref<200x128xf32, #tpu.memory_space<vmem>>, vector<1x16xf32>,
      %get3A_649 = vector.shape_cast %get3A_648 : vector<1x16xf32> to vector<16xf32>
      %add3A_650 = arith.addf %get3A_643, %get3A_649 : vector<16xf32>
      %swap3A = arith.constant 2 : i32
      %swap3A_651 = arith.index_cast %swap3A : i32 to index
      %swap3A_652 = arith.index_cast %scan3A_638 : i32 to index
      %swap3A_653 = arith.constant 0 : index
      %swap3A_654 = tpu.vector_load %arg8[%swap3A_651, %swap3A_652, %swap3A_653] {strides = array<i32>} : memref<6x104x128xf32, #tpu.memory_space<vmem>>, vector<1x1x16xf32>,
      %swap3A_655 = vector.shape_cast %swap3A_654 : vector<1x1x16xf32> to vector<16xf32>
      %swap3A_656 = vector.shape_cast %add3A_650 : vector<16xf32> to vector<1x1x16xf32>
      tpu.vector_store %arg8[%swap3A_651, %swap3A_652, %swap3A_653], %swap3A_656 {strides = array<i32>} : memref<6x104x128xf32, #tpu.memory_space<vmem>>, vector<1x1x16xf32>,
      %get3A_657 = arith.constant 2 : i32
      %get3A_658 = arith.index_cast %get3A_657 : i32 to index
      %get3A_659 = arith.index_cast %scan3A_638 : i32 to index
      %get3A_660 = arith.constant 16 : index
      %get3A_661 = tpu.vector_load %arg8[%get3A_658, %get3A_659, %get3A_660] {strides = array<i32>} : memref<6x104x128xf32, #tpu.memory_space<vmem>>, vector<1x1x16xf32>,
      %get3A_662 = vector.shape_cast %get3A_661 : vector<1x1x16xf32> to vector<16xf32>
      %add3A_663 = arith.constant 0 : i32
      %add3A_664 = arith.addi %add3A_663, %scan3A_638 : i32
      %get3A_665 = arith.index_cast %add3A_664 : i32 to index
      %get3A_666 = arith.constant 16 : index
      %get3A_667 = tpu.vector_load %arg6[%get3A_665, %get3A_666] {strides = array<i32>} : memref<200x128xf32, #tpu.memory_space<vmem>>, vector<1x16xf32>,
      %get3A_668 = vector.shape_cast %get3A_667 : vector<1x16xf32> to vector<16xf32>
      %add3A_669 = arith.addf %get3A_662, %get3A_668 : vector<16xf32>
      %swap3A_670 = arith.constant 2 : i32
      %swap3A_671 = arith.index_cast %swap3A_670 : i32 to index
      %swap3A_672 = arith.index_cast %scan3A_638 : i32 to index
      %swap3A_673 = arith.constant 16 : index
      %swap3A_674 = tpu.vector_load %arg8[%swap3A_671, %swap3A_672, %swap3A_673] {strides = array<i32>} : memref<6x104x128xf32, #tpu.memory_space<vmem>>, vector<1x1x16xf32>,
      %swap3A_675 = vector.shape_cast %swap3A_674 : vector<1x1x16xf32> to vector<16xf32>
      %swap3A_676 = vector.shape_cast %add3A_669 : vector<16xf32> to vector<1x1x16xf32>
      tpu.vector_store %arg8[%swap3A_671, %swap3A_672, %swap3A_673], %swap3A_676 {strides = array<i32>} : memref<6x104x128xf32, #tpu.memory_space<vmem>>, vector<1x1x16xf32>,
      %get3A_677 = arith.constant 2 : i32
      %get3A_678 = arith.index_cast %get3A_677 : i32 to index
      %get3A_679 = arith.index_cast %scan3A_638 : i32 to index
      %get3A_680 = arith.constant 32 : index
      %get3A_681 = tpu.vector_load %arg8[%get3A_678, %get3A_679, %get3A_680] {strides = array<i32>} : memref<6x104x128xf32, #tpu.memory_space<vmem>>, vector<1x1x16xf32>,
      %get3A_682 = vector.shape_cast %get3A_681 : vector<1x1x16xf32> to vector<16xf32>
      %add3A_683 = arith.constant 0 : i32
      %add3A_684 = arith.addi %add3A_683, %scan3A_638 : i32
      %get3A_685 = arith.index_cast %add3A_684 : i32 to index
      %get3A_686 = arith.constant 32 : index
      %get3A_687 = tpu.vector_load %arg6[%get3A_685, %get3A_686] {strides = array<i32>} : memref<200x128xf32, #tpu.memory_space<vmem>>, vector<1x16xf32>,
      %get3A_688 = vector.shape_cast %get3A_687 : vector<1x16xf32> to vector<16xf32>
      %add3A_689 = arith.addf %get3A_682, %get3A_688 : vector<16xf32>
      %swap3A_690 = arith.constant 2 : i32
      %swap3A_691 = arith.index_cast %swap3A_690 : i32 to index
      %swap3A_692 = arith.index_cast %scan3A_638 : i32 to index
      %swap3A_693 = arith.constant 32 : index
      %swap3A_694 = tpu.vector_load %arg8[%swap3A_691, %swap3A_692, %swap3A_693] {strides = array<i32>} : memref<6x104x128xf32, #tpu.memory_space<vmem>>, vector<1x1x16xf32>,
      %swap3A_695 = vector.shape_cast %swap3A_694 : vector<1x1x16xf32> to vector<16xf32>
      %swap3A_696 = vector.shape_cast %add3A_689 : vector<16xf32> to vector<1x1x16xf32>
      tpu.vector_store %arg8[%swap3A_691, %swap3A_692, %swap3A_693], %swap3A_696 {strides = array<i32>} : memref<6x104x128xf32, #tpu.memory_space<vmem>>, vector<1x1x16xf32>,
      %get3A_697 = arith.constant 2 : i32
      %get3A_698 = arith.index_cast %get3A_697 : i32 to index
      %get3A_699 = arith.index_cast %scan3A_638 : i32 to index
      %get3A_700 = arith.constant 48 : index
      %get3A_701 = tpu.vector_load %arg8[%get3A_698, %get3A_699, %get3A_700] {strides = array<i32>} : memref<6x104x128xf32, #tpu.memory_space<vmem>>, vector<1x1x16xf32>,
      %get3A_702 = vector.shape_cast %get3A_701 : vector<1x1x16xf32> to vector<16xf32>
      %add3A_703 = arith.constant 0 : i32
      %add3A_704 = arith.addi %add3A_703, %scan3A_638 : i32
      %get3A_705 = arith.index_cast %add3A_704 : i32 to index
      %get3A_706 = arith.constant 48 : index
      %get3A_707 = tpu.vector_load %arg6[%get3A_705, %get3A_706] {strides = array<i32>} : memref<200x128xf32, #tpu.memory_space<vmem>>, vector<1x16xf32>,
      %get3A_708 = vector.shape_cast %get3A_707 : vector<1x16xf32> to vector<16xf32>
      %add3A_709 = arith.addf %get3A_702, %get3A_708 : vector<16xf32>
      %swap3A_710 = arith.constant 2 : i32
      %swap3A_711 = arith.index_cast %swap3A_710 : i32 to index
      %swap3A_712 = arith.index_cast %scan3A_638 : i32 to index
      %swap3A_713 = arith.constant 48 : index
      %swap3A_714 = tpu.vector_load %arg8[%swap3A_711, %swap3A_712, %swap3A_713] {strides = array<i32>} : memref<6x104x128xf32, #tpu.memory_space<vmem>>, vector<1x1x16xf32>,
      %swap3A_715 = vector.shape_cast %swap3A_714 : vector<1x1x16xf32> to vector<16xf32>
      %swap3A_716 = vector.shape_cast %add3A_709 : vector<16xf32> to vector<1x1x16xf32>
      tpu.vector_store %arg8[%swap3A_711, %swap3A_712, %swap3A_713], %swap3A_716 {strides = array<i32>} : memref<6x104x128xf32, #tpu.memory_space<vmem>>, vector<1x1x16xf32>,
      %get3A_717 = arith.constant 2 : i32
      %get3A_718 = arith.index_cast %get3A_717 : i32 to index
      %get3A_719 = arith.index_cast %scan3A_638 : i32 to index
      %get3A_720 = arith.constant 64 : index
      %get3A_721 = tpu.vector_load %arg8[%get3A_718, %get3A_719, %get3A_720] {strides = array<i32>} : memref<6x104x128xf32, #tpu.memory_space<vmem>>, vector<1x1x16xf32>,
      %get3A_722 = vector.shape_cast %get3A_721 : vector<1x1x16xf32> to vector<16xf32>
      %add3A_723 = arith.constant 0 : i32
      %add3A_724 = arith.addi %add3A_723, %scan3A_638 : i32
      %get3A_725 = arith.index_cast %add3A_724 : i32 to index
      %get3A_726 = arith.constant 64 : index
      %get3A_727 = tpu.vector_load %arg6[%get3A_725, %get3A_726] {strides = array<i32>} : memref<200x128xf32, #tpu.memory_space<vmem>>, vector<1x16xf32>,
      %get3A_728 = vector.shape_cast %get3A_727 : vector<1x16xf32> to vector<16xf32>
      %add3A_729 = arith.addf %get3A_722, %get3A_728 : vector<16xf32>
      %swap3A_730 = arith.constant 2 : i32
      %swap3A_731 = arith.index_cast %swap3A_730 : i32 to index
      %swap3A_732 = arith.index_cast %scan3A_638 : i32 to index
      %swap3A_733 = arith.constant 64 : index
      %swap3A_734 = tpu.vector_load %arg8[%swap3A_731, %swap3A_732, %swap3A_733] {strides = array<i32>} : memref<6x104x128xf32, #tpu.memory_space<vmem>>, vector<1x1x16xf32>,
      %swap3A_735 = vector.shape_cast %swap3A_734 : vector<1x1x16xf32> to vector<16xf32>
      %swap3A_736 = vector.shape_cast %add3A_729 : vector<16xf32> to vector<1x1x16xf32>
      tpu.vector_store %arg8[%swap3A_731, %swap3A_732, %swap3A_733], %swap3A_736 {strides = array<i32>} : memref<6x104x128xf32, #tpu.memory_space<vmem>>, vector<1x1x16xf32>,
      %get3A_737 = arith.constant 2 : i32
      %get3A_738 = arith.index_cast %get3A_737 : i32 to index
      %get3A_739 = arith.index_cast %scan3A_638 : i32 to index
      %get3A_740 = arith.constant 80 : index
      %get3A_741 = tpu.vector_load %arg8[%get3A_738, %get3A_739, %get3A_740] {strides = array<i32>} : memref<6x104x128xf32, #tpu.memory_space<vmem>>, vector<1x1x16xf32>,
      %get3A_742 = vector.shape_cast %get3A_741 : vector<1x1x16xf32> to vector<16xf32>
      %add3A_743 = arith.constant 0 : i32
      %add3A_744 = arith.addi %add3A_743, %scan3A_638 : i32
      %get3A_745 = arith.index_cast %add3A_744 : i32 to index
      %get3A_746 = arith.constant 80 : index
      %get3A_747 = tpu.vector_load %arg6[%get3A_745, %get3A_746] {strides = array<i32>} : memref<200x128xf32, #tpu.memory_space<vmem>>, vector<1x16xf32>,
      %get3A_748 = vector.shape_cast %get3A_747 : vector<1x16xf32> to vector<16xf32>
      %add3A_749 = arith.addf %get3A_742, %get3A_748 : vector<16xf32>
      %swap3A_750 = arith.constant 2 : i32
      %swap3A_751 = arith.index_cast %swap3A_750 : i32 to index
      %swap3A_752 = arith.index_cast %scan3A_638 : i32 to index
      %swap3A_753 = arith.constant 80 : index
      %swap3A_754 = tpu.vector_load %arg8[%swap3A_751, %swap3A_752, %swap3A_753] {strides = array<i32>} : memref<6x104x128xf32, #tpu.memory_space<vmem>>, vector<1x1x16xf32>,
      %swap3A_755 = vector.shape_cast %swap3A_754 : vector<1x1x16xf32> to vector<16xf32>
      %swap3A_756 = vector.shape_cast %add3A_749 : vector<16xf32> to vector<1x1x16xf32>
      tpu.vector_store %arg8[%swap3A_751, %swap3A_752, %swap3A_753], %swap3A_756 {strides = array<i32>} : memref<6x104x128xf32, #tpu.memory_space<vmem>>, vector<1x1x16xf32>,
      %get3A_757 = arith.constant 2 : i32
      %get3A_758 = arith.index_cast %get3A_757 : i32 to index
      %get3A_759 = arith.index_cast %scan3A_638 : i32 to index
      %get3A_760 = arith.constant 96 : index
      %get3A_761 = tpu.vector_load %arg8[%get3A_758, %get3A_759, %get3A_760] {strides = array<i32>} : memref<6x104x128xf32, #tpu.memory_space<vmem>>, vector<1x1x16xf32>,
      %get3A_762 = vector.shape_cast %get3A_761 : vector<1x1x16xf32> to vector<16xf32>
      %add3A_763 = arith.constant 0 : i32
      %add3A_764 = arith.addi %add3A_763, %scan3A_638 : i32
      %get3A_765 = arith.index_cast %add3A_764 : i32 to index
      %get3A_766 = arith.constant 96 : index
      %get3A_767 = tpu.vector_load %arg6[%get3A_765, %get3A_766] {strides = array<i32>} : memref<200x128xf32, #tpu.memory_space<vmem>>, vector<1x16xf32>,
      %get3A_768 = vector.shape_cast %get3A_767 : vector<1x16xf32> to vector<16xf32>
      %add3A_769 = arith.addf %get3A_762, %get3A_768 : vector<16xf32>
      %swap3A_770 = arith.constant 2 : i32
      %swap3A_771 = arith.index_cast %swap3A_770 : i32 to index
      %swap3A_772 = arith.index_cast %scan3A_638 : i32 to index
      %swap3A_773 = arith.constant 96 : index
      %swap3A_774 = tpu.vector_load %arg8[%swap3A_771, %swap3A_772, %swap3A_773] {strides = array<i32>} : memref<6x104x128xf32, #tpu.memory_space<vmem>>, vector<1x1x16xf32>,
      %swap3A_775 = vector.shape_cast %swap3A_774 : vector<1x1x16xf32> to vector<16xf32>
      %swap3A_776 = vector.shape_cast %add3A_769 : vector<16xf32> to vector<1x1x16xf32>
      tpu.vector_store %arg8[%swap3A_771, %swap3A_772, %swap3A_773], %swap3A_776 {strides = array<i32>} : memref<6x104x128xf32, #tpu.memory_space<vmem>>, vector<1x1x16xf32>,
      %get3A_777 = arith.constant 2 : i32
      %get3A_778 = arith.index_cast %get3A_777 : i32 to index
      %get3A_779 = arith.index_cast %scan3A_638 : i32 to index
      %get3A_780 = arith.constant 112 : index
      %get3A_781 = tpu.vector_load %arg8[%get3A_778, %get3A_779, %get3A_780] {strides = array<i32>} : memref<6x104x128xf32, #tpu.memory_space<vmem>>, vector<1x1x16xf32>,
      %get3A_782 = vector.shape_cast %get3A_781 : vector<1x1x16xf32> to vector<16xf32>
      %add3A_783 = arith.constant 0 : i32
      %add3A_784 = arith.addi %add3A_783, %scan3A_638 : i32
      %get3A_785 = arith.index_cast %add3A_784 : i32 to index
      %get3A_786 = arith.constant 112 : index
      %get3A_787 = tpu.vector_load %arg6[%get3A_785, %get3A_786] {strides = array<i32>} : memref<200x128xf32, #tpu.memory_space<vmem>>, vector<1x16xf32>,
      %get3A_788 = vector.shape_cast %get3A_787 : vector<1x16xf32> to vector<16xf32>
      %add3A_789 = arith.addf %get3A_782, %get3A_788 : vector<16xf32>
      %swap3A_790 = arith.constant 2 : i32
      %swap3A_791 = arith.index_cast %swap3A_790 : i32 to index
      %swap3A_792 = arith.index_cast %scan3A_638 : i32 to index
      %swap3A_793 = arith.constant 112 : index
      %swap3A_794 = tpu.vector_load %arg8[%swap3A_791, %swap3A_792, %swap3A_793] {strides = array<i32>} : memref<6x104x128xf32, #tpu.memory_space<vmem>>, vector<1x1x16xf32>,
      %swap3A_795 = vector.shape_cast %swap3A_794 : vector<1x1x16xf32> to vector<16xf32>
      %swap3A_796 = vector.shape_cast %add3A_789 : vector<16xf32> to vector<1x1x16xf32>
      tpu.vector_store %arg8[%swap3A_791, %swap3A_792, %swap3A_793], %swap3A_796 {strides = array<i32>} : memref<6x104x128xf32, #tpu.memory_space<vmem>>, vector<1x1x16xf32>,
    }
    %scan3A_181 = arith.constant 104 : i32
    %add3A_182 = arith.constant 28 : i32
    %add3A_183 = arith.addi %mul3A_2, %add3A_182 : i32
    %dma_start3A_184 = arith.constant 2 : i32
    %dma_start3A_185 = arith.constant 0 : i32
    %dma_start3A_186 = arith.constant 0 : i32
    %dma_start3A_187 = tpu.memref_slice %arg8[%dma_start3A_184, %dma_start3A_185, %dma_start3A_186] : memref<6x104x128xf32, #tpu.memory_space<vmem>> -> memref<1x104x128xf32, #tpu.memory_space<vmem>>
    %dma_start3A_188 = tpu.memref_squeeze %dma_start3A_187 : memref<1x104x128xf32, #tpu.memory_space<vmem>> -> memref<104x128xf32, #tpu.memory_space<vmem>>
    %dma_start3A_189 = arith.constant 0 : i32
    %dma_start3A_190 = arith.constant 0 : i32
    %dma_start3A_191 = tpu.memref_slice %arg5[%add3A_183, %dma_start3A_189, %dma_start3A_190] : memref<1024x200x128xf32, #tpu.memory_space<hbm>> -> memref<1x104x128xf32, #tpu.memory_space<hbm>>
    %dma_start3A_192 = tpu.memref_squeeze %dma_start3A_191 : memref<1x104x128xf32, #tpu.memory_space<hbm>> -> memref<104x128xf32, #tpu.memory_space<hbm>>
    %dma_start3A_193 = arith.constant 0 : i32
    %dma_start3A_194 = arith.constant 0 : i32
    %dma_start3A_195 = tpu.memref_slice %arg5[%add3A_183, %dma_start3A_193, %dma_start3A_194] : memref<1024x200x128xf32, #tpu.memory_space<hbm>> -> memref<1x104x128xf32, #tpu.memory_space<hbm>>
    %dma_start3A_196 = tpu.memref_squeeze %dma_start3A_195 : memref<1x104x128xf32, #tpu.memory_space<hbm>> -> memref<104x128xf32, #tpu.memory_space<hbm>>
    %dma_start3A_197 = arith.constant 0 : i32
    %dma_start3A_198 = arith.constant 0 : i32
    %dma_start3A_199 = tpu.memref_slice %arg8[%dma_start3A_184, %dma_start3A_197, %dma_start3A_198] : memref<6x104x128xf32, #tpu.memory_space<vmem>> -> memref<1x104x128xf32, #tpu.memory_space<vmem>>
    %dma_start3A_200 = tpu.memref_squeeze %dma_start3A_199 : memref<1x104x128xf32, #tpu.memory_space<vmem>> -> memref<104x128xf32, #tpu.memory_space<vmem>>
    tpu.enqueue_dma source(%dma_start3A_200 : memref<104x128xf32, #tpu.memory_space<vmem>>) target(%dma_start3A_196 : memref<104x128xf32, #tpu.memory_space<hbm>>) target_semaphore(%arg17 : memref<!tpu.dma_semaphore, #tpu.memory_space<semaphore_mem>>)
    %dma_wait3A_201 = arith.constant 1 : i32
    %dma_wait3A_202 = arith.constant 0 : i32
    %dma_wait3A_203 = arith.constant 0 : i32
    %dma_wait3A_204 = arith.constant 0 : i32
    %dma_wait3A_205 = tpu.memref_slice %arg8[%dma_wait3A_201, %dma_wait3A_203, %dma_wait3A_204] : memref<6x104x128xf32, #tpu.memory_space<vmem>> -> memref<1x96x128xf32, #tpu.memory_space<vmem>>
    %dma_wait3A_206 = tpu.memref_squeeze %dma_wait3A_205 : memref<1x96x128xf32, #tpu.memory_space<vmem>> -> memref<96x128xf32, #tpu.memory_space<vmem>>
    %dma_wait3A_207 = arith.constant 0 : i32
    %dma_wait3A_208 = arith.constant 0 : i32
    %dma_wait3A_209 = tpu.memref_slice %arg5[%dma_wait3A_202, %dma_wait3A_207, %dma_wait3A_208] : memref<1024x200x128xf32, #tpu.memory_space<hbm>> -> memref<1x96x128xf32, #tpu.memory_space<hbm>>
    %dma_wait3A_210 = tpu.memref_squeeze %dma_wait3A_209 : memref<1x96x128xf32, #tpu.memory_space<hbm>> -> memref<96x128xf32, #tpu.memory_space<hbm>>
    %dma_wait3A_211 = arith.constant 0 : i32
    %dma_wait3A_212 = arith.constant 0 : i32
    %dma_wait3A_213 = tpu.memref_slice %arg5[%dma_wait3A_202, %dma_wait3A_211, %dma_wait3A_212] : memref<1024x200x128xf32, #tpu.memory_space<hbm>> -> memref<1x96x128xf32, #tpu.memory_space<hbm>>
    %dma_wait3A_214 = tpu.memref_squeeze %dma_wait3A_213 : memref<1x96x128xf32, #tpu.memory_space<hbm>> -> memref<96x128xf32, #tpu.memory_space<hbm>>
    %dma_wait3A_215 = arith.constant 0 : i32
    %dma_wait3A_216 = arith.constant 0 : i32
    %dma_wait3A_217 = tpu.memref_slice %arg8[%dma_wait3A_201, %dma_wait3A_215, %dma_wait3A_216] : memref<6x104x128xf32, #tpu.memory_space<vmem>> -> memref<1x96x128xf32, #tpu.memory_space<vmem>>
    %dma_wait3A_218 = tpu.memref_squeeze %dma_wait3A_217 : memref<1x96x128xf32, #tpu.memory_space<vmem>> -> memref<96x128xf32, #tpu.memory_space<vmem>>
    tpu.wait_dma2 semaphore(%arg16 : memref<!tpu.dma_semaphore, #tpu.memory_space<semaphore_mem>>) src(%dma_wait3A_218 : memref<96x128xf32, #tpu.memory_space<vmem>>) dst(%dma_wait3A_214 : memref<96x128xf32, #tpu.memory_space<hbm>>)
    %dma_start3A_219 = arith.constant 1 : i32
    %dma_start3A_220 = arith.constant 0 : i32
    %dma_start3A_221 = arith.constant 0 : i32
    %dma_start3A_222 = tpu.memref_slice %arg8[%dma_start3A_219, %dma_start3A_220, %dma_start3A_221] : memref<6x104x128xf32, #tpu.memory_space<vmem>> -> memref<1x96x128xf32, #tpu.memory_space<vmem>>
    %dma_start3A_223 = tpu.memref_squeeze %dma_start3A_222 : memref<1x96x128xf32, #tpu.memory_space<vmem>> -> memref<96x128xf32, #tpu.memory_space<vmem>>
    %dma_start3A_224 = arith.constant 6104 : i32
    %dma_start3A_225 = tpu.memref_slice %arg7[%dma_start3A_224] : memref<6400xi32, #tpu.memory_space<vmem>> -> memref<96xi32, #tpu.memory_space<vmem>>
    %dma_start3A_226 = arith.constant 0 : i32
    %dma_start3A_227 = arith.constant 0 : i32
    %dma_start3A_228 = tpu.memref_slice %arg3[%dma_start3A_226, %dma_start3A_227] : memref<100000x128xf32, #tpu.memory_space<hbm>> -> memref<100000x128xf32, #tpu.memory_space<hbm>>
    tpu.enqueue_indirect_dma source(%dma_start3A_228 : memref<100000x128xf32, #tpu.memory_space<hbm>>) target(%dma_start3A_223 : memref<96x128xf32, #tpu.memory_space<vmem>>) offsets(%dma_start3A_225 : memref<96xi32, #tpu.memory_space<vmem>>) semaphore(%arg10 : memref<!tpu.dma_semaphore, #tpu.memory_space<semaphore_mem>>)
    %dma_wait3A_229 = arith.constant 3 : i32
    %dma_wait3A_230 = arith.constant 0 : i32
    %dma_wait3A_231 = arith.constant 0 : i32
    %dma_wait3A_232 = tpu.memref_slice %arg8[%dma_wait3A_229, %dma_wait3A_230, %dma_wait3A_231] : memref<6x104x128xf32, #tpu.memory_space<vmem>> -> memref<1x96x128xf32, #tpu.memory_space<vmem>>
    %dma_wait3A_233 = tpu.memref_squeeze %dma_wait3A_232 : memref<1x96x128xf32, #tpu.memory_space<vmem>> -> memref<96x128xf32, #tpu.memory_space<vmem>>
    %dma_wait3A_234 = arith.constant 5704 : i32
    %dma_wait3A_235 = tpu.memref_slice %arg7[%dma_wait3A_234] : memref<6400xi32, #tpu.memory_space<vmem>> -> memref<96xi32, #tpu.memory_space<vmem>>
    %dma_wait3A_236 = arith.constant 0 : i32
    %dma_wait3A_237 = arith.constant 0 : i32
    %dma_wait3A_238 = tpu.memref_slice %arg3[%dma_wait3A_236, %dma_wait3A_237] : memref<100000x128xf32, #tpu.memory_space<hbm>> -> memref<100000x128xf32, #tpu.memory_space<hbm>>
    tpu.wait_indirect_dma semaphore(%arg12 : memref<!tpu.dma_semaphore, #tpu.memory_space<semaphore_mem>>) src(%dma_wait3A_238 : memref<100000x128xf32, #tpu.memory_space<hbm>>) dst(%dma_wait3A_233 : memref<96x128xf32, #tpu.memory_space<vmem>>)
    %scan3A_239 = arith.constant 0 : i32
    %scan3A_240 = arith.constant 0 : i32
    %scan3A_241 = arith.constant 96 : i32
    %scan3A_242 = arith.addi %scan3A_240, %scan3A_241 : i32
    %scan3A_243 = arith.constant 1 : i32
    scf.for %scan3A_638 = %scan3A_240 to %scan3A_242 step %scan3A_243  : i32 {
      %get3A = arith.constant 3 : i32
      %get3A_639 = arith.index_cast %get3A : i32 to index
      %get3A_640 = arith.index_cast %scan3A_638 : i32 to index
      %get3A_641 = arith.constant 0 : index
      %get3A_642 = tpu.vector_load %arg8[%get3A_639, %get3A_640, %get3A_641] {strides = array<i32>} : memref<6x104x128xf32, #tpu.memory_space<vmem>>, vector<1x1x16xf32>,
      %get3A_643 = vector.shape_cast %get3A_642 : vector<1x1x16xf32> to vector<16xf32>
      %add3A_644 = arith.constant 104 : i32
      %add3A_645 = arith.addi %add3A_644, %scan3A_638 : i32
      %get3A_646 = arith.index_cast %add3A_645 : i32 to index
      %get3A_647 = arith.constant 0 : index
      %get3A_648 = tpu.vector_load %arg6[%get3A_646, %get3A_647] {strides = array<i32>} : memref<200x128xf32, #tpu.memory_space<vmem>>, vector<1x16xf32>,
      %get3A_649 = vector.shape_cast %get3A_648 : vector<1x16xf32> to vector<16xf32>
      %add3A_650 = arith.addf %get3A_643, %get3A_649 : vector<16xf32>
      %swap3A = arith.constant 3 : i32
      %swap3A_651 = arith.index_cast %swap3A : i32 to index
      %swap3A_652 = arith.index_cast %scan3A_638 : i32 to index
      %swap3A_653 = arith.constant 0 : index
      %swap3A_654 = tpu.vector_load %arg8[%swap3A_651, %swap3A_652, %swap3A_653] {strides = array<i32>} : memref<6x104x128xf32, #tpu.memory_space<vmem>>, vector<1x1x16xf32>,
      %swap3A_655 = vector.shape_cast %swap3A_654 : vector<1x1x16xf32> to vector<16xf32>
      %swap3A_656 = vector.shape_cast %add3A_650 : vector<16xf32> to vector<1x1x16xf32>
      tpu.vector_store %arg8[%swap3A_651, %swap3A_652, %swap3A_653], %swap3A_656 {strides = array<i32>} : memref<6x104x128xf32, #tpu.memory_space<vmem>>, vector<1x1x16xf32>,
      %get3A_657 = arith.constant 3 : i32
      %get3A_658 = arith.index_cast %get3A_657 : i32 to index
      %get3A_659 = arith.index_cast %scan3A_638 : i32 to index
      %get3A_660 = arith.constant 16 : index
      %get3A_661 = tpu.vector_load %arg8[%get3A_658, %get3A_659, %get3A_660] {strides = array<i32>} : memref<6x104x128xf32, #tpu.memory_space<vmem>>, vector<1x1x16xf32>,
      %get3A_662 = vector.shape_cast %get3A_661 : vector<1x1x16xf32> to vector<16xf32>
      %add3A_663 = arith.constant 104 : i32
      %add3A_664 = arith.addi %add3A_663, %scan3A_638 : i32
      %get3A_665 = arith.index_cast %add3A_664 : i32 to index
      %get3A_666 = arith.constant 16 : index
      %get3A_667 = tpu.vector_load %arg6[%get3A_665, %get3A_666] {strides = array<i32>} : memref<200x128xf32, #tpu.memory_space<vmem>>, vector<1x16xf32>,
      %get3A_668 = vector.shape_cast %get3A_667 : vector<1x16xf32> to vector<16xf32>
      %add3A_669 = arith.addf %get3A_662, %get3A_668 : vector<16xf32>
      %swap3A_670 = arith.constant 3 : i32
      %swap3A_671 = arith.index_cast %swap3A_670 : i32 to index
      %swap3A_672 = arith.index_cast %scan3A_638 : i32 to index
      %swap3A_673 = arith.constant 16 : index
      %swap3A_674 = tpu.vector_load %arg8[%swap3A_671, %swap3A_672, %swap3A_673] {strides = array<i32>} : memref<6x104x128xf32, #tpu.memory_space<vmem>>, vector<1x1x16xf32>,
      %swap3A_675 = vector.shape_cast %swap3A_674 : vector<1x1x16xf32> to vector<16xf32>
      %swap3A_676 = vector.shape_cast %add3A_669 : vector<16xf32> to vector<1x1x16xf32>
      tpu.vector_store %arg8[%swap3A_671, %swap3A_672, %swap3A_673], %swap3A_676 {strides = array<i32>} : memref<6x104x128xf32, #tpu.memory_space<vmem>>, vector<1x1x16xf32>,
      %get3A_677 = arith.constant 3 : i32
      %get3A_678 = arith.index_cast %get3A_677 : i32 to index
      %get3A_679 = arith.index_cast %scan3A_638 : i32 to index
      %get3A_680 = arith.constant 32 : index
      %get3A_681 = tpu.vector_load %arg8[%get3A_678, %get3A_679, %get3A_680] {strides = array<i32>} : memref<6x104x128xf32, #tpu.memory_space<vmem>>, vector<1x1x16xf32>,
      %get3A_682 = vector.shape_cast %get3A_681 : vector<1x1x16xf32> to vector<16xf32>
      %add3A_683 = arith.constant 104 : i32
      %add3A_684 = arith.addi %add3A_683, %scan3A_638 : i32
      %get3A_685 = arith.index_cast %add3A_684 : i32 to index
      %get3A_686 = arith.constant 32 : index
      %get3A_687 = tpu.vector_load %arg6[%get3A_685, %get3A_686] {strides = array<i32>} : memref<200x128xf32, #tpu.memory_space<vmem>>, vector<1x16xf32>,
      %get3A_688 = vector.shape_cast %get3A_687 : vector<1x16xf32> to vector<16xf32>
      %add3A_689 = arith.addf %get3A_682, %get3A_688 : vector<16xf32>
      %swap3A_690 = arith.constant 3 : i32
      %swap3A_691 = arith.index_cast %swap3A_690 : i32 to index
      %swap3A_692 = arith.index_cast %scan3A_638 : i32 to index
      %swap3A_693 = arith.constant 32 : index
      %swap3A_694 = tpu.vector_load %arg8[%swap3A_691, %swap3A_692, %swap3A_693] {strides = array<i32>} : memref<6x104x128xf32, #tpu.memory_space<vmem>>, vector<1x1x16xf32>,
      %swap3A_695 = vector.shape_cast %swap3A_694 : vector<1x1x16xf32> to vector<16xf32>
      %swap3A_696 = vector.shape_cast %add3A_689 : vector<16xf32> to vector<1x1x16xf32>
      tpu.vector_store %arg8[%swap3A_691, %swap3A_692, %swap3A_693], %swap3A_696 {strides = array<i32>} : memref<6x104x128xf32, #tpu.memory_space<vmem>>, vector<1x1x16xf32>,
      %get3A_697 = arith.constant 3 : i32
      %get3A_698 = arith.index_cast %get3A_697 : i32 to index
      %get3A_699 = arith.index_cast %scan3A_638 : i32 to index
      %get3A_700 = arith.constant 48 : index
      %get3A_701 = tpu.vector_load %arg8[%get3A_698, %get3A_699, %get3A_700] {strides = array<i32>} : memref<6x104x128xf32, #tpu.memory_space<vmem>>, vector<1x1x16xf32>,
      %get3A_702 = vector.shape_cast %get3A_701 : vector<1x1x16xf32> to vector<16xf32>
      %add3A_703 = arith.constant 104 : i32
      %add3A_704 = arith.addi %add3A_703, %scan3A_638 : i32
      %get3A_705 = arith.index_cast %add3A_704 : i32 to index
      %get3A_706 = arith.constant 48 : index
      %get3A_707 = tpu.vector_load %arg6[%get3A_705, %get3A_706] {strides = array<i32>} : memref<200x128xf32, #tpu.memory_space<vmem>>, vector<1x16xf32>,
      %get3A_708 = vector.shape_cast %get3A_707 : vector<1x16xf32> to vector<16xf32>
      %add3A_709 = arith.addf %get3A_702, %get3A_708 : vector<16xf32>
      %swap3A_710 = arith.constant 3 : i32
      %swap3A_711 = arith.index_cast %swap3A_710 : i32 to index
      %swap3A_712 = arith.index_cast %scan3A_638 : i32 to index
      %swap3A_713 = arith.constant 48 : index
      %swap3A_714 = tpu.vector_load %arg8[%swap3A_711, %swap3A_712, %swap3A_713] {strides = array<i32>} : memref<6x104x128xf32, #tpu.memory_space<vmem>>, vector<1x1x16xf32>,
      %swap3A_715 = vector.shape_cast %swap3A_714 : vector<1x1x16xf32> to vector<16xf32>
      %swap3A_716 = vector.shape_cast %add3A_709 : vector<16xf32> to vector<1x1x16xf32>
      tpu.vector_store %arg8[%swap3A_711, %swap3A_712, %swap3A_713], %swap3A_716 {strides = array<i32>} : memref<6x104x128xf32, #tpu.memory_space<vmem>>, vector<1x1x16xf32>,
      %get3A_717 = arith.constant 3 : i32
      %get3A_718 = arith.index_cast %get3A_717 : i32 to index
      %get3A_719 = arith.index_cast %scan3A_638 : i32 to index
      %get3A_720 = arith.constant 64 : index
      %get3A_721 = tpu.vector_load %arg8[%get3A_718, %get3A_719, %get3A_720] {strides = array<i32>} : memref<6x104x128xf32, #tpu.memory_space<vmem>>, vector<1x1x16xf32>,
      %get3A_722 = vector.shape_cast %get3A_721 : vector<1x1x16xf32> to vector<16xf32>
      %add3A_723 = arith.constant 104 : i32
      %add3A_724 = arith.addi %add3A_723, %scan3A_638 : i32
      %get3A_725 = arith.index_cast %add3A_724 : i32 to index
      %get3A_726 = arith.constant 64 : index
      %get3A_727 = tpu.vector_load %arg6[%get3A_725, %get3A_726] {strides = array<i32>} : memref<200x128xf32, #tpu.memory_space<vmem>>, vector<1x16xf32>,
      %get3A_728 = vector.shape_cast %get3A_727 : vector<1x16xf32> to vector<16xf32>
      %add3A_729 = arith.addf %get3A_722, %get3A_728 : vector<16xf32>
      %swap3A_730 = arith.constant 3 : i32
      %swap3A_731 = arith.index_cast %swap3A_730 : i32 to index
      %swap3A_732 = arith.index_cast %scan3A_638 : i32 to index
      %swap3A_733 = arith.constant 64 : index
      %swap3A_734 = tpu.vector_load %arg8[%swap3A_731, %swap3A_732, %swap3A_733] {strides = array<i32>} : memref<6x104x128xf32, #tpu.memory_space<vmem>>, vector<1x1x16xf32>,
      %swap3A_735 = vector.shape_cast %swap3A_734 : vector<1x1x16xf32> to vector<16xf32>
      %swap3A_736 = vector.shape_cast %add3A_729 : vector<16xf32> to vector<1x1x16xf32>
      tpu.vector_store %arg8[%swap3A_731, %swap3A_732, %swap3A_733], %swap3A_736 {strides = array<i32>} : memref<6x104x128xf32, #tpu.memory_space<vmem>>, vector<1x1x16xf32>,
      %get3A_737 = arith.constant 3 : i32
      %get3A_738 = arith.index_cast %get3A_737 : i32 to index
      %get3A_739 = arith.index_cast %scan3A_638 : i32 to index
      %get3A_740 = arith.constant 80 : index
      %get3A_741 = tpu.vector_load %arg8[%get3A_738, %get3A_739, %get3A_740] {strides = array<i32>} : memref<6x104x128xf32, #tpu.memory_space<vmem>>, vector<1x1x16xf32>,
      %get3A_742 = vector.shape_cast %get3A_741 : vector<1x1x16xf32> to vector<16xf32>
      %add3A_743 = arith.constant 104 : i32
      %add3A_744 = arith.addi %add3A_743, %scan3A_638 : i32
      %get3A_745 = arith.index_cast %add3A_744 : i32 to index
      %get3A_746 = arith.constant 80 : index
      %get3A_747 = tpu.vector_load %arg6[%get3A_745, %get3A_746] {strides = array<i32>} : memref<200x128xf32, #tpu.memory_space<vmem>>, vector<1x16xf32>,
      %get3A_748 = vector.shape_cast %get3A_747 : vector<1x16xf32> to vector<16xf32>
      %add3A_749 = arith.addf %get3A_742, %get3A_748 : vector<16xf32>
      %swap3A_750 = arith.constant 3 : i32
      %swap3A_751 = arith.index_cast %swap3A_750 : i32 to index
      %swap3A_752 = arith.index_cast %scan3A_638 : i32 to index
      %swap3A_753 = arith.constant 80 : index
      %swap3A_754 = tpu.vector_load %arg8[%swap3A_751, %swap3A_752, %swap3A_753] {strides = array<i32>} : memref<6x104x128xf32, #tpu.memory_space<vmem>>, vector<1x1x16xf32>,
      %swap3A_755 = vector.shape_cast %swap3A_754 : vector<1x1x16xf32> to vector<16xf32>
      %swap3A_756 = vector.shape_cast %add3A_749 : vector<16xf32> to vector<1x1x16xf32>
      tpu.vector_store %arg8[%swap3A_751, %swap3A_752, %swap3A_753], %swap3A_756 {strides = array<i32>} : memref<6x104x128xf32, #tpu.memory_space<vmem>>, vector<1x1x16xf32>,
      %get3A_757 = arith.constant 3 : i32
      %get3A_758 = arith.index_cast %get3A_757 : i32 to index
      %get3A_759 = arith.index_cast %scan3A_638 : i32 to index
      %get3A_760 = arith.constant 96 : index
      %get3A_761 = tpu.vector_load %arg8[%get3A_758, %get3A_759, %get3A_760] {strides = array<i32>} : memref<6x104x128xf32, #tpu.memory_space<vmem>>, vector<1x1x16xf32>,
      %get3A_762 = vector.shape_cast %get3A_761 : vector<1x1x16xf32> to vector<16xf32>
      %add3A_763 = arith.constant 104 : i32
      %add3A_764 = arith.addi %add3A_763, %scan3A_638 : i32
      %get3A_765 = arith.index_cast %add3A_764 : i32 to index
      %get3A_766 = arith.constant 96 : index
      %get3A_767 = tpu.vector_load %arg6[%get3A_765, %get3A_766] {strides = array<i32>} : memref<200x128xf32, #tpu.memory_space<vmem>>, vector<1x16xf32>,
      %get3A_768 = vector.shape_cast %get3A_767 : vector<1x16xf32> to vector<16xf32>
      %add3A_769 = arith.addf %get3A_762, %get3A_768 : vector<16xf32>
      %swap3A_770 = arith.constant 3 : i32
      %swap3A_771 = arith.index_cast %swap3A_770 : i32 to index
      %swap3A_772 = arith.index_cast %scan3A_638 : i32 to index
      %swap3A_773 = arith.constant 96 : index
      %swap3A_774 = tpu.vector_load %arg8[%swap3A_771, %swap3A_772, %swap3A_773] {strides = array<i32>} : memref<6x104x128xf32, #tpu.memory_space<vmem>>, vector<1x1x16xf32>,
      %swap3A_775 = vector.shape_cast %swap3A_774 : vector<1x1x16xf32> to vector<16xf32>
      %swap3A_776 = vector.shape_cast %add3A_769 : vector<16xf32> to vector<1x1x16xf32>
      tpu.vector_store %arg8[%swap3A_771, %swap3A_772, %swap3A_773], %swap3A_776 {strides = array<i32>} : memref<6x104x128xf32, #tpu.memory_space<vmem>>, vector<1x1x16xf32>,
      %get3A_777 = arith.constant 3 : i32
      %get3A_778 = arith.index_cast %get3A_777 : i32 to index
      %get3A_779 = arith.index_cast %scan3A_638 : i32 to index
      %get3A_780 = arith.constant 112 : index
      %get3A_781 = tpu.vector_load %arg8[%get3A_778, %get3A_779, %get3A_780] {strides = array<i32>} : memref<6x104x128xf32, #tpu.memory_space<vmem>>, vector<1x1x16xf32>,
      %get3A_782 = vector.shape_cast %get3A_781 : vector<1x1x16xf32> to vector<16xf32>
      %add3A_783 = arith.constant 104 : i32
      %add3A_784 = arith.addi %add3A_783, %scan3A_638 : i32
      %get3A_785 = arith.index_cast %add3A_784 : i32 to index
      %get3A_786 = arith.constant 112 : index
      %get3A_787 = tpu.vector_load %arg6[%get3A_785, %get3A_786] {strides = array<i32>} : memref<200x128xf32, #tpu.memory_space<vmem>>, vector<1x16xf32>,
      %get3A_788 = vector.shape_cast %get3A_787 : vector<1x16xf32> to vector<16xf32>
      %add3A_789 = arith.addf %get3A_782, %get3A_788 : vector<16xf32>
      %swap3A_790 = arith.constant 3 : i32
      %swap3A_791 = arith.index_cast %swap3A_790 : i32 to index
      %swap3A_792 = arith.index_cast %scan3A_638 : i32 to index
      %swap3A_793 = arith.constant 112 : index
      %swap3A_794 = tpu.vector_load %arg8[%swap3A_791, %swap3A_792, %swap3A_793] {strides = array<i32>} : memref<6x104x128xf32, #tpu.memory_space<vmem>>, vector<1x1x16xf32>,
      %swap3A_795 = vector.shape_cast %swap3A_794 : vector<1x1x16xf32> to vector<16xf32>
      %swap3A_796 = vector.shape_cast %add3A_789 : vector<16xf32> to vector<1x1x16xf32>
      tpu.vector_store %arg8[%swap3A_791, %swap3A_792, %swap3A_793], %swap3A_796 {strides = array<i32>} : memref<6x104x128xf32, #tpu.memory_space<vmem>>, vector<1x1x16xf32>,
    }
    %scan3A_244 = arith.constant 96 : i32
    %add3A_245 = arith.constant 28 : i32
    %add3A_246 = arith.addi %mul3A_2, %add3A_245 : i32
    %dma_start3A_247 = arith.constant 3 : i32
    %dma_start3A_248 = arith.constant 0 : i32
    %dma_start3A_249 = arith.constant 0 : i32
    %dma_start3A_250 = tpu.memref_slice %arg8[%dma_start3A_247, %dma_start3A_248, %dma_start3A_249] : memref<6x104x128xf32, #tpu.memory_space<vmem>> -> memref<1x96x128xf32, #tpu.memory_space<vmem>>
    %dma_start3A_251 = tpu.memref_squeeze %dma_start3A_250 : memref<1x96x128xf32, #tpu.memory_space<vmem>> -> memref<96x128xf32, #tpu.memory_space<vmem>>
    %dma_start3A_252 = arith.constant 104 : i32
    %dma_start3A_253 = arith.constant 0 : i32
    %dma_start3A_254 = tpu.memref_slice %arg5[%add3A_246, %dma_start3A_252, %dma_start3A_253] : memref<1024x200x128xf32, #tpu.memory_space<hbm>> -> memref<1x96x128xf32, #tpu.memory_space<hbm>>
    %dma_start3A_255 = tpu.memref_squeeze %dma_start3A_254 : memref<1x96x128xf32, #tpu.memory_space<hbm>> -> memref<96x128xf32, #tpu.memory_space<hbm>>
    %dma_start3A_256 = arith.constant 104 : i32
    %dma_start3A_257 = arith.constant 0 : i32
    %dma_start3A_258 = tpu.memref_slice %arg5[%add3A_246, %dma_start3A_256, %dma_start3A_257] : memref<1024x200x128xf32, #tpu.memory_space<hbm>> -> memref<1x96x128xf32, #tpu.memory_space<hbm>>
    %dma_start3A_259 = tpu.memref_squeeze %dma_start3A_258 : memref<1x96x128xf32, #tpu.memory_space<hbm>> -> memref<96x128xf32, #tpu.memory_space<hbm>>
    %dma_start3A_260 = arith.constant 0 : i32
    %dma_start3A_261 = arith.constant 0 : i32
    %dma_start3A_262 = tpu.memref_slice %arg8[%dma_start3A_247, %dma_start3A_260, %dma_start3A_261] : memref<6x104x128xf32, #tpu.memory_space<vmem>> -> memref<1x96x128xf32, #tpu.memory_space<vmem>>
    %dma_start3A_263 = tpu.memref_squeeze %dma_start3A_262 : memref<1x96x128xf32, #tpu.memory_space<vmem>> -> memref<96x128xf32, #tpu.memory_space<vmem>>
    tpu.enqueue_dma source(%dma_start3A_263 : memref<96x128xf32, #tpu.memory_space<vmem>>) target(%dma_start3A_259 : memref<96x128xf32, #tpu.memory_space<hbm>>) target_semaphore(%arg18 : memref<!tpu.dma_semaphore, #tpu.memory_space<semaphore_mem>>)
    %dma_wait3A_264 = arith.constant 2 : i32
    %dma_wait3A_265 = arith.constant 0 : i32
    %dma_wait3A_266 = arith.constant 0 : i32
    %dma_wait3A_267 = arith.constant 0 : i32
    %dma_wait3A_268 = tpu.memref_slice %arg8[%dma_wait3A_264, %dma_wait3A_266, %dma_wait3A_267] : memref<6x104x128xf32, #tpu.memory_space<vmem>> -> memref<1x104x128xf32, #tpu.memory_space<vmem>>
    %dma_wait3A_269 = tpu.memref_squeeze %dma_wait3A_268 : memref<1x104x128xf32, #tpu.memory_space<vmem>> -> memref<104x128xf32, #tpu.memory_space<vmem>>
    %dma_wait3A_270 = arith.constant 0 : i32
    %dma_wait3A_271 = arith.constant 0 : i32
    %dma_wait3A_272 = tpu.memref_slice %arg5[%dma_wait3A_265, %dma_wait3A_270, %dma_wait3A_271] : memref<1024x200x128xf32, #tpu.memory_space<hbm>> -> memref<1x104x128xf32, #tpu.memory_space<hbm>>
    %dma_wait3A_273 = tpu.memref_squeeze %dma_wait3A_272 : memref<1x104x128xf32, #tpu.memory_space<hbm>> -> memref<104x128xf32, #tpu.memory_space<hbm>>
    %dma_wait3A_274 = arith.constant 0 : i32
    %dma_wait3A_275 = arith.constant 0 : i32
    %dma_wait3A_276 = tpu.memref_slice %arg5[%dma_wait3A_265, %dma_wait3A_274, %dma_wait3A_275] : memref<1024x200x128xf32, #tpu.memory_space<hbm>> -> memref<1x104x128xf32, #tpu.memory_space<hbm>>
    %dma_wait3A_277 = tpu.memref_squeeze %dma_wait3A_276 : memref<1x104x128xf32, #tpu.memory_space<hbm>> -> memref<104x128xf32, #tpu.memory_space<hbm>>
    %dma_wait3A_278 = arith.constant 0 : i32
    %dma_wait3A_279 = arith.constant 0 : i32
    %dma_wait3A_280 = tpu.memref_slice %arg8[%dma_wait3A_264, %dma_wait3A_278, %dma_wait3A_279] : memref<6x104x128xf32, #tpu.memory_space<vmem>> -> memref<1x104x128xf32, #tpu.memory_space<vmem>>
    %dma_wait3A_281 = tpu.memref_squeeze %dma_wait3A_280 : memref<1x104x128xf32, #tpu.memory_space<vmem>> -> memref<104x128xf32, #tpu.memory_space<vmem>>
    tpu.wait_dma2 semaphore(%arg17 : memref<!tpu.dma_semaphore, #tpu.memory_space<semaphore_mem>>) src(%dma_wait3A_281 : memref<104x128xf32, #tpu.memory_space<vmem>>) dst(%dma_wait3A_277 : memref<104x128xf32, #tpu.memory_space<hbm>>)
    %dma_start3A_282 = arith.constant 2 : i32
    %dma_start3A_283 = arith.constant 0 : i32
    %dma_start3A_284 = arith.constant 0 : i32
    %dma_start3A_285 = tpu.memref_slice %arg8[%dma_start3A_282, %dma_start3A_283, %dma_start3A_284] : memref<6x104x128xf32, #tpu.memory_space<vmem>> -> memref<1x104x128xf32, #tpu.memory_space<vmem>>
    %dma_start3A_286 = tpu.memref_squeeze %dma_start3A_285 : memref<1x104x128xf32, #tpu.memory_space<vmem>> -> memref<104x128xf32, #tpu.memory_space<vmem>>
    %dma_start3A_287 = arith.constant 6200 : i32
    %dma_start3A_288 = tpu.memref_slice %arg7[%dma_start3A_287] : memref<6400xi32, #tpu.memory_space<vmem>> -> memref<104xi32, #tpu.memory_space<vmem>>
    %dma_start3A_289 = arith.constant 0 : i32
    %dma_start3A_290 = arith.constant 0 : i32
    %dma_start3A_291 = tpu.memref_slice %arg3[%dma_start3A_289, %dma_start3A_290] : memref<100000x128xf32, #tpu.memory_space<hbm>> -> memref<100000x128xf32, #tpu.memory_space<hbm>>
    tpu.enqueue_indirect_dma source(%dma_start3A_291 : memref<100000x128xf32, #tpu.memory_space<hbm>>) target(%dma_start3A_286 : memref<104x128xf32, #tpu.memory_space<vmem>>) offsets(%dma_start3A_288 : memref<104xi32, #tpu.memory_space<vmem>>) semaphore(%arg11 : memref<!tpu.dma_semaphore, #tpu.memory_space<semaphore_mem>>)
    %dma_wait3A_292 = arith.constant 4 : i32
    %dma_wait3A_293 = arith.constant 0 : i32
    %dma_wait3A_294 = arith.constant 0 : i32
    %dma_wait3A_295 = tpu.memref_slice %arg8[%dma_wait3A_292, %dma_wait3A_293, %dma_wait3A_294] : memref<6x104x128xf32, #tpu.memory_space<vmem>> -> memref<1x104x128xf32, #tpu.memory_space<vmem>>
    %dma_wait3A_296 = tpu.memref_squeeze %dma_wait3A_295 : memref<1x104x128xf32, #tpu.memory_space<vmem>> -> memref<104x128xf32, #tpu.memory_space<vmem>>
    %dma_wait3A_297 = arith.constant 5800 : i32
    %dma_wait3A_298 = tpu.memref_slice %arg7[%dma_wait3A_297] : memref<6400xi32, #tpu.memory_space<vmem>> -> memref<104xi32, #tpu.memory_space<vmem>>
    %dma_wait3A_299 = arith.constant 0 : i32
    %dma_wait3A_300 = arith.constant 0 : i32
    %dma_wait3A_301 = tpu.memref_slice %arg3[%dma_wait3A_299, %dma_wait3A_300] : memref<100000x128xf32, #tpu.memory_space<hbm>> -> memref<100000x128xf32, #tpu.memory_space<hbm>>
    tpu.wait_indirect_dma semaphore(%arg13 : memref<!tpu.dma_semaphore, #tpu.memory_space<semaphore_mem>>) src(%dma_wait3A_301 : memref<100000x128xf32, #tpu.memory_space<hbm>>) dst(%dma_wait3A_296 : memref<104x128xf32, #tpu.memory_space<vmem>>)
    %scan3A_302 = arith.constant 0 : i32
    %scan3A_303 = arith.constant 0 : i32
    %scan3A_304 = arith.constant 104 : i32
    %scan3A_305 = arith.addi %scan3A_303, %scan3A_304 : i32
    %scan3A_306 = arith.constant 1 : i32
    scf.for %scan3A_638 = %scan3A_303 to %scan3A_305 step %scan3A_306  : i32 {
      %get3A = arith.constant 4 : i32
      %get3A_639 = arith.index_cast %get3A : i32 to index
      %get3A_640 = arith.index_cast %scan3A_638 : i32 to index
      %get3A_641 = arith.constant 0 : index
      %get3A_642 = tpu.vector_load %arg8[%get3A_639, %get3A_640, %get3A_641] {strides = array<i32>} : memref<6x104x128xf32, #tpu.memory_space<vmem>>, vector<1x1x16xf32>,
      %get3A_643 = vector.shape_cast %get3A_642 : vector<1x1x16xf32> to vector<16xf32>
      %add3A_644 = arith.constant 0 : i32
      %add3A_645 = arith.addi %add3A_644, %scan3A_638 : i32
      %get3A_646 = arith.index_cast %add3A_645 : i32 to index
      %get3A_647 = arith.constant 0 : index
      %get3A_648 = tpu.vector_load %arg6[%get3A_646, %get3A_647] {strides = array<i32>} : memref<200x128xf32, #tpu.memory_space<vmem>>, vector<1x16xf32>,
      %get3A_649 = vector.shape_cast %get3A_648 : vector<1x16xf32> to vector<16xf32>
      %add3A_650 = arith.addf %get3A_643, %get3A_649 : vector<16xf32>
      %swap3A = arith.constant 4 : i32
      %swap3A_651 = arith.index_cast %swap3A : i32 to index
      %swap3A_652 = arith.index_cast %scan3A_638 : i32 to index
      %swap3A_653 = arith.constant 0 : index
      %swap3A_654 = tpu.vector_load %arg8[%swap3A_651, %swap3A_652, %swap3A_653] {strides = array<i32>} : memref<6x104x128xf32, #tpu.memory_space<vmem>>, vector<1x1x16xf32>,
      %swap3A_655 = vector.shape_cast %swap3A_654 : vector<1x1x16xf32> to vector<16xf32>
      %swap3A_656 = vector.shape_cast %add3A_650 : vector<16xf32> to vector<1x1x16xf32>
      tpu.vector_store %arg8[%swap3A_651, %swap3A_652, %swap3A_653], %swap3A_656 {strides = array<i32>} : memref<6x104x128xf32, #tpu.memory_space<vmem>>, vector<1x1x16xf32>,
      %get3A_657 = arith.constant 4 : i32
      %get3A_658 = arith.index_cast %get3A_657 : i32 to index
      %get3A_659 = arith.index_cast %scan3A_638 : i32 to index
      %get3A_660 = arith.constant 16 : index
      %get3A_661 = tpu.vector_load %arg8[%get3A_658, %get3A_659, %get3A_660] {strides = array<i32>} : memref<6x104x128xf32, #tpu.memory_space<vmem>>, vector<1x1x16xf32>,
      %get3A_662 = vector.shape_cast %get3A_661 : vector<1x1x16xf32> to vector<16xf32>
      %add3A_663 = arith.constant 0 : i32
      %add3A_664 = arith.addi %add3A_663, %scan3A_638 : i32
      %get3A_665 = arith.index_cast %add3A_664 : i32 to index
      %get3A_666 = arith.constant 16 : index
      %get3A_667 = tpu.vector_load %arg6[%get3A_665, %get3A_666] {strides = array<i32>} : memref<200x128xf32, #tpu.memory_space<vmem>>, vector<1x16xf32>,
      %get3A_668 = vector.shape_cast %get3A_667 : vector<1x16xf32> to vector<16xf32>
      %add3A_669 = arith.addf %get3A_662, %get3A_668 : vector<16xf32>
      %swap3A_670 = arith.constant 4 : i32
      %swap3A_671 = arith.index_cast %swap3A_670 : i32 to index
      %swap3A_672 = arith.index_cast %scan3A_638 : i32 to index
      %swap3A_673 = arith.constant 16 : index
      %swap3A_674 = tpu.vector_load %arg8[%swap3A_671, %swap3A_672, %swap3A_673] {strides = array<i32>} : memref<6x104x128xf32, #tpu.memory_space<vmem>>, vector<1x1x16xf32>,
      %swap3A_675 = vector.shape_cast %swap3A_674 : vector<1x1x16xf32> to vector<16xf32>
      %swap3A_676 = vector.shape_cast %add3A_669 : vector<16xf32> to vector<1x1x16xf32>
      tpu.vector_store %arg8[%swap3A_671, %swap3A_672, %swap3A_673], %swap3A_676 {strides = array<i32>} : memref<6x104x128xf32, #tpu.memory_space<vmem>>, vector<1x1x16xf32>,
      %get3A_677 = arith.constant 4 : i32
      %get3A_678 = arith.index_cast %get3A_677 : i32 to index
      %get3A_679 = arith.index_cast %scan3A_638 : i32 to index
      %get3A_680 = arith.constant 32 : index
      %get3A_681 = tpu.vector_load %arg8[%get3A_678, %get3A_679, %get3A_680] {strides = array<i32>} : memref<6x104x128xf32, #tpu.memory_space<vmem>>, vector<1x1x16xf32>,
      %get3A_682 = vector.shape_cast %get3A_681 : vector<1x1x16xf32> to vector<16xf32>
      %add3A_683 = arith.constant 0 : i32
      %add3A_684 = arith.addi %add3A_683, %scan3A_638 : i32
      %get3A_685 = arith.index_cast %add3A_684 : i32 to index
      %get3A_686 = arith.constant 32 : index
      %get3A_687 = tpu.vector_load %arg6[%get3A_685, %get3A_686] {strides = array<i32>} : memref<200x128xf32, #tpu.memory_space<vmem>>, vector<1x16xf32>,
      %get3A_688 = vector.shape_cast %get3A_687 : vector<1x16xf32> to vector<16xf32>
      %add3A_689 = arith.addf %get3A_682, %get3A_688 : vector<16xf32>
      %swap3A_690 = arith.constant 4 : i32
      %swap3A_691 = arith.index_cast %swap3A_690 : i32 to index
      %swap3A_692 = arith.index_cast %scan3A_638 : i32 to index
      %swap3A_693 = arith.constant 32 : index
      %swap3A_694 = tpu.vector_load %arg8[%swap3A_691, %swap3A_692, %swap3A_693] {strides = array<i32>} : memref<6x104x128xf32, #tpu.memory_space<vmem>>, vector<1x1x16xf32>,
      %swap3A_695 = vector.shape_cast %swap3A_694 : vector<1x1x16xf32> to vector<16xf32>
      %swap3A_696 = vector.shape_cast %add3A_689 : vector<16xf32> to vector<1x1x16xf32>
      tpu.vector_store %arg8[%swap3A_691, %swap3A_692, %swap3A_693], %swap3A_696 {strides = array<i32>} : memref<6x104x128xf32, #tpu.memory_space<vmem>>, vector<1x1x16xf32>,
      %get3A_697 = arith.constant 4 : i32
      %get3A_698 = arith.index_cast %get3A_697 : i32 to index
      %get3A_699 = arith.index_cast %scan3A_638 : i32 to index
      %get3A_700 = arith.constant 48 : index
      %get3A_701 = tpu.vector_load %arg8[%get3A_698, %get3A_699, %get3A_700] {strides = array<i32>} : memref<6x104x128xf32, #tpu.memory_space<vmem>>, vector<1x1x16xf32>,
      %get3A_702 = vector.shape_cast %get3A_701 : vector<1x1x16xf32> to vector<16xf32>
      %add3A_703 = arith.constant 0 : i32
      %add3A_704 = arith.addi %add3A_703, %scan3A_638 : i32
      %get3A_705 = arith.index_cast %add3A_704 : i32 to index
      %get3A_706 = arith.constant 48 : index
      %get3A_707 = tpu.vector_load %arg6[%get3A_705, %get3A_706] {strides = array<i32>} : memref<200x128xf32, #tpu.memory_space<vmem>>, vector<1x16xf32>,
      %get3A_708 = vector.shape_cast %get3A_707 : vector<1x16xf32> to vector<16xf32>
      %add3A_709 = arith.addf %get3A_702, %get3A_708 : vector<16xf32>
      %swap3A_710 = arith.constant 4 : i32
      %swap3A_711 = arith.index_cast %swap3A_710 : i32 to index
      %swap3A_712 = arith.index_cast %scan3A_638 : i32 to index
      %swap3A_713 = arith.constant 48 : index
      %swap3A_714 = tpu.vector_load %arg8[%swap3A_711, %swap3A_712, %swap3A_713] {strides = array<i32>} : memref<6x104x128xf32, #tpu.memory_space<vmem>>, vector<1x1x16xf32>,
      %swap3A_715 = vector.shape_cast %swap3A_714 : vector<1x1x16xf32> to vector<16xf32>
      %swap3A_716 = vector.shape_cast %add3A_709 : vector<16xf32> to vector<1x1x16xf32>
      tpu.vector_store %arg8[%swap3A_711, %swap3A_712, %swap3A_713], %swap3A_716 {strides = array<i32>} : memref<6x104x128xf32, #tpu.memory_space<vmem>>, vector<1x1x16xf32>,
      %get3A_717 = arith.constant 4 : i32
      %get3A_718 = arith.index_cast %get3A_717 : i32 to index
      %get3A_719 = arith.index_cast %scan3A_638 : i32 to index
      %get3A_720 = arith.constant 64 : index
      %get3A_721 = tpu.vector_load %arg8[%get3A_718, %get3A_719, %get3A_720] {strides = array<i32>} : memref<6x104x128xf32, #tpu.memory_space<vmem>>, vector<1x1x16xf32>,
      %get3A_722 = vector.shape_cast %get3A_721 : vector<1x1x16xf32> to vector<16xf32>
      %add3A_723 = arith.constant 0 : i32
      %add3A_724 = arith.addi %add3A_723, %scan3A_638 : i32
      %get3A_725 = arith.index_cast %add3A_724 : i32 to index
      %get3A_726 = arith.constant 64 : index
      %get3A_727 = tpu.vector_load %arg6[%get3A_725, %get3A_726] {strides = array<i32>} : memref<200x128xf32, #tpu.memory_space<vmem>>, vector<1x16xf32>,
      %get3A_728 = vector.shape_cast %get3A_727 : vector<1x16xf32> to vector<16xf32>
      %add3A_729 = arith.addf %get3A_722, %get3A_728 : vector<16xf32>
      %swap3A_730 = arith.constant 4 : i32
      %swap3A_731 = arith.index_cast %swap3A_730 : i32 to index
      %swap3A_732 = arith.index_cast %scan3A_638 : i32 to index
      %swap3A_733 = arith.constant 64 : index
      %swap3A_734 = tpu.vector_load %arg8[%swap3A_731, %swap3A_732, %swap3A_733] {strides = array<i32>} : memref<6x104x128xf32, #tpu.memory_space<vmem>>, vector<1x1x16xf32>,
      %swap3A_735 = vector.shape_cast %swap3A_734 : vector<1x1x16xf32> to vector<16xf32>
      %swap3A_736 = vector.shape_cast %add3A_729 : vector<16xf32> to vector<1x1x16xf32>
      tpu.vector_store %arg8[%swap3A_731, %swap3A_732, %swap3A_733], %swap3A_736 {strides = array<i32>} : memref<6x104x128xf32, #tpu.memory_space<vmem>>, vector<1x1x16xf32>,
      %get3A_737 = arith.constant 4 : i32
      %get3A_738 = arith.index_cast %get3A_737 : i32 to index
      %get3A_739 = arith.index_cast %scan3A_638 : i32 to index
      %get3A_740 = arith.constant 80 : index
      %get3A_741 = tpu.vector_load %arg8[%get3A_738, %get3A_739, %get3A_740] {strides = array<i32>} : memref<6x104x128xf32, #tpu.memory_space<vmem>>, vector<1x1x16xf32>,
      %get3A_742 = vector.shape_cast %get3A_741 : vector<1x1x16xf32> to vector<16xf32>
      %add3A_743 = arith.constant 0 : i32
      %add3A_744 = arith.addi %add3A_743, %scan3A_638 : i32
      %get3A_745 = arith.index_cast %add3A_744 : i32 to index
      %get3A_746 = arith.constant 80 : index
      %get3A_747 = tpu.vector_load %arg6[%get3A_745, %get3A_746] {strides = array<i32>} : memref<200x128xf32, #tpu.memory_space<vmem>>, vector<1x16xf32>,
      %get3A_748 = vector.shape_cast %get3A_747 : vector<1x16xf32> to vector<16xf32>
      %add3A_749 = arith.addf %get3A_742, %get3A_748 : vector<16xf32>
      %swap3A_750 = arith.constant 4 : i32
      %swap3A_751 = arith.index_cast %swap3A_750 : i32 to index
      %swap3A_752 = arith.index_cast %scan3A_638 : i32 to index
      %swap3A_753 = arith.constant 80 : index
      %swap3A_754 = tpu.vector_load %arg8[%swap3A_751, %swap3A_752, %swap3A_753] {strides = array<i32>} : memref<6x104x128xf32, #tpu.memory_space<vmem>>, vector<1x1x16xf32>,
      %swap3A_755 = vector.shape_cast %swap3A_754 : vector<1x1x16xf32> to vector<16xf32>
      %swap3A_756 = vector.shape_cast %add3A_749 : vector<16xf32> to vector<1x1x16xf32>
      tpu.vector_store %arg8[%swap3A_751, %swap3A_752, %swap3A_753], %swap3A_756 {strides = array<i32>} : memref<6x104x128xf32, #tpu.memory_space<vmem>>, vector<1x1x16xf32>,
      %get3A_757 = arith.constant 4 : i32
      %get3A_758 = arith.index_cast %get3A_757 : i32 to index
      %get3A_759 = arith.index_cast %scan3A_638 : i32 to index
      %get3A_760 = arith.constant 96 : index
      %get3A_761 = tpu.vector_load %arg8[%get3A_758, %get3A_759, %get3A_760] {strides = array<i32>} : memref<6x104x128xf32, #tpu.memory_space<vmem>>, vector<1x1x16xf32>,
      %get3A_762 = vector.shape_cast %get3A_761 : vector<1x1x16xf32> to vector<16xf32>
      %add3A_763 = arith.constant 0 : i32
      %add3A_764 = arith.addi %add3A_763, %scan3A_638 : i32
      %get3A_765 = arith.index_cast %add3A_764 : i32 to index
      %get3A_766 = arith.constant 96 : index
      %get3A_767 = tpu.vector_load %arg6[%get3A_765, %get3A_766] {strides = array<i32>} : memref<200x128xf32, #tpu.memory_space<vmem>>, vector<1x16xf32>,
      %get3A_768 = vector.shape_cast %get3A_767 : vector<1x16xf32> to vector<16xf32>
      %add3A_769 = arith.addf %get3A_762, %get3A_768 : vector<16xf32>
      %swap3A_770 = arith.constant 4 : i32
      %swap3A_771 = arith.index_cast %swap3A_770 : i32 to index
      %swap3A_772 = arith.index_cast %scan3A_638 : i32 to index
      %swap3A_773 = arith.constant 96 : index
      %swap3A_774 = tpu.vector_load %arg8[%swap3A_771, %swap3A_772, %swap3A_773] {strides = array<i32>} : memref<6x104x128xf32, #tpu.memory_space<vmem>>, vector<1x1x16xf32>,
      %swap3A_775 = vector.shape_cast %swap3A_774 : vector<1x1x16xf32> to vector<16xf32>
      %swap3A_776 = vector.shape_cast %add3A_769 : vector<16xf32> to vector<1x1x16xf32>
      tpu.vector_store %arg8[%swap3A_771, %swap3A_772, %swap3A_773], %swap3A_776 {strides = array<i32>} : memref<6x104x128xf32, #tpu.memory_space<vmem>>, vector<1x1x16xf32>,
      %get3A_777 = arith.constant 4 : i32
      %get3A_778 = arith.index_cast %get3A_777 : i32 to index
      %get3A_779 = arith.index_cast %scan3A_638 : i32 to index
      %get3A_780 = arith.constant 112 : index
      %get3A_781 = tpu.vector_load %arg8[%get3A_778, %get3A_779, %get3A_780] {strides = array<i32>} : memref<6x104x128xf32, #tpu.memory_space<vmem>>, vector<1x1x16xf32>,
      %get3A_782 = vector.shape_cast %get3A_781 : vector<1x1x16xf32> to vector<16xf32>
      %add3A_783 = arith.constant 0 : i32
      %add3A_784 = arith.addi %add3A_783, %scan3A_638 : i32
      %get3A_785 = arith.index_cast %add3A_784 : i32 to index
      %get3A_786 = arith.constant 112 : index
      %get3A_787 = tpu.vector_load %arg6[%get3A_785, %get3A_786] {strides = array<i32>} : memref<200x128xf32, #tpu.memory_space<vmem>>, vector<1x16xf32>,
      %get3A_788 = vector.shape_cast %get3A_787 : vector<1x16xf32> to vector<16xf32>
      %add3A_789 = arith.addf %get3A_782, %get3A_788 : vector<16xf32>
      %swap3A_790 = arith.constant 4 : i32
      %swap3A_791 = arith.index_cast %swap3A_790 : i32 to index
      %swap3A_792 = arith.index_cast %scan3A_638 : i32 to index
      %swap3A_793 = arith.constant 112 : index
      %swap3A_794 = tpu.vector_load %arg8[%swap3A_791, %swap3A_792, %swap3A_793] {strides = array<i32>} : memref<6x104x128xf32, #tpu.memory_space<vmem>>, vector<1x1x16xf32>,
      %swap3A_795 = vector.shape_cast %swap3A_794 : vector<1x1x16xf32> to vector<16xf32>
      %swap3A_796 = vector.shape_cast %add3A_789 : vector<16xf32> to vector<1x1x16xf32>
      tpu.vector_store %arg8[%swap3A_791, %swap3A_792, %swap3A_793], %swap3A_796 {strides = array<i32>} : memref<6x104x128xf32, #tpu.memory_space<vmem>>, vector<1x1x16xf32>,
    }
    %scan3A_307 = arith.constant 104 : i32
    %add3A_308 = arith.constant 29 : i32
    %add3A_309 = arith.addi %mul3A_2, %add3A_308 : i32
    %dma_start3A_310 = arith.constant 4 : i32
    %dma_start3A_311 = arith.constant 0 : i32
    %dma_start3A_312 = arith.constant 0 : i32
    %dma_start3A_313 = tpu.memref_slice %arg8[%dma_start3A_310, %dma_start3A_311, %dma_start3A_312] : memref<6x104x128xf32, #tpu.memory_space<vmem>> -> memref<1x104x128xf32, #tpu.memory_space<vmem>>
    %dma_start3A_314 = tpu.memref_squeeze %dma_start3A_313 : memref<1x104x128xf32, #tpu.memory_space<vmem>> -> memref<104x128xf32, #tpu.memory_space<vmem>>
    %dma_start3A_315 = arith.constant 0 : i32
    %dma_start3A_316 = arith.constant 0 : i32
    %dma_start3A_317 = tpu.memref_slice %arg5[%add3A_309, %dma_start3A_315, %dma_start3A_316] : memref<1024x200x128xf32, #tpu.memory_space<hbm>> -> memref<1x104x128xf32, #tpu.memory_space<hbm>>
    %dma_start3A_318 = tpu.memref_squeeze %dma_start3A_317 : memref<1x104x128xf32, #tpu.memory_space<hbm>> -> memref<104x128xf32, #tpu.memory_space<hbm>>
    %dma_start3A_319 = arith.constant 0 : i32
    %dma_start3A_320 = arith.constant 0 : i32
    %dma_start3A_321 = tpu.memref_slice %arg5[%add3A_309, %dma_start3A_319, %dma_start3A_320] : memref<1024x200x128xf32, #tpu.memory_space<hbm>> -> memref<1x104x128xf32, #tpu.memory_space<hbm>>
    %dma_start3A_322 = tpu.memref_squeeze %dma_start3A_321 : memref<1x104x128xf32, #tpu.memory_space<hbm>> -> memref<104x128xf32, #tpu.memory_space<hbm>>
    %dma_start3A_323 = arith.constant 0 : i32
    %dma_start3A_324 = arith.constant 0 : i32
    %dma_start3A_325 = tpu.memref_slice %arg8[%dma_start3A_310, %dma_start3A_323, %dma_start3A_324] : memref<6x104x128xf32, #tpu.memory_space<vmem>> -> memref<1x104x128xf32, #tpu.memory_space<vmem>>
    %dma_start3A_326 = tpu.memref_squeeze %dma_start3A_325 : memref<1x104x128xf32, #tpu.memory_space<vmem>> -> memref<104x128xf32, #tpu.memory_space<vmem>>
    tpu.enqueue_dma source(%dma_start3A_326 : memref<104x128xf32, #tpu.memory_space<vmem>>) target(%dma_start3A_322 : memref<104x128xf32, #tpu.memory_space<hbm>>) target_semaphore(%arg19 : memref<!tpu.dma_semaphore, #tpu.memory_space<semaphore_mem>>)
    %dma_wait3A_327 = arith.constant 3 : i32
    %dma_wait3A_328 = arith.constant 0 : i32
    %dma_wait3A_329 = arith.constant 0 : i32
    %dma_wait3A_330 = arith.constant 0 : i32
    %dma_wait3A_331 = tpu.memref_slice %arg8[%dma_wait3A_327, %dma_wait3A_329, %dma_wait3A_330] : memref<6x104x128xf32, #tpu.memory_space<vmem>> -> memref<1x96x128xf32, #tpu.memory_space<vmem>>
    %dma_wait3A_332 = tpu.memref_squeeze %dma_wait3A_331 : memref<1x96x128xf32, #tpu.memory_space<vmem>> -> memref<96x128xf32, #tpu.memory_space<vmem>>
    %dma_wait3A_333 = arith.constant 0 : i32
    %dma_wait3A_334 = arith.constant 0 : i32
    %dma_wait3A_335 = tpu.memref_slice %arg5[%dma_wait3A_328, %dma_wait3A_333, %dma_wait3A_334] : memref<1024x200x128xf32, #tpu.memory_space<hbm>> -> memref<1x96x128xf32, #tpu.memory_space<hbm>>
    %dma_wait3A_336 = tpu.memref_squeeze %dma_wait3A_335 : memref<1x96x128xf32, #tpu.memory_space<hbm>> -> memref<96x128xf32, #tpu.memory_space<hbm>>
    %dma_wait3A_337 = arith.constant 0 : i32
    %dma_wait3A_338 = arith.constant 0 : i32
    %dma_wait3A_339 = tpu.memref_slice %arg5[%dma_wait3A_328, %dma_wait3A_337, %dma_wait3A_338] : memref<1024x200x128xf32, #tpu.memory_space<hbm>> -> memref<1x96x128xf32, #tpu.memory_space<hbm>>
    %dma_wait3A_340 = tpu.memref_squeeze %dma_wait3A_339 : memref<1x96x128xf32, #tpu.memory_space<hbm>> -> memref<96x128xf32, #tpu.memory_space<hbm>>
    %dma_wait3A_341 = arith.constant 0 : i32
    %dma_wait3A_342 = arith.constant 0 : i32
    %dma_wait3A_343 = tpu.memref_slice %arg8[%dma_wait3A_327, %dma_wait3A_341, %dma_wait3A_342] : memref<6x104x128xf32, #tpu.memory_space<vmem>> -> memref<1x96x128xf32, #tpu.memory_space<vmem>>
    %dma_wait3A_344 = tpu.memref_squeeze %dma_wait3A_343 : memref<1x96x128xf32, #tpu.memory_space<vmem>> -> memref<96x128xf32, #tpu.memory_space<vmem>>
    tpu.wait_dma2 semaphore(%arg18 : memref<!tpu.dma_semaphore, #tpu.memory_space<semaphore_mem>>) src(%dma_wait3A_344 : memref<96x128xf32, #tpu.memory_space<vmem>>) dst(%dma_wait3A_340 : memref<96x128xf32, #tpu.memory_space<hbm>>)
    %dma_start3A_345 = arith.constant 3 : i32
    %dma_start3A_346 = arith.constant 0 : i32
    %dma_start3A_347 = arith.constant 0 : i32
    %dma_start3A_348 = tpu.memref_slice %arg8[%dma_start3A_345, %dma_start3A_346, %dma_start3A_347] : memref<6x104x128xf32, #tpu.memory_space<vmem>> -> memref<1x96x128xf32, #tpu.memory_space<vmem>>
    %dma_start3A_349 = tpu.memref_squeeze %dma_start3A_348 : memref<1x96x128xf32, #tpu.memory_space<vmem>> -> memref<96x128xf32, #tpu.memory_space<vmem>>
    %dma_start3A_350 = arith.constant 6304 : i32
    %dma_start3A_351 = tpu.memref_slice %arg7[%dma_start3A_350] : memref<6400xi32, #tpu.memory_space<vmem>> -> memref<96xi32, #tpu.memory_space<vmem>>
    %dma_start3A_352 = arith.constant 0 : i32
    %dma_start3A_353 = arith.constant 0 : i32
    %dma_start3A_354 = tpu.memref_slice %arg3[%dma_start3A_352, %dma_start3A_353] : memref<100000x128xf32, #tpu.memory_space<hbm>> -> memref<100000x128xf32, #tpu.memory_space<hbm>>
    tpu.enqueue_indirect_dma source(%dma_start3A_354 : memref<100000x128xf32, #tpu.memory_space<hbm>>) target(%dma_start3A_349 : memref<96x128xf32, #tpu.memory_space<vmem>>) offsets(%dma_start3A_351 : memref<96xi32, #tpu.memory_space<vmem>>) semaphore(%arg12 : memref<!tpu.dma_semaphore, #tpu.memory_space<semaphore_mem>>)
    %dma_wait3A_355 = arith.constant 5 : i32
    %dma_wait3A_356 = arith.constant 0 : i32
    %dma_wait3A_357 = arith.constant 0 : i32
    %dma_wait3A_358 = tpu.memref_slice %arg8[%dma_wait3A_355, %dma_wait3A_356, %dma_wait3A_357] : memref<6x104x128xf32, #tpu.memory_space<vmem>> -> memref<1x96x128xf32, #tpu.memory_space<vmem>>
    %dma_wait3A_359 = tpu.memref_squeeze %dma_wait3A_358 : memref<1x96x128xf32, #tpu.memory_space<vmem>> -> memref<96x128xf32, #tpu.memory_space<vmem>>
    %dma_wait3A_360 = arith.constant 5904 : i32
    %dma_wait3A_361 = tpu.memref_slice %arg7[%dma_wait3A_360] : memref<6400xi32, #tpu.memory_space<vmem>> -> memref<96xi32, #tpu.memory_space<vmem>>
    %dma_wait3A_362 = arith.constant 0 : i32
    %dma_wait3A_363 = arith.constant 0 : i32
    %dma_wait3A_364 = tpu.memref_slice %arg3[%dma_wait3A_362, %dma_wait3A_363] : memref<100000x128xf32, #tpu.memory_space<hbm>> -> memref<100000x128xf32, #tpu.memory_space<hbm>>
    tpu.wait_indirect_dma semaphore(%arg14 : memref<!tpu.dma_semaphore, #tpu.memory_space<semaphore_mem>>) src(%dma_wait3A_364 : memref<100000x128xf32, #tpu.memory_space<hbm>>) dst(%dma_wait3A_359 : memref<96x128xf32, #tpu.memory_space<vmem>>)
    %scan3A_365 = arith.constant 0 : i32
    %scan3A_366 = arith.constant 0 : i32
    %scan3A_367 = arith.constant 96 : i32
    %scan3A_368 = arith.addi %scan3A_366, %scan3A_367 : i32
    %scan3A_369 = arith.constant 1 : i32
    scf.for %scan3A_638 = %scan3A_366 to %scan3A_368 step %scan3A_369  : i32 {
      %get3A = arith.constant 5 : i32
      %get3A_639 = arith.index_cast %get3A : i32 to index
      %get3A_640 = arith.index_cast %scan3A_638 : i32 to index
      %get3A_641 = arith.constant 0 : index
      %get3A_642 = tpu.vector_load %arg8[%get3A_639, %get3A_640, %get3A_641] {strides = array<i32>} : memref<6x104x128xf32, #tpu.memory_space<vmem>>, vector<1x1x16xf32>,
      %get3A_643 = vector.shape_cast %get3A_642 : vector<1x1x16xf32> to vector<16xf32>
      %add3A_644 = arith.constant 104 : i32
      %add3A_645 = arith.addi %add3A_644, %scan3A_638 : i32
      %get3A_646 = arith.index_cast %add3A_645 : i32 to index
      %get3A_647 = arith.constant 0 : index
      %get3A_648 = tpu.vector_load %arg6[%get3A_646, %get3A_647] {strides = array<i32>} : memref<200x128xf32, #tpu.memory_space<vmem>>, vector<1x16xf32>,
      %get3A_649 = vector.shape_cast %get3A_648 : vector<1x16xf32> to vector<16xf32>
      %add3A_650 = arith.addf %get3A_643, %get3A_649 : vector<16xf32>
      %swap3A = arith.constant 5 : i32
      %swap3A_651 = arith.index_cast %swap3A : i32 to index
      %swap3A_652 = arith.index_cast %scan3A_638 : i32 to index
      %swap3A_653 = arith.constant 0 : index
      %swap3A_654 = tpu.vector_load %arg8[%swap3A_651, %swap3A_652, %swap3A_653] {strides = array<i32>} : memref<6x104x128xf32, #tpu.memory_space<vmem>>, vector<1x1x16xf32>,
      %swap3A_655 = vector.shape_cast %swap3A_654 : vector<1x1x16xf32> to vector<16xf32>
      %swap3A_656 = vector.shape_cast %add3A_650 : vector<16xf32> to vector<1x1x16xf32>
      tpu.vector_store %arg8[%swap3A_651, %swap3A_652, %swap3A_653], %swap3A_656 {strides = array<i32>} : memref<6x104x128xf32, #tpu.memory_space<vmem>>, vector<1x1x16xf32>,
      %get3A_657 = arith.constant 5 : i32
      %get3A_658 = arith.index_cast %get3A_657 : i32 to index
      %get3A_659 = arith.index_cast %scan3A_638 : i32 to index
      %get3A_660 = arith.constant 16 : index
      %get3A_661 = tpu.vector_load %arg8[%get3A_658, %get3A_659, %get3A_660] {strides = array<i32>} : memref<6x104x128xf32, #tpu.memory_space<vmem>>, vector<1x1x16xf32>,
      %get3A_662 = vector.shape_cast %get3A_661 : vector<1x1x16xf32> to vector<16xf32>
      %add3A_663 = arith.constant 104 : i32
      %add3A_664 = arith.addi %add3A_663, %scan3A_638 : i32
      %get3A_665 = arith.index_cast %add3A_664 : i32 to index
      %get3A_666 = arith.constant 16 : index
      %get3A_667 = tpu.vector_load %arg6[%get3A_665, %get3A_666] {strides = array<i32>} : memref<200x128xf32, #tpu.memory_space<vmem>>, vector<1x16xf32>,
      %get3A_668 = vector.shape_cast %get3A_667 : vector<1x16xf32> to vector<16xf32>
      %add3A_669 = arith.addf %get3A_662, %get3A_668 : vector<16xf32>
      %swap3A_670 = arith.constant 5 : i32
      %swap3A_671 = arith.index_cast %swap3A_670 : i32 to index
      %swap3A_672 = arith.index_cast %scan3A_638 : i32 to index
      %swap3A_673 = arith.constant 16 : index
      %swap3A_674 = tpu.vector_load %arg8[%swap3A_671, %swap3A_672, %swap3A_673] {strides = array<i32>} : memref<6x104x128xf32, #tpu.memory_space<vmem>>, vector<1x1x16xf32>,
      %swap3A_675 = vector.shape_cast %swap3A_674 : vector<1x1x16xf32> to vector<16xf32>
      %swap3A_676 = vector.shape_cast %add3A_669 : vector<16xf32> to vector<1x1x16xf32>
      tpu.vector_store %arg8[%swap3A_671, %swap3A_672, %swap3A_673], %swap3A_676 {strides = array<i32>} : memref<6x104x128xf32, #tpu.memory_space<vmem>>, vector<1x1x16xf32>,
      %get3A_677 = arith.constant 5 : i32
      %get3A_678 = arith.index_cast %get3A_677 : i32 to index
      %get3A_679 = arith.index_cast %scan3A_638 : i32 to index
      %get3A_680 = arith.constant 32 : index
      %get3A_681 = tpu.vector_load %arg8[%get3A_678, %get3A_679, %get3A_680] {strides = array<i32>} : memref<6x104x128xf32, #tpu.memory_space<vmem>>, vector<1x1x16xf32>,
      %get3A_682 = vector.shape_cast %get3A_681 : vector<1x1x16xf32> to vector<16xf32>
      %add3A_683 = arith.constant 104 : i32
      %add3A_684 = arith.addi %add3A_683, %scan3A_638 : i32
      %get3A_685 = arith.index_cast %add3A_684 : i32 to index
      %get3A_686 = arith.constant 32 : index
      %get3A_687 = tpu.vector_load %arg6[%get3A_685, %get3A_686] {strides = array<i32>} : memref<200x128xf32, #tpu.memory_space<vmem>>, vector<1x16xf32>,
      %get3A_688 = vector.shape_cast %get3A_687 : vector<1x16xf32> to vector<16xf32>
      %add3A_689 = arith.addf %get3A_682, %get3A_688 : vector<16xf32>
      %swap3A_690 = arith.constant 5 : i32
      %swap3A_691 = arith.index_cast %swap3A_690 : i32 to index
      %swap3A_692 = arith.index_cast %scan3A_638 : i32 to index
      %swap3A_693 = arith.constant 32 : index
      %swap3A_694 = tpu.vector_load %arg8[%swap3A_691, %swap3A_692, %swap3A_693] {strides = array<i32>} : memref<6x104x128xf32, #tpu.memory_space<vmem>>, vector<1x1x16xf32>,
      %swap3A_695 = vector.shape_cast %swap3A_694 : vector<1x1x16xf32> to vector<16xf32>
      %swap3A_696 = vector.shape_cast %add3A_689 : vector<16xf32> to vector<1x1x16xf32>
      tpu.vector_store %arg8[%swap3A_691, %swap3A_692, %swap3A_693], %swap3A_696 {strides = array<i32>} : memref<6x104x128xf32, #tpu.memory_space<vmem>>, vector<1x1x16xf32>,
      %get3A_697 = arith.constant 5 : i32
      %get3A_698 = arith.index_cast %get3A_697 : i32 to index
      %get3A_699 = arith.index_cast %scan3A_638 : i32 to index
      %get3A_700 = arith.constant 48 : index
      %get3A_701 = tpu.vector_load %arg8[%get3A_698, %get3A_699, %get3A_700] {strides = array<i32>} : memref<6x104x128xf32, #tpu.memory_space<vmem>>, vector<1x1x16xf32>,
      %get3A_702 = vector.shape_cast %get3A_701 : vector<1x1x16xf32> to vector<16xf32>
      %add3A_703 = arith.constant 104 : i32
      %add3A_704 = arith.addi %add3A_703, %scan3A_638 : i32
      %get3A_705 = arith.index_cast %add3A_704 : i32 to index
      %get3A_706 = arith.constant 48 : index
      %get3A_707 = tpu.vector_load %arg6[%get3A_705, %get3A_706] {strides = array<i32>} : memref<200x128xf32, #tpu.memory_space<vmem>>, vector<1x16xf32>,
      %get3A_708 = vector.shape_cast %get3A_707 : vector<1x16xf32> to vector<16xf32>
      %add3A_709 = arith.addf %get3A_702, %get3A_708 : vector<16xf32>
      %swap3A_710 = arith.constant 5 : i32
      %swap3A_711 = arith.index_cast %swap3A_710 : i32 to index
      %swap3A_712 = arith.index_cast %scan3A_638 : i32 to index
      %swap3A_713 = arith.constant 48 : index
      %swap3A_714 = tpu.vector_load %arg8[%swap3A_711, %swap3A_712, %swap3A_713] {strides = array<i32>} : memref<6x104x128xf32, #tpu.memory_space<vmem>>, vector<1x1x16xf32>,
      %swap3A_715 = vector.shape_cast %swap3A_714 : vector<1x1x16xf32> to vector<16xf32>
      %swap3A_716 = vector.shape_cast %add3A_709 : vector<16xf32> to vector<1x1x16xf32>
      tpu.vector_store %arg8[%swap3A_711, %swap3A_712, %swap3A_713], %swap3A_716 {strides = array<i32>} : memref<6x104x128xf32, #tpu.memory_space<vmem>>, vector<1x1x16xf32>,
      %get3A_717 = arith.constant 5 : i32
      %get3A_718 = arith.index_cast %get3A_717 : i32 to index
      %get3A_719 = arith.index_cast %scan3A_638 : i32 to index
      %get3A_720 = arith.constant 64 : index
      %get3A_721 = tpu.vector_load %arg8[%get3A_718, %get3A_719, %get3A_720] {strides = array<i32>} : memref<6x104x128xf32, #tpu.memory_space<vmem>>, vector<1x1x16xf32>,
      %get3A_722 = vector.shape_cast %get3A_721 : vector<1x1x16xf32> to vector<16xf32>
      %add3A_723 = arith.constant 104 : i32
      %add3A_724 = arith.addi %add3A_723, %scan3A_638 : i32
      %get3A_725 = arith.index_cast %add3A_724 : i32 to index
      %get3A_726 = arith.constant 64 : index
      %get3A_727 = tpu.vector_load %arg6[%get3A_725, %get3A_726] {strides = array<i32>} : memref<200x128xf32, #tpu.memory_space<vmem>>, vector<1x16xf32>,
      %get3A_728 = vector.shape_cast %get3A_727 : vector<1x16xf32> to vector<16xf32>
      %add3A_729 = arith.addf %get3A_722, %get3A_728 : vector<16xf32>
      %swap3A_730 = arith.constant 5 : i32
      %swap3A_731 = arith.index_cast %swap3A_730 : i32 to index
      %swap3A_732 = arith.index_cast %scan3A_638 : i32 to index
      %swap3A_733 = arith.constant 64 : index
      %swap3A_734 = tpu.vector_load %arg8[%swap3A_731, %swap3A_732, %swap3A_733] {strides = array<i32>} : memref<6x104x128xf32, #tpu.memory_space<vmem>>, vector<1x1x16xf32>,
      %swap3A_735 = vector.shape_cast %swap3A_734 : vector<1x1x16xf32> to vector<16xf32>
      %swap3A_736 = vector.shape_cast %add3A_729 : vector<16xf32> to vector<1x1x16xf32>
      tpu.vector_store %arg8[%swap3A_731, %swap3A_732, %swap3A_733], %swap3A_736 {strides = array<i32>} : memref<6x104x128xf32, #tpu.memory_space<vmem>>, vector<1x1x16xf32>,
      %get3A_737 = arith.constant 5 : i32
      %get3A_738 = arith.index_cast %get3A_737 : i32 to index
      %get3A_739 = arith.index_cast %scan3A_638 : i32 to index
      %get3A_740 = arith.constant 80 : index
      %get3A_741 = tpu.vector_load %arg8[%get3A_738, %get3A_739, %get3A_740] {strides = array<i32>} : memref<6x104x128xf32, #tpu.memory_space<vmem>>, vector<1x1x16xf32>,
      %get3A_742 = vector.shape_cast %get3A_741 : vector<1x1x16xf32> to vector<16xf32>
      %add3A_743 = arith.constant 104 : i32
      %add3A_744 = arith.addi %add3A_743, %scan3A_638 : i32
      %get3A_745 = arith.index_cast %add3A_744 : i32 to index
      %get3A_746 = arith.constant 80 : index
      %get3A_747 = tpu.vector_load %arg6[%get3A_745, %get3A_746] {strides = array<i32>} : memref<200x128xf32, #tpu.memory_space<vmem>>, vector<1x16xf32>,
      %get3A_748 = vector.shape_cast %get3A_747 : vector<1x16xf32> to vector<16xf32>
      %add3A_749 = arith.addf %get3A_742, %get3A_748 : vector<16xf32>
      %swap3A_750 = arith.constant 5 : i32
      %swap3A_751 = arith.index_cast %swap3A_750 : i32 to index
      %swap3A_752 = arith.index_cast %scan3A_638 : i32 to index
      %swap3A_753 = arith.constant 80 : index
      %swap3A_754 = tpu.vector_load %arg8[%swap3A_751, %swap3A_752, %swap3A_753] {strides = array<i32>} : memref<6x104x128xf32, #tpu.memory_space<vmem>>, vector<1x1x16xf32>,
      %swap3A_755 = vector.shape_cast %swap3A_754 : vector<1x1x16xf32> to vector<16xf32>
      %swap3A_756 = vector.shape_cast %add3A_749 : vector<16xf32> to vector<1x1x16xf32>
      tpu.vector_store %arg8[%swap3A_751, %swap3A_752, %swap3A_753], %swap3A_756 {strides = array<i32>} : memref<6x104x128xf32, #tpu.memory_space<vmem>>, vector<1x1x16xf32>,
      %get3A_757 = arith.constant 5 : i32
      %get3A_758 = arith.index_cast %get3A_757 : i32 to index
      %get3A_759 = arith.index_cast %scan3A_638 : i32 to index
      %get3A_760 = arith.constant 96 : index
      %get3A_761 = tpu.vector_load %arg8[%get3A_758, %get3A_759, %get3A_760] {strides = array<i32>} : memref<6x104x128xf32, #tpu.memory_space<vmem>>, vector<1x1x16xf32>,
      %get3A_762 = vector.shape_cast %get3A_761 : vector<1x1x16xf32> to vector<16xf32>
      %add3A_763 = arith.constant 104 : i32
      %add3A_764 = arith.addi %add3A_763, %scan3A_638 : i32
      %get3A_765 = arith.index_cast %add3A_764 : i32 to index
      %get3A_766 = arith.constant 96 : index
      %get3A_767 = tpu.vector_load %arg6[%get3A_765, %get3A_766] {strides = array<i32>} : memref<200x128xf32, #tpu.memory_space<vmem>>, vector<1x16xf32>,
      %get3A_768 = vector.shape_cast %get3A_767 : vector<1x16xf32> to vector<16xf32>
      %add3A_769 = arith.addf %get3A_762, %get3A_768 : vector<16xf32>
      %swap3A_770 = arith.constant 5 : i32
      %swap3A_771 = arith.index_cast %swap3A_770 : i32 to index
      %swap3A_772 = arith.index_cast %scan3A_638 : i32 to index
      %swap3A_773 = arith.constant 96 : index
      %swap3A_774 = tpu.vector_load %arg8[%swap3A_771, %swap3A_772, %swap3A_773] {strides = array<i32>} : memref<6x104x128xf32, #tpu.memory_space<vmem>>, vector<1x1x16xf32>,
      %swap3A_775 = vector.shape_cast %swap3A_774 : vector<1x1x16xf32> to vector<16xf32>
      %swap3A_776 = vector.shape_cast %add3A_769 : vector<16xf32> to vector<1x1x16xf32>
      tpu.vector_store %arg8[%swap3A_771, %swap3A_772, %swap3A_773], %swap3A_776 {strides = array<i32>} : memref<6x104x128xf32, #tpu.memory_space<vmem>>, vector<1x1x16xf32>,
      %get3A_777 = arith.constant 5 : i32
      %get3A_778 = arith.index_cast %get3A_777 : i32 to index
      %get3A_779 = arith.index_cast %scan3A_638 : i32 to index
      %get3A_780 = arith.constant 112 : index
      %get3A_781 = tpu.vector_load %arg8[%get3A_778, %get3A_779, %get3A_780] {strides = array<i32>} : memref<6x104x128xf32, #tpu.memory_space<vmem>>, vector<1x1x16xf32>,
      %get3A_782 = vector.shape_cast %get3A_781 : vector<1x1x16xf32> to vector<16xf32>
      %add3A_783 = arith.constant 104 : i32
      %add3A_784 = arith.addi %add3A_783, %scan3A_638 : i32
      %get3A_785 = arith.index_cast %add3A_784 : i32 to index
      %get3A_786 = arith.constant 112 : index
      %get3A_787 = tpu.vector_load %arg6[%get3A_785, %get3A_786] {strides = array<i32>} : memref<200x128xf32, #tpu.memory_space<vmem>>, vector<1x16xf32>,
      %get3A_788 = vector.shape_cast %get3A_787 : vector<1x16xf32> to vector<16xf32>
      %add3A_789 = arith.addf %get3A_782, %get3A_788 : vector<16xf32>
      %swap3A_790 = arith.constant 5 : i32
      %swap3A_791 = arith.index_cast %swap3A_790 : i32 to index
      %swap3A_792 = arith.index_cast %scan3A_638 : i32 to index
      %swap3A_793 = arith.constant 112 : index
      %swap3A_794 = tpu.vector_load %arg8[%swap3A_791, %swap3A_792, %swap3A_793] {strides = array<i32>} : memref<6x104x128xf32, #tpu.memory_space<vmem>>, vector<1x1x16xf32>,
      %swap3A_795 = vector.shape_cast %swap3A_794 : vector<1x1x16xf32> to vector<16xf32>
      %swap3A_796 = vector.shape_cast %add3A_789 : vector<16xf32> to vector<1x1x16xf32>
      tpu.vector_store %arg8[%swap3A_791, %swap3A_792, %swap3A_793], %swap3A_796 {strides = array<i32>} : memref<6x104x128xf32, #tpu.memory_space<vmem>>, vector<1x1x16xf32>,
    }
    %scan3A_370 = arith.constant 96 : i32
    %add3A_371 = arith.constant 29 : i32
    %add3A_372 = arith.addi %mul3A_2, %add3A_371 : i32
    %dma_start3A_373 = arith.constant 5 : i32
    %dma_start3A_374 = arith.constant 0 : i32
    %dma_start3A_375 = arith.constant 0 : i32
    %dma_start3A_376 = tpu.memref_slice %arg8[%dma_start3A_373, %dma_start3A_374, %dma_start3A_375] : memref<6x104x128xf32, #tpu.memory_space<vmem>> -> memref<1x96x128xf32, #tpu.memory_space<vmem>>
    %dma_start3A_377 = tpu.memref_squeeze %dma_start3A_376 : memref<1x96x128xf32, #tpu.memory_space<vmem>> -> memref<96x128xf32, #tpu.memory_space<vmem>>
    %dma_start3A_378 = arith.constant 104 : i32
    %dma_start3A_379 = arith.constant 0 : i32
    %dma_start3A_380 = tpu.memref_slice %arg5[%add3A_372, %dma_start3A_378, %dma_start3A_379] : memref<1024x200x128xf32, #tpu.memory_space<hbm>> -> memref<1x96x128xf32, #tpu.memory_space<hbm>>
    %dma_start3A_381 = tpu.memref_squeeze %dma_start3A_380 : memref<1x96x128xf32, #tpu.memory_space<hbm>> -> memref<96x128xf32, #tpu.memory_space<hbm>>
    %dma_start3A_382 = arith.constant 104 : i32
    %dma_start3A_383 = arith.constant 0 : i32
    %dma_start3A_384 = tpu.memref_slice %arg5[%add3A_372, %dma_start3A_382, %dma_start3A_383] : memref<1024x200x128xf32, #tpu.memory_space<hbm>> -> memref<1x96x128xf32, #tpu.memory_space<hbm>>
    %dma_start3A_385 = tpu.memref_squeeze %dma_start3A_384 : memref<1x96x128xf32, #tpu.memory_space<hbm>> -> memref<96x128xf32, #tpu.memory_space<hbm>>
    %dma_start3A_386 = arith.constant 0 : i32
    %dma_start3A_387 = arith.constant 0 : i32
    %dma_start3A_388 = tpu.memref_slice %arg8[%dma_start3A_373, %dma_start3A_386, %dma_start3A_387] : memref<6x104x128xf32, #tpu.memory_space<vmem>> -> memref<1x96x128xf32, #tpu.memory_space<vmem>>
    %dma_start3A_389 = tpu.memref_squeeze %dma_start3A_388 : memref<1x96x128xf32, #tpu.memory_space<vmem>> -> memref<96x128xf32, #tpu.memory_space<vmem>>
    tpu.enqueue_dma source(%dma_start3A_389 : memref<96x128xf32, #tpu.memory_space<vmem>>) target(%dma_start3A_385 : memref<96x128xf32, #tpu.memory_space<hbm>>) target_semaphore(%arg20 : memref<!tpu.dma_semaphore, #tpu.memory_space<semaphore_mem>>)
    %dma_wait3A_390 = arith.constant 0 : i32
    %dma_wait3A_391 = arith.constant 0 : i32
    %dma_wait3A_392 = arith.constant 0 : i32
    %dma_wait3A_393 = tpu.memref_slice %arg8[%dma_wait3A_390, %dma_wait3A_391, %dma_wait3A_392] : memref<6x104x128xf32, #tpu.memory_space<vmem>> -> memref<1x104x128xf32, #tpu.memory_space<vmem>>
    %dma_wait3A_394 = tpu.memref_squeeze %dma_wait3A_393 : memref<1x104x128xf32, #tpu.memory_space<vmem>> -> memref<104x128xf32, #tpu.memory_space<vmem>>
    %dma_wait3A_395 = arith.constant 6000 : i32
    %dma_wait3A_396 = tpu.memref_slice %arg7[%dma_wait3A_395] : memref<6400xi32, #tpu.memory_space<vmem>> -> memref<104xi32, #tpu.memory_space<vmem>>
    %dma_wait3A_397 = arith.constant 0 : i32
    %dma_wait3A_398 = arith.constant 0 : i32
    %dma_wait3A_399 = tpu.memref_slice %arg3[%dma_wait3A_397, %dma_wait3A_398] : memref<100000x128xf32, #tpu.memory_space<hbm>> -> memref<100000x128xf32, #tpu.memory_space<hbm>>
    tpu.wait_indirect_dma semaphore(%arg9 : memref<!tpu.dma_semaphore, #tpu.memory_space<semaphore_mem>>) src(%dma_wait3A_399 : memref<100000x128xf32, #tpu.memory_space<hbm>>) dst(%dma_wait3A_394 : memref<104x128xf32, #tpu.memory_space<vmem>>)
    %scan3A_400 = arith.constant 0 : i32
    %scan3A_401 = arith.constant 0 : i32
    %scan3A_402 = arith.constant 104 : i32
    %scan3A_403 = arith.addi %scan3A_401, %scan3A_402 : i32
    %scan3A_404 = arith.constant 1 : i32
    scf.for %scan3A_638 = %scan3A_401 to %scan3A_403 step %scan3A_404  : i32 {
      %get3A = arith.constant 0 : i32
      %get3A_639 = arith.index_cast %get3A : i32 to index
      %get3A_640 = arith.index_cast %scan3A_638 : i32 to index
      %get3A_641 = arith.constant 0 : index
      %get3A_642 = tpu.vector_load %arg8[%get3A_639, %get3A_640, %get3A_641] {strides = array<i32>} : memref<6x104x128xf32, #tpu.memory_space<vmem>>, vector<1x1x16xf32>,
      %get3A_643 = vector.shape_cast %get3A_642 : vector<1x1x16xf32> to vector<16xf32>
      %add3A_644 = arith.constant 0 : i32
      %add3A_645 = arith.addi %add3A_644, %scan3A_638 : i32
      %get3A_646 = arith.index_cast %add3A_645 : i32 to index
      %get3A_647 = arith.constant 0 : index
      %get3A_648 = tpu.vector_load %arg6[%get3A_646, %get3A_647] {strides = array<i32>} : memref<200x128xf32, #tpu.memory_space<vmem>>, vector<1x16xf32>,
      %get3A_649 = vector.shape_cast %get3A_648 : vector<1x16xf32> to vector<16xf32>
      %add3A_650 = arith.addf %get3A_643, %get3A_649 : vector<16xf32>
      %swap3A = arith.constant 0 : i32
      %swap3A_651 = arith.index_cast %swap3A : i32 to index
      %swap3A_652 = arith.index_cast %scan3A_638 : i32 to index
      %swap3A_653 = arith.constant 0 : index
      %swap3A_654 = tpu.vector_load %arg8[%swap3A_651, %swap3A_652, %swap3A_653] {strides = array<i32>} : memref<6x104x128xf32, #tpu.memory_space<vmem>>, vector<1x1x16xf32>,
      %swap3A_655 = vector.shape_cast %swap3A_654 : vector<1x1x16xf32> to vector<16xf32>
      %swap3A_656 = vector.shape_cast %add3A_650 : vector<16xf32> to vector<1x1x16xf32>
      tpu.vector_store %arg8[%swap3A_651, %swap3A_652, %swap3A_653], %swap3A_656 {strides = array<i32>} : memref<6x104x128xf32, #tpu.memory_space<vmem>>, vector<1x1x16xf32>,
      %get3A_657 = arith.constant 0 : i32
      %get3A_658 = arith.index_cast %get3A_657 : i32 to index
      %get3A_659 = arith.index_cast %scan3A_638 : i32 to index
      %get3A_660 = arith.constant 16 : index
      %get3A_661 = tpu.vector_load %arg8[%get3A_658, %get3A_659, %get3A_660] {strides = array<i32>} : memref<6x104x128xf32, #tpu.memory_space<vmem>>, vector<1x1x16xf32>,
      %get3A_662 = vector.shape_cast %get3A_661 : vector<1x1x16xf32> to vector<16xf32>
      %add3A_663 = arith.constant 0 : i32
      %add3A_664 = arith.addi %add3A_663, %scan3A_638 : i32
      %get3A_665 = arith.index_cast %add3A_664 : i32 to index
      %get3A_666 = arith.constant 16 : index
      %get3A_667 = tpu.vector_load %arg6[%get3A_665, %get3A_666] {strides = array<i32>} : memref<200x128xf32, #tpu.memory_space<vmem>>, vector<1x16xf32>,
      %get3A_668 = vector.shape_cast %get3A_667 : vector<1x16xf32> to vector<16xf32>
      %add3A_669 = arith.addf %get3A_662, %get3A_668 : vector<16xf32>
      %swap3A_670 = arith.constant 0 : i32
      %swap3A_671 = arith.index_cast %swap3A_670 : i32 to index
      %swap3A_672 = arith.index_cast %scan3A_638 : i32 to index
      %swap3A_673 = arith.constant 16 : index
      %swap3A_674 = tpu.vector_load %arg8[%swap3A_671, %swap3A_672, %swap3A_673] {strides = array<i32>} : memref<6x104x128xf32, #tpu.memory_space<vmem>>, vector<1x1x16xf32>,
      %swap3A_675 = vector.shape_cast %swap3A_674 : vector<1x1x16xf32> to vector<16xf32>
      %swap3A_676 = vector.shape_cast %add3A_669 : vector<16xf32> to vector<1x1x16xf32>
      tpu.vector_store %arg8[%swap3A_671, %swap3A_672, %swap3A_673], %swap3A_676 {strides = array<i32>} : memref<6x104x128xf32, #tpu.memory_space<vmem>>, vector<1x1x16xf32>,
      %get3A_677 = arith.constant 0 : i32
      %get3A_678 = arith.index_cast %get3A_677 : i32 to index
      %get3A_679 = arith.index_cast %scan3A_638 : i32 to index
      %get3A_680 = arith.constant 32 : index
      %get3A_681 = tpu.vector_load %arg8[%get3A_678, %get3A_679, %get3A_680] {strides = array<i32>} : memref<6x104x128xf32, #tpu.memory_space<vmem>>, vector<1x1x16xf32>,
      %get3A_682 = vector.shape_cast %get3A_681 : vector<1x1x16xf32> to vector<16xf32>
      %add3A_683 = arith.constant 0 : i32
      %add3A_684 = arith.addi %add3A_683, %scan3A_638 : i32
      %get3A_685 = arith.index_cast %add3A_684 : i32 to index
      %get3A_686 = arith.constant 32 : index
      %get3A_687 = tpu.vector_load %arg6[%get3A_685, %get3A_686] {strides = array<i32>} : memref<200x128xf32, #tpu.memory_space<vmem>>, vector<1x16xf32>,
      %get3A_688 = vector.shape_cast %get3A_687 : vector<1x16xf32> to vector<16xf32>
      %add3A_689 = arith.addf %get3A_682, %get3A_688 : vector<16xf32>
      %swap3A_690 = arith.constant 0 : i32
      %swap3A_691 = arith.index_cast %swap3A_690 : i32 to index
      %swap3A_692 = arith.index_cast %scan3A_638 : i32 to index
      %swap3A_693 = arith.constant 32 : index
      %swap3A_694 = tpu.vector_load %arg8[%swap3A_691, %swap3A_692, %swap3A_693] {strides = array<i32>} : memref<6x104x128xf32, #tpu.memory_space<vmem>>, vector<1x1x16xf32>,
      %swap3A_695 = vector.shape_cast %swap3A_694 : vector<1x1x16xf32> to vector<16xf32>
      %swap3A_696 = vector.shape_cast %add3A_689 : vector<16xf32> to vector<1x1x16xf32>
      tpu.vector_store %arg8[%swap3A_691, %swap3A_692, %swap3A_693], %swap3A_696 {strides = array<i32>} : memref<6x104x128xf32, #tpu.memory_space<vmem>>, vector<1x1x16xf32>,
      %get3A_697 = arith.constant 0 : i32
      %get3A_698 = arith.index_cast %get3A_697 : i32 to index
      %get3A_699 = arith.index_cast %scan3A_638 : i32 to index
      %get3A_700 = arith.constant 48 : index
      %get3A_701 = tpu.vector_load %arg8[%get3A_698, %get3A_699, %get3A_700] {strides = array<i32>} : memref<6x104x128xf32, #tpu.memory_space<vmem>>, vector<1x1x16xf32>,
      %get3A_702 = vector.shape_cast %get3A_701 : vector<1x1x16xf32> to vector<16xf32>
      %add3A_703 = arith.constant 0 : i32
      %add3A_704 = arith.addi %add3A_703, %scan3A_638 : i32
      %get3A_705 = arith.index_cast %add3A_704 : i32 to index
      %get3A_706 = arith.constant 48 : index
      %get3A_707 = tpu.vector_load %arg6[%get3A_705, %get3A_706] {strides = array<i32>} : memref<200x128xf32, #tpu.memory_space<vmem>>, vector<1x16xf32>,
      %get3A_708 = vector.shape_cast %get3A_707 : vector<1x16xf32> to vector<16xf32>
      %add3A_709 = arith.addf %get3A_702, %get3A_708 : vector<16xf32>
      %swap3A_710 = arith.constant 0 : i32
      %swap3A_711 = arith.index_cast %swap3A_710 : i32 to index
      %swap3A_712 = arith.index_cast %scan3A_638 : i32 to index
      %swap3A_713 = arith.constant 48 : index
      %swap3A_714 = tpu.vector_load %arg8[%swap3A_711, %swap3A_712, %swap3A_713] {strides = array<i32>} : memref<6x104x128xf32, #tpu.memory_space<vmem>>, vector<1x1x16xf32>,
      %swap3A_715 = vector.shape_cast %swap3A_714 : vector<1x1x16xf32> to vector<16xf32>
      %swap3A_716 = vector.shape_cast %add3A_709 : vector<16xf32> to vector<1x1x16xf32>
      tpu.vector_store %arg8[%swap3A_711, %swap3A_712, %swap3A_713], %swap3A_716 {strides = array<i32>} : memref<6x104x128xf32, #tpu.memory_space<vmem>>, vector<1x1x16xf32>,
      %get3A_717 = arith.constant 0 : i32
      %get3A_718 = arith.index_cast %get3A_717 : i32 to index
      %get3A_719 = arith.index_cast %scan3A_638 : i32 to index
      %get3A_720 = arith.constant 64 : index
      %get3A_721 = tpu.vector_load %arg8[%get3A_718, %get3A_719, %get3A_720] {strides = array<i32>} : memref<6x104x128xf32, #tpu.memory_space<vmem>>, vector<1x1x16xf32>,
      %get3A_722 = vector.shape_cast %get3A_721 : vector<1x1x16xf32> to vector<16xf32>
      %add3A_723 = arith.constant 0 : i32
      %add3A_724 = arith.addi %add3A_723, %scan3A_638 : i32
      %get3A_725 = arith.index_cast %add3A_724 : i32 to index
      %get3A_726 = arith.constant 64 : index
      %get3A_727 = tpu.vector_load %arg6[%get3A_725, %get3A_726] {strides = array<i32>} : memref<200x128xf32, #tpu.memory_space<vmem>>, vector<1x16xf32>,
      %get3A_728 = vector.shape_cast %get3A_727 : vector<1x16xf32> to vector<16xf32>
      %add3A_729 = arith.addf %get3A_722, %get3A_728 : vector<16xf32>
      %swap3A_730 = arith.constant 0 : i32
      %swap3A_731 = arith.index_cast %swap3A_730 : i32 to index
      %swap3A_732 = arith.index_cast %scan3A_638 : i32 to index
      %swap3A_733 = arith.constant 64 : index
      %swap3A_734 = tpu.vector_load %arg8[%swap3A_731, %swap3A_732, %swap3A_733] {strides = array<i32>} : memref<6x104x128xf32, #tpu.memory_space<vmem>>, vector<1x1x16xf32>,
      %swap3A_735 = vector.shape_cast %swap3A_734 : vector<1x1x16xf32> to vector<16xf32>
      %swap3A_736 = vector.shape_cast %add3A_729 : vector<16xf32> to vector<1x1x16xf32>
      tpu.vector_store %arg8[%swap3A_731, %swap3A_732, %swap3A_733], %swap3A_736 {strides = array<i32>} : memref<6x104x128xf32, #tpu.memory_space<vmem>>, vector<1x1x16xf32>,
      %get3A_737 = arith.constant 0 : i32
      %get3A_738 = arith.index_cast %get3A_737 : i32 to index
      %get3A_739 = arith.index_cast %scan3A_638 : i32 to index
      %get3A_740 = arith.constant 80 : index
      %get3A_741 = tpu.vector_load %arg8[%get3A_738, %get3A_739, %get3A_740] {strides = array<i32>} : memref<6x104x128xf32, #tpu.memory_space<vmem>>, vector<1x1x16xf32>,
      %get3A_742 = vector.shape_cast %get3A_741 : vector<1x1x16xf32> to vector<16xf32>
      %add3A_743 = arith.constant 0 : i32
      %add3A_744 = arith.addi %add3A_743, %scan3A_638 : i32
      %get3A_745 = arith.index_cast %add3A_744 : i32 to index
      %get3A_746 = arith.constant 80 : index
      %get3A_747 = tpu.vector_load %arg6[%get3A_745, %get3A_746] {strides = array<i32>} : memref<200x128xf32, #tpu.memory_space<vmem>>, vector<1x16xf32>,
      %get3A_748 = vector.shape_cast %get3A_747 : vector<1x16xf32> to vector<16xf32>
      %add3A_749 = arith.addf %get3A_742, %get3A_748 : vector<16xf32>
      %swap3A_750 = arith.constant 0 : i32
      %swap3A_751 = arith.index_cast %swap3A_750 : i32 to index
      %swap3A_752 = arith.index_cast %scan3A_638 : i32 to index
      %swap3A_753 = arith.constant 80 : index
      %swap3A_754 = tpu.vector_load %arg8[%swap3A_751, %swap3A_752, %swap3A_753] {strides = array<i32>} : memref<6x104x128xf32, #tpu.memory_space<vmem>>, vector<1x1x16xf32>,
      %swap3A_755 = vector.shape_cast %swap3A_754 : vector<1x1x16xf32> to vector<16xf32>
      %swap3A_756 = vector.shape_cast %add3A_749 : vector<16xf32> to vector<1x1x16xf32>
      tpu.vector_store %arg8[%swap3A_751, %swap3A_752, %swap3A_753], %swap3A_756 {strides = array<i32>} : memref<6x104x128xf32, #tpu.memory_space<vmem>>, vector<1x1x16xf32>,
      %get3A_757 = arith.constant 0 : i32
      %get3A_758 = arith.index_cast %get3A_757 : i32 to index
      %get3A_759 = arith.index_cast %scan3A_638 : i32 to index
      %get3A_760 = arith.constant 96 : index
      %get3A_761 = tpu.vector_load %arg8[%get3A_758, %get3A_759, %get3A_760] {strides = array<i32>} : memref<6x104x128xf32, #tpu.memory_space<vmem>>, vector<1x1x16xf32>,
      %get3A_762 = vector.shape_cast %get3A_761 : vector<1x1x16xf32> to vector<16xf32>
      %add3A_763 = arith.constant 0 : i32
      %add3A_764 = arith.addi %add3A_763, %scan3A_638 : i32
      %get3A_765 = arith.index_cast %add3A_764 : i32 to index
      %get3A_766 = arith.constant 96 : index
      %get3A_767 = tpu.vector_load %arg6[%get3A_765, %get3A_766] {strides = array<i32>} : memref<200x128xf32, #tpu.memory_space<vmem>>, vector<1x16xf32>,
      %get3A_768 = vector.shape_cast %get3A_767 : vector<1x16xf32> to vector<16xf32>
      %add3A_769 = arith.addf %get3A_762, %get3A_768 : vector<16xf32>
      %swap3A_770 = arith.constant 0 : i32
      %swap3A_771 = arith.index_cast %swap3A_770 : i32 to index
      %swap3A_772 = arith.index_cast %scan3A_638 : i32 to index
      %swap3A_773 = arith.constant 96 : index
      %swap3A_774 = tpu.vector_load %arg8[%swap3A_771, %swap3A_772, %swap3A_773] {strides = array<i32>} : memref<6x104x128xf32, #tpu.memory_space<vmem>>, vector<1x1x16xf32>,
      %swap3A_775 = vector.shape_cast %swap3A_774 : vector<1x1x16xf32> to vector<16xf32>
      %swap3A_776 = vector.shape_cast %add3A_769 : vector<16xf32> to vector<1x1x16xf32>
      tpu.vector_store %arg8[%swap3A_771, %swap3A_772, %swap3A_773], %swap3A_776 {strides = array<i32>} : memref<6x104x128xf32, #tpu.memory_space<vmem>>, vector<1x1x16xf32>,
      %get3A_777 = arith.constant 0 : i32
      %get3A_778 = arith.index_cast %get3A_777 : i32 to index
      %get3A_779 = arith.index_cast %scan3A_638 : i32 to index
      %get3A_780 = arith.constant 112 : index
      %get3A_781 = tpu.vector_load %arg8[%get3A_778, %get3A_779, %get3A_780] {strides = array<i32>} : memref<6x104x128xf32, #tpu.memory_space<vmem>>, vector<1x1x16xf32>,
      %get3A_782 = vector.shape_cast %get3A_781 : vector<1x1x16xf32> to vector<16xf32>
      %add3A_783 = arith.constant 0 : i32
      %add3A_784 = arith.addi %add3A_783, %scan3A_638 : i32
      %get3A_785 = arith.index_cast %add3A_784 : i32 to index
      %get3A_786 = arith.constant 112 : index
      %get3A_787 = tpu.vector_load %arg6[%get3A_785, %get3A_786] {strides = array<i32>} : memref<200x128xf32, #tpu.memory_space<vmem>>, vector<1x16xf32>,
      %get3A_788 = vector.shape_cast %get3A_787 : vector<1x16xf32> to vector<16xf32>
      %add3A_789 = arith.addf %get3A_782, %get3A_788 : vector<16xf32>
      %swap3A_790 = arith.constant 0 : i32
      %swap3A_791 = arith.index_cast %swap3A_790 : i32 to index
      %swap3A_792 = arith.index_cast %scan3A_638 : i32 to index
      %swap3A_793 = arith.constant 112 : index
      %swap3A_794 = tpu.vector_load %arg8[%swap3A_791, %swap3A_792, %swap3A_793] {strides = array<i32>} : memref<6x104x128xf32, #tpu.memory_space<vmem>>, vector<1x1x16xf32>,
      %swap3A_795 = vector.shape_cast %swap3A_794 : vector<1x1x16xf32> to vector<16xf32>
      %swap3A_796 = vector.shape_cast %add3A_789 : vector<16xf32> to vector<1x1x16xf32>
      tpu.vector_store %arg8[%swap3A_791, %swap3A_792, %swap3A_793], %swap3A_796 {strides = array<i32>} : memref<6x104x128xf32, #tpu.memory_space<vmem>>, vector<1x1x16xf32>,
    }
    %scan3A_405 = arith.constant 104 : i32
    %add3A_406 = arith.constant 30 : i32
    %add3A_407 = arith.addi %mul3A_2, %add3A_406 : i32
    %dma_start3A_408 = arith.constant 0 : i32
    %dma_start3A_409 = arith.constant 0 : i32
    %dma_start3A_410 = arith.constant 0 : i32
    %dma_start3A_411 = tpu.memref_slice %arg8[%dma_start3A_408, %dma_start3A_409, %dma_start3A_410] : memref<6x104x128xf32, #tpu.memory_space<vmem>> -> memref<1x104x128xf32, #tpu.memory_space<vmem>>
    %dma_start3A_412 = tpu.memref_squeeze %dma_start3A_411 : memref<1x104x128xf32, #tpu.memory_space<vmem>> -> memref<104x128xf32, #tpu.memory_space<vmem>>
    %dma_start3A_413 = arith.constant 0 : i32
    %dma_start3A_414 = arith.constant 0 : i32
    %dma_start3A_415 = tpu.memref_slice %arg5[%add3A_407, %dma_start3A_413, %dma_start3A_414] : memref<1024x200x128xf32, #tpu.memory_space<hbm>> -> memref<1x104x128xf32, #tpu.memory_space<hbm>>
    %dma_start3A_416 = tpu.memref_squeeze %dma_start3A_415 : memref<1x104x128xf32, #tpu.memory_space<hbm>> -> memref<104x128xf32, #tpu.memory_space<hbm>>
    %dma_start3A_417 = arith.constant 0 : i32
    %dma_start3A_418 = arith.constant 0 : i32
    %dma_start3A_419 = tpu.memref_slice %arg5[%add3A_407, %dma_start3A_417, %dma_start3A_418] : memref<1024x200x128xf32, #tpu.memory_space<hbm>> -> memref<1x104x128xf32, #tpu.memory_space<hbm>>
    %dma_start3A_420 = tpu.memref_squeeze %dma_start3A_419 : memref<1x104x128xf32, #tpu.memory_space<hbm>> -> memref<104x128xf32, #tpu.memory_space<hbm>>
    %dma_start3A_421 = arith.constant 0 : i32
    %dma_start3A_422 = arith.constant 0 : i32
    %dma_start3A_423 = tpu.memref_slice %arg8[%dma_start3A_408, %dma_start3A_421, %dma_start3A_422] : memref<6x104x128xf32, #tpu.memory_space<vmem>> -> memref<1x104x128xf32, #tpu.memory_space<vmem>>
    %dma_start3A_424 = tpu.memref_squeeze %dma_start3A_423 : memref<1x104x128xf32, #tpu.memory_space<vmem>> -> memref<104x128xf32, #tpu.memory_space<vmem>>
    tpu.enqueue_dma source(%dma_start3A_424 : memref<104x128xf32, #tpu.memory_space<vmem>>) target(%dma_start3A_420 : memref<104x128xf32, #tpu.memory_space<hbm>>) target_semaphore(%arg15 : memref<!tpu.dma_semaphore, #tpu.memory_space<semaphore_mem>>)
    %dma_wait3A_425 = arith.constant 1 : i32
    %dma_wait3A_426 = arith.constant 0 : i32
    %dma_wait3A_427 = arith.constant 0 : i32
    %dma_wait3A_428 = tpu.memref_slice %arg8[%dma_wait3A_425, %dma_wait3A_426, %dma_wait3A_427] : memref<6x104x128xf32, #tpu.memory_space<vmem>> -> memref<1x96x128xf32, #tpu.memory_space<vmem>>
    %dma_wait3A_429 = tpu.memref_squeeze %dma_wait3A_428 : memref<1x96x128xf32, #tpu.memory_space<vmem>> -> memref<96x128xf32, #tpu.memory_space<vmem>>
    %dma_wait3A_430 = arith.constant 6104 : i32
    %dma_wait3A_431 = tpu.memref_slice %arg7[%dma_wait3A_430] : memref<6400xi32, #tpu.memory_space<vmem>> -> memref<96xi32, #tpu.memory_space<vmem>>
    %dma_wait3A_432 = arith.constant 0 : i32
    %dma_wait3A_433 = arith.constant 0 : i32
    %dma_wait3A_434 = tpu.memref_slice %arg3[%dma_wait3A_432, %dma_wait3A_433] : memref<100000x128xf32, #tpu.memory_space<hbm>> -> memref<100000x128xf32, #tpu.memory_space<hbm>>
    tpu.wait_indirect_dma semaphore(%arg10 : memref<!tpu.dma_semaphore, #tpu.memory_space<semaphore_mem>>) src(%dma_wait3A_434 : memref<100000x128xf32, #tpu.memory_space<hbm>>) dst(%dma_wait3A_429 : memref<96x128xf32, #tpu.memory_space<vmem>>)
    %scan3A_435 = arith.constant 0 : i32
    %scan3A_436 = arith.constant 0 : i32
    %scan3A_437 = arith.constant 96 : i32
    %scan3A_438 = arith.addi %scan3A_436, %scan3A_437 : i32
    %scan3A_439 = arith.constant 1 : i32
    scf.for %scan3A_638 = %scan3A_436 to %scan3A_438 step %scan3A_439  : i32 {
      %get3A = arith.constant 1 : i32
      %get3A_639 = arith.index_cast %get3A : i32 to index
      %get3A_640 = arith.index_cast %scan3A_638 : i32 to index
      %get3A_641 = arith.constant 0 : index
      %get3A_642 = tpu.vector_load %arg8[%get3A_639, %get3A_640, %get3A_641] {strides = array<i32>} : memref<6x104x128xf32, #tpu.memory_space<vmem>>, vector<1x1x16xf32>,
      %get3A_643 = vector.shape_cast %get3A_642 : vector<1x1x16xf32> to vector<16xf32>
      %add3A_644 = arith.constant 104 : i32
      %add3A_645 = arith.addi %add3A_644, %scan3A_638 : i32
      %get3A_646 = arith.index_cast %add3A_645 : i32 to index
      %get3A_647 = arith.constant 0 : index
      %get3A_648 = tpu.vector_load %arg6[%get3A_646, %get3A_647] {strides = array<i32>} : memref<200x128xf32, #tpu.memory_space<vmem>>, vector<1x16xf32>,
      %get3A_649 = vector.shape_cast %get3A_648 : vector<1x16xf32> to vector<16xf32>
      %add3A_650 = arith.addf %get3A_643, %get3A_649 : vector<16xf32>
      %swap3A = arith.constant 1 : i32
      %swap3A_651 = arith.index_cast %swap3A : i32 to index
      %swap3A_652 = arith.index_cast %scan3A_638 : i32 to index
      %swap3A_653 = arith.constant 0 : index
      %swap3A_654 = tpu.vector_load %arg8[%swap3A_651, %swap3A_652, %swap3A_653] {strides = array<i32>} : memref<6x104x128xf32, #tpu.memory_space<vmem>>, vector<1x1x16xf32>,
      %swap3A_655 = vector.shape_cast %swap3A_654 : vector<1x1x16xf32> to vector<16xf32>
      %swap3A_656 = vector.shape_cast %add3A_650 : vector<16xf32> to vector<1x1x16xf32>
      tpu.vector_store %arg8[%swap3A_651, %swap3A_652, %swap3A_653], %swap3A_656 {strides = array<i32>} : memref<6x104x128xf32, #tpu.memory_space<vmem>>, vector<1x1x16xf32>,
      %get3A_657 = arith.constant 1 : i32
      %get3A_658 = arith.index_cast %get3A_657 : i32 to index
      %get3A_659 = arith.index_cast %scan3A_638 : i32 to index
      %get3A_660 = arith.constant 16 : index
      %get3A_661 = tpu.vector_load %arg8[%get3A_658, %get3A_659, %get3A_660] {strides = array<i32>} : memref<6x104x128xf32, #tpu.memory_space<vmem>>, vector<1x1x16xf32>,
      %get3A_662 = vector.shape_cast %get3A_661 : vector<1x1x16xf32> to vector<16xf32>
      %add3A_663 = arith.constant 104 : i32
      %add3A_664 = arith.addi %add3A_663, %scan3A_638 : i32
      %get3A_665 = arith.index_cast %add3A_664 : i32 to index
      %get3A_666 = arith.constant 16 : index
      %get3A_667 = tpu.vector_load %arg6[%get3A_665, %get3A_666] {strides = array<i32>} : memref<200x128xf32, #tpu.memory_space<vmem>>, vector<1x16xf32>,
      %get3A_668 = vector.shape_cast %get3A_667 : vector<1x16xf32> to vector<16xf32>
      %add3A_669 = arith.addf %get3A_662, %get3A_668 : vector<16xf32>
      %swap3A_670 = arith.constant 1 : i32
      %swap3A_671 = arith.index_cast %swap3A_670 : i32 to index
      %swap3A_672 = arith.index_cast %scan3A_638 : i32 to index
      %swap3A_673 = arith.constant 16 : index
      %swap3A_674 = tpu.vector_load %arg8[%swap3A_671, %swap3A_672, %swap3A_673] {strides = array<i32>} : memref<6x104x128xf32, #tpu.memory_space<vmem>>, vector<1x1x16xf32>,
      %swap3A_675 = vector.shape_cast %swap3A_674 : vector<1x1x16xf32> to vector<16xf32>
      %swap3A_676 = vector.shape_cast %add3A_669 : vector<16xf32> to vector<1x1x16xf32>
      tpu.vector_store %arg8[%swap3A_671, %swap3A_672, %swap3A_673], %swap3A_676 {strides = array<i32>} : memref<6x104x128xf32, #tpu.memory_space<vmem>>, vector<1x1x16xf32>,
      %get3A_677 = arith.constant 1 : i32
      %get3A_678 = arith.index_cast %get3A_677 : i32 to index
      %get3A_679 = arith.index_cast %scan3A_638 : i32 to index
      %get3A_680 = arith.constant 32 : index
      %get3A_681 = tpu.vector_load %arg8[%get3A_678, %get3A_679, %get3A_680] {strides = array<i32>} : memref<6x104x128xf32, #tpu.memory_space<vmem>>, vector<1x1x16xf32>,
      %get3A_682 = vector.shape_cast %get3A_681 : vector<1x1x16xf32> to vector<16xf32>
      %add3A_683 = arith.constant 104 : i32
      %add3A_684 = arith.addi %add3A_683, %scan3A_638 : i32
      %get3A_685 = arith.index_cast %add3A_684 : i32 to index
      %get3A_686 = arith.constant 32 : index
      %get3A_687 = tpu.vector_load %arg6[%get3A_685, %get3A_686] {strides = array<i32>} : memref<200x128xf32, #tpu.memory_space<vmem>>, vector<1x16xf32>,
      %get3A_688 = vector.shape_cast %get3A_687 : vector<1x16xf32> to vector<16xf32>
      %add3A_689 = arith.addf %get3A_682, %get3A_688 : vector<16xf32>
      %swap3A_690 = arith.constant 1 : i32
      %swap3A_691 = arith.index_cast %swap3A_690 : i32 to index
      %swap3A_692 = arith.index_cast %scan3A_638 : i32 to index
      %swap3A_693 = arith.constant 32 : index
      %swap3A_694 = tpu.vector_load %arg8[%swap3A_691, %swap3A_692, %swap3A_693] {strides = array<i32>} : memref<6x104x128xf32, #tpu.memory_space<vmem>>, vector<1x1x16xf32>,
      %swap3A_695 = vector.shape_cast %swap3A_694 : vector<1x1x16xf32> to vector<16xf32>
      %swap3A_696 = vector.shape_cast %add3A_689 : vector<16xf32> to vector<1x1x16xf32>
      tpu.vector_store %arg8[%swap3A_691, %swap3A_692, %swap3A_693], %swap3A_696 {strides = array<i32>} : memref<6x104x128xf32, #tpu.memory_space<vmem>>, vector<1x1x16xf32>,
      %get3A_697 = arith.constant 1 : i32
      %get3A_698 = arith.index_cast %get3A_697 : i32 to index
      %get3A_699 = arith.index_cast %scan3A_638 : i32 to index
      %get3A_700 = arith.constant 48 : index
      %get3A_701 = tpu.vector_load %arg8[%get3A_698, %get3A_699, %get3A_700] {strides = array<i32>} : memref<6x104x128xf32, #tpu.memory_space<vmem>>, vector<1x1x16xf32>,
      %get3A_702 = vector.shape_cast %get3A_701 : vector<1x1x16xf32> to vector<16xf32>
      %add3A_703 = arith.constant 104 : i32
      %add3A_704 = arith.addi %add3A_703, %scan3A_638 : i32
      %get3A_705 = arith.index_cast %add3A_704 : i32 to index
      %get3A_706 = arith.constant 48 : index
      %get3A_707 = tpu.vector_load %arg6[%get3A_705, %get3A_706] {strides = array<i32>} : memref<200x128xf32, #tpu.memory_space<vmem>>, vector<1x16xf32>,
      %get3A_708 = vector.shape_cast %get3A_707 : vector<1x16xf32> to vector<16xf32>
      %add3A_709 = arith.addf %get3A_702, %get3A_708 : vector<16xf32>
      %swap3A_710 = arith.constant 1 : i32
      %swap3A_711 = arith.index_cast %swap3A_710 : i32 to index
      %swap3A_712 = arith.index_cast %scan3A_638 : i32 to index
      %swap3A_713 = arith.constant 48 : index
      %swap3A_714 = tpu.vector_load %arg8[%swap3A_711, %swap3A_712, %swap3A_713] {strides = array<i32>} : memref<6x104x128xf32, #tpu.memory_space<vmem>>, vector<1x1x16xf32>,
      %swap3A_715 = vector.shape_cast %swap3A_714 : vector<1x1x16xf32> to vector<16xf32>
      %swap3A_716 = vector.shape_cast %add3A_709 : vector<16xf32> to vector<1x1x16xf32>
      tpu.vector_store %arg8[%swap3A_711, %swap3A_712, %swap3A_713], %swap3A_716 {strides = array<i32>} : memref<6x104x128xf32, #tpu.memory_space<vmem>>, vector<1x1x16xf32>,
      %get3A_717 = arith.constant 1 : i32
      %get3A_718 = arith.index_cast %get3A_717 : i32 to index
      %get3A_719 = arith.index_cast %scan3A_638 : i32 to index
      %get3A_720 = arith.constant 64 : index
      %get3A_721 = tpu.vector_load %arg8[%get3A_718, %get3A_719, %get3A_720] {strides = array<i32>} : memref<6x104x128xf32, #tpu.memory_space<vmem>>, vector<1x1x16xf32>,
      %get3A_722 = vector.shape_cast %get3A_721 : vector<1x1x16xf32> to vector<16xf32>
      %add3A_723 = arith.constant 104 : i32
      %add3A_724 = arith.addi %add3A_723, %scan3A_638 : i32
      %get3A_725 = arith.index_cast %add3A_724 : i32 to index
      %get3A_726 = arith.constant 64 : index
      %get3A_727 = tpu.vector_load %arg6[%get3A_725, %get3A_726] {strides = array<i32>} : memref<200x128xf32, #tpu.memory_space<vmem>>, vector<1x16xf32>,
      %get3A_728 = vector.shape_cast %get3A_727 : vector<1x16xf32> to vector<16xf32>
      %add3A_729 = arith.addf %get3A_722, %get3A_728 : vector<16xf32>
      %swap3A_730 = arith.constant 1 : i32
      %swap3A_731 = arith.index_cast %swap3A_730 : i32 to index
      %swap3A_732 = arith.index_cast %scan3A_638 : i32 to index
      %swap3A_733 = arith.constant 64 : index
      %swap3A_734 = tpu.vector_load %arg8[%swap3A_731, %swap3A_732, %swap3A_733] {strides = array<i32>} : memref<6x104x128xf32, #tpu.memory_space<vmem>>, vector<1x1x16xf32>,
      %swap3A_735 = vector.shape_cast %swap3A_734 : vector<1x1x16xf32> to vector<16xf32>
      %swap3A_736 = vector.shape_cast %add3A_729 : vector<16xf32> to vector<1x1x16xf32>
      tpu.vector_store %arg8[%swap3A_731, %swap3A_732, %swap3A_733], %swap3A_736 {strides = array<i32>} : memref<6x104x128xf32, #tpu.memory_space<vmem>>, vector<1x1x16xf32>,
      %get3A_737 = arith.constant 1 : i32
      %get3A_738 = arith.index_cast %get3A_737 : i32 to index
      %get3A_739 = arith.index_cast %scan3A_638 : i32 to index
      %get3A_740 = arith.constant 80 : index
      %get3A_741 = tpu.vector_load %arg8[%get3A_738, %get3A_739, %get3A_740] {strides = array<i32>} : memref<6x104x128xf32, #tpu.memory_space<vmem>>, vector<1x1x16xf32>,
      %get3A_742 = vector.shape_cast %get3A_741 : vector<1x1x16xf32> to vector<16xf32>
      %add3A_743 = arith.constant 104 : i32
      %add3A_744 = arith.addi %add3A_743, %scan3A_638 : i32
      %get3A_745 = arith.index_cast %add3A_744 : i32 to index
      %get3A_746 = arith.constant 80 : index
      %get3A_747 = tpu.vector_load %arg6[%get3A_745, %get3A_746] {strides = array<i32>} : memref<200x128xf32, #tpu.memory_space<vmem>>, vector<1x16xf32>,
      %get3A_748 = vector.shape_cast %get3A_747 : vector<1x16xf32> to vector<16xf32>
      %add3A_749 = arith.addf %get3A_742, %get3A_748 : vector<16xf32>
      %swap3A_750 = arith.constant 1 : i32
      %swap3A_751 = arith.index_cast %swap3A_750 : i32 to index
      %swap3A_752 = arith.index_cast %scan3A_638 : i32 to index
      %swap3A_753 = arith.constant 80 : index
      %swap3A_754 = tpu.vector_load %arg8[%swap3A_751, %swap3A_752, %swap3A_753] {strides = array<i32>} : memref<6x104x128xf32, #tpu.memory_space<vmem>>, vector<1x1x16xf32>,
      %swap3A_755 = vector.shape_cast %swap3A_754 : vector<1x1x16xf32> to vector<16xf32>
      %swap3A_756 = vector.shape_cast %add3A_749 : vector<16xf32> to vector<1x1x16xf32>
      tpu.vector_store %arg8[%swap3A_751, %swap3A_752, %swap3A_753], %swap3A_756 {strides = array<i32>} : memref<6x104x128xf32, #tpu.memory_space<vmem>>, vector<1x1x16xf32>,
      %get3A_757 = arith.constant 1 : i32
      %get3A_758 = arith.index_cast %get3A_757 : i32 to index
      %get3A_759 = arith.index_cast %scan3A_638 : i32 to index
      %get3A_760 = arith.constant 96 : index
      %get3A_761 = tpu.vector_load %arg8[%get3A_758, %get3A_759, %get3A_760] {strides = array<i32>} : memref<6x104x128xf32, #tpu.memory_space<vmem>>, vector<1x1x16xf32>,
      %get3A_762 = vector.shape_cast %get3A_761 : vector<1x1x16xf32> to vector<16xf32>
      %add3A_763 = arith.constant 104 : i32
      %add3A_764 = arith.addi %add3A_763, %scan3A_638 : i32
      %get3A_765 = arith.index_cast %add3A_764 : i32 to index
      %get3A_766 = arith.constant 96 : index
      %get3A_767 = tpu.vector_load %arg6[%get3A_765, %get3A_766] {strides = array<i32>} : memref<200x128xf32, #tpu.memory_space<vmem>>, vector<1x16xf32>,
      %get3A_768 = vector.shape_cast %get3A_767 : vector<1x16xf32> to vector<16xf32>
      %add3A_769 = arith.addf %get3A_762, %get3A_768 : vector<16xf32>
      %swap3A_770 = arith.constant 1 : i32
      %swap3A_771 = arith.index_cast %swap3A_770 : i32 to index
      %swap3A_772 = arith.index_cast %scan3A_638 : i32 to index
      %swap3A_773 = arith.constant 96 : index
      %swap3A_774 = tpu.vector_load %arg8[%swap3A_771, %swap3A_772, %swap3A_773] {strides = array<i32>} : memref<6x104x128xf32, #tpu.memory_space<vmem>>, vector<1x1x16xf32>,
      %swap3A_775 = vector.shape_cast %swap3A_774 : vector<1x1x16xf32> to vector<16xf32>
      %swap3A_776 = vector.shape_cast %add3A_769 : vector<16xf32> to vector<1x1x16xf32>
      tpu.vector_store %arg8[%swap3A_771, %swap3A_772, %swap3A_773], %swap3A_776 {strides = array<i32>} : memref<6x104x128xf32, #tpu.memory_space<vmem>>, vector<1x1x16xf32>,
      %get3A_777 = arith.constant 1 : i32
      %get3A_778 = arith.index_cast %get3A_777 : i32 to index
      %get3A_779 = arith.index_cast %scan3A_638 : i32 to index
      %get3A_780 = arith.constant 112 : index
      %get3A_781 = tpu.vector_load %arg8[%get3A_778, %get3A_779, %get3A_780] {strides = array<i32>} : memref<6x104x128xf32, #tpu.memory_space<vmem>>, vector<1x1x16xf32>,
      %get3A_782 = vector.shape_cast %get3A_781 : vector<1x1x16xf32> to vector<16xf32>
      %add3A_783 = arith.constant 104 : i32
      %add3A_784 = arith.addi %add3A_783, %scan3A_638 : i32
      %get3A_785 = arith.index_cast %add3A_784 : i32 to index
      %get3A_786 = arith.constant 112 : index
      %get3A_787 = tpu.vector_load %arg6[%get3A_785, %get3A_786] {strides = array<i32>} : memref<200x128xf32, #tpu.memory_space<vmem>>, vector<1x16xf32>,
      %get3A_788 = vector.shape_cast %get3A_787 : vector<1x16xf32> to vector<16xf32>
      %add3A_789 = arith.addf %get3A_782, %get3A_788 : vector<16xf32>
      %swap3A_790 = arith.constant 1 : i32
      %swap3A_791 = arith.index_cast %swap3A_790 : i32 to index
      %swap3A_792 = arith.index_cast %scan3A_638 : i32 to index
      %swap3A_793 = arith.constant 112 : index
      %swap3A_794 = tpu.vector_load %arg8[%swap3A_791, %swap3A_792, %swap3A_793] {strides = array<i32>} : memref<6x104x128xf32, #tpu.memory_space<vmem>>, vector<1x1x16xf32>,
      %swap3A_795 = vector.shape_cast %swap3A_794 : vector<1x1x16xf32> to vector<16xf32>
      %swap3A_796 = vector.shape_cast %add3A_789 : vector<16xf32> to vector<1x1x16xf32>
      tpu.vector_store %arg8[%swap3A_791, %swap3A_792, %swap3A_793], %swap3A_796 {strides = array<i32>} : memref<6x104x128xf32, #tpu.memory_space<vmem>>, vector<1x1x16xf32>,
    }
    %scan3A_440 = arith.constant 96 : i32
    %add3A_441 = arith.constant 30 : i32
    %add3A_442 = arith.addi %mul3A_2, %add3A_441 : i32
    %dma_start3A_443 = arith.constant 1 : i32
    %dma_start3A_444 = arith.constant 0 : i32
    %dma_start3A_445 = arith.constant 0 : i32
    %dma_start3A_446 = tpu.memref_slice %arg8[%dma_start3A_443, %dma_start3A_444, %dma_start3A_445] : memref<6x104x128xf32, #tpu.memory_space<vmem>> -> memref<1x96x128xf32, #tpu.memory_space<vmem>>
    %dma_start3A_447 = tpu.memref_squeeze %dma_start3A_446 : memref<1x96x128xf32, #tpu.memory_space<vmem>> -> memref<96x128xf32, #tpu.memory_space<vmem>>
    %dma_start3A_448 = arith.constant 104 : i32
    %dma_start3A_449 = arith.constant 0 : i32
    %dma_start3A_450 = tpu.memref_slice %arg5[%add3A_442, %dma_start3A_448, %dma_start3A_449] : memref<1024x200x128xf32, #tpu.memory_space<hbm>> -> memref<1x96x128xf32, #tpu.memory_space<hbm>>
    %dma_start3A_451 = tpu.memref_squeeze %dma_start3A_450 : memref<1x96x128xf32, #tpu.memory_space<hbm>> -> memref<96x128xf32, #tpu.memory_space<hbm>>
    %dma_start3A_452 = arith.constant 104 : i32
    %dma_start3A_453 = arith.constant 0 : i32
    %dma_start3A_454 = tpu.memref_slice %arg5[%add3A_442, %dma_start3A_452, %dma_start3A_453] : memref<1024x200x128xf32, #tpu.memory_space<hbm>> -> memref<1x96x128xf32, #tpu.memory_space<hbm>>
    %dma_start3A_455 = tpu.memref_squeeze %dma_start3A_454 : memref<1x96x128xf32, #tpu.memory_space<hbm>> -> memref<96x128xf32, #tpu.memory_space<hbm>>
    %dma_start3A_456 = arith.constant 0 : i32
    %dma_start3A_457 = arith.constant 0 : i32
    %dma_start3A_458 = tpu.memref_slice %arg8[%dma_start3A_443, %dma_start3A_456, %dma_start3A_457] : memref<6x104x128xf32, #tpu.memory_space<vmem>> -> memref<1x96x128xf32, #tpu.memory_space<vmem>>
    %dma_start3A_459 = tpu.memref_squeeze %dma_start3A_458 : memref<1x96x128xf32, #tpu.memory_space<vmem>> -> memref<96x128xf32, #tpu.memory_space<vmem>>
    tpu.enqueue_dma source(%dma_start3A_459 : memref<96x128xf32, #tpu.memory_space<vmem>>) target(%dma_start3A_455 : memref<96x128xf32, #tpu.memory_space<hbm>>) target_semaphore(%arg16 : memref<!tpu.dma_semaphore, #tpu.memory_space<semaphore_mem>>)
    %dma_wait3A_460 = arith.constant 2 : i32
    %dma_wait3A_461 = arith.constant 0 : i32
    %dma_wait3A_462 = arith.constant 0 : i32
    %dma_wait3A_463 = tpu.memref_slice %arg8[%dma_wait3A_460, %dma_wait3A_461, %dma_wait3A_462] : memref<6x104x128xf32, #tpu.memory_space<vmem>> -> memref<1x104x128xf32, #tpu.memory_space<vmem>>
    %dma_wait3A_464 = tpu.memref_squeeze %dma_wait3A_463 : memref<1x104x128xf32, #tpu.memory_space<vmem>> -> memref<104x128xf32, #tpu.memory_space<vmem>>
    %dma_wait3A_465 = arith.constant 6200 : i32
    %dma_wait3A_466 = tpu.memref_slice %arg7[%dma_wait3A_465] : memref<6400xi32, #tpu.memory_space<vmem>> -> memref<104xi32, #tpu.memory_space<vmem>>
    %dma_wait3A_467 = arith.constant 0 : i32
    %dma_wait3A_468 = arith.constant 0 : i32
    %dma_wait3A_469 = tpu.memref_slice %arg3[%dma_wait3A_467, %dma_wait3A_468] : memref<100000x128xf32, #tpu.memory_space<hbm>> -> memref<100000x128xf32, #tpu.memory_space<hbm>>
    tpu.wait_indirect_dma semaphore(%arg11 : memref<!tpu.dma_semaphore, #tpu.memory_space<semaphore_mem>>) src(%dma_wait3A_469 : memref<100000x128xf32, #tpu.memory_space<hbm>>) dst(%dma_wait3A_464 : memref<104x128xf32, #tpu.memory_space<vmem>>)
    %scan3A_470 = arith.constant 0 : i32
    %scan3A_471 = arith.constant 0 : i32
    %scan3A_472 = arith.constant 104 : i32
    %scan3A_473 = arith.addi %scan3A_471, %scan3A_472 : i32
    %scan3A_474 = arith.constant 1 : i32
    scf.for %scan3A_638 = %scan3A_471 to %scan3A_473 step %scan3A_474  : i32 {
      %get3A = arith.constant 2 : i32
      %get3A_639 = arith.index_cast %get3A : i32 to index
      %get3A_640 = arith.index_cast %scan3A_638 : i32 to index
      %get3A_641 = arith.constant 0 : index
      %get3A_642 = tpu.vector_load %arg8[%get3A_639, %get3A_640, %get3A_641] {strides = array<i32>} : memref<6x104x128xf32, #tpu.memory_space<vmem>>, vector<1x1x16xf32>,
      %get3A_643 = vector.shape_cast %get3A_642 : vector<1x1x16xf32> to vector<16xf32>
      %add3A_644 = arith.constant 0 : i32
      %add3A_645 = arith.addi %add3A_644, %scan3A_638 : i32
      %get3A_646 = arith.index_cast %add3A_645 : i32 to index
      %get3A_647 = arith.constant 0 : index
      %get3A_648 = tpu.vector_load %arg6[%get3A_646, %get3A_647] {strides = array<i32>} : memref<200x128xf32, #tpu.memory_space<vmem>>, vector<1x16xf32>,
      %get3A_649 = vector.shape_cast %get3A_648 : vector<1x16xf32> to vector<16xf32>
      %add3A_650 = arith.addf %get3A_643, %get3A_649 : vector<16xf32>
      %swap3A = arith.constant 2 : i32
      %swap3A_651 = arith.index_cast %swap3A : i32 to index
      %swap3A_652 = arith.index_cast %scan3A_638 : i32 to index
      %swap3A_653 = arith.constant 0 : index
      %swap3A_654 = tpu.vector_load %arg8[%swap3A_651, %swap3A_652, %swap3A_653] {strides = array<i32>} : memref<6x104x128xf32, #tpu.memory_space<vmem>>, vector<1x1x16xf32>,
      %swap3A_655 = vector.shape_cast %swap3A_654 : vector<1x1x16xf32> to vector<16xf32>
      %swap3A_656 = vector.shape_cast %add3A_650 : vector<16xf32> to vector<1x1x16xf32>
      tpu.vector_store %arg8[%swap3A_651, %swap3A_652, %swap3A_653], %swap3A_656 {strides = array<i32>} : memref<6x104x128xf32, #tpu.memory_space<vmem>>, vector<1x1x16xf32>,
      %get3A_657 = arith.constant 2 : i32
      %get3A_658 = arith.index_cast %get3A_657 : i32 to index
      %get3A_659 = arith.index_cast %scan3A_638 : i32 to index
      %get3A_660 = arith.constant 16 : index
      %get3A_661 = tpu.vector_load %arg8[%get3A_658, %get3A_659, %get3A_660] {strides = array<i32>} : memref<6x104x128xf32, #tpu.memory_space<vmem>>, vector<1x1x16xf32>,
      %get3A_662 = vector.shape_cast %get3A_661 : vector<1x1x16xf32> to vector<16xf32>
      %add3A_663 = arith.constant 0 : i32
      %add3A_664 = arith.addi %add3A_663, %scan3A_638 : i32
      %get3A_665 = arith.index_cast %add3A_664 : i32 to index
      %get3A_666 = arith.constant 16 : index
      %get3A_667 = tpu.vector_load %arg6[%get3A_665, %get3A_666] {strides = array<i32>} : memref<200x128xf32, #tpu.memory_space<vmem>>, vector<1x16xf32>,
      %get3A_668 = vector.shape_cast %get3A_667 : vector<1x16xf32> to vector<16xf32>
      %add3A_669 = arith.addf %get3A_662, %get3A_668 : vector<16xf32>
      %swap3A_670 = arith.constant 2 : i32
      %swap3A_671 = arith.index_cast %swap3A_670 : i32 to index
      %swap3A_672 = arith.index_cast %scan3A_638 : i32 to index
      %swap3A_673 = arith.constant 16 : index
      %swap3A_674 = tpu.vector_load %arg8[%swap3A_671, %swap3A_672, %swap3A_673] {strides = array<i32>} : memref<6x104x128xf32, #tpu.memory_space<vmem>>, vector<1x1x16xf32>,
      %swap3A_675 = vector.shape_cast %swap3A_674 : vector<1x1x16xf32> to vector<16xf32>
      %swap3A_676 = vector.shape_cast %add3A_669 : vector<16xf32> to vector<1x1x16xf32>
      tpu.vector_store %arg8[%swap3A_671, %swap3A_672, %swap3A_673], %swap3A_676 {strides = array<i32>} : memref<6x104x128xf32, #tpu.memory_space<vmem>>, vector<1x1x16xf32>,
      %get3A_677 = arith.constant 2 : i32
      %get3A_678 = arith.index_cast %get3A_677 : i32 to index
      %get3A_679 = arith.index_cast %scan3A_638 : i32 to index
      %get3A_680 = arith.constant 32 : index
      %get3A_681 = tpu.vector_load %arg8[%get3A_678, %get3A_679, %get3A_680] {strides = array<i32>} : memref<6x104x128xf32, #tpu.memory_space<vmem>>, vector<1x1x16xf32>,
      %get3A_682 = vector.shape_cast %get3A_681 : vector<1x1x16xf32> to vector<16xf32>
      %add3A_683 = arith.constant 0 : i32
      %add3A_684 = arith.addi %add3A_683, %scan3A_638 : i32
      %get3A_685 = arith.index_cast %add3A_684 : i32 to index
      %get3A_686 = arith.constant 32 : index
      %get3A_687 = tpu.vector_load %arg6[%get3A_685, %get3A_686] {strides = array<i32>} : memref<200x128xf32, #tpu.memory_space<vmem>>, vector<1x16xf32>,
      %get3A_688 = vector.shape_cast %get3A_687 : vector<1x16xf32> to vector<16xf32>
      %add3A_689 = arith.addf %get3A_682, %get3A_688 : vector<16xf32>
      %swap3A_690 = arith.constant 2 : i32
      %swap3A_691 = arith.index_cast %swap3A_690 : i32 to index
      %swap3A_692 = arith.index_cast %scan3A_638 : i32 to index
      %swap3A_693 = arith.constant 32 : index
      %swap3A_694 = tpu.vector_load %arg8[%swap3A_691, %swap3A_692, %swap3A_693] {strides = array<i32>} : memref<6x104x128xf32, #tpu.memory_space<vmem>>, vector<1x1x16xf32>,
      %swap3A_695 = vector.shape_cast %swap3A_694 : vector<1x1x16xf32> to vector<16xf32>
      %swap3A_696 = vector.shape_cast %add3A_689 : vector<16xf32> to vector<1x1x16xf32>
      tpu.vector_store %arg8[%swap3A_691, %swap3A_692, %swap3A_693], %swap3A_696 {strides = array<i32>} : memref<6x104x128xf32, #tpu.memory_space<vmem>>, vector<1x1x16xf32>,
      %get3A_697 = arith.constant 2 : i32
      %get3A_698 = arith.index_cast %get3A_697 : i32 to index
      %get3A_699 = arith.index_cast %scan3A_638 : i32 to index
      %get3A_700 = arith.constant 48 : index
      %get3A_701 = tpu.vector_load %arg8[%get3A_698, %get3A_699, %get3A_700] {strides = array<i32>} : memref<6x104x128xf32, #tpu.memory_space<vmem>>, vector<1x1x16xf32>,
      %get3A_702 = vector.shape_cast %get3A_701 : vector<1x1x16xf32> to vector<16xf32>
      %add3A_703 = arith.constant 0 : i32
      %add3A_704 = arith.addi %add3A_703, %scan3A_638 : i32
      %get3A_705 = arith.index_cast %add3A_704 : i32 to index
      %get3A_706 = arith.constant 48 : index
      %get3A_707 = tpu.vector_load %arg6[%get3A_705, %get3A_706] {strides = array<i32>} : memref<200x128xf32, #tpu.memory_space<vmem>>, vector<1x16xf32>,
      %get3A_708 = vector.shape_cast %get3A_707 : vector<1x16xf32> to vector<16xf32>
      %add3A_709 = arith.addf %get3A_702, %get3A_708 : vector<16xf32>
      %swap3A_710 = arith.constant 2 : i32
      %swap3A_711 = arith.index_cast %swap3A_710 : i32 to index
      %swap3A_712 = arith.index_cast %scan3A_638 : i32 to index
      %swap3A_713 = arith.constant 48 : index
      %swap3A_714 = tpu.vector_load %arg8[%swap3A_711, %swap3A_712, %swap3A_713] {strides = array<i32>} : memref<6x104x128xf32, #tpu.memory_space<vmem>>, vector<1x1x16xf32>,
      %swap3A_715 = vector.shape_cast %swap3A_714 : vector<1x1x16xf32> to vector<16xf32>
      %swap3A_716 = vector.shape_cast %add3A_709 : vector<16xf32> to vector<1x1x16xf32>
      tpu.vector_store %arg8[%swap3A_711, %swap3A_712, %swap3A_713], %swap3A_716 {strides = array<i32>} : memref<6x104x128xf32, #tpu.memory_space<vmem>>, vector<1x1x16xf32>,
      %get3A_717 = arith.constant 2 : i32
      %get3A_718 = arith.index_cast %get3A_717 : i32 to index
      %get3A_719 = arith.index_cast %scan3A_638 : i32 to index
      %get3A_720 = arith.constant 64 : index
      %get3A_721 = tpu.vector_load %arg8[%get3A_718, %get3A_719, %get3A_720] {strides = array<i32>} : memref<6x104x128xf32, #tpu.memory_space<vmem>>, vector<1x1x16xf32>,
      %get3A_722 = vector.shape_cast %get3A_721 : vector<1x1x16xf32> to vector<16xf32>
      %add3A_723 = arith.constant 0 : i32
      %add3A_724 = arith.addi %add3A_723, %scan3A_638 : i32
      %get3A_725 = arith.index_cast %add3A_724 : i32 to index
      %get3A_726 = arith.constant 64 : index
      %get3A_727 = tpu.vector_load %arg6[%get3A_725, %get3A_726] {strides = array<i32>} : memref<200x128xf32, #tpu.memory_space<vmem>>, vector<1x16xf32>,
      %get3A_728 = vector.shape_cast %get3A_727 : vector<1x16xf32> to vector<16xf32>
      %add3A_729 = arith.addf %get3A_722, %get3A_728 : vector<16xf32>
      %swap3A_730 = arith.constant 2 : i32
      %swap3A_731 = arith.index_cast %swap3A_730 : i32 to index
      %swap3A_732 = arith.index_cast %scan3A_638 : i32 to index
      %swap3A_733 = arith.constant 64 : index
      %swap3A_734 = tpu.vector_load %arg8[%swap3A_731, %swap3A_732, %swap3A_733] {strides = array<i32>} : memref<6x104x128xf32, #tpu.memory_space<vmem>>, vector<1x1x16xf32>,
      %swap3A_735 = vector.shape_cast %swap3A_734 : vector<1x1x16xf32> to vector<16xf32>
      %swap3A_736 = vector.shape_cast %add3A_729 : vector<16xf32> to vector<1x1x16xf32>
      tpu.vector_store %arg8[%swap3A_731, %swap3A_732, %swap3A_733], %swap3A_736 {strides = array<i32>} : memref<6x104x128xf32, #tpu.memory_space<vmem>>, vector<1x1x16xf32>,
      %get3A_737 = arith.constant 2 : i32
      %get3A_738 = arith.index_cast %get3A_737 : i32 to index
      %get3A_739 = arith.index_cast %scan3A_638 : i32 to index
      %get3A_740 = arith.constant 80 : index
      %get3A_741 = tpu.vector_load %arg8[%get3A_738, %get3A_739, %get3A_740] {strides = array<i32>} : memref<6x104x128xf32, #tpu.memory_space<vmem>>, vector<1x1x16xf32>,
      %get3A_742 = vector.shape_cast %get3A_741 : vector<1x1x16xf32> to vector<16xf32>
      %add3A_743 = arith.constant 0 : i32
      %add3A_744 = arith.addi %add3A_743, %scan3A_638 : i32
      %get3A_745 = arith.index_cast %add3A_744 : i32 to index
      %get3A_746 = arith.constant 80 : index
      %get3A_747 = tpu.vector_load %arg6[%get3A_745, %get3A_746] {strides = array<i32>} : memref<200x128xf32, #tpu.memory_space<vmem>>, vector<1x16xf32>,
      %get3A_748 = vector.shape_cast %get3A_747 : vector<1x16xf32> to vector<16xf32>
      %add3A_749 = arith.addf %get3A_742, %get3A_748 : vector<16xf32>
      %swap3A_750 = arith.constant 2 : i32
      %swap3A_751 = arith.index_cast %swap3A_750 : i32 to index
      %swap3A_752 = arith.index_cast %scan3A_638 : i32 to index
      %swap3A_753 = arith.constant 80 : index
      %swap3A_754 = tpu.vector_load %arg8[%swap3A_751, %swap3A_752, %swap3A_753] {strides = array<i32>} : memref<6x104x128xf32, #tpu.memory_space<vmem>>, vector<1x1x16xf32>,
      %swap3A_755 = vector.shape_cast %swap3A_754 : vector<1x1x16xf32> to vector<16xf32>
      %swap3A_756 = vector.shape_cast %add3A_749 : vector<16xf32> to vector<1x1x16xf32>
      tpu.vector_store %arg8[%swap3A_751, %swap3A_752, %swap3A_753], %swap3A_756 {strides = array<i32>} : memref<6x104x128xf32, #tpu.memory_space<vmem>>, vector<1x1x16xf32>,
      %get3A_757 = arith.constant 2 : i32
      %get3A_758 = arith.index_cast %get3A_757 : i32 to index
      %get3A_759 = arith.index_cast %scan3A_638 : i32 to index
      %get3A_760 = arith.constant 96 : index
      %get3A_761 = tpu.vector_load %arg8[%get3A_758, %get3A_759, %get3A_760] {strides = array<i32>} : memref<6x104x128xf32, #tpu.memory_space<vmem>>, vector<1x1x16xf32>,
      %get3A_762 = vector.shape_cast %get3A_761 : vector<1x1x16xf32> to vector<16xf32>
      %add3A_763 = arith.constant 0 : i32
      %add3A_764 = arith.addi %add3A_763, %scan3A_638 : i32
      %get3A_765 = arith.index_cast %add3A_764 : i32 to index
      %get3A_766 = arith.constant 96 : index
      %get3A_767 = tpu.vector_load %arg6[%get3A_765, %get3A_766] {strides = array<i32>} : memref<200x128xf32, #tpu.memory_space<vmem>>, vector<1x16xf32>,
      %get3A_768 = vector.shape_cast %get3A_767 : vector<1x16xf32> to vector<16xf32>
      %add3A_769 = arith.addf %get3A_762, %get3A_768 : vector<16xf32>
      %swap3A_770 = arith.constant 2 : i32
      %swap3A_771 = arith.index_cast %swap3A_770 : i32 to index
      %swap3A_772 = arith.index_cast %scan3A_638 : i32 to index
      %swap3A_773 = arith.constant 96 : index
      %swap3A_774 = tpu.vector_load %arg8[%swap3A_771, %swap3A_772, %swap3A_773] {strides = array<i32>} : memref<6x104x128xf32, #tpu.memory_space<vmem>>, vector<1x1x16xf32>,
      %swap3A_775 = vector.shape_cast %swap3A_774 : vector<1x1x16xf32> to vector<16xf32>
      %swap3A_776 = vector.shape_cast %add3A_769 : vector<16xf32> to vector<1x1x16xf32>
      tpu.vector_store %arg8[%swap3A_771, %swap3A_772, %swap3A_773], %swap3A_776 {strides = array<i32>} : memref<6x104x128xf32, #tpu.memory_space<vmem>>, vector<1x1x16xf32>,
      %get3A_777 = arith.constant 2 : i32
      %get3A_778 = arith.index_cast %get3A_777 : i32 to index
      %get3A_779 = arith.index_cast %scan3A_638 : i32 to index
      %get3A_780 = arith.constant 112 : index
      %get3A_781 = tpu.vector_load %arg8[%get3A_778, %get3A_779, %get3A_780] {strides = array<i32>} : memref<6x104x128xf32, #tpu.memory_space<vmem>>, vector<1x1x16xf32>,
      %get3A_782 = vector.shape_cast %get3A_781 : vector<1x1x16xf32> to vector<16xf32>
      %add3A_783 = arith.constant 0 : i32
      %add3A_784 = arith.addi %add3A_783, %scan3A_638 : i32
      %get3A_785 = arith.index_cast %add3A_784 : i32 to index
      %get3A_786 = arith.constant 112 : index
      %get3A_787 = tpu.vector_load %arg6[%get3A_785, %get3A_786] {strides = array<i32>} : memref<200x128xf32, #tpu.memory_space<vmem>>, vector<1x16xf32>,
      %get3A_788 = vector.shape_cast %get3A_787 : vector<1x16xf32> to vector<16xf32>
      %add3A_789 = arith.addf %get3A_782, %get3A_788 : vector<16xf32>
      %swap3A_790 = arith.constant 2 : i32
      %swap3A_791 = arith.index_cast %swap3A_790 : i32 to index
      %swap3A_792 = arith.index_cast %scan3A_638 : i32 to index
      %swap3A_793 = arith.constant 112 : index
      %swap3A_794 = tpu.vector_load %arg8[%swap3A_791, %swap3A_792, %swap3A_793] {strides = array<i32>} : memref<6x104x128xf32, #tpu.memory_space<vmem>>, vector<1x1x16xf32>,
      %swap3A_795 = vector.shape_cast %swap3A_794 : vector<1x1x16xf32> to vector<16xf32>
      %swap3A_796 = vector.shape_cast %add3A_789 : vector<16xf32> to vector<1x1x16xf32>
      tpu.vector_store %arg8[%swap3A_791, %swap3A_792, %swap3A_793], %swap3A_796 {strides = array<i32>} : memref<6x104x128xf32, #tpu.memory_space<vmem>>, vector<1x1x16xf32>,
    }
    %scan3A_475 = arith.constant 104 : i32
    %add3A_476 = arith.constant 31 : i32
    %add3A_477 = arith.addi %mul3A_2, %add3A_476 : i32
    %dma_start3A_478 = arith.constant 2 : i32
    %dma_start3A_479 = arith.constant 0 : i32
    %dma_start3A_480 = arith.constant 0 : i32
    %dma_start3A_481 = tpu.memref_slice %arg8[%dma_start3A_478, %dma_start3A_479, %dma_start3A_480] : memref<6x104x128xf32, #tpu.memory_space<vmem>> -> memref<1x104x128xf32, #tpu.memory_space<vmem>>
    %dma_start3A_482 = tpu.memref_squeeze %dma_start3A_481 : memref<1x104x128xf32, #tpu.memory_space<vmem>> -> memref<104x128xf32, #tpu.memory_space<vmem>>
    %dma_start3A_483 = arith.constant 0 : i32
    %dma_start3A_484 = arith.constant 0 : i32
    %dma_start3A_485 = tpu.memref_slice %arg5[%add3A_477, %dma_start3A_483, %dma_start3A_484] : memref<1024x200x128xf32, #tpu.memory_space<hbm>> -> memref<1x104x128xf32, #tpu.memory_space<hbm>>
    %dma_start3A_486 = tpu.memref_squeeze %dma_start3A_485 : memref<1x104x128xf32, #tpu.memory_space<hbm>> -> memref<104x128xf32, #tpu.memory_space<hbm>>
    %dma_start3A_487 = arith.constant 0 : i32
    %dma_start3A_488 = arith.constant 0 : i32
    %dma_start3A_489 = tpu.memref_slice %arg5[%add3A_477, %dma_start3A_487, %dma_start3A_488] : memref<1024x200x128xf32, #tpu.memory_space<hbm>> -> memref<1x104x128xf32, #tpu.memory_space<hbm>>
    %dma_start3A_490 = tpu.memref_squeeze %dma_start3A_489 : memref<1x104x128xf32, #tpu.memory_space<hbm>> -> memref<104x128xf32, #tpu.memory_space<hbm>>
    %dma_start3A_491 = arith.constant 0 : i32
    %dma_start3A_492 = arith.constant 0 : i32
    %dma_start3A_493 = tpu.memref_slice %arg8[%dma_start3A_478, %dma_start3A_491, %dma_start3A_492] : memref<6x104x128xf32, #tpu.memory_space<vmem>> -> memref<1x104x128xf32, #tpu.memory_space<vmem>>
    %dma_start3A_494 = tpu.memref_squeeze %dma_start3A_493 : memref<1x104x128xf32, #tpu.memory_space<vmem>> -> memref<104x128xf32, #tpu.memory_space<vmem>>
    tpu.enqueue_dma source(%dma_start3A_494 : memref<104x128xf32, #tpu.memory_space<vmem>>) target(%dma_start3A_490 : memref<104x128xf32, #tpu.memory_space<hbm>>) target_semaphore(%arg17 : memref<!tpu.dma_semaphore, #tpu.memory_space<semaphore_mem>>)
    %dma_wait3A_495 = arith.constant 3 : i32
    %dma_wait3A_496 = arith.constant 0 : i32
    %dma_wait3A_497 = arith.constant 0 : i32
    %dma_wait3A_498 = tpu.memref_slice %arg8[%dma_wait3A_495, %dma_wait3A_496, %dma_wait3A_497] : memref<6x104x128xf32, #tpu.memory_space<vmem>> -> memref<1x96x128xf32, #tpu.memory_space<vmem>>
    %dma_wait3A_499 = tpu.memref_squeeze %dma_wait3A_498 : memref<1x96x128xf32, #tpu.memory_space<vmem>> -> memref<96x128xf32, #tpu.memory_space<vmem>>
    %dma_wait3A_500 = arith.constant 6304 : i32
    %dma_wait3A_501 = tpu.memref_slice %arg7[%dma_wait3A_500] : memref<6400xi32, #tpu.memory_space<vmem>> -> memref<96xi32, #tpu.memory_space<vmem>>
    %dma_wait3A_502 = arith.constant 0 : i32
    %dma_wait3A_503 = arith.constant 0 : i32
    %dma_wait3A_504 = tpu.memref_slice %arg3[%dma_wait3A_502, %dma_wait3A_503] : memref<100000x128xf32, #tpu.memory_space<hbm>> -> memref<100000x128xf32, #tpu.memory_space<hbm>>
    tpu.wait_indirect_dma semaphore(%arg12 : memref<!tpu.dma_semaphore, #tpu.memory_space<semaphore_mem>>) src(%dma_wait3A_504 : memref<100000x128xf32, #tpu.memory_space<hbm>>) dst(%dma_wait3A_499 : memref<96x128xf32, #tpu.memory_space<vmem>>)
    %scan3A_505 = arith.constant 0 : i32
    %scan3A_506 = arith.constant 0 : i32
    %scan3A_507 = arith.constant 96 : i32
    %scan3A_508 = arith.addi %scan3A_506, %scan3A_507 : i32
    %scan3A_509 = arith.constant 1 : i32
    scf.for %scan3A_638 = %scan3A_506 to %scan3A_508 step %scan3A_509  : i32 {
      %get3A = arith.constant 3 : i32
      %get3A_639 = arith.index_cast %get3A : i32 to index
      %get3A_640 = arith.index_cast %scan3A_638 : i32 to index
      %get3A_641 = arith.constant 0 : index
      %get3A_642 = tpu.vector_load %arg8[%get3A_639, %get3A_640, %get3A_641] {strides = array<i32>} : memref<6x104x128xf32, #tpu.memory_space<vmem>>, vector<1x1x16xf32>,
      %get3A_643 = vector.shape_cast %get3A_642 : vector<1x1x16xf32> to vector<16xf32>
      %add3A_644 = arith.constant 104 : i32
      %add3A_645 = arith.addi %add3A_644, %scan3A_638 : i32
      %get3A_646 = arith.index_cast %add3A_645 : i32 to index
      %get3A_647 = arith.constant 0 : index
      %get3A_648 = tpu.vector_load %arg6[%get3A_646, %get3A_647] {strides = array<i32>} : memref<200x128xf32, #tpu.memory_space<vmem>>, vector<1x16xf32>,
      %get3A_649 = vector.shape_cast %get3A_648 : vector<1x16xf32> to vector<16xf32>
      %add3A_650 = arith.addf %get3A_643, %get3A_649 : vector<16xf32>
      %swap3A = arith.constant 3 : i32
      %swap3A_651 = arith.index_cast %swap3A : i32 to index
      %swap3A_652 = arith.index_cast %scan3A_638 : i32 to index
      %swap3A_653 = arith.constant 0 : index
      %swap3A_654 = tpu.vector_load %arg8[%swap3A_651, %swap3A_652, %swap3A_653] {strides = array<i32>} : memref<6x104x128xf32, #tpu.memory_space<vmem>>, vector<1x1x16xf32>,
      %swap3A_655 = vector.shape_cast %swap3A_654 : vector<1x1x16xf32> to vector<16xf32>
      %swap3A_656 = vector.shape_cast %add3A_650 : vector<16xf32> to vector<1x1x16xf32>
      tpu.vector_store %arg8[%swap3A_651, %swap3A_652, %swap3A_653], %swap3A_656 {strides = array<i32>} : memref<6x104x128xf32, #tpu.memory_space<vmem>>, vector<1x1x16xf32>,
      %get3A_657 = arith.constant 3 : i32
      %get3A_658 = arith.index_cast %get3A_657 : i32 to index
      %get3A_659 = arith.index_cast %scan3A_638 : i32 to index
      %get3A_660 = arith.constant 16 : index
      %get3A_661 = tpu.vector_load %arg8[%get3A_658, %get3A_659, %get3A_660] {strides = array<i32>} : memref<6x104x128xf32, #tpu.memory_space<vmem>>, vector<1x1x16xf32>,
      %get3A_662 = vector.shape_cast %get3A_661 : vector<1x1x16xf32> to vector<16xf32>
      %add3A_663 = arith.constant 104 : i32
      %add3A_664 = arith.addi %add3A_663, %scan3A_638 : i32
      %get3A_665 = arith.index_cast %add3A_664 : i32 to index
      %get3A_666 = arith.constant 16 : index
      %get3A_667 = tpu.vector_load %arg6[%get3A_665, %get3A_666] {strides = array<i32>} : memref<200x128xf32, #tpu.memory_space<vmem>>, vector<1x16xf32>,
      %get3A_668 = vector.shape_cast %get3A_667 : vector<1x16xf32> to vector<16xf32>
      %add3A_669 = arith.addf %get3A_662, %get3A_668 : vector<16xf32>
      %swap3A_670 = arith.constant 3 : i32
      %swap3A_671 = arith.index_cast %swap3A_670 : i32 to index
      %swap3A_672 = arith.index_cast %scan3A_638 : i32 to index
      %swap3A_673 = arith.constant 16 : index
      %swap3A_674 = tpu.vector_load %arg8[%swap3A_671, %swap3A_672, %swap3A_673] {strides = array<i32>} : memref<6x104x128xf32, #tpu.memory_space<vmem>>, vector<1x1x16xf32>,
      %swap3A_675 = vector.shape_cast %swap3A_674 : vector<1x1x16xf32> to vector<16xf32>
      %swap3A_676 = vector.shape_cast %add3A_669 : vector<16xf32> to vector<1x1x16xf32>
      tpu.vector_store %arg8[%swap3A_671, %swap3A_672, %swap3A_673], %swap3A_676 {strides = array<i32>} : memref<6x104x128xf32, #tpu.memory_space<vmem>>, vector<1x1x16xf32>,
      %get3A_677 = arith.constant 3 : i32
      %get3A_678 = arith.index_cast %get3A_677 : i32 to index
      %get3A_679 = arith.index_cast %scan3A_638 : i32 to index
      %get3A_680 = arith.constant 32 : index
      %get3A_681 = tpu.vector_load %arg8[%get3A_678, %get3A_679, %get3A_680] {strides = array<i32>} : memref<6x104x128xf32, #tpu.memory_space<vmem>>, vector<1x1x16xf32>,
      %get3A_682 = vector.shape_cast %get3A_681 : vector<1x1x16xf32> to vector<16xf32>
      %add3A_683 = arith.constant 104 : i32
      %add3A_684 = arith.addi %add3A_683, %scan3A_638 : i32
      %get3A_685 = arith.index_cast %add3A_684 : i32 to index
      %get3A_686 = arith.constant 32 : index
      %get3A_687 = tpu.vector_load %arg6[%get3A_685, %get3A_686] {strides = array<i32>} : memref<200x128xf32, #tpu.memory_space<vmem>>, vector<1x16xf32>,
      %get3A_688 = vector.shape_cast %get3A_687 : vector<1x16xf32> to vector<16xf32>
      %add3A_689 = arith.addf %get3A_682, %get3A_688 : vector<16xf32>
      %swap3A_690 = arith.constant 3 : i32
      %swap3A_691 = arith.index_cast %swap3A_690 : i32 to index
      %swap3A_692 = arith.index_cast %scan3A_638 : i32 to index
      %swap3A_693 = arith.constant 32 : index
      %swap3A_694 = tpu.vector_load %arg8[%swap3A_691, %swap3A_692, %swap3A_693] {strides = array<i32>} : memref<6x104x128xf32, #tpu.memory_space<vmem>>, vector<1x1x16xf32>,
      %swap3A_695 = vector.shape_cast %swap3A_694 : vector<1x1x16xf32> to vector<16xf32>
      %swap3A_696 = vector.shape_cast %add3A_689 : vector<16xf32> to vector<1x1x16xf32>
      tpu.vector_store %arg8[%swap3A_691, %swap3A_692, %swap3A_693], %swap3A_696 {strides = array<i32>} : memref<6x104x128xf32, #tpu.memory_space<vmem>>, vector<1x1x16xf32>,
      %get3A_697 = arith.constant 3 : i32
      %get3A_698 = arith.index_cast %get3A_697 : i32 to index
      %get3A_699 = arith.index_cast %scan3A_638 : i32 to index
      %get3A_700 = arith.constant 48 : index
      %get3A_701 = tpu.vector_load %arg8[%get3A_698, %get3A_699, %get3A_700] {strides = array<i32>} : memref<6x104x128xf32, #tpu.memory_space<vmem>>, vector<1x1x16xf32>,
      %get3A_702 = vector.shape_cast %get3A_701 : vector<1x1x16xf32> to vector<16xf32>
      %add3A_703 = arith.constant 104 : i32
      %add3A_704 = arith.addi %add3A_703, %scan3A_638 : i32
      %get3A_705 = arith.index_cast %add3A_704 : i32 to index
      %get3A_706 = arith.constant 48 : index
      %get3A_707 = tpu.vector_load %arg6[%get3A_705, %get3A_706] {strides = array<i32>} : memref<200x128xf32, #tpu.memory_space<vmem>>, vector<1x16xf32>,
      %get3A_708 = vector.shape_cast %get3A_707 : vector<1x16xf32> to vector<16xf32>
      %add3A_709 = arith.addf %get3A_702, %get3A_708 : vector<16xf32>
      %swap3A_710 = arith.constant 3 : i32
      %swap3A_711 = arith.index_cast %swap3A_710 : i32 to index
      %swap3A_712 = arith.index_cast %scan3A_638 : i32 to index
      %swap3A_713 = arith.constant 48 : index
      %swap3A_714 = tpu.vector_load %arg8[%swap3A_711, %swap3A_712, %swap3A_713] {strides = array<i32>} : memref<6x104x128xf32, #tpu.memory_space<vmem>>, vector<1x1x16xf32>,
      %swap3A_715 = vector.shape_cast %swap3A_714 : vector<1x1x16xf32> to vector<16xf32>
      %swap3A_716 = vector.shape_cast %add3A_709 : vector<16xf32> to vector<1x1x16xf32>
      tpu.vector_store %arg8[%swap3A_711, %swap3A_712, %swap3A_713], %swap3A_716 {strides = array<i32>} : memref<6x104x128xf32, #tpu.memory_space<vmem>>, vector<1x1x16xf32>,
      %get3A_717 = arith.constant 3 : i32
      %get3A_718 = arith.index_cast %get3A_717 : i32 to index
      %get3A_719 = arith.index_cast %scan3A_638 : i32 to index
      %get3A_720 = arith.constant 64 : index
      %get3A_721 = tpu.vector_load %arg8[%get3A_718, %get3A_719, %get3A_720] {strides = array<i32>} : memref<6x104x128xf32, #tpu.memory_space<vmem>>, vector<1x1x16xf32>,
      %get3A_722 = vector.shape_cast %get3A_721 : vector<1x1x16xf32> to vector<16xf32>
      %add3A_723 = arith.constant 104 : i32
      %add3A_724 = arith.addi %add3A_723, %scan3A_638 : i32
      %get3A_725 = arith.index_cast %add3A_724 : i32 to index
      %get3A_726 = arith.constant 64 : index
      %get3A_727 = tpu.vector_load %arg6[%get3A_725, %get3A_726] {strides = array<i32>} : memref<200x128xf32, #tpu.memory_space<vmem>>, vector<1x16xf32>,
      %get3A_728 = vector.shape_cast %get3A_727 : vector<1x16xf32> to vector<16xf32>
      %add3A_729 = arith.addf %get3A_722, %get3A_728 : vector<16xf32>
      %swap3A_730 = arith.constant 3 : i32
      %swap3A_731 = arith.index_cast %swap3A_730 : i32 to index
      %swap3A_732 = arith.index_cast %scan3A_638 : i32 to index
      %swap3A_733 = arith.constant 64 : index
      %swap3A_734 = tpu.vector_load %arg8[%swap3A_731, %swap3A_732, %swap3A_733] {strides = array<i32>} : memref<6x104x128xf32, #tpu.memory_space<vmem>>, vector<1x1x16xf32>,
      %swap3A_735 = vector.shape_cast %swap3A_734 : vector<1x1x16xf32> to vector<16xf32>
      %swap3A_736 = vector.shape_cast %add3A_729 : vector<16xf32> to vector<1x1x16xf32>
      tpu.vector_store %arg8[%swap3A_731, %swap3A_732, %swap3A_733], %swap3A_736 {strides = array<i32>} : memref<6x104x128xf32, #tpu.memory_space<vmem>>, vector<1x1x16xf32>,
      %get3A_737 = arith.constant 3 : i32
      %get3A_738 = arith.index_cast %get3A_737 : i32 to index
      %get3A_739 = arith.index_cast %scan3A_638 : i32 to index
      %get3A_740 = arith.constant 80 : index
      %get3A_741 = tpu.vector_load %arg8[%get3A_738, %get3A_739, %get3A_740] {strides = array<i32>} : memref<6x104x128xf32, #tpu.memory_space<vmem>>, vector<1x1x16xf32>,
      %get3A_742 = vector.shape_cast %get3A_741 : vector<1x1x16xf32> to vector<16xf32>
      %add3A_743 = arith.constant 104 : i32
      %add3A_744 = arith.addi %add3A_743, %scan3A_638 : i32
      %get3A_745 = arith.index_cast %add3A_744 : i32 to index
      %get3A_746 = arith.constant 80 : index
      %get3A_747 = tpu.vector_load %arg6[%get3A_745, %get3A_746] {strides = array<i32>} : memref<200x128xf32, #tpu.memory_space<vmem>>, vector<1x16xf32>,
      %get3A_748 = vector.shape_cast %get3A_747 : vector<1x16xf32> to vector<16xf32>
      %add3A_749 = arith.addf %get3A_742, %get3A_748 : vector<16xf32>
      %swap3A_750 = arith.constant 3 : i32
      %swap3A_751 = arith.index_cast %swap3A_750 : i32 to index
      %swap3A_752 = arith.index_cast %scan3A_638 : i32 to index
      %swap3A_753 = arith.constant 80 : index
      %swap3A_754 = tpu.vector_load %arg8[%swap3A_751, %swap3A_752, %swap3A_753] {strides = array<i32>} : memref<6x104x128xf32, #tpu.memory_space<vmem>>, vector<1x1x16xf32>,
      %swap3A_755 = vector.shape_cast %swap3A_754 : vector<1x1x16xf32> to vector<16xf32>
      %swap3A_756 = vector.shape_cast %add3A_749 : vector<16xf32> to vector<1x1x16xf32>
      tpu.vector_store %arg8[%swap3A_751, %swap3A_752, %swap3A_753], %swap3A_756 {strides = array<i32>} : memref<6x104x128xf32, #tpu.memory_space<vmem>>, vector<1x1x16xf32>,
      %get3A_757 = arith.constant 3 : i32
      %get3A_758 = arith.index_cast %get3A_757 : i32 to index
      %get3A_759 = arith.index_cast %scan3A_638 : i32 to index
      %get3A_760 = arith.constant 96 : index
      %get3A_761 = tpu.vector_load %arg8[%get3A_758, %get3A_759, %get3A_760] {strides = array<i32>} : memref<6x104x128xf32, #tpu.memory_space<vmem>>, vector<1x1x16xf32>,
      %get3A_762 = vector.shape_cast %get3A_761 : vector<1x1x16xf32> to vector<16xf32>
      %add3A_763 = arith.constant 104 : i32
      %add3A_764 = arith.addi %add3A_763, %scan3A_638 : i32
      %get3A_765 = arith.index_cast %add3A_764 : i32 to index
      %get3A_766 = arith.constant 96 : index
      %get3A_767 = tpu.vector_load %arg6[%get3A_765, %get3A_766] {strides = array<i32>} : memref<200x128xf32, #tpu.memory_space<vmem>>, vector<1x16xf32>,
      %get3A_768 = vector.shape_cast %get3A_767 : vector<1x16xf32> to vector<16xf32>
      %add3A_769 = arith.addf %get3A_762, %get3A_768 : vector<16xf32>
      %swap3A_770 = arith.constant 3 : i32
      %swap3A_771 = arith.index_cast %swap3A_770 : i32 to index
      %swap3A_772 = arith.index_cast %scan3A_638 : i32 to index
      %swap3A_773 = arith.constant 96 : index
      %swap3A_774 = tpu.vector_load %arg8[%swap3A_771, %swap3A_772, %swap3A_773] {strides = array<i32>} : memref<6x104x128xf32, #tpu.memory_space<vmem>>, vector<1x1x16xf32>,
      %swap3A_775 = vector.shape_cast %swap3A_774 : vector<1x1x16xf32> to vector<16xf32>
      %swap3A_776 = vector.shape_cast %add3A_769 : vector<16xf32> to vector<1x1x16xf32>
      tpu.vector_store %arg8[%swap3A_771, %swap3A_772, %swap3A_773], %swap3A_776 {strides = array<i32>} : memref<6x104x128xf32, #tpu.memory_space<vmem>>, vector<1x1x16xf32>,
      %get3A_777 = arith.constant 3 : i32
      %get3A_778 = arith.index_cast %get3A_777 : i32 to index
      %get3A_779 = arith.index_cast %scan3A_638 : i32 to index
      %get3A_780 = arith.constant 112 : index
      %get3A_781 = tpu.vector_load %arg8[%get3A_778, %get3A_779, %get3A_780] {strides = array<i32>} : memref<6x104x128xf32, #tpu.memory_space<vmem>>, vector<1x1x16xf32>,
      %get3A_782 = vector.shape_cast %get3A_781 : vector<1x1x16xf32> to vector<16xf32>
      %add3A_783 = arith.constant 104 : i32
      %add3A_784 = arith.addi %add3A_783, %scan3A_638 : i32
      %get3A_785 = arith.index_cast %add3A_784 : i32 to index
      %get3A_786 = arith.constant 112 : index
      %get3A_787 = tpu.vector_load %arg6[%get3A_785, %get3A_786] {strides = array<i32>} : memref<200x128xf32, #tpu.memory_space<vmem>>, vector<1x16xf32>,
      %get3A_788 = vector.shape_cast %get3A_787 : vector<1x16xf32> to vector<16xf32>
      %add3A_789 = arith.addf %get3A_782, %get3A_788 : vector<16xf32>
      %swap3A_790 = arith.constant 3 : i32
      %swap3A_791 = arith.index_cast %swap3A_790 : i32 to index
      %swap3A_792 = arith.index_cast %scan3A_638 : i32 to index
      %swap3A_793 = arith.constant 112 : index
      %swap3A_794 = tpu.vector_load %arg8[%swap3A_791, %swap3A_792, %swap3A_793] {strides = array<i32>} : memref<6x104x128xf32, #tpu.memory_space<vmem>>, vector<1x1x16xf32>,
      %swap3A_795 = vector.shape_cast %swap3A_794 : vector<1x1x16xf32> to vector<16xf32>
      %swap3A_796 = vector.shape_cast %add3A_789 : vector<16xf32> to vector<1x1x16xf32>
      tpu.vector_store %arg8[%swap3A_791, %swap3A_792, %swap3A_793], %swap3A_796 {strides = array<i32>} : memref<6x104x128xf32, #tpu.memory_space<vmem>>, vector<1x1x16xf32>,
    }
    %scan3A_510 = arith.constant 96 : i32
    %add3A_511 = arith.constant 31 : i32
    %add3A_512 = arith.addi %mul3A_2, %add3A_511 : i32
    %dma_start3A_513 = arith.constant 3 : i32
    %dma_start3A_514 = arith.constant 0 : i32
    %dma_start3A_515 = arith.constant 0 : i32
    %dma_start3A_516 = tpu.memref_slice %arg8[%dma_start3A_513, %dma_start3A_514, %dma_start3A_515] : memref<6x104x128xf32, #tpu.memory_space<vmem>> -> memref<1x96x128xf32, #tpu.memory_space<vmem>>
    %dma_start3A_517 = tpu.memref_squeeze %dma_start3A_516 : memref<1x96x128xf32, #tpu.memory_space<vmem>> -> memref<96x128xf32, #tpu.memory_space<vmem>>
    %dma_start3A_518 = arith.constant 104 : i32
    %dma_start3A_519 = arith.constant 0 : i32
    %dma_start3A_520 = tpu.memref_slice %arg5[%add3A_512, %dma_start3A_518, %dma_start3A_519] : memref<1024x200x128xf32, #tpu.memory_space<hbm>> -> memref<1x96x128xf32, #tpu.memory_space<hbm>>
    %dma_start3A_521 = tpu.memref_squeeze %dma_start3A_520 : memref<1x96x128xf32, #tpu.memory_space<hbm>> -> memref<96x128xf32, #tpu.memory_space<hbm>>
    %dma_start3A_522 = arith.constant 104 : i32
    %dma_start3A_523 = arith.constant 0 : i32
    %dma_start3A_524 = tpu.memref_slice %arg5[%add3A_512, %dma_start3A_522, %dma_start3A_523] : memref<1024x200x128xf32, #tpu.memory_space<hbm>> -> memref<1x96x128xf32, #tpu.memory_space<hbm>>
    %dma_start3A_525 = tpu.memref_squeeze %dma_start3A_524 : memref<1x96x128xf32, #tpu.memory_space<hbm>> -> memref<96x128xf32, #tpu.memory_space<hbm>>
    %dma_start3A_526 = arith.constant 0 : i32
    %dma_start3A_527 = arith.constant 0 : i32
    %dma_start3A_528 = tpu.memref_slice %arg8[%dma_start3A_513, %dma_start3A_526, %dma_start3A_527] : memref<6x104x128xf32, #tpu.memory_space<vmem>> -> memref<1x96x128xf32, #tpu.memory_space<vmem>>
    %dma_start3A_529 = tpu.memref_squeeze %dma_start3A_528 : memref<1x96x128xf32, #tpu.memory_space<vmem>> -> memref<96x128xf32, #tpu.memory_space<vmem>>
    tpu.enqueue_dma source(%dma_start3A_529 : memref<96x128xf32, #tpu.memory_space<vmem>>) target(%dma_start3A_525 : memref<96x128xf32, #tpu.memory_space<hbm>>) target_semaphore(%arg18 : memref<!tpu.dma_semaphore, #tpu.memory_space<semaphore_mem>>)
    %dma_wait3A_530 = arith.constant 0 : i32
    %dma_wait3A_531 = arith.constant 0 : i32
    %dma_wait3A_532 = arith.constant 0 : i32
    %dma_wait3A_533 = arith.constant 0 : i32
    %dma_wait3A_534 = tpu.memref_slice %arg8[%dma_wait3A_530, %dma_wait3A_532, %dma_wait3A_533] : memref<6x104x128xf32, #tpu.memory_space<vmem>> -> memref<1x104x128xf32, #tpu.memory_space<vmem>>
    %dma_wait3A_535 = tpu.memref_squeeze %dma_wait3A_534 : memref<1x104x128xf32, #tpu.memory_space<vmem>> -> memref<104x128xf32, #tpu.memory_space<vmem>>
    %dma_wait3A_536 = arith.constant 0 : i32
    %dma_wait3A_537 = arith.constant 0 : i32
    %dma_wait3A_538 = tpu.memref_slice %arg5[%dma_wait3A_531, %dma_wait3A_536, %dma_wait3A_537] : memref<1024x200x128xf32, #tpu.memory_space<hbm>> -> memref<1x104x128xf32, #tpu.memory_space<hbm>>
    %dma_wait3A_539 = tpu.memref_squeeze %dma_wait3A_538 : memref<1x104x128xf32, #tpu.memory_space<hbm>> -> memref<104x128xf32, #tpu.memory_space<hbm>>
    %dma_wait3A_540 = arith.constant 0 : i32
    %dma_wait3A_541 = arith.constant 0 : i32
    %dma_wait3A_542 = tpu.memref_slice %arg5[%dma_wait3A_531, %dma_wait3A_540, %dma_wait3A_541] : memref<1024x200x128xf32, #tpu.memory_space<hbm>> -> memref<1x104x128xf32, #tpu.memory_space<hbm>>
    %dma_wait3A_543 = tpu.memref_squeeze %dma_wait3A_542 : memref<1x104x128xf32, #tpu.memory_space<hbm>> -> memref<104x128xf32, #tpu.memory_space<hbm>>
    %dma_wait3A_544 = arith.constant 0 : i32
    %dma_wait3A_545 = arith.constant 0 : i32
    %dma_wait3A_546 = tpu.memref_slice %arg8[%dma_wait3A_530, %dma_wait3A_544, %dma_wait3A_545] : memref<6x104x128xf32, #tpu.memory_space<vmem>> -> memref<1x104x128xf32, #tpu.memory_space<vmem>>
    %dma_wait3A_547 = tpu.memref_squeeze %dma_wait3A_546 : memref<1x104x128xf32, #tpu.memory_space<vmem>> -> memref<104x128xf32, #tpu.memory_space<vmem>>
    tpu.wait_dma2 semaphore(%arg15 : memref<!tpu.dma_semaphore, #tpu.memory_space<semaphore_mem>>) src(%dma_wait3A_547 : memref<104x128xf32, #tpu.memory_space<vmem>>) dst(%dma_wait3A_543 : memref<104x128xf32, #tpu.memory_space<hbm>>)
    %dma_wait3A_548 = arith.constant 1 : i32
    %dma_wait3A_549 = arith.constant 0 : i32
    %dma_wait3A_550 = arith.constant 0 : i32
    %dma_wait3A_551 = arith.constant 0 : i32
    %dma_wait3A_552 = tpu.memref_slice %arg8[%dma_wait3A_548, %dma_wait3A_550, %dma_wait3A_551] : memref<6x104x128xf32, #tpu.memory_space<vmem>> -> memref<1x96x128xf32, #tpu.memory_space<vmem>>
    %dma_wait3A_553 = tpu.memref_squeeze %dma_wait3A_552 : memref<1x96x128xf32, #tpu.memory_space<vmem>> -> memref<96x128xf32, #tpu.memory_space<vmem>>
    %dma_wait3A_554 = arith.constant 0 : i32
    %dma_wait3A_555 = arith.constant 0 : i32
    %dma_wait3A_556 = tpu.memref_slice %arg5[%dma_wait3A_549, %dma_wait3A_554, %dma_wait3A_555] : memref<1024x200x128xf32, #tpu.memory_space<hbm>> -> memref<1x96x128xf32, #tpu.memory_space<hbm>>
    %dma_wait3A_557 = tpu.memref_squeeze %dma_wait3A_556 : memref<1x96x128xf32, #tpu.memory_space<hbm>> -> memref<96x128xf32, #tpu.memory_space<hbm>>
    %dma_wait3A_558 = arith.constant 0 : i32
    %dma_wait3A_559 = arith.constant 0 : i32
    %dma_wait3A_560 = tpu.memref_slice %arg5[%dma_wait3A_549, %dma_wait3A_558, %dma_wait3A_559] : memref<1024x200x128xf32, #tpu.memory_space<hbm>> -> memref<1x96x128xf32, #tpu.memory_space<hbm>>
    %dma_wait3A_561 = tpu.memref_squeeze %dma_wait3A_560 : memref<1x96x128xf32, #tpu.memory_space<hbm>> -> memref<96x128xf32, #tpu.memory_space<hbm>>
    %dma_wait3A_562 = arith.constant 0 : i32
    %dma_wait3A_563 = arith.constant 0 : i32
    %dma_wait3A_564 = tpu.memref_slice %arg8[%dma_wait3A_548, %dma_wait3A_562, %dma_wait3A_563] : memref<6x104x128xf32, #tpu.memory_space<vmem>> -> memref<1x96x128xf32, #tpu.memory_space<vmem>>
    %dma_wait3A_565 = tpu.memref_squeeze %dma_wait3A_564 : memref<1x96x128xf32, #tpu.memory_space<vmem>> -> memref<96x128xf32, #tpu.memory_space<vmem>>
    tpu.wait_dma2 semaphore(%arg16 : memref<!tpu.dma_semaphore, #tpu.memory_space<semaphore_mem>>) src(%dma_wait3A_565 : memref<96x128xf32, #tpu.memory_space<vmem>>) dst(%dma_wait3A_561 : memref<96x128xf32, #tpu.memory_space<hbm>>)
    %dma_wait3A_566 = arith.constant 2 : i32
    %dma_wait3A_567 = arith.constant 0 : i32
    %dma_wait3A_568 = arith.constant 0 : i32
    %dma_wait3A_569 = arith.constant 0 : i32
    %dma_wait3A_570 = tpu.memref_slice %arg8[%dma_wait3A_566, %dma_wait3A_568, %dma_wait3A_569] : memref<6x104x128xf32, #tpu.memory_space<vmem>> -> memref<1x104x128xf32, #tpu.memory_space<vmem>>
    %dma_wait3A_571 = tpu.memref_squeeze %dma_wait3A_570 : memref<1x104x128xf32, #tpu.memory_space<vmem>> -> memref<104x128xf32, #tpu.memory_space<vmem>>
    %dma_wait3A_572 = arith.constant 0 : i32
    %dma_wait3A_573 = arith.constant 0 : i32
    %dma_wait3A_574 = tpu.memref_slice %arg5[%dma_wait3A_567, %dma_wait3A_572, %dma_wait3A_573] : memref<1024x200x128xf32, #tpu.memory_space<hbm>> -> memref<1x104x128xf32, #tpu.memory_space<hbm>>
    %dma_wait3A_575 = tpu.memref_squeeze %dma_wait3A_574 : memref<1x104x128xf32, #tpu.memory_space<hbm>> -> memref<104x128xf32, #tpu.memory_space<hbm>>
    %dma_wait3A_576 = arith.constant 0 : i32
    %dma_wait3A_577 = arith.constant 0 : i32
    %dma_wait3A_578 = tpu.memref_slice %arg5[%dma_wait3A_567, %dma_wait3A_576, %dma_wait3A_577] : memref<1024x200x128xf32, #tpu.memory_space<hbm>> -> memref<1x104x128xf32, #tpu.memory_space<hbm>>
    %dma_wait3A_579 = tpu.memref_squeeze %dma_wait3A_578 : memref<1x104x128xf32, #tpu.memory_space<hbm>> -> memref<104x128xf32, #tpu.memory_space<hbm>>
    %dma_wait3A_580 = arith.constant 0 : i32
    %dma_wait3A_581 = arith.constant 0 : i32
    %dma_wait3A_582 = tpu.memref_slice %arg8[%dma_wait3A_566, %dma_wait3A_580, %dma_wait3A_581] : memref<6x104x128xf32, #tpu.memory_space<vmem>> -> memref<1x104x128xf32, #tpu.memory_space<vmem>>
    %dma_wait3A_583 = tpu.memref_squeeze %dma_wait3A_582 : memref<1x104x128xf32, #tpu.memory_space<vmem>> -> memref<104x128xf32, #tpu.memory_space<vmem>>
    tpu.wait_dma2 semaphore(%arg17 : memref<!tpu.dma_semaphore, #tpu.memory_space<semaphore_mem>>) src(%dma_wait3A_583 : memref<104x128xf32, #tpu.memory_space<vmem>>) dst(%dma_wait3A_579 : memref<104x128xf32, #tpu.memory_space<hbm>>)
    %dma_wait3A_584 = arith.constant 3 : i32
    %dma_wait3A_585 = arith.constant 0 : i32
    %dma_wait3A_586 = arith.constant 0 : i32
    %dma_wait3A_587 = arith.constant 0 : i32
    %dma_wait3A_588 = tpu.memref_slice %arg8[%dma_wait3A_584, %dma_wait3A_586, %dma_wait3A_587] : memref<6x104x128xf32, #tpu.memory_space<vmem>> -> memref<1x96x128xf32, #tpu.memory_space<vmem>>
    %dma_wait3A_589 = tpu.memref_squeeze %dma_wait3A_588 : memref<1x96x128xf32, #tpu.memory_space<vmem>> -> memref<96x128xf32, #tpu.memory_space<vmem>>
    %dma_wait3A_590 = arith.constant 0 : i32
    %dma_wait3A_591 = arith.constant 0 : i32
    %dma_wait3A_592 = tpu.memref_slice %arg5[%dma_wait3A_585, %dma_wait3A_590, %dma_wait3A_591] : memref<1024x200x128xf32, #tpu.memory_space<hbm>> -> memref<1x96x128xf32, #tpu.memory_space<hbm>>
    %dma_wait3A_593 = tpu.memref_squeeze %dma_wait3A_592 : memref<1x96x128xf32, #tpu.memory_space<hbm>> -> memref<96x128xf32, #tpu.memory_space<hbm>>
    %dma_wait3A_594 = arith.constant 0 : i32
    %dma_wait3A_595 = arith.constant 0 : i32
    %dma_wait3A_596 = tpu.memref_slice %arg5[%dma_wait3A_585, %dma_wait3A_594, %dma_wait3A_595] : memref<1024x200x128xf32, #tpu.memory_space<hbm>> -> memref<1x96x128xf32, #tpu.memory_space<hbm>>
    %dma_wait3A_597 = tpu.memref_squeeze %dma_wait3A_596 : memref<1x96x128xf32, #tpu.memory_space<hbm>> -> memref<96x128xf32, #tpu.memory_space<hbm>>
    %dma_wait3A_598 = arith.constant 0 : i32
    %dma_wait3A_599 = arith.constant 0 : i32
    %dma_wait3A_600 = tpu.memref_slice %arg8[%dma_wait3A_584, %dma_wait3A_598, %dma_wait3A_599] : memref<6x104x128xf32, #tpu.memory_space<vmem>> -> memref<1x96x128xf32, #tpu.memory_space<vmem>>
    %dma_wait3A_601 = tpu.memref_squeeze %dma_wait3A_600 : memref<1x96x128xf32, #tpu.memory_space<vmem>> -> memref<96x128xf32, #tpu.memory_space<vmem>>
    tpu.wait_dma2 semaphore(%arg18 : memref<!tpu.dma_semaphore, #tpu.memory_space<semaphore_mem>>) src(%dma_wait3A_601 : memref<96x128xf32, #tpu.memory_space<vmem>>) dst(%dma_wait3A_597 : memref<96x128xf32, #tpu.memory_space<hbm>>)
    %dma_wait3A_602 = arith.constant 4 : i32
    %dma_wait3A_603 = arith.constant 0 : i32
    %dma_wait3A_604 = arith.constant 0 : i32
    %dma_wait3A_605 = arith.constant 0 : i32
    %dma_wait3A_606 = tpu.memref_slice %arg8[%dma_wait3A_602, %dma_wait3A_604, %dma_wait3A_605] : memref<6x104x128xf32, #tpu.memory_space<vmem>> -> memref<1x104x128xf32, #tpu.memory_space<vmem>>
    %dma_wait3A_607 = tpu.memref_squeeze %dma_wait3A_606 : memref<1x104x128xf32, #tpu.memory_space<vmem>> -> memref<104x128xf32, #tpu.memory_space<vmem>>
    %dma_wait3A_608 = arith.constant 0 : i32
    %dma_wait3A_609 = arith.constant 0 : i32
    %dma_wait3A_610 = tpu.memref_slice %arg5[%dma_wait3A_603, %dma_wait3A_608, %dma_wait3A_609] : memref<1024x200x128xf32, #tpu.memory_space<hbm>> -> memref<1x104x128xf32, #tpu.memory_space<hbm>>
    %dma_wait3A_611 = tpu.memref_squeeze %dma_wait3A_610 : memref<1x104x128xf32, #tpu.memory_space<hbm>> -> memref<104x128xf32, #tpu.memory_space<hbm>>
    %dma_wait3A_612 = arith.constant 0 : i32
    %dma_wait3A_613 = arith.constant 0 : i32
    %dma_wait3A_614 = tpu.memref_slice %arg5[%dma_wait3A_603, %dma_wait3A_612, %dma_wait3A_613] : memref<1024x200x128xf32, #tpu.memory_space<hbm>> -> memref<1x104x128xf32, #tpu.memory_space<hbm>>
    %dma_wait3A_615 = tpu.memref_squeeze %dma_wait3A_614 : memref<1x104x128xf32, #tpu.memory_space<hbm>> -> memref<104x128xf32, #tpu.memory_space<hbm>>
    %dma_wait3A_616 = arith.constant 0 : i32
    %dma_wait3A_617 = arith.constant 0 : i32
    %dma_wait3A_618 = tpu.memref_slice %arg8[%dma_wait3A_602, %dma_wait3A_616, %dma_wait3A_617] : memref<6x104x128xf32, #tpu.memory_space<vmem>> -> memref<1x104x128xf32, #tpu.memory_space<vmem>>
    %dma_wait3A_619 = tpu.memref_squeeze %dma_wait3A_618 : memref<1x104x128xf32, #tpu.memory_space<vmem>> -> memref<104x128xf32, #tpu.memory_space<vmem>>
    tpu.wait_dma2 semaphore(%arg19 : memref<!tpu.dma_semaphore, #tpu.memory_space<semaphore_mem>>) src(%dma_wait3A_619 : memref<104x128xf32, #tpu.memory_space<vmem>>) dst(%dma_wait3A_615 : memref<104x128xf32, #tpu.memory_space<hbm>>)
    %dma_wait3A_620 = arith.constant 5 : i32
    %dma_wait3A_621 = arith.constant 0 : i32
    %dma_wait3A_622 = arith.constant 0 : i32
    %dma_wait3A_623 = arith.constant 0 : i32
    %dma_wait3A_624 = tpu.memref_slice %arg8[%dma_wait3A_620, %dma_wait3A_622, %dma_wait3A_623] : memref<6x104x128xf32, #tpu.memory_space<vmem>> -> memref<1x96x128xf32, #tpu.memory_space<vmem>>
    %dma_wait3A_625 = tpu.memref_squeeze %dma_wait3A_624 : memref<1x96x128xf32, #tpu.memory_space<vmem>> -> memref<96x128xf32, #tpu.memory_space<vmem>>
    %dma_wait3A_626 = arith.constant 0 : i32
    %dma_wait3A_627 = arith.constant 0 : i32
    %dma_wait3A_628 = tpu.memref_slice %arg5[%dma_wait3A_621, %dma_wait3A_626, %dma_wait3A_627] : memref<1024x200x128xf32, #tpu.memory_space<hbm>> -> memref<1x96x128xf32, #tpu.memory_space<hbm>>
    %dma_wait3A_629 = tpu.memref_squeeze %dma_wait3A_628 : memref<1x96x128xf32, #tpu.memory_space<hbm>> -> memref<96x128xf32, #tpu.memory_space<hbm>>
    %dma_wait3A_630 = arith.constant 0 : i32
    %dma_wait3A_631 = arith.constant 0 : i32
    %dma_wait3A_632 = tpu.memref_slice %arg5[%dma_wait3A_621, %dma_wait3A_630, %dma_wait3A_631] : memref<1024x200x128xf32, #tpu.memory_space<hbm>> -> memref<1x96x128xf32, #tpu.memory_space<hbm>>
    %dma_wait3A_633 = tpu.memref_squeeze %dma_wait3A_632 : memref<1x96x128xf32, #tpu.memory_space<hbm>> -> memref<96x128xf32, #tpu.memory_space<hbm>>
    %dma_wait3A_634 = arith.constant 0 : i32
    %dma_wait3A_635 = arith.constant 0 : i32
    %dma_wait3A_636 = tpu.memref_slice %arg8[%dma_wait3A_620, %dma_wait3A_634, %dma_wait3A_635] : memref<6x104x128xf32, #tpu.memory_space<vmem>> -> memref<1x96x128xf32, #tpu.memory_space<vmem>>
    %dma_wait3A_637 = tpu.memref_squeeze %dma_wait3A_636 : memref<1x96x128xf32, #tpu.memory_space<vmem>> -> memref<96x128xf32, #tpu.memory_space<vmem>>
    tpu.wait_dma2 semaphore(%arg20 : memref<!tpu.dma_semaphore, #tpu.memory_space<semaphore_mem>>) src(%dma_wait3A_637 : memref<96x128xf32, #tpu.memory_space<vmem>>) dst(%dma_wait3A_633 : memref<96x128xf32, #tpu.memory_space<hbm>>)
    return
  }
}

</mosaic_0001>

<sc_bundles>
// kernel: kernel.3.cloned.1.call-start
scs
__scs_entry_jumppad:
0x0: {  	(pc) =	sbr.rel $0x88, $3  }
0x1: {  	(tag) =	ssettag $0x0;
	lr =	simm.s32 $0x1  }
0x2: {  	[smem:$0x3F9F] =	sst lr;
	_ =	strace $0xD0000000  }
0x3: {  	_ = 	snop  }
0x4: {  	_ = 	snop  }
0x5: {  	_ = 	snop  }
0x6: {  	_ = 	snop  }
0x7: {  	_ = 	snop  }
__scs_overlays_trampoline_lowered:
0x8: {  	[smem:$0x3FAE] =	sst s0  }
0x9: {  	[smem:$0x3FAF] =	sst s1  }
0xa: {  	[smem:$0x3FB0] =	sst s2  }
0xb: {  	[smem:$0x3FB1] =	sst s3  }
0xc: {  	[smem:$0x3FB2] =	sst s4  }
0xd: {  	[smem:$0x3FB3] =	sst s5  }
0xe: {  	[smem:$0x3FB4] =	sst s6  }
0xf: {  	[smem:$0x3FB5] =	sst s7  }
0x10: {  	[smem:$0x3FB6] =	sst s8  }
0x11: {  	[smem:$0x3FB7] =	sst s9;
	s0 =	simm.s32 @!p0 $0x0  }
0x12: {  	s1 =	sld [smem:$0x3F9D];
	s0 =	simm.s32 @p0 $0x1  }
0x13: {  	[smem:$0x3FB8] =	sst s0;
	s0 =	simm.s32 @!p1 $0x0  }
0x14: {  	s2 =	sld [smem:$0x3F9C];
	s0 =	simm.s32 @p1 $0x1  }
0x15: {  	[smem:$0x3FB9] =	sst s0;
	s0 =	simm.s32 @!p2 $0x0  }
0x16: {  	s3 =	sld [smem:$0x3FDB];
	s0 =	simm.s32 @p2 $0x1  }
0x17: {  	s4 =	simm.s32 $0x1BF5;
	[smem:$0x3FBB] =	sst s0  }
0x18: {  	s0 =	sld [smem:$0x3F9E];
	_ =	swait.ge [sflag:s4], $0x0  }
0x19: {  	s7 =	sld [smem:$0x3F9F]  }
0x1a: {  	s8 =	sadd.s32 $0xFFFFE003, lr  }
0x1b: {  	s9 =	sadd.s32 $0xFFFFFEF7, lr;
	s5 =	simm.s32 $0xFFFFFFFF;
	p2 =	slt.u32 s8, $0xFFFFF086  }
0x1c: {  	p1 =	slt.u32 s9, $0xF7A;
	s5 =	simm.s32 @!p2 $0x0  }
0x1d: {  	s5 =	simm.s32 @p1 $0x1;
	p0 =	seq.s32 s7, s2  }
0x1e: {  	s7 =	smul.u32 @!p0 $0xF7A, s2;
	p2 =	seq.s32 @!p0 s5, $0x0  }
0x1f: {  	s9 =	smul.u32 $0xF7A, s1;
	s8 =	simm.s32 @!p0 $0x1BF5;
	p2 =	por !p2, p0  }
0x20: {  	[sflag:s8] =	ssyncset.s32 @!p0 $0xFFFFF086;
	s6 =	sadd.s32 @!p0 s3, s7;
	s7 =	simm.s32 @!p0 $0x108  }
0x21: {  	s3 =	sadd.s32 s3, s9;
	s6 =	sadd.s32 @!p0 $0x88, s6;
	s7 =	simm.s32 @p2 $0x1082  }
0x22: {  	[simem:s7], [sflag:s8] =	dma.local @!p0 [hbm:s6], $0xF7A  }
0x23: {  	s9 =	sor.u32 $0xD0000000, s2;
	s6 =	simm.s32 $0x108;
	_ =	swait.ge @!p0 [sflag:s8], $0x0  }
0x24: {  	s3 =	sadd.s32 $0x88, s3;
	s6 =	simm.s32 @!p1 $0x1082;
	[sflag:s4] =	ssyncset.s32 $0xFFFFF086  }
0x25: {  	[simem:s6], [sflag:s4] =	dma.local [hbm:s3], $0xF7A  }
0x26: {  	[smem:$0x3F9F] =	sst s1;
	(tag) =	ssettag s2;
	_ =	strace s9  }
0x27: {  	s1 =	sld [smem:$0x3FAF]  }
0x28: {  	s2 =	sld [smem:$0x3FB0]  }
0x29: {  	s4 =	sld [smem:$0x3FB2]  }
0x2a: {  	p0 =	seq.s32 s5, $0x0;
	s5 =	sld [smem:$0x3FB3]  }
0x2b: {  	s6 =	sld [smem:$0x3FB4]  }
0x2c: {  	s7 =	sld [smem:$0x3FB5]  }
0x2d: {  	s3 =	simm.s32 $0x108;
	s8 =	sld [smem:$0x3FB6]  }
0x2e: {  	s3 =	simm.s32 @!p0 $0x1082;
	s9 =	sld [smem:$0x3FB7]  }
0x2f: {  	lr =	sadd.s32 s0, s3;
	s0 =	sld [smem:$0x3FAE]  }
0x30: {  	s3 =	sld [smem:$0x3FB1]  }
0x31: {  	[smem:$0x3FBA] =	sst s10  }
0x32: {  	s10 =	sld [smem:$0x3FB8];
	_ =	sdelay $0x3  }
0x33: {  	p0 =	seq.s32 s10, $0x1;
	s10 =	sld [smem:$0x3FBA];
	_ =	sdelay $0x3  }
0x34: {  	[smem:$0x3FBA] =	sst s10  }
0x35: {  	s10 =	sld [smem:$0x3FB9];
	_ =	sdelay $0x3  }
0x36: {  	p1 =	seq.s32 s10, $0x1;
	s10 =	sld [smem:$0x3FBA];
	_ =	sdelay $0x3  }
0x37: {  	[smem:$0x3FBA] =	sst s10  }
0x38: {  	s10 =	sld [smem:$0x3FBB]  }
0x39: {  	_ = 	snop;
	(pc) =	sbr.ind lr, $3  }
0x3a: {  	_ = 	snop  }
0x3b: {  	_ = 	snop  }
0x3c: {  	p2 =	seq.s32 s10, $0x1;
	s10 =	sld [smem:$0x3FBA]  }
0x3d: {  	_ =	shalt  }
0x3e: {  	_ =	shalt  }
0x3f: {  	_ =	shalt  }
0x40: {  	_ =	shalt  }
0x41: {  	_ =	shalt  }
0x42: {  	_ =	shalt  }
0x43: {  	_ =	shalt  }
0x44: {  	_ =	shalt  }
0x45: {  	_ =	shalt  }
0x46: {  	_ =	shalt  }
0x47: {  	_ =	shalt  }
0x48: {  	_ =	shalt  }
0x49: {  	_ =	shalt  }
0x4a: {  	_ =	shalt  }
0x4b: {  	_ =	shalt  }
0x4c: {  	_ =	shalt  }
0x4d: {  	_ =	shalt  }
0x4e: {  	_ =	shalt  }
0x4f: {  	_ =	shalt  }
0x50: {  	_ =	shalt  }
0x51: {  	_ =	shalt  }
0x52: {  	_ =	shalt  }
0x53: {  	_ =	shalt  }
0x54: {  	_ =	shalt  }
0x55: {  	_ =	shalt  }
0x56: {  	_ =	shalt  }
0x57: {  	_ =	shalt  }
0x58: {  	_ =	shalt  }
0x59: {  	_ =	shalt  }
0x5a: {  	_ =	shalt  }
0x5b: {  	_ =	shalt  }
0x5c: {  	_ =	shalt  }
0x5d: {  	_ =	shalt  }
0x5e: {  	_ =	shalt  }
0x5f: {  	_ =	shalt  }
0x60: {  	_ =	shalt  }
0x61: {  	_ =	shalt  }
0x62: {  	_ =	shalt  }
0x63: {  	_ =	shalt  }
0x64: {  	_ =	shalt  }
0x65: {  	_ =	shalt  }
0x66: {  	_ =	shalt  }
0x67: {  	_ =	shalt  }
0x68: {  	_ =	shalt  }
0x69: {  	_ =	shalt  }
0x6a: {  	_ =	shalt  }
0x6b: {  	_ =	shalt  }
0x6c: {  	_ =	shalt  }
0x6d: {  	_ =	shalt  }
0x6e: {  	_ =	shalt  }
0x6f: {  	_ =	shalt  }
0x70: {  	_ =	shalt  }
0x71: {  	_ =	shalt  }
0x72: {  	_ =	shalt  }
0x73: {  	_ =	shalt  }
0x74: {  	_ =	shalt  }
0x75: {  	_ =	shalt  }
0x76: {  	_ =	shalt  }
0x77: {  	_ =	shalt  }
0x78: {  	_ =	shalt  }
0x79: {  	_ =	shalt  }
0x7a: {  	_ =	shalt  }
0x7b: {  	_ =	shalt  }
0x7c: {  	_ =	shalt  }
0x7d: {  	_ =	shalt  }
0x7e: {  	_ =	shalt  }
0x7f: {  	_ =	shalt  }
0x80: {  	_ =	shalt  }
0x81: {  	_ =	shalt  }
0x82: {  	_ =	shalt  }
0x83: {  	_ =	shalt  }
0x84: {  	_ =	shalt  }
0x85: {  	_ =	shalt  }
0x86: {  	_ =	shalt  }
0x87: {  	_ =	shalt  }
.Lfunc_end0:
.L_simem_size_0:
called_computation_lowered:
.L_overlay_start_0:
0x88: {  	s2 =	sld [smem:$0x3FD9]  }
0x89: {  	s3 =	sld [smem:$0x3FFE];
	_ =	sdelay $0x1  }
0x8a: {  	s1 =	srdreg.scid  }
0x8b: {  	s0 =	sand.u32 $0x1, s1  }
0x8c: {  	s17 =	sshll.u32 s0, $0xA;
	s2 =	sadd.s32 s3, s2  }
0x8d: {  	s2 =	sadd.s32 s2, s17  }
0x8e: {  	[smem:$0x3FC6] =	sst s2  }
0x8f: {  	_ = 	snop  }
0x90: {  	s2 =	sld [smem:$0x3FC8]  }
0x91: {  	s18 =	sld [smem:$0x3FD0];
	(tm) =	ssettm $0x1  }
0x92: {  	s4 =	sld [smem:$0x3FFB];
	_ =	sdelay $0x3  }
0x93: {  	_ =	strace s4  }
0x94: {  	s4 =	sld [smem:$0x3FFC];
	_ =	sdelay $0x3  }
0x95: {  	_ =	strace s4  }
0x96: {  	s4 =	sld [smem:$0x3FFD];
	_ =	sdelay $0x3  }
0x97: {  	_ =	strace s4  }
0x98: {  	_ =	strace $0x8FFFFFFF  }
0x99: {  	s19 =	sld [smem:$0x3FDB];
	_ =	sdelay $0x1  }
0x9a: {  	s5 =	simm.s32 $_scs_section_size  }
0x9b: {  	s6 =	simm.s32 $_size__tile_overlayer_lowered;
	s7 =	simm.s32 $_tile_overlayer_lowered  }
0x9c: {  	s22 =	simm.s32 $0x1BFF;
	s21 =	sshll.u32 s7, $0x1;
	s4 =	sadd.s32 s5, s19  }
0x9d: {  	s8 =	simm.s32 $0x0;
	s20 =	sshll.u32 s6, $0x1;
	s6 =	sadd.s32 s21, s4  }
0x9e: {  	[timem:s8], [sflag:s22] =	dma.local [hbm:s6], s20  }
0x9f: {  	_ =	swait.ge [sflag:s22], s20  }
0xa0: {  	s5 =	ssub.s32 $0x0, s20;
	[sflag:s22] =	ssyncset.done $0x0  }
0xa1: {  	[sflag:s22] =	ssyncadd.s32 s5;
	_ =	sdelay $0x1  }
0xa2: {  	s23 =	simm.s32 $0x1B8B  }
0xa3: {  	_ =	swait.ge [sflag:s23], $0x1  }
0xa4: {  	[sflag:s23] =	ssyncset.done $0x0  }
0xa5: {  	s25 =	simm.s32 $0x1B8E;
	s24 =	sld [smem:$0x3FFE];
	[sflag:s23] =	ssyncadd.s32 $0xFFFFFFFF  }
0xa6: {  	s26 =	simm.s32 $execute0_lowered;
	[smem:$0x3FD2] =	sst s25  }
0xa7: {  	s6 =	sshll.u32 s26, $0x1;
	_ =	strace $0x80000046;
	[dreg:$0x1] =	wrdreg $0xFFFFFFFF  }
0xa8: {  	s28 =	simm.s32 $_size_execute0_lowered;
	s4 =	sadd.s32 s4, s6;
	[dreg:$0x0] =	wrdreg $0x0  }
0xa9: {  	s6 =	sshll.u32 s28, $0x1;
	[dreg:$0x2] =	wrdreg s4  }
0xaa: {  	[dreg:$0x3] =	wrdreg s6  }
0xab: {  	[dreg:$0x4] =	wrdreg $0xC0  }
0xac: {  	_ =	task [dreg:s8], $0x5FFFF  }
0xad: {  	[dreg:$0x1] =	wrdreg $0xFFFFFFFF  }
0xae: {  	[dreg:$0x0] =	wrdreg $0x60  }
0xaf: {  	[dreg:$0x2] =	wrdreg s24  }
0xb0: {  	[dreg:$0x3] =	wrdreg s2  }
0xb1: {  	[dreg:$0x4] =	wrdreg s18  }
0xb2: {  	[dreg:$0x5] =	wrdreg $0x9  }
0xb3: {  	_ =	task.clear_ibuf [dreg:s8], $0x6FFFF;
	_ =	strace $0x90000046  }
0xb4: {  	s29 =	simm.s32 $0x9;
	_ =	strace $0x80000048  }
0xb5: {  	_ =	swait.ge [sflag:s29], $0x1  }
0xb6: {  	[sflag:s29] =	ssyncadd.s32 $0xFFFFFFFF  }
0xb7: {  	_ =	strace $0x90000048  }
0xb8: {  	_ =	sfence  }
0xb9: {  	s30 =	sld [smem:$0x0];
	_ =	sdelay $0x2  }
0xba: {  	s31 =	sshll.u32 s1, $0xD;
	s1 =	sshrl.u32 s1, $0x2  }
0xbb: {  	s3 =	sand.u32 $0x4000, s31;
	s1 =	sadd.s32 s1, s30  }
0xbc: {  	s0 =	sor.u32 s3, s0;
	s1 =	sshll.u32 s1, $0x11  }
0xbd: {  	s0 =	sor.u32 s1, s0  }
0xbe: {  	s0 =	sadd.s32 $0x8F2B, s0  }
0xbf: {  	[sflag:s0] =	ssyncadd.remote.s32 $0x1  }
0xc0: {  	_ =	sfence.sel $0xFFFF  }
0xc1: {  	[dreg:$0x0] =	wrdreg $0xFFFFFFFF;
	(pc) =	sbr.abs _section_cstart, $3  }
0xc2: {  	[dreg:$0x1] =	wrdreg $0xFFFFFFFF  }
0xc3: {  	_ =	task.clear_ibuf [dreg:s8], $0x2FFFF;
	_ =	strace $0x9FFFFFFF  }
0xc4: {  	(tm) =	ssettm $0x7FFFFFFF  }
0xc5: {  	_ =	shalt  }
tec
execute0_lowered:
.L_overlay_start_1:
0x0: {  	(tag) =	ssettag $0x1  }
0x1: {  	s0 =	rddreg [dreg:$0x0];
	s1 =	srdreg.scid  }
0x2: {  	s3 =	stileid.u32;
	s2 =	rddreg [dreg:$0x1]  }
0x3: {  	s19 =	simm.s32 $0x0;
	s28 =	simm.s32 $0xB100;
	s30 =	simm.s32 $0xE500  }
0x4: {  	s31 =	simm.s32 $0x1;
	s1 =	sand.u32 $0x1, s1;
	s4 =	sshll.u32 s3, $0x1  }
0x5: {  	s9 =	simm.s32 $0x8;
	s3 =	rddreg [dreg:$0x2];
	s4 =	sor.u32 s1, s4  }
0x6: {  	s12 =	simm.s32 $0x4;
	[smem:$0x7FF] =	sst s19;
	s5 =	smul.u32 $0x320, s4  }
0x7: {  	s1 =	ssub.s32 $0x2, s1;
	s6 =	smul.u32 $0xC8000, s4;
	s4 =	sshll.u32 s4, $0x5  }
0x8: {  	_ =	strace $0x80000047;
	s7 =	sshrl.u32 s1, $0x1;
	s20 =	sor.u32 $0x1, s4  }
0x9: {  	s5 =	sadd.s32 s5, s0;
	s0 =	sadd.s32 $0x6800, s0;
	[dreg:$0x8] =	wrdreg s20  }
0xa: {  	s17 =	sshrl.u32 s6, $0x3;
	[dreg:$0x4] =	wrdreg s0;
	s5 =	sadd.s32 $0x400, s5  }
0xb: {  	s16 =	ssub.s32 s1, s7;
	s1 =	sadd.s32 s3, s17;
	[dreg:$0x5] =	wrdreg s5  }
0xc: {  	s13 =	simm.s32 $0x9;
	s0 =	smax.u32 s16, $0x1;
	[dreg:$0x6] =	wrdreg s1  }
0xd: {  	s14 =	simm.s32 $0x5;
	s18 =	sadd.s32 $0x680, s1;
	[dreg:$0x11] =	wrdreg s0  }
0xe: {  	s15 =	simm.s32 $0xA;
	s21 =	sadd.s32 $0x15E00, s1;
	[dreg:$0x7] =	wrdreg s18  }
0xf: {  	s10 =	smov.u32 s4;
	s22 =	sadd.s32 $0x16480, s1;
	[dreg:$0x9] =	wrdreg s21  }
0x10: {  	s11 =	sor.u32 $0x2, s4;
	s23 =	sadd.s32 $0x16A80, s1;
	[dreg:$0xa] =	wrdreg s22  }
0x11: {  	s7 =	simm.s32 $0x3;
	s24 =	sadd.s32 $0x17100, s1;
	[dreg:$0xb] =	wrdreg s23  }
0x12: {  	s6 =	simm.s32 $0x0;
	s25 =	sadd.s32 $0x17700, s1;
	[dreg:$0xc] =	wrdreg s24  }
0x13: {  	s16 =	simm.s32 $0x6;
	s26 =	sadd.s32 $0x17D80, s1;
	[dreg:$0xd] =	wrdreg s25  }
0x14: {  	s17 =	simm.s32 $0xB;
	s29 =	sadd.s32 $0x18380, s1;
	[dreg:$0xe] =	wrdreg s26  }
0x15: {  	s1 =	sadd.s32 $0x18A00, s1;
	s0 =	simm.s32 $0x18100;
	[dreg:$0xf] =	wrdreg s29  }
0x16: {  	s5 =	simm.s32 $0x7;
	[dreg:$0x10] =	wrdreg s1;
	s23 =	simm.s32 $0x68  }
0x17: {  	s24 =	simm.s32 $0x7D00;
	s25 =	simm.s32 $0x60;
	s1 =	simm.s32 $0x11900  }
0x18: {  	s26 =	simm.s32 $0x14D00;
	s21 =	simm.s32 $0x2;
	s18 =	simm.s32 $0xC  }
.LBB2_1:
0x19: {  	[dreg:$0x12] =	wrdreg s6  }
0x1a: {  	s4 =	rddreg [dreg:$0x4]  }
0x1b: {  	[tilespmem:s19], [sflag:$0xD] =	stream.linear.gather [hbm4b:s4+s19], $0x6400, $0x38;
	[tilespmem:$0x1B500] =	vst v63  }
0x1c: {  	s20 =	rddreg [dreg:$0x5];
	s22 =	simm.s32 $0x6400;
	s29 =	simm.s32 $0xE  }
0x1d: {  	[tilespmem:s22], [sflag:$0xE] =	stream.linear.gather [hbm4b:s20+s19], $0x1900, $0x38;
	[tilespmem:$0x1B500] =	vst v63  }
0x1e: {  	_ =	swait.ge [sflag:s29], $0x1900  }
0x1f: {  	[sflag:s29] =	ssyncset.done $0x0  }
0x20: {  	[sflag:s29] =	ssyncadd.s32 $0xFFFFE700  }
0x21: {  	[tilespmem:s24], [sflag:$0x1] =	stream.indirect.gather [hbm4b:s2+s23], $0x80, s22, s23, $0xb8;
	[tilespmem:$0x1B500] =	vst v63  }
0x22: {  	s8 =	simm.s32 $0x6468  }
0x23: {  	[tilespmem:s28], [sflag:$0x2] =	stream.indirect.gather [hbm4b:s2+s25], $0x80, s8, s25, $0xb8;
	[tilespmem:$0x1B500] =	vst v63  }
0x24: {  	s19 =	simm.s32 $0x64C8  }
0x25: {  	[tilespmem:s30], [sflag:$0x3] =	stream.indirect.gather [hbm4b:s2+s23], $0x80, s19, s23, $0xb8;
	[tilespmem:$0x1B500] =	vst v63  }
0x26: {  	s20 =	simm.s32 $0x6530  }
0x27: {  	[tilespmem:s1], [sflag:$0x4] =	stream.indirect.gather [hbm4b:s2+s25], $0x80, s20, s25, $0xb8;
	[tilespmem:$0x1B500] =	vst v63  }
0x28: {  	s29 =	simm.s32 $0xD;
	s22 =	simm.s32 $0x6590  }
0x29: {  	[tilespmem:s26], [sflag:$0x5] =	stream.indirect.gather [hbm4b:s2+s23], $0x80, s22, s23, $0xb8;
	[tilespmem:$0x1B500] =	vst v63  }
0x2a: {  	_ =	swait.ge [sflag:s29], $0x6400  }
0x2b: {  	[sflag:s29] =	ssyncset.done $0x0  }
0x2c: {  	[sflag:s29] =	ssyncadd.s32 $0xFFFF9C00  }
0x2d: {  	_ =	swait.ge [sflag:s31], $0x3400  }
0x2e: {  	[sflag:s31] =	ssyncset.done $0x0  }
0x2f: {  	s8 =	simm.s32 $0x0;
	[sflag:s31] =	ssyncadd.s32 $0xFFFFCC00  }
0x30: {  	v7 =	vld [tilespmem:s8+$0x0]  }
0x31: {  	v11 =	vld [tilespmem:s8+$0x10]  }
0x32: {  	v5 =	vld [tilespmem:s8+$0x20]  }
0x33: {  	v4 =	vld [tilespmem:s8+$0x30]  }
0x34: {  	v3 =	vld [tilespmem:s8+$0x40]  }
0x35: {  	v2 =	vld [tilespmem:s8+$0x50]  }
0x36: {  	v1 =	vld [tilespmem:s8+$0x60]  }
0x37: {  	v0 =	vld [tilespmem:s8+$0x70]  }
0x38: {  	v12 =	vld [tilespmem:s8+$0x7D00]  }
0x39: {  	v13 =	vld [tilespmem:s8+$0x7D10]  }
0x3a: {  	v10 =	vld [tilespmem:s8+$0x7D20]  }
0x3b: {  	v9 =	vld [tilespmem:s8+$0x7D30]  }
0x3c: {  	v8 =	vld [tilespmem:s8+$0x7D40]  }
0x3d: {  	v6 =	vld [tilespmem:s8+$0x7D50];
	v12 =	vadd.f32 v7, v12  }
0x3e: {  	s19 =	simm.s32 $0x200;
	v11 =	vadd.f32 v11, v13;
	v7 =	vld [tilespmem:s8+$0x7D60]  }
.LBB2_2:
0x3f: {  	s4 =	sshra.s32 s19, $0x2;
	p0 =	sne.s32 s19, $0xCE00;
	[tilespmem:s8+$0x7D00] =	vst v12;
	v5 =	vadd.f32 v5, v10;
	v10 =	vld [tilespmem:s8+$0x7D70]  }
0x40: {  	v12 =	vld [tilespmem:s4+$0x0];
	[tilespmem:s8+$0x7D10] =	vst v11;
	v4 =	vadd.f32 v4, v9  }
0x41: {  	v11 =	vld [tilespmem:s4+$0x10];
	[tilespmem:s8+$0x7D20] =	vst v5;
	v3 =	vadd.f32 v3, v8  }
0x42: {  	v5 =	vld [tilespmem:s4+$0x20];
	[tilespmem:s8+$0x7D30] =	vst v4;
	v2 =	vadd.f32 v2, v6  }
0x43: {  	v4 =	vld [tilespmem:s4+$0x30];
	[tilespmem:s8+$0x7D40] =	vst v3;
	v1 =	vadd.f32 v1, v7  }
0x44: {  	v3 =	vld [tilespmem:s4+$0x40];
	[tilespmem:s8+$0x7D50] =	vst v2;
	v0 =	vadd.f32 v0, v10  }
0x45: {  	v2 =	vld [tilespmem:s4+$0x50];
	[tilespmem:s8+$0x7D60] =	vst v1  }
0x46: {  	v1 =	vld [tilespmem:s4+$0x60];
	[tilespmem:s8+$0x7D70] =	vst v0;
	s8 =	smov.u32 s4  }
0x47: {  	v0 =	vld [tilespmem:s8+$0x70]  }
0x48: {  	v6 =	vld [tilespmem:s8+$0x7D00]  }
0x49: {  	v7 =	vld [tilespmem:s8+$0x7D10]  }
.Ltmp0:
0x4a: {  	v10 =	vld [tilespmem:s8+$0x7D20];
	(pc) =	sbr.rel @p0 .LBB2_2-.Ltmp0, $4  }
0x4b: {  	v9 =	vld [tilespmem:s8+$0x7D30]  }
0x4c: {  	v8 =	vld [tilespmem:s8+$0x7D40]  }
0x4d: {  	v12 =	vadd.f32 v12, v6;
	v6 =	vld [tilespmem:s8+$0x7D50]  }
0x4e: {  	s19 =	sadd.s32 $0x200, s19;
	v11 =	vadd.f32 v11, v7;
	v7 =	vld [tilespmem:s8+$0x7D60]  }
0x4f: {  	[tilespmem:s8+$0x7D00] =	vst v12;
	v5 =	vadd.f32 v5, v10;
	v10 =	vld [tilespmem:s8+$0x7D70]  }
0x50: {  	[tilespmem:s8+$0x7D10] =	vst v11;
	v4 =	vadd.f32 v4, v9  }
0x51: {  	[tilespmem:s8+$0x7D20] =	vst v5;
	v3 =	vadd.f32 v3, v8  }
0x52: {  	[tilespmem:s8+$0x7D30] =	vst v4;
	v2 =	vadd.f32 v2, v6  }
0x53: {  	[tilespmem:s8+$0x7D40] =	vst v3;
	v1 =	vadd.f32 v1, v7  }
0x54: {  	[tilespmem:s8+$0x7D50] =	vst v2;
	v0 =	vadd.f32 v0, v10  }
0x55: {  	[tilespmem:s8+$0x7D60] =	vst v1  }
0x56: {  	s4 =	simm.s32 $0x0;
	s6 =	rddreg [dreg:$0x6];
	[tilespmem:s8+$0x7D70] =	vst v0  }
0x57: {  	[hbm4b:s6+s4] =	stream.linear.scatter [tilespmem:s24], [sflag:$0x7], $0x3400, $0x38;
	[tilespmem:$0x1B500] =	vst v63  }
0x58: {  	s29 =	simm.s32 $0x65F8  }
0x59: {  	[tilespmem:s0], [sflag:$0x6] =	stream.indirect.gather [hbm4b:s2+s25], $0x80, s29, s25, $0xb8;
	[tilespmem:$0x1B500] =	vst v63  }
0x5a: {  	_ =	swait.ge [sflag:s21], $0x3000  }
0x5b: {  	[sflag:s21] =	ssyncset.done $0x0  }
0x5c: {  	s8 =	simm.s32 $0x0;
	[sflag:s21] =	ssyncadd.s32 $0xFFFFD000  }
0x5d: {  	v7 =	vld [tilespmem:s8+$0x3400]  }
0x5e: {  	v11 =	vld [tilespmem:s8+$0x3410]  }
0x5f: {  	v5 =	vld [tilespmem:s8+$0x3420]  }
0x60: {  	v4 =	vld [tilespmem:s8+$0x3430]  }
0x61: {  	v3 =	vld [tilespmem:s8+$0x3440]  }
0x62: {  	v2 =	vld [tilespmem:s8+$0x3450]  }
0x63: {  	v1 =	vld [tilespmem:s8+$0x3460]  }
0x64: {  	v0 =	vld [tilespmem:s8+$0x3470]  }
0x65: {  	v12 =	vld [tilespmem:s8+$0xB100]  }
0x66: {  	v13 =	vld [tilespmem:s8+$0xB110]  }
0x67: {  	v10 =	vld [tilespmem:s8+$0xB120]  }
0x68: {  	v9 =	vld [tilespmem:s8+$0xB130]  }
0x69: {  	v8 =	vld [tilespmem:s8+$0xB140]  }
0x6a: {  	v6 =	vld [tilespmem:s8+$0xB150];
	v12 =	vadd.f32 v7, v12  }
0x6b: {  	s19 =	simm.s32 $0x200;
	v11 =	vadd.f32 v11, v13;
	v7 =	vld [tilespmem:s8+$0xB160]  }
.LBB2_4:
0x6c: {  	s4 =	sshra.s32 s19, $0x2;
	p0 =	sne.s32 s19, $0xBE00;
	[tilespmem:s8+$0xB100] =	vst v12;
	v5 =	vadd.f32 v5, v10;
	v10 =	vld [tilespmem:s8+$0xB170]  }
0x6d: {  	v12 =	vld [tilespmem:s4+$0x3400];
	[tilespmem:s8+$0xB110] =	vst v11;
	v4 =	vadd.f32 v4, v9  }
0x6e: {  	v11 =	vld [tilespmem:s4+$0x3410];
	[tilespmem:s8+$0xB120] =	vst v5;
	v3 =	vadd.f32 v3, v8  }
0x6f: {  	v5 =	vld [tilespmem:s4+$0x3420];
	[tilespmem:s8+$0xB130] =	vst v4;
	v2 =	vadd.f32 v2, v6  }
0x70: {  	v4 =	vld [tilespmem:s4+$0x3430];
	[tilespmem:s8+$0xB140] =	vst v3;
	v1 =	vadd.f32 v1, v7  }
0x71: {  	v3 =	vld [tilespmem:s4+$0x3440];
	[tilespmem:s8+$0xB150] =	vst v2;
	v0 =	vadd.f32 v0, v10  }
0x72: {  	v2 =	vld [tilespmem:s4+$0x3450];
	[tilespmem:s8+$0xB160] =	vst v1  }
0x73: {  	v1 =	vld [tilespmem:s4+$0x3460];
	[tilespmem:s8+$0xB170] =	vst v0;
	s8 =	smov.u32 s4  }
0x74: {  	v0 =	vld [tilespmem:s8+$0x3470]  }
0x75: {  	v6 =	vld [tilespmem:s8+$0xB100]  }
0x76: {  	v7 =	vld [tilespmem:s8+$0xB110]  }
.Ltmp1:
0x77: {  	v10 =	vld [tilespmem:s8+$0xB120];
	(pc) =	sbr.rel @p0 .LBB2_4-.Ltmp1, $4  }
0x78: {  	v9 =	vld [tilespmem:s8+$0xB130]  }
0x79: {  	v8 =	vld [tilespmem:s8+$0xB140]  }
0x7a: {  	v12 =	vadd.f32 v12, v6;
	v6 =	vld [tilespmem:s8+$0xB150]  }
0x7b: {  	s19 =	sadd.s32 $0x200, s19;
	v11 =	vadd.f32 v11, v7;
	v7 =	vld [tilespmem:s8+$0xB160]  }
0x7c: {  	[tilespmem:s8+$0xB100] =	vst v12;
	v5 =	vadd.f32 v5, v10;
	v63 =	vld [tilespmem:s8+$0xB170]  }
0x7d: {  	[tilespmem:s8+$0xB110] =	vst v11;
	v4 =	vadd.f32 v4, v9  }
0x7e: {  	[tilespmem:s8+$0xB120] =	vst v5;
	v3 =	vadd.f32 v3, v8  }
0x7f: {  	[tilespmem:s8+$0xB130] =	vst v4;
	v2 =	vadd.f32 v2, v6  }
0x80: {  	[tilespmem:s8+$0xB140] =	vst v3;
	v1 =	vadd.f32 v1, v7  }
0x81: {  	[tilespmem:s8+$0xB150] =	vst v2;
	v0 =	vadd.f32 v0, v63  }
0x82: {  	[tilespmem:s8+$0xB160] =	vst v1  }
0x83: {  	s20 =	simm.s32 $0x0;
	s4 =	rddreg [dreg:$0x7];
	[tilespmem:s8+$0xB170] =	vst v0  }
0x84: {  	[hbm4b:s4+s20] =	stream.linear.scatter [tilespmem:s28], [sflag:$0x8], $0x3000, $0x38;
	[tilespmem:$0x1B500] =	vst v63  }
.LBB2_6:
0x85: {  	s29 =	smul.u32 $0x3, s20;
	_ =	sdelay $0x1  }
0x86: {  	s8 =	sadd.s32 $0x3, s29  }
0x87: {  	s4 =	smul.u32 $0x320, s8  }
0x88: {  	_ =	swait.ge [sflag:s5], $0x3400  }
0x89: {  	[sflag:s5] =	ssyncset.done $0x0;
	s22 =	sshra.s32 s4, $0x2  }
0x8a: {  	[sflag:s5] =	ssyncadd.s32 $0xFFFFCC00;
	s4 =	sadd.s32 $0x6400, s22  }
0x8b: {  	[tilespmem:s24], [sflag:$0x1] =	stream.indirect.gather [hbm4b:s2+s23], $0x80, s4, s23, $0xb8;
	[tilespmem:$0x1B500] =	vst v63  }
0x8c: {  	_ =	swait.ge [sflag:s7], $0x3400  }
0x8d: {  	[sflag:s7] =	ssyncset.done $0x0  }
0x8e: {  	s19 =	simm.s32 $0x0;
	[sflag:s7] =	ssyncadd.s32 $0xFFFFCC00  }
0x8f: {  	v6 =	vld [tilespmem:s19+$0x0]  }
0x90: {  	v11 =	vld [tilespmem:s19+$0x10]  }
0x91: {  	v5 =	vld [tilespmem:s19+$0x20]  }
0x92: {  	v4 =	vld [tilespmem:s19+$0x30]  }
0x93: {  	v3 =	vld [tilespmem:s19+$0x40]  }
0x94: {  	v2 =	vld [tilespmem:s19+$0x50]  }
0x95: {  	v1 =	vld [tilespmem:s19+$0x60]  }
0x96: {  	v0 =	vld [tilespmem:s19+$0x70]  }
0x97: {  	v12 =	vld [tilespmem:s19+$0xE500]  }
0x98: {  	v13 =	vld [tilespmem:s19+$0xE510]  }
0x99: {  	v10 =	vld [tilespmem:s19+$0xE520]  }
0x9a: {  	v9 =	vld [tilespmem:s19+$0xE530]  }
0x9b: {  	v8 =	vld [tilespmem:s19+$0xE540]  }
0x9c: {  	v7 =	vld [tilespmem:s19+$0xE550];
	v12 =	vadd.f32 v6, v12  }
0x9d: {  	s4 =	simm.s32 $0x200;
	v11 =	vadd.f32 v11, v13;
	v6 =	vld [tilespmem:s19+$0xE560]  }
.LBB2_7:
0x9e: {  	s6 =	sshra.s32 s4, $0x2;
	p0 =	sne.s32 s4, $0xCE00;
	[tilespmem:s19+$0xE500] =	vst v12;
	v5 =	vadd.f32 v5, v10;
	v10 =	vld [tilespmem:s19+$0xE570]  }
0x9f: {  	v12 =	vld [tilespmem:s6+$0x0];
	[tilespmem:s19+$0xE510] =	vst v11;
	v4 =	vadd.f32 v4, v9  }
0xa0: {  	v11 =	vld [tilespmem:s6+$0x10];
	[tilespmem:s19+$0xE520] =	vst v5;
	v3 =	vadd.f32 v3, v8  }
0xa1: {  	v5 =	vld [tilespmem:s6+$0x20];
	[tilespmem:s19+$0xE530] =	vst v4;
	v2 =	vadd.f32 v2, v7  }
0xa2: {  	v4 =	vld [tilespmem:s6+$0x30];
	[tilespmem:s19+$0xE540] =	vst v3;
	v1 =	vadd.f32 v1, v6  }
0xa3: {  	v3 =	vld [tilespmem:s6+$0x40];
	[tilespmem:s19+$0xE550] =	vst v2;
	v0 =	vadd.f32 v0, v10  }
0xa4: {  	v2 =	vld [tilespmem:s6+$0x50];
	[tilespmem:s19+$0xE560] =	vst v1  }
0xa5: {  	v1 =	vld [tilespmem:s6+$0x60];
	[tilespmem:s19+$0xE570] =	vst v0;
	s19 =	smov.u32 s6  }
0xa6: {  	v0 =	vld [tilespmem:s19+$0x70]  }
0xa7: {  	v6 =	vld [tilespmem:s19+$0xE500]  }
0xa8: {  	v13 =	vld [tilespmem:s19+$0xE510]  }
.Ltmp2:
0xa9: {  	v10 =	vld [tilespmem:s19+$0xE520];
	(pc) =	sbr.rel @p0 .LBB2_7-.Ltmp2, $4  }
0xaa: {  	v9 =	vld [tilespmem:s19+$0xE530]  }
0xab: {  	v8 =	vld [tilespmem:s19+$0xE540]  }
0xac: {  	v12 =	vadd.f32 v12, v6;
	v7 =	vld [tilespmem:s19+$0xE550]  }
0xad: {  	s4 =	sadd.s32 $0x200, s4;
	v11 =	vadd.f32 v11, v13;
	v6 =	vld [tilespmem:s19+$0xE560]  }
0xae: {  	[tilespmem:s19+$0xE500] =	vst v12;
	v5 =	vadd.f32 v5, v10;
	v10 =	vld [tilespmem:s19+$0xE570]  }
0xaf: {  	[tilespmem:s19+$0xE510] =	vst v11;
	v4 =	vadd.f32 v4, v9  }
0xb0: {  	s4 =	rddreg [dreg:$0x8];
	[tilespmem:s19+$0xE520] =	vst v5;
	v3 =	vadd.f32 v3, v8  }
0xb1: {  	s4 =	sadd.s32 s29, s4;
	[tilespmem:s19+$0xE530] =	vst v4;
	v2 =	vadd.f32 v2, v7  }
0xb2: {  	s4 =	smul.u32 $0x6400, s4;
	[tilespmem:s19+$0xE540] =	vst v3;
	v1 =	vadd.f32 v1, v6  }
0xb3: {  	[tilespmem:s19+$0xE550] =	vst v2;
	v0 =	vadd.f32 v0, v10  }
0xb4: {  	s4 =	sshrl.u32 s4, $0x3;
	[tilespmem:s19+$0xE560] =	vst v1  }
0xb5: {  	s6 =	simm.s32 $0x0;
	[tilespmem:s19+$0xE570] =	vst v0;
	s19 =	sadd.s32 s3, s4  }
0xb6: {  	[hbm4b:s19+s6] =	stream.linear.scatter [tilespmem:s30], [sflag:$0x9], $0x3400, $0x38;
	[tilespmem:$0x1B500] =	vst v63  }
0xb7: {  	_ =	swait.ge [sflag:s9], $0x3000  }
0xb8: {  	[sflag:s9] =	ssyncset.done $0x0  }
0xb9: {  	s22 =	sadd.s32 $0x6468, s22;
	[sflag:s9] =	ssyncadd.s32 $0xFFFFD000  }
0xba: {  	[tilespmem:s28], [sflag:$0x2] =	stream.indirect.gather [hbm4b:s2+s25], $0x80, s22, s25, $0xb8;
	[tilespmem:$0x1B500] =	vst v63  }
0xbb: {  	_ =	swait.ge [sflag:s12], $0x3000  }
0xbc: {  	[sflag:s12] =	ssyncset.done $0x0  }
0xbd: {  	s22 =	simm.s32 $0x0;
	[sflag:s12] =	ssyncadd.s32 $0xFFFFD000  }
0xbe: {  	v7 =	vld [tilespmem:s22+$0x3400]  }
0xbf: {  	v11 =	vld [tilespmem:s22+$0x3410]  }
0xc0: {  	v5 =	vld [tilespmem:s22+$0x3420]  }
0xc1: {  	v4 =	vld [tilespmem:s22+$0x3430]  }
0xc2: {  	v3 =	vld [tilespmem:s22+$0x3440]  }
0xc3: {  	v2 =	vld [tilespmem:s22+$0x3450]  }
0xc4: {  	v1 =	vld [tilespmem:s22+$0x3460]  }
0xc5: {  	v0 =	vld [tilespmem:s22+$0x3470]  }
0xc6: {  	v12 =	vld [tilespmem:s22+$0x11900]  }
0xc7: {  	v13 =	vld [tilespmem:s22+$0x11910]  }
0xc8: {  	v10 =	vld [tilespmem:s22+$0x11920]  }
0xc9: {  	v9 =	vld [tilespmem:s22+$0x11930]  }
0xca: {  	v8 =	vld [tilespmem:s22+$0x11940]  }
0xcb: {  	v6 =	vld [tilespmem:s22+$0x11950];
	v12 =	vadd.f32 v7, v12  }
0xcc: {  	s4 =	simm.s32 $0x200;
	v11 =	vadd.f32 v11, v13;
	v7 =	vld [tilespmem:s22+$0x11960]  }
.LBB2_9:
0xcd: {  	s6 =	sshra.s32 s4, $0x2;
	p0 =	sne.s32 s4, $0xBE00;
	[tilespmem:s22+$0x11900] =	vst v12;
	v5 =	vadd.f32 v5, v10;
	v10 =	vld [tilespmem:s22+$0x11970]  }
0xce: {  	v12 =	vld [tilespmem:s6+$0x3400];
	[tilespmem:s22+$0x11910] =	vst v11;
	v4 =	vadd.f32 v4, v9  }
0xcf: {  	v11 =	vld [tilespmem:s6+$0x3410];
	[tilespmem:s22+$0x11920] =	vst v5;
	v3 =	vadd.f32 v3, v8  }
0xd0: {  	v5 =	vld [tilespmem:s6+$0x3420];
	[tilespmem:s22+$0x11930] =	vst v4;
	v2 =	vadd.f32 v2, v6  }
0xd1: {  	v4 =	vld [tilespmem:s6+$0x3430];
	[tilespmem:s22+$0x11940] =	vst v3;
	v1 =	vadd.f32 v1, v7  }
0xd2: {  	v3 =	vld [tilespmem:s6+$0x3440];
	[tilespmem:s22+$0x11950] =	vst v2;
	v0 =	vadd.f32 v0, v10  }
0xd3: {  	v2 =	vld [tilespmem:s6+$0x3450];
	[tilespmem:s22+$0x11960] =	vst v1  }
0xd4: {  	v1 =	vld [tilespmem:s6+$0x3460];
	[tilespmem:s22+$0x11970] =	vst v0;
	s22 =	smov.u32 s6  }
0xd5: {  	v0 =	vld [tilespmem:s22+$0x3470]  }
0xd6: {  	v6 =	vld [tilespmem:s22+$0x11900]  }
0xd7: {  	v7 =	vld [tilespmem:s22+$0x11910]  }
.Ltmp3:
0xd8: {  	v10 =	vld [tilespmem:s22+$0x11920];
	(pc) =	sbr.rel @p0 .LBB2_9-.Ltmp3, $4  }
0xd9: {  	v9 =	vld [tilespmem:s22+$0x11930]  }
0xda: {  	v8 =	vld [tilespmem:s22+$0x11940]  }
0xdb: {  	v12 =	vadd.f32 v12, v6;
	v6 =	vld [tilespmem:s22+$0x11950]  }
0xdc: {  	s4 =	sadd.s32 $0x200, s4;
	v11 =	vadd.f32 v11, v7;
	v7 =	vld [tilespmem:s22+$0x11960]  }
0xdd: {  	[tilespmem:s22+$0x11900] =	vst v12;
	v5 =	vadd.f32 v5, v10;
	v10 =	vld [tilespmem:s22+$0x11970]  }
0xde: {  	[tilespmem:s22+$0x11910] =	vst v11;
	v4 =	vadd.f32 v4, v9  }
0xdf: {  	[tilespmem:s22+$0x11920] =	vst v5;
	v3 =	vadd.f32 v3, v8  }
0xe0: {  	[tilespmem:s22+$0x11930] =	vst v4;
	v2 =	vadd.f32 v2, v6  }
0xe1: {  	[tilespmem:s22+$0x11940] =	vst v3;
	v1 =	vadd.f32 v1, v7  }
0xe2: {  	[tilespmem:s22+$0x11950] =	vst v2;
	v0 =	vadd.f32 v0, v10  }
0xe3: {  	[tilespmem:s22+$0x11960] =	vst v1  }
0xe4: {  	s4 =	sadd.s32 $0x680, s19;
	s6 =	simm.s32 $0x0;
	[tilespmem:s22+$0x11970] =	vst v0;
	s22 =	smul.u32 $0x960, s20  }
0xe5: {  	[hbm4b:s4+s6] =	stream.linear.scatter [tilespmem:s1], [sflag:$0xA], $0x3000, $0x38;
	[tilespmem:$0x1B500] =	vst v63  }
0xe6: {  	_ =	swait.ge [sflag:s13], $0x3400  }
0xe7: {  	s22 =	sshra.s32 s22, $0x2;
	[sflag:s13] =	ssyncset.done $0x0  }
0xe8: {  	s4 =	sadd.s32 $0x6720, s22;
	[sflag:s13] =	ssyncadd.s32 $0xFFFFCC00  }
0xe9: {  	[tilespmem:s30], [sflag:$0x3] =	stream.indirect.gather [hbm4b:s2+s23], $0x80, s4, s23, $0xb8;
	[tilespmem:$0x1B500] =	vst v63  }
0xea: {  	_ =	swait.ge [sflag:s14], $0x3400  }
0xeb: {  	[sflag:s14] =	ssyncset.done $0x0  }
0xec: {  	s19 =	simm.s32 $0x0;
	[sflag:s14] =	ssyncadd.s32 $0xFFFFCC00  }
0xed: {  	v6 =	vld [tilespmem:s19+$0x0]  }
0xee: {  	v11 =	vld [tilespmem:s19+$0x10]  }
0xef: {  	v5 =	vld [tilespmem:s19+$0x20]  }
0xf0: {  	v4 =	vld [tilespmem:s19+$0x30]  }
0xf1: {  	v3 =	vld [tilespmem:s19+$0x40]  }
0xf2: {  	v2 =	vld [tilespmem:s19+$0x50]  }
0xf3: {  	v1 =	vld [tilespmem:s19+$0x60]  }
0xf4: {  	v0 =	vld [tilespmem:s19+$0x70]  }
0xf5: {  	v12 =	vld [tilespmem:s19+$0x14D00]  }
0xf6: {  	v13 =	vld [tilespmem:s19+$0x14D10]  }
0xf7: {  	v10 =	vld [tilespmem:s19+$0x14D20]  }
0xf8: {  	v9 =	vld [tilespmem:s19+$0x14D30]  }
0xf9: {  	v8 =	vld [tilespmem:s19+$0x14D40]  }
0xfa: {  	v7 =	vld [tilespmem:s19+$0x14D50];
	v12 =	vadd.f32 v6, v12  }
0xfb: {  	s4 =	simm.s32 $0x200;
	v11 =	vadd.f32 v11, v13;
	v6 =	vld [tilespmem:s19+$0x14D60]  }
.LBB2_11:
0xfc: {  	s6 =	sshra.s32 s4, $0x2;
	p0 =	sne.s32 s4, $0xCE00;
	[tilespmem:s19+$0x14D00] =	vst v12;
	v5 =	vadd.f32 v5, v10;
	v10 =	vld [tilespmem:s19+$0x14D70]  }
0xfd: {  	v12 =	vld [tilespmem:s6+$0x0];
	[tilespmem:s19+$0x14D10] =	vst v11;
	v4 =	vadd.f32 v4, v9  }
0xfe: {  	v11 =	vld [tilespmem:s6+$0x10];
	[tilespmem:s19+$0x14D20] =	vst v5;
	v3 =	vadd.f32 v3, v8  }
0xff: {  	v5 =	vld [tilespmem:s6+$0x20];
	[tilespmem:s19+$0x14D30] =	vst v4;
	v2 =	vadd.f32 v2, v7  }
0x100: {  	v4 =	vld [tilespmem:s6+$0x30];
	[tilespmem:s19+$0x14D40] =	vst v3;
	v1 =	vadd.f32 v1, v6  }
0x101: {  	v3 =	vld [tilespmem:s6+$0x40];
	[tilespmem:s19+$0x14D50] =	vst v2;
	v0 =	vadd.f32 v0, v10  }
0x102: {  	v2 =	vld [tilespmem:s6+$0x50];
	[tilespmem:s19+$0x14D60] =	vst v1  }
0x103: {  	v1 =	vld [tilespmem:s6+$0x60];
	[tilespmem:s19+$0x14D70] =	vst v0;
	s19 =	smov.u32 s6  }
0x104: {  	v0 =	vld [tilespmem:s19+$0x70]  }
0x105: {  	v6 =	vld [tilespmem:s19+$0x14D00]  }
0x106: {  	v13 =	vld [tilespmem:s19+$0x14D10]  }
.Ltmp4:
0x107: {  	v10 =	vld [tilespmem:s19+$0x14D20];
	(pc) =	sbr.rel @p0 .LBB2_11-.Ltmp4, $4  }
0x108: {  	v9 =	vld [tilespmem:s19+$0x14D30]  }
0x109: {  	v8 =	vld [tilespmem:s19+$0x14D40]  }
0x10a: {  	v12 =	vadd.f32 v12, v6;
	v7 =	vld [tilespmem:s19+$0x14D50]  }
0x10b: {  	s4 =	sadd.s32 $0x200, s4;
	v11 =	vadd.f32 v11, v13;
	v6 =	vld [tilespmem:s19+$0x14D60]  }
0x10c: {  	[tilespmem:s19+$0x14D00] =	vst v12;
	v5 =	vadd.f32 v5, v10;
	v10 =	vld [tilespmem:s19+$0x14D70]  }
0x10d: {  	[tilespmem:s19+$0x14D10] =	vst v11;
	v4 =	vadd.f32 v4, v9  }
0x10e: {  	[tilespmem:s19+$0x14D20] =	vst v5;
	v3 =	vadd.f32 v3, v8  }
0x10f: {  	s4 =	sadd.s32 s29, s11;
	[tilespmem:s19+$0x14D30] =	vst v4;
	v2 =	vadd.f32 v2, v7  }
0x110: {  	s4 =	smul.u32 $0x6400, s4;
	[tilespmem:s19+$0x14D40] =	vst v3;
	v1 =	vadd.f32 v1, v6  }
0x111: {  	[tilespmem:s19+$0x14D50] =	vst v2;
	v0 =	vadd.f32 v0, v10  }
0x112: {  	s4 =	sshrl.u32 s4, $0x3;
	[tilespmem:s19+$0x14D60] =	vst v1  }
0x113: {  	s6 =	simm.s32 $0x0;
	[tilespmem:s19+$0x14D70] =	vst v0;
	s19 =	sadd.s32 s3, s4  }
0x114: {  	[hbm4b:s19+s6] =	stream.linear.scatter [tilespmem:s26], [sflag:$0xB], $0x3400, $0x38;
	[tilespmem:$0x1B500] =	vst v63  }
0x115: {  	_ =	swait.ge [sflag:s15], $0x3000  }
0x116: {  	[sflag:s15] =	ssyncset.done $0x0  }
0x117: {  	s6 =	sadd.s32 $0x6788, s22;
	[sflag:s15] =	ssyncadd.s32 $0xFFFFD000  }
0x118: {  	[tilespmem:s1], [sflag:$0x4] =	stream.indirect.gather [hbm4b:s2+s25], $0x80, s6, s25, $0xb8;
	[tilespmem:$0x1B500] =	vst v63  }
0x119: {  	_ =	swait.ge [sflag:s16], $0x3000  }
0x11a: {  	[sflag:s16] =	ssyncset.done $0x0  }
0x11b: {  	s29 =	simm.s32 $0x0;
	[sflag:s16] =	ssyncadd.s32 $0xFFFFD000  }
0x11c: {  	v7 =	vld [tilespmem:s29+$0x3400]  }
0x11d: {  	v11 =	vld [tilespmem:s29+$0x3410]  }
0x11e: {  	v5 =	vld [tilespmem:s29+$0x3420]  }
0x11f: {  	v4 =	vld [tilespmem:s29+$0x3430]  }
0x120: {  	v3 =	vld [tilespmem:s29+$0x3440]  }
0x121: {  	v2 =	vld [tilespmem:s29+$0x3450]  }
0x122: {  	v1 =	vld [tilespmem:s29+$0x3460]  }
0x123: {  	v0 =	vld [tilespmem:s29+$0x3470]  }
0x124: {  	v12 =	vld [tilespmem:s29+$0x18100]  }
0x125: {  	v13 =	vld [tilespmem:s29+$0x18110]  }
0x126: {  	v10 =	vld [tilespmem:s29+$0x18120]  }
0x127: {  	v9 =	vld [tilespmem:s29+$0x18130]  }
0x128: {  	v8 =	vld [tilespmem:s29+$0x18140]  }
0x129: {  	v6 =	vld [tilespmem:s29+$0x18150];
	v12 =	vadd.f32 v7, v12  }
0x12a: {  	s4 =	simm.s32 $0x200;
	v11 =	vadd.f32 v11, v13;
	v7 =	vld [tilespmem:s29+$0x18160]  }
.LBB2_13:
0x12b: {  	s6 =	sshra.s32 s4, $0x2;
	p0 =	sne.s32 s4, $0xBE00;
	[tilespmem:s29+$0x18100] =	vst v12;
	v5 =	vadd.f32 v5, v10;
	v10 =	vld [tilespmem:s29+$0x18170]  }
0x12c: {  	v12 =	vld [tilespmem:s6+$0x3400];
	[tilespmem:s29+$0x18110] =	vst v11;
	v4 =	vadd.f32 v4, v9  }
0x12d: {  	v11 =	vld [tilespmem:s6+$0x3410];
	[tilespmem:s29+$0x18120] =	vst v5;
	v3 =	vadd.f32 v3, v8  }
0x12e: {  	v5 =	vld [tilespmem:s6+$0x3420];
	[tilespmem:s29+$0x18130] =	vst v4;
	v2 =	vadd.f32 v2, v6  }
0x12f: {  	v4 =	vld [tilespmem:s6+$0x3430];
	[tilespmem:s29+$0x18140] =	vst v3;
	v1 =	vadd.f32 v1, v7  }
0x130: {  	v3 =	vld [tilespmem:s6+$0x3440];
	[tilespmem:s29+$0x18150] =	vst v2;
	v0 =	vadd.f32 v0, v10  }
0x131: {  	v2 =	vld [tilespmem:s6+$0x3450];
	[tilespmem:s29+$0x18160] =	vst v1  }
0x132: {  	v1 =	vld [tilespmem:s6+$0x3460];
	[tilespmem:s29+$0x18170] =	vst v0;
	s29 =	smov.u32 s6  }
0x133: {  	v0 =	vld [tilespmem:s29+$0x3470]  }
0x134: {  	v6 =	vld [tilespmem:s29+$0x18100]  }
0x135: {  	v7 =	vld [tilespmem:s29+$0x18110]  }
.Ltmp5:
0x136: {  	v10 =	vld [tilespmem:s29+$0x18120];
	(pc) =	sbr.rel @p0 .LBB2_13-.Ltmp5, $4  }
0x137: {  	v9 =	vld [tilespmem:s29+$0x18130]  }
0x138: {  	v8 =	vld [tilespmem:s29+$0x18140]  }
0x139: {  	v12 =	vadd.f32 v12, v6;
	v6 =	vld [tilespmem:s29+$0x18150]  }
0x13a: {  	s4 =	sadd.s32 $0x200, s4;
	v11 =	vadd.f32 v11, v7;
	v7 =	vld [tilespmem:s29+$0x18160]  }
0x13b: {  	[tilespmem:s29+$0x18100] =	vst v12;
	v5 =	vadd.f32 v5, v10;
	v10 =	vld [tilespmem:s29+$0x18170]  }
0x13c: {  	[tilespmem:s29+$0x18110] =	vst v11;
	v4 =	vadd.f32 v4, v9  }
0x13d: {  	[tilespmem:s29+$0x18120] =	vst v5;
	v3 =	vadd.f32 v3, v8  }
0x13e: {  	[tilespmem:s29+$0x18130] =	vst v4;
	v2 =	vadd.f32 v2, v6  }
0x13f: {  	[tilespmem:s29+$0x18140] =	vst v3;
	v1 =	vadd.f32 v1, v7  }
0x140: {  	[tilespmem:s29+$0x18150] =	vst v2;
	v0 =	vadd.f32 v0, v10  }
0x141: {  	[tilespmem:s29+$0x18160] =	vst v1  }
0x142: {  	s4 =	sadd.s32 $0x680, s19;
	s6 =	simm.s32 $0x0;
	[tilespmem:s29+$0x18170] =	vst v0  }
0x143: {  	[hbm4b:s4+s6] =	stream.linear.scatter [tilespmem:s0], [sflag:$0xC], $0x3000, $0x38;
	[tilespmem:$0x1B500] =	vst v63  }
0x144: {  	_ =	swait.ge [sflag:s17], $0x3400  }
0x145: {  	[sflag:s17] =	ssyncset.done $0x0  }
0x146: {  	s29 =	sadd.s32 $0x67E8, s22;
	[sflag:s17] =	ssyncadd.s32 $0xFFFFCC00  }
0x147: {  	[tilespmem:s26], [sflag:$0x5] =	stream.indirect.gather [hbm4b:s2+s23], $0x80, s29, s23, $0xb8;
	[tilespmem:$0x1B500] =	vst v63  }
0x148: {  	_ =	swait.ge [sflag:s31], $0x3400  }
0x149: {  	[sflag:s31] =	ssyncset.done $0x0  }
0x14a: {  	s19 =	simm.s32 $0x0;
	[sflag:s31] =	ssyncadd.s32 $0xFFFFCC00  }
0x14b: {  	v6 =	vld [tilespmem:s19+$0x0]  }
0x14c: {  	v11 =	vld [tilespmem:s19+$0x10]  }
0x14d: {  	v5 =	vld [tilespmem:s19+$0x20]  }
0x14e: {  	v4 =	vld [tilespmem:s19+$0x30]  }
0x14f: {  	v3 =	vld [tilespmem:s19+$0x40]  }
0x150: {  	v2 =	vld [tilespmem:s19+$0x50]  }
0x151: {  	v1 =	vld [tilespmem:s19+$0x60]  }
0x152: {  	v0 =	vld [tilespmem:s19+$0x70]  }
0x153: {  	v12 =	vld [tilespmem:s19+$0x7D00]  }
0x154: {  	v13 =	vld [tilespmem:s19+$0x7D10]  }
0x155: {  	v10 =	vld [tilespmem:s19+$0x7D20]  }
0x156: {  	v9 =	vld [tilespmem:s19+$0x7D30]  }
0x157: {  	v8 =	vld [tilespmem:s19+$0x7D40]  }
0x158: {  	v7 =	vld [tilespmem:s19+$0x7D50];
	v12 =	vadd.f32 v6, v12  }
0x159: {  	s4 =	simm.s32 $0x200;
	v11 =	vadd.f32 v11, v13;
	v6 =	vld [tilespmem:s19+$0x7D60]  }
.LBB2_15:
0x15a: {  	s6 =	sshra.s32 s4, $0x2;
	p0 =	sne.s32 s4, $0xCE00;
	[tilespmem:s19+$0x7D00] =	vst v12;
	v5 =	vadd.f32 v5, v10;
	v10 =	vld [tilespmem:s19+$0x7D70]  }
0x15b: {  	v12 =	vld [tilespmem:s6+$0x0];
	[tilespmem:s19+$0x7D10] =	vst v11;
	v4 =	vadd.f32 v4, v9  }
0x15c: {  	v11 =	vld [tilespmem:s6+$0x10];
	[tilespmem:s19+$0x7D20] =	vst v5;
	v3 =	vadd.f32 v3, v8  }
0x15d: {  	v5 =	vld [tilespmem:s6+$0x20];
	[tilespmem:s19+$0x7D30] =	vst v4;
	v2 =	vadd.f32 v2, v7  }
0x15e: {  	v4 =	vld [tilespmem:s6+$0x30];
	[tilespmem:s19+$0x7D40] =	vst v3;
	v1 =	vadd.f32 v1, v6  }
0x15f: {  	v3 =	vld [tilespmem:s6+$0x40];
	[tilespmem:s19+$0x7D50] =	vst v2;
	v0 =	vadd.f32 v0, v10  }
0x160: {  	v2 =	vld [tilespmem:s6+$0x50];
	[tilespmem:s19+$0x7D60] =	vst v1  }
0x161: {  	v1 =	vld [tilespmem:s6+$0x60];
	[tilespmem:s19+$0x7D70] =	vst v0;
	s19 =	smov.u32 s6  }
0x162: {  	v0 =	vld [tilespmem:s19+$0x70]  }
0x163: {  	v6 =	vld [tilespmem:s19+$0x7D00]  }
0x164: {  	v13 =	vld [tilespmem:s19+$0x7D10]  }
.Ltmp6:
0x165: {  	v10 =	vld [tilespmem:s19+$0x7D20];
	(pc) =	sbr.rel @p0 .LBB2_15-.Ltmp6, $4  }
0x166: {  	v9 =	vld [tilespmem:s19+$0x7D30]  }
0x167: {  	v8 =	vld [tilespmem:s19+$0x7D40]  }
0x168: {  	v12 =	vadd.f32 v12, v6;
	v7 =	vld [tilespmem:s19+$0x7D50]  }
0x169: {  	s4 =	sadd.s32 $0x200, s4;
	v11 =	vadd.f32 v11, v13;
	v6 =	vld [tilespmem:s19+$0x7D60]  }
0x16a: {  	[tilespmem:s19+$0x7D00] =	vst v12;
	v5 =	vadd.f32 v5, v10;
	v10 =	vld [tilespmem:s19+$0x7D70]  }
0x16b: {  	[tilespmem:s19+$0x7D10] =	vst v11;
	v4 =	vadd.f32 v4, v9  }
0x16c: {  	[tilespmem:s19+$0x7D20] =	vst v5;
	v3 =	vadd.f32 v3, v8  }
0x16d: {  	s4 =	sadd.s32 s10, s8;
	[tilespmem:s19+$0x7D30] =	vst v4;
	v2 =	vadd.f32 v2, v7  }
0x16e: {  	s4 =	smul.u32 $0x6400, s4;
	[tilespmem:s19+$0x7D40] =	vst v3;
	v1 =	vadd.f32 v1, v6  }
0x16f: {  	[tilespmem:s19+$0x7D50] =	vst v2;
	v0 =	vadd.f32 v0, v10  }
0x170: {  	s4 =	sshrl.u32 s4, $0x3;
	[tilespmem:s19+$0x7D60] =	vst v1  }
0x171: {  	s8 =	sadd.s32 s3, s4;
	[tilespmem:s19+$0x7D70] =	vst v0;
	s19 =	simm.s32 $0x0  }
0x172: {  	[hbm4b:s8+s19] =	stream.linear.scatter [tilespmem:s24], [sflag:$0x7], $0x3400, $0x38;
	[tilespmem:$0x1B500] =	vst v63  }
0x173: {  	_ =	swait.ge [sflag:s18], $0x3000  }
0x174: {  	[sflag:s18] =	ssyncset.done $0x0  }
0x175: {  	s29 =	sadd.s32 $0x6850, s22;
	[sflag:s18] =	ssyncadd.s32 $0xFFFFD000  }
0x176: {  	[tilespmem:s0], [sflag:$0x6] =	stream.indirect.gather [hbm4b:s2+s25], $0x80, s29, s25, $0xb8;
	[tilespmem:$0x1B500] =	vst v63  }
0x177: {  	_ =	swait.ge [sflag:s21], $0x3000  }
0x178: {  	[sflag:s21] =	ssyncset.done $0x0  }
0x179: {  	s19 =	simm.s32 $0x0;
	[sflag:s21] =	ssyncadd.s32 $0xFFFFD000  }
0x17a: {  	v7 =	vld [tilespmem:s19+$0x3400]  }
0x17b: {  	v11 =	vld [tilespmem:s19+$0x3410]  }
0x17c: {  	v5 =	vld [tilespmem:s19+$0x3420]  }
0x17d: {  	v4 =	vld [tilespmem:s19+$0x3430]  }
0x17e: {  	v3 =	vld [tilespmem:s19+$0x3440]  }
0x17f: {  	v2 =	vld [tilespmem:s19+$0x3450]  }
0x180: {  	v1 =	vld [tilespmem:s19+$0x3460]  }
0x181: {  	v0 =	vld [tilespmem:s19+$0x3470]  }
0x182: {  	v12 =	vld [tilespmem:s19+$0xB100]  }
0x183: {  	v13 =	vld [tilespmem:s19+$0xB110]  }
0x184: {  	v10 =	vld [tilespmem:s19+$0xB120]  }
0x185: {  	v9 =	vld [tilespmem:s19+$0xB130]  }
0x186: {  	v8 =	vld [tilespmem:s19+$0xB140]  }
0x187: {  	v6 =	vld [tilespmem:s19+$0xB150];
	v12 =	vadd.f32 v7, v12  }
0x188: {  	s4 =	simm.s32 $0x200;
	v11 =	vadd.f32 v11, v13;
	v7 =	vld [tilespmem:s19+$0xB160]  }
.LBB2_17:
0x189: {  	s6 =	sshra.s32 s4, $0x2;
	p0 =	sne.s32 s4, $0xBE00;
	[tilespmem:s19+$0xB100] =	vst v12;
	v5 =	vadd.f32 v5, v10;
	v10 =	vld [tilespmem:s19+$0xB170]  }
0x18a: {  	v12 =	vld [tilespmem:s6+$0x3400];
	[tilespmem:s19+$0xB110] =	vst v11;
	v4 =	vadd.f32 v4, v9  }
0x18b: {  	v11 =	vld [tilespmem:s6+$0x3410];
	[tilespmem:s19+$0xB120] =	vst v5;
	v3 =	vadd.f32 v3, v8  }
0x18c: {  	v5 =	vld [tilespmem:s6+$0x3420];
	[tilespmem:s19+$0xB130] =	vst v4;
	v2 =	vadd.f32 v2, v6  }
0x18d: {  	v4 =	vld [tilespmem:s6+$0x3430];
	[tilespmem:s19+$0xB140] =	vst v3;
	v1 =	vadd.f32 v1, v7  }
0x18e: {  	v3 =	vld [tilespmem:s6+$0x3440];
	[tilespmem:s19+$0xB150] =	vst v2;
	v0 =	vadd.f32 v0, v10  }
0x18f: {  	v2 =	vld [tilespmem:s6+$0x3450];
	[tilespmem:s19+$0xB160] =	vst v1  }
0x190: {  	v1 =	vld [tilespmem:s6+$0x3460];
	[tilespmem:s19+$0xB170] =	vst v0;
	s19 =	smov.u32 s6  }
0x191: {  	v0 =	vld [tilespmem:s19+$0x3470]  }
0x192: {  	v6 =	vld [tilespmem:s19+$0xB100]  }
0x193: {  	v7 =	vld [tilespmem:s19+$0xB110]  }
.Ltmp7:
0x194: {  	v10 =	vld [tilespmem:s19+$0xB120];
	(pc) =	sbr.rel @p0 .LBB2_17-.Ltmp7, $4  }
0x195: {  	v9 =	vld [tilespmem:s19+$0xB130]  }
0x196: {  	v8 =	vld [tilespmem:s19+$0xB140]  }
0x197: {  	v12 =	vadd.f32 v12, v6;
	v6 =	vld [tilespmem:s19+$0xB150]  }
0x198: {  	s4 =	sadd.s32 $0x200, s4;
	v11 =	vadd.f32 v11, v7;
	v7 =	vld [tilespmem:s19+$0xB160]  }
0x199: {  	[tilespmem:s19+$0xB100] =	vst v12;
	v5 =	vadd.f32 v5, v10;
	v63 =	vld [tilespmem:s19+$0xB170]  }
0x19a: {  	[tilespmem:s19+$0xB110] =	vst v11;
	v4 =	vadd.f32 v4, v9  }
0x19b: {  	s20 =	sadd.s32 $0x1, s20;
	[tilespmem:s19+$0xB120] =	vst v5;
	v3 =	vadd.f32 v3, v8  }
0x19c: {  	p0 =	sne.s32 s20, $0x9;
	[tilespmem:s19+$0xB130] =	vst v4;
	v2 =	vadd.f32 v2, v6  }
.Ltmp8:
0x19d: {  	[tilespmem:s19+$0xB140] =	vst v3;
	v1 =	vadd.f32 v1, v7;
	(pc) =	sbr.rel @p0 .LBB2_6-.Ltmp8, $4  }
0x19e: {  	[tilespmem:s19+$0xB150] =	vst v2;
	v0 =	vadd.f32 v0, v63  }
0x19f: {  	[tilespmem:s19+$0xB160] =	vst v1  }
0x1a0: {  	s4 =	sadd.s32 $0x680, s8;
	[tilespmem:s19+$0xB170] =	vst v0;
	s19 =	simm.s32 $0x0  }
0x1a1: {  	[hbm4b:s4+s19] =	stream.linear.scatter [tilespmem:s28], [sflag:$0x8], $0x3000, $0x38;
	[tilespmem:$0x1B500] =	vst v63  }
0x1a2: {  	_ =	swait.ge [sflag:s5], $0x3400  }
0x1a3: {  	[sflag:s5] =	ssyncset.done $0x0  }
0x1a4: {  	s4 =	simm.s32 $0x7B70;
	[sflag:s5] =	ssyncadd.s32 $0xFFFFCC00  }
0x1a5: {  	[tilespmem:s24], [sflag:$0x1] =	stream.indirect.gather [hbm4b:s2+s23], $0x80, s4, s23, $0xb8;
	[tilespmem:$0x1B500] =	vst v63  }
0x1a6: {  	_ =	swait.ge [sflag:s7], $0x3400  }
0x1a7: {  	[sflag:s7] =	ssyncset.done $0x0  }
0x1a8: {  	s8 =	simm.s32 $0x0;
	[sflag:s7] =	ssyncadd.s32 $0xFFFFCC00  }
0x1a9: {  	v7 =	vld [tilespmem:s8+$0x0]  }
0x1aa: {  	v11 =	vld [tilespmem:s8+$0x10]  }
0x1ab: {  	v5 =	vld [tilespmem:s8+$0x20]  }
0x1ac: {  	v4 =	vld [tilespmem:s8+$0x30]  }
0x1ad: {  	v3 =	vld [tilespmem:s8+$0x40]  }
0x1ae: {  	v2 =	vld [tilespmem:s8+$0x50]  }
0x1af: {  	v1 =	vld [tilespmem:s8+$0x60]  }
0x1b0: {  	v0 =	vld [tilespmem:s8+$0x70]  }
0x1b1: {  	v12 =	vld [tilespmem:s8+$0xE500]  }
0x1b2: {  	v13 =	vld [tilespmem:s8+$0xE510]  }
0x1b3: {  	v10 =	vld [tilespmem:s8+$0xE520]  }
0x1b4: {  	v9 =	vld [tilespmem:s8+$0xE530]  }
0x1b5: {  	v8 =	vld [tilespmem:s8+$0xE540]  }
0x1b6: {  	v6 =	vld [tilespmem:s8+$0xE550];
	v12 =	vadd.f32 v7, v12  }
0x1b7: {  	s4 =	simm.s32 $0x200;
	v11 =	vadd.f32 v11, v13;
	v7 =	vld [tilespmem:s8+$0xE560]  }
.LBB2_20:
0x1b8: {  	s6 =	sshra.s32 s4, $0x2;
	p0 =	sne.s32 s4, $0xCE00;
	[tilespmem:s8+$0xE500] =	vst v12;
	v5 =	vadd.f32 v5, v10;
	v10 =	vld [tilespmem:s8+$0xE570]  }
0x1b9: {  	v12 =	vld [tilespmem:s6+$0x0];
	[tilespmem:s8+$0xE510] =	vst v11;
	v4 =	vadd.f32 v4, v9  }
0x1ba: {  	v11 =	vld [tilespmem:s6+$0x10];
	[tilespmem:s8+$0xE520] =	vst v5;
	v3 =	vadd.f32 v3, v8  }
0x1bb: {  	v5 =	vld [tilespmem:s6+$0x20];
	[tilespmem:s8+$0xE530] =	vst v4;
	v2 =	vadd.f32 v2, v6  }
0x1bc: {  	v4 =	vld [tilespmem:s6+$0x30];
	[tilespmem:s8+$0xE540] =	vst v3;
	v1 =	vadd.f32 v1, v7  }
0x1bd: {  	v3 =	vld [tilespmem:s6+$0x40];
	[tilespmem:s8+$0xE550] =	vst v2;
	v0 =	vadd.f32 v0, v10  }
0x1be: {  	v2 =	vld [tilespmem:s6+$0x50];
	[tilespmem:s8+$0xE560] =	vst v1  }
0x1bf: {  	v1 =	vld [tilespmem:s6+$0x60];
	[tilespmem:s8+$0xE570] =	vst v0;
	s8 =	smov.u32 s6  }
0x1c0: {  	v0 =	vld [tilespmem:s8+$0x70]  }
0x1c1: {  	v6 =	vld [tilespmem:s8+$0xE500]  }
0x1c2: {  	v7 =	vld [tilespmem:s8+$0xE510]  }
.Ltmp9:
0x1c3: {  	v10 =	vld [tilespmem:s8+$0xE520];
	(pc) =	sbr.rel @p0 .LBB2_20-.Ltmp9, $4  }
0x1c4: {  	v9 =	vld [tilespmem:s8+$0xE530]  }
0x1c5: {  	v8 =	vld [tilespmem:s8+$0xE540]  }
0x1c6: {  	v12 =	vadd.f32 v12, v6;
	v6 =	vld [tilespmem:s8+$0xE550]  }
0x1c7: {  	s4 =	sadd.s32 $0x200, s4;
	v11 =	vadd.f32 v11, v7;
	v7 =	vld [tilespmem:s8+$0xE560]  }
0x1c8: {  	[tilespmem:s8+$0xE500] =	vst v12;
	v5 =	vadd.f32 v5, v10;
	v10 =	vld [tilespmem:s8+$0xE570]  }
0x1c9: {  	[tilespmem:s8+$0xE510] =	vst v11;
	v4 =	vadd.f32 v4, v9  }
0x1ca: {  	[tilespmem:s8+$0xE520] =	vst v5;
	v3 =	vadd.f32 v3, v8  }
0x1cb: {  	[tilespmem:s8+$0xE530] =	vst v4;
	v2 =	vadd.f32 v2, v6  }
0x1cc: {  	[tilespmem:s8+$0xE540] =	vst v3;
	v1 =	vadd.f32 v1, v7  }
0x1cd: {  	[tilespmem:s8+$0xE550] =	vst v2;
	v0 =	vadd.f32 v0, v10  }
0x1ce: {  	[tilespmem:s8+$0xE560] =	vst v1  }
0x1cf: {  	s4 =	simm.s32 $0x0;
	s6 =	rddreg [dreg:$0x9];
	[tilespmem:s8+$0xE570] =	vst v0  }
0x1d0: {  	[hbm4b:s6+s4] =	stream.linear.scatter [tilespmem:s30], [sflag:$0x9], $0x3400, $0x38;
	[tilespmem:$0x1B500] =	vst v63  }
0x1d1: {  	_ =	swait.ge [sflag:s9], $0x3000  }
0x1d2: {  	[sflag:s9] =	ssyncset.done $0x0  }
0x1d3: {  	s29 =	simm.s32 $0x7BD8;
	[sflag:s9] =	ssyncadd.s32 $0xFFFFD000  }
0x1d4: {  	[tilespmem:s28], [sflag:$0x2] =	stream.indirect.gather [hbm4b:s2+s25], $0x80, s29, s25, $0xb8;
	[tilespmem:$0x1B500] =	vst v63  }
0x1d5: {  	_ =	swait.ge [sflag:s12], $0x3000  }
0x1d6: {  	[sflag:s12] =	ssyncset.done $0x0  }
0x1d7: {  	s8 =	simm.s32 $0x0;
	[sflag:s12] =	ssyncadd.s32 $0xFFFFD000  }
0x1d8: {  	v7 =	vld [tilespmem:s8+$0x3400]  }
0x1d9: {  	v11 =	vld [tilespmem:s8+$0x3410]  }
0x1da: {  	v5 =	vld [tilespmem:s8+$0x3420]  }
0x1db: {  	v4 =	vld [tilespmem:s8+$0x3430]  }
0x1dc: {  	v3 =	vld [tilespmem:s8+$0x3440]  }
0x1dd: {  	v2 =	vld [tilespmem:s8+$0x3450]  }
0x1de: {  	v1 =	vld [tilespmem:s8+$0x3460]  }
0x1df: {  	v0 =	vld [tilespmem:s8+$0x3470]  }
0x1e0: {  	v12 =	vld [tilespmem:s8+$0x11900]  }
0x1e1: {  	v13 =	vld [tilespmem:s8+$0x11910]  }
0x1e2: {  	v10 =	vld [tilespmem:s8+$0x11920]  }
0x1e3: {  	v9 =	vld [tilespmem:s8+$0x11930]  }
0x1e4: {  	v8 =	vld [tilespmem:s8+$0x11940]  }
0x1e5: {  	v6 =	vld [tilespmem:s8+$0x11950];
	v12 =	vadd.f32 v7, v12  }
0x1e6: {  	s4 =	simm.s32 $0x200;
	v11 =	vadd.f32 v11, v13;
	v7 =	vld [tilespmem:s8+$0x11960]  }
.LBB2_22:
0x1e7: {  	s6 =	sshra.s32 s4, $0x2;
	p0 =	sne.s32 s4, $0xBE00;
	[tilespmem:s8+$0x11900] =	vst v12;
	v5 =	vadd.f32 v5, v10;
	v10 =	vld [tilespmem:s8+$0x11970]  }
0x1e8: {  	v12 =	vld [tilespmem:s6+$0x3400];
	[tilespmem:s8+$0x11910] =	vst v11;
	v4 =	vadd.f32 v4, v9  }
0x1e9: {  	v11 =	vld [tilespmem:s6+$0x3410];
	[tilespmem:s8+$0x11920] =	vst v5;
	v3 =	vadd.f32 v3, v8  }
0x1ea: {  	v5 =	vld [tilespmem:s6+$0x3420];
	[tilespmem:s8+$0x11930] =	vst v4;
	v2 =	vadd.f32 v2, v6  }
0x1eb: {  	v4 =	vld [tilespmem:s6+$0x3430];
	[tilespmem:s8+$0x11940] =	vst v3;
	v1 =	vadd.f32 v1, v7  }
0x1ec: {  	v3 =	vld [tilespmem:s6+$0x3440];
	[tilespmem:s8+$0x11950] =	vst v2;
	v0 =	vadd.f32 v0, v10  }
0x1ed: {  	v2 =	vld [tilespmem:s6+$0x3450];
	[tilespmem:s8+$0x11960] =	vst v1  }
0x1ee: {  	v1 =	vld [tilespmem:s6+$0x3460];
	[tilespmem:s8+$0x11970] =	vst v0;
	s8 =	smov.u32 s6  }
0x1ef: {  	v0 =	vld [tilespmem:s8+$0x3470]  }
0x1f0: {  	v6 =	vld [tilespmem:s8+$0x11900]  }
0x1f1: {  	v7 =	vld [tilespmem:s8+$0x11910]  }
.Ltmp10:
0x1f2: {  	v10 =	vld [tilespmem:s8+$0x11920];
	(pc) =	sbr.rel @p0 .LBB2_22-.Ltmp10, $4  }
0x1f3: {  	v9 =	vld [tilespmem:s8+$0x11930]  }
0x1f4: {  	v8 =	vld [tilespmem:s8+$0x11940]  }
0x1f5: {  	v12 =	vadd.f32 v12, v6;
	v6 =	vld [tilespmem:s8+$0x11950]  }
0x1f6: {  	s4 =	sadd.s32 $0x200, s4;
	v11 =	vadd.f32 v11, v7;
	v7 =	vld [tilespmem:s8+$0x11960]  }
0x1f7: {  	[tilespmem:s8+$0x11900] =	vst v12;
	v5 =	vadd.f32 v5, v10;
	v10 =	vld [tilespmem:s8+$0x11970]  }
0x1f8: {  	[tilespmem:s8+$0x11910] =	vst v11;
	v4 =	vadd.f32 v4, v9  }
0x1f9: {  	[tilespmem:s8+$0x11920] =	vst v5;
	v3 =	vadd.f32 v3, v8  }
0x1fa: {  	[tilespmem:s8+$0x11930] =	vst v4;
	v2 =	vadd.f32 v2, v6  }
0x1fb: {  	[tilespmem:s8+$0x11940] =	vst v3;
	v1 =	vadd.f32 v1, v7  }
0x1fc: {  	[tilespmem:s8+$0x11950] =	vst v2;
	v0 =	vadd.f32 v0, v10  }
0x1fd: {  	[tilespmem:s8+$0x11960] =	vst v1  }
0x1fe: {  	s4 =	simm.s32 $0x0;
	s6 =	rddreg [dreg:$0xa];
	[tilespmem:s8+$0x11970] =	vst v0  }
0x1ff: {  	[hbm4b:s6+s4] =	stream.linear.scatter [tilespmem:s1], [sflag:$0xA], $0x3000, $0x38;
	[tilespmem:$0x1B500] =	vst v63  }
0x200: {  	_ =	swait.ge [sflag:s13], $0x3400  }
0x201: {  	[sflag:s13] =	ssyncset.done $0x0  }
0x202: {  	s29 =	simm.s32 $0x7C38;
	[sflag:s13] =	ssyncadd.s32 $0xFFFFCC00  }
0x203: {  	[tilespmem:s30], [sflag:$0x3] =	stream.indirect.gather [hbm4b:s2+s23], $0x80, s29, s23, $0xb8;
	[tilespmem:$0x1B500] =	vst v63  }
0x204: {  	_ =	swait.ge [sflag:s14], $0x3400  }
0x205: {  	[sflag:s14] =	ssyncset.done $0x0  }
0x206: {  	s8 =	simm.s32 $0x0;
	[sflag:s14] =	ssyncadd.s32 $0xFFFFCC00  }
0x207: {  	v7 =	vld [tilespmem:s8+$0x0]  }
0x208: {  	v11 =	vld [tilespmem:s8+$0x10]  }
0x209: {  	v5 =	vld [tilespmem:s8+$0x20]  }
0x20a: {  	v4 =	vld [tilespmem:s8+$0x30]  }
0x20b: {  	v3 =	vld [tilespmem:s8+$0x40]  }
0x20c: {  	v2 =	vld [tilespmem:s8+$0x50]  }
0x20d: {  	v1 =	vld [tilespmem:s8+$0x60]  }
0x20e: {  	v0 =	vld [tilespmem:s8+$0x70]  }
0x20f: {  	v12 =	vld [tilespmem:s8+$0x14D00]  }
0x210: {  	v13 =	vld [tilespmem:s8+$0x14D10]  }
0x211: {  	v10 =	vld [tilespmem:s8+$0x14D20]  }
0x212: {  	v9 =	vld [tilespmem:s8+$0x14D30]  }
0x213: {  	v8 =	vld [tilespmem:s8+$0x14D40]  }
0x214: {  	v6 =	vld [tilespmem:s8+$0x14D50];
	v12 =	vadd.f32 v7, v12  }
0x215: {  	s4 =	simm.s32 $0x200;
	v11 =	vadd.f32 v11, v13;
	v7 =	vld [tilespmem:s8+$0x14D60]  }
.LBB2_24:
0x216: {  	s6 =	sshra.s32 s4, $0x2;
	p0 =	sne.s32 s4, $0xCE00;
	[tilespmem:s8+$0x14D00] =	vst v12;
	v5 =	vadd.f32 v5, v10;
	v10 =	vld [tilespmem:s8+$0x14D70]  }
0x217: {  	v12 =	vld [tilespmem:s6+$0x0];
	[tilespmem:s8+$0x14D10] =	vst v11;
	v4 =	vadd.f32 v4, v9  }
0x218: {  	v11 =	vld [tilespmem:s6+$0x10];
	[tilespmem:s8+$0x14D20] =	vst v5;
	v3 =	vadd.f32 v3, v8  }
0x219: {  	v5 =	vld [tilespmem:s6+$0x20];
	[tilespmem:s8+$0x14D30] =	vst v4;
	v2 =	vadd.f32 v2, v6  }
0x21a: {  	v4 =	vld [tilespmem:s6+$0x30];
	[tilespmem:s8+$0x14D40] =	vst v3;
	v1 =	vadd.f32 v1, v7  }
0x21b: {  	v3 =	vld [tilespmem:s6+$0x40];
	[tilespmem:s8+$0x14D50] =	vst v2;
	v0 =	vadd.f32 v0, v10  }
0x21c: {  	v2 =	vld [tilespmem:s6+$0x50];
	[tilespmem:s8+$0x14D60] =	vst v1  }
0x21d: {  	v1 =	vld [tilespmem:s6+$0x60];
	[tilespmem:s8+$0x14D70] =	vst v0;
	s8 =	smov.u32 s6  }
0x21e: {  	v0 =	vld [tilespmem:s8+$0x70]  }
0x21f: {  	v6 =	vld [tilespmem:s8+$0x14D00]  }
0x220: {  	v7 =	vld [tilespmem:s8+$0x14D10]  }
.Ltmp11:
0x221: {  	v10 =	vld [tilespmem:s8+$0x14D20];
	(pc) =	sbr.rel @p0 .LBB2_24-.Ltmp11, $4  }
0x222: {  	v9 =	vld [tilespmem:s8+$0x14D30]  }
0x223: {  	v8 =	vld [tilespmem:s8+$0x14D40]  }
0x224: {  	v12 =	vadd.f32 v12, v6;
	v6 =	vld [tilespmem:s8+$0x14D50]  }
0x225: {  	s4 =	sadd.s32 $0x200, s4;
	v11 =	vadd.f32 v11, v7;
	v7 =	vld [tilespmem:s8+$0x14D60]  }
0x226: {  	[tilespmem:s8+$0x14D00] =	vst v12;
	v5 =	vadd.f32 v5, v10;
	v10 =	vld [tilespmem:s8+$0x14D70]  }
0x227: {  	[tilespmem:s8+$0x14D10] =	vst v11;
	v4 =	vadd.f32 v4, v9  }
0x228: {  	[tilespmem:s8+$0x14D20] =	vst v5;
	v3 =	vadd.f32 v3, v8  }
0x229: {  	[tilespmem:s8+$0x14D30] =	vst v4;
	v2 =	vadd.f32 v2, v6  }
0x22a: {  	[tilespmem:s8+$0x14D40] =	vst v3;
	v1 =	vadd.f32 v1, v7  }
0x22b: {  	[tilespmem:s8+$0x14D50] =	vst v2;
	v0 =	vadd.f32 v0, v10  }
0x22c: {  	[tilespmem:s8+$0x14D60] =	vst v1  }
0x22d: {  	s4 =	simm.s32 $0x0;
	s6 =	rddreg [dreg:$0xb];
	[tilespmem:s8+$0x14D70] =	vst v0  }
0x22e: {  	[hbm4b:s6+s4] =	stream.linear.scatter [tilespmem:s26], [sflag:$0xB], $0x3400, $0x38;
	[tilespmem:$0x1B500] =	vst v63  }
0x22f: {  	_ =	swait.ge [sflag:s15], $0x3000  }
0x230: {  	[sflag:s15] =	ssyncset.done $0x0  }
0x231: {  	s29 =	simm.s32 $0x7CA0;
	[sflag:s15] =	ssyncadd.s32 $0xFFFFD000  }
0x232: {  	[tilespmem:s1], [sflag:$0x4] =	stream.indirect.gather [hbm4b:s2+s25], $0x80, s29, s25, $0xb8;
	[tilespmem:$0x1B500] =	vst v63  }
0x233: {  	_ =	swait.ge [sflag:s16], $0x3000  }
0x234: {  	[sflag:s16] =	ssyncset.done $0x0  }
0x235: {  	s8 =	simm.s32 $0x0;
	[sflag:s16] =	ssyncadd.s32 $0xFFFFD000  }
0x236: {  	v7 =	vld [tilespmem:s8+$0x3400]  }
0x237: {  	v11 =	vld [tilespmem:s8+$0x3410]  }
0x238: {  	v5 =	vld [tilespmem:s8+$0x3420]  }
0x239: {  	v4 =	vld [tilespmem:s8+$0x3430]  }
0x23a: {  	v3 =	vld [tilespmem:s8+$0x3440]  }
0x23b: {  	v2 =	vld [tilespmem:s8+$0x3450]  }
0x23c: {  	v1 =	vld [tilespmem:s8+$0x3460]  }
0x23d: {  	v0 =	vld [tilespmem:s8+$0x3470]  }
0x23e: {  	v12 =	vld [tilespmem:s8+$0x18100]  }
0x23f: {  	v13 =	vld [tilespmem:s8+$0x18110]  }
0x240: {  	v10 =	vld [tilespmem:s8+$0x18120]  }
0x241: {  	v9 =	vld [tilespmem:s8+$0x18130]  }
0x242: {  	v8 =	vld [tilespmem:s8+$0x18140]  }
0x243: {  	v6 =	vld [tilespmem:s8+$0x18150];
	v12 =	vadd.f32 v7, v12  }
0x244: {  	s4 =	simm.s32 $0x200;
	v11 =	vadd.f32 v11, v13;
	v7 =	vld [tilespmem:s8+$0x18160]  }
.LBB2_26:
0x245: {  	s6 =	sshra.s32 s4, $0x2;
	p0 =	sne.s32 s4, $0xBE00;
	[tilespmem:s8+$0x18100] =	vst v12;
	v5 =	vadd.f32 v5, v10;
	v10 =	vld [tilespmem:s8+$0x18170]  }
0x246: {  	v12 =	vld [tilespmem:s6+$0x3400];
	[tilespmem:s8+$0x18110] =	vst v11;
	v4 =	vadd.f32 v4, v9  }
0x247: {  	v11 =	vld [tilespmem:s6+$0x3410];
	[tilespmem:s8+$0x18120] =	vst v5;
	v3 =	vadd.f32 v3, v8  }
0x248: {  	v5 =	vld [tilespmem:s6+$0x3420];
	[tilespmem:s8+$0x18130] =	vst v4;
	v2 =	vadd.f32 v2, v6  }
0x249: {  	v4 =	vld [tilespmem:s6+$0x3430];
	[tilespmem:s8+$0x18140] =	vst v3;
	v1 =	vadd.f32 v1, v7  }
0x24a: {  	v3 =	vld [tilespmem:s6+$0x3440];
	[tilespmem:s8+$0x18150] =	vst v2;
	v0 =	vadd.f32 v0, v10  }
0x24b: {  	v2 =	vld [tilespmem:s6+$0x3450];
	[tilespmem:s8+$0x18160] =	vst v1  }
0x24c: {  	v1 =	vld [tilespmem:s6+$0x3460];
	[tilespmem:s8+$0x18170] =	vst v0;
	s8 =	smov.u32 s6  }
0x24d: {  	v0 =	vld [tilespmem:s8+$0x3470]  }
0x24e: {  	v6 =	vld [tilespmem:s8+$0x18100]  }
0x24f: {  	v7 =	vld [tilespmem:s8+$0x18110]  }
.Ltmp12:
0x250: {  	v10 =	vld [tilespmem:s8+$0x18120];
	(pc) =	sbr.rel @p0 .LBB2_26-.Ltmp12, $4  }
0x251: {  	v9 =	vld [tilespmem:s8+$0x18130]  }
0x252: {  	v8 =	vld [tilespmem:s8+$0x18140]  }
0x253: {  	v12 =	vadd.f32 v12, v6;
	v6 =	vld [tilespmem:s8+$0x18150]  }
0x254: {  	s4 =	sadd.s32 $0x200, s4;
	v11 =	vadd.f32 v11, v7;
	v7 =	vld [tilespmem:s8+$0x18160]  }
0x255: {  	[tilespmem:s8+$0x18100] =	vst v12;
	v5 =	vadd.f32 v5, v10;
	v10 =	vld [tilespmem:s8+$0x18170]  }
0x256: {  	[tilespmem:s8+$0x18110] =	vst v11;
	v4 =	vadd.f32 v4, v9  }
0x257: {  	[tilespmem:s8+$0x18120] =	vst v5;
	v3 =	vadd.f32 v3, v8  }
0x258: {  	[tilespmem:s8+$0x18130] =	vst v4;
	v2 =	vadd.f32 v2, v6  }
0x259: {  	[tilespmem:s8+$0x18140] =	vst v3;
	v1 =	vadd.f32 v1, v7  }
0x25a: {  	[tilespmem:s8+$0x18150] =	vst v2;
	v0 =	vadd.f32 v0, v10  }
0x25b: {  	[tilespmem:s8+$0x18160] =	vst v1  }
0x25c: {  	s4 =	simm.s32 $0x0;
	s6 =	rddreg [dreg:$0xc];
	[tilespmem:s8+$0x18170] =	vst v0  }
0x25d: {  	[hbm4b:s6+s4] =	stream.linear.scatter [tilespmem:s0], [sflag:$0xC], $0x3000, $0x38;
	[tilespmem:$0x1B500] =	vst v63  }
0x25e: {  	_ =	swait.ge [sflag:s31], $0x3400  }
0x25f: {  	[sflag:s31] =	ssyncset.done $0x0  }
0x260: {  	s8 =	simm.s32 $0x0;
	[sflag:s31] =	ssyncadd.s32 $0xFFFFCC00  }
0x261: {  	v7 =	vld [tilespmem:s8+$0x0]  }
0x262: {  	v11 =	vld [tilespmem:s8+$0x10]  }
0x263: {  	v5 =	vld [tilespmem:s8+$0x20]  }
0x264: {  	v4 =	vld [tilespmem:s8+$0x30]  }
0x265: {  	v3 =	vld [tilespmem:s8+$0x40]  }
0x266: {  	v2 =	vld [tilespmem:s8+$0x50]  }
0x267: {  	v1 =	vld [tilespmem:s8+$0x60]  }
0x268: {  	v0 =	vld [tilespmem:s8+$0x70]  }
0x269: {  	v12 =	vld [tilespmem:s8+$0x7D00]  }
0x26a: {  	v13 =	vld [tilespmem:s8+$0x7D10]  }
0x26b: {  	v10 =	vld [tilespmem:s8+$0x7D20]  }
0x26c: {  	v9 =	vld [tilespmem:s8+$0x7D30]  }
0x26d: {  	v8 =	vld [tilespmem:s8+$0x7D40]  }
0x26e: {  	v6 =	vld [tilespmem:s8+$0x7D50];
	v12 =	vadd.f32 v7, v12  }
0x26f: {  	s4 =	simm.s32 $0x200;
	v11 =	vadd.f32 v11, v13;
	v7 =	vld [tilespmem:s8+$0x7D60]  }
.LBB2_28:
0x270: {  	s6 =	sshra.s32 s4, $0x2;
	p0 =	sne.s32 s4, $0xCE00;
	[tilespmem:s8+$0x7D00] =	vst v12;
	v5 =	vadd.f32 v5, v10;
	v10 =	vld [tilespmem:s8+$0x7D70]  }
0x271: {  	v12 =	vld [tilespmem:s6+$0x0];
	[tilespmem:s8+$0x7D10] =	vst v11;
	v4 =	vadd.f32 v4, v9  }
0x272: {  	v11 =	vld [tilespmem:s6+$0x10];
	[tilespmem:s8+$0x7D20] =	vst v5;
	v3 =	vadd.f32 v3, v8  }
0x273: {  	v5 =	vld [tilespmem:s6+$0x20];
	[tilespmem:s8+$0x7D30] =	vst v4;
	v2 =	vadd.f32 v2, v6  }
0x274: {  	v4 =	vld [tilespmem:s6+$0x30];
	[tilespmem:s8+$0x7D40] =	vst v3;
	v1 =	vadd.f32 v1, v7  }
0x275: {  	v3 =	vld [tilespmem:s6+$0x40];
	[tilespmem:s8+$0x7D50] =	vst v2;
	v0 =	vadd.f32 v0, v10  }
0x276: {  	v2 =	vld [tilespmem:s6+$0x50];
	[tilespmem:s8+$0x7D60] =	vst v1  }
0x277: {  	v1 =	vld [tilespmem:s6+$0x60];
	[tilespmem:s8+$0x7D70] =	vst v0;
	s8 =	smov.u32 s6  }
0x278: {  	v0 =	vld [tilespmem:s8+$0x70]  }
0x279: {  	v6 =	vld [tilespmem:s8+$0x7D00]  }
0x27a: {  	v7 =	vld [tilespmem:s8+$0x7D10]  }
.Ltmp13:
0x27b: {  	v10 =	vld [tilespmem:s8+$0x7D20];
	(pc) =	sbr.rel @p0 .LBB2_28-.Ltmp13, $4  }
0x27c: {  	v9 =	vld [tilespmem:s8+$0x7D30]  }
0x27d: {  	v8 =	vld [tilespmem:s8+$0x7D40]  }
0x27e: {  	v12 =	vadd.f32 v12, v6;
	v6 =	vld [tilespmem:s8+$0x7D50]  }
0x27f: {  	s4 =	sadd.s32 $0x200, s4;
	v11 =	vadd.f32 v11, v7;
	v7 =	vld [tilespmem:s8+$0x7D60]  }
0x280: {  	[tilespmem:s8+$0x7D00] =	vst v12;
	v5 =	vadd.f32 v5, v10;
	v10 =	vld [tilespmem:s8+$0x7D70]  }
0x281: {  	[tilespmem:s8+$0x7D10] =	vst v11;
	v4 =	vadd.f32 v4, v9  }
0x282: {  	[tilespmem:s8+$0x7D20] =	vst v5;
	v3 =	vadd.f32 v3, v8  }
0x283: {  	[tilespmem:s8+$0x7D30] =	vst v4;
	v2 =	vadd.f32 v2, v6  }
0x284: {  	[tilespmem:s8+$0x7D40] =	vst v3;
	v1 =	vadd.f32 v1, v7  }
0x285: {  	[tilespmem:s8+$0x7D50] =	vst v2;
	v0 =	vadd.f32 v0, v10  }
0x286: {  	[tilespmem:s8+$0x7D60] =	vst v1  }
0x287: {  	s4 =	simm.s32 $0x0;
	s6 =	rddreg [dreg:$0xd];
	[tilespmem:s8+$0x7D70] =	vst v0  }
0x288: {  	[hbm4b:s6+s4] =	stream.linear.scatter [tilespmem:s24], [sflag:$0x7], $0x3400, $0x38;
	[tilespmem:$0x1B500] =	vst v63  }
0x289: {  	_ =	swait.ge [sflag:s21], $0x3000  }
0x28a: {  	[sflag:s21] =	ssyncset.done $0x0  }
0x28b: {  	s8 =	simm.s32 $0x0;
	[sflag:s21] =	ssyncadd.s32 $0xFFFFD000  }
0x28c: {  	v7 =	vld [tilespmem:s8+$0x3400]  }
0x28d: {  	v11 =	vld [tilespmem:s8+$0x3410]  }
0x28e: {  	v5 =	vld [tilespmem:s8+$0x3420]  }
0x28f: {  	v4 =	vld [tilespmem:s8+$0x3430]  }
0x290: {  	v3 =	vld [tilespmem:s8+$0x3440]  }
0x291: {  	v2 =	vld [tilespmem:s8+$0x3450]  }
0x292: {  	v1 =	vld [tilespmem:s8+$0x3460]  }
0x293: {  	v0 =	vld [tilespmem:s8+$0x3470]  }
0x294: {  	v12 =	vld [tilespmem:s8+$0xB100]  }
0x295: {  	v13 =	vld [tilespmem:s8+$0xB110]  }
0x296: {  	v10 =	vld [tilespmem:s8+$0xB120]  }
0x297: {  	v9 =	vld [tilespmem:s8+$0xB130]  }
0x298: {  	v8 =	vld [tilespmem:s8+$0xB140]  }
0x299: {  	v6 =	vld [tilespmem:s8+$0xB150];
	v12 =	vadd.f32 v7, v12  }
0x29a: {  	s4 =	simm.s32 $0x200;
	v11 =	vadd.f32 v11, v13;
	v7 =	vld [tilespmem:s8+$0xB160]  }
.LBB2_30:
0x29b: {  	s6 =	sshra.s32 s4, $0x2;
	p0 =	sne.s32 s4, $0xBE00;
	[tilespmem:s8+$0xB100] =	vst v12;
	v5 =	vadd.f32 v5, v10;
	v10 =	vld [tilespmem:s8+$0xB170]  }
0x29c: {  	v12 =	vld [tilespmem:s6+$0x3400];
	[tilespmem:s8+$0xB110] =	vst v11;
	v4 =	vadd.f32 v4, v9  }
0x29d: {  	v11 =	vld [tilespmem:s6+$0x3410];
	[tilespmem:s8+$0xB120] =	vst v5;
	v3 =	vadd.f32 v3, v8  }
0x29e: {  	v5 =	vld [tilespmem:s6+$0x3420];
	[tilespmem:s8+$0xB130] =	vst v4;
	v2 =	vadd.f32 v2, v6  }
0x29f: {  	v4 =	vld [tilespmem:s6+$0x3430];
	[tilespmem:s8+$0xB140] =	vst v3;
	v1 =	vadd.f32 v1, v7  }
0x2a0: {  	v3 =	vld [tilespmem:s6+$0x3440];
	[tilespmem:s8+$0xB150] =	vst v2;
	v0 =	vadd.f32 v0, v10  }
0x2a1: {  	v2 =	vld [tilespmem:s6+$0x3450];
	[tilespmem:s8+$0xB160] =	vst v1  }
0x2a2: {  	v1 =	vld [tilespmem:s6+$0x3460];
	[tilespmem:s8+$0xB170] =	vst v0;
	s8 =	smov.u32 s6  }
0x2a3: {  	v0 =	vld [tilespmem:s8+$0x3470]  }
0x2a4: {  	v6 =	vld [tilespmem:s8+$0xB100]  }
0x2a5: {  	v7 =	vld [tilespmem:s8+$0xB110]  }
.Ltmp14:
0x2a6: {  	v10 =	vld [tilespmem:s8+$0xB120];
	(pc) =	sbr.rel @p0 .LBB2_30-.Ltmp14, $4  }
0x2a7: {  	v9 =	vld [tilespmem:s8+$0xB130]  }
0x2a8: {  	v8 =	vld [tilespmem:s8+$0xB140]  }
0x2a9: {  	v12 =	vadd.f32 v12, v6;
	v6 =	vld [tilespmem:s8+$0xB150]  }
0x2aa: {  	s4 =	sadd.s32 $0x200, s4;
	v11 =	vadd.f32 v11, v7;
	v7 =	vld [tilespmem:s8+$0xB160]  }
0x2ab: {  	[tilespmem:s8+$0xB100] =	vst v12;
	v5 =	vadd.f32 v5, v10;
	v10 =	vld [tilespmem:s8+$0xB170]  }
0x2ac: {  	[tilespmem:s8+$0xB110] =	vst v11;
	v4 =	vadd.f32 v4, v9  }
0x2ad: {  	[tilespmem:s8+$0xB120] =	vst v5;
	v3 =	vadd.f32 v3, v8  }
0x2ae: {  	[tilespmem:s8+$0xB130] =	vst v4;
	v2 =	vadd.f32 v2, v6  }
0x2af: {  	[tilespmem:s8+$0xB140] =	vst v3;
	v1 =	vadd.f32 v1, v7  }
0x2b0: {  	[tilespmem:s8+$0xB150] =	vst v2;
	v0 =	vadd.f32 v0, v10  }
0x2b1: {  	[tilespmem:s8+$0xB160] =	vst v1  }
0x2b2: {  	s4 =	simm.s32 $0x0;
	s6 =	rddreg [dreg:$0xe];
	[tilespmem:s8+$0xB170] =	vst v0  }
0x2b3: {  	[hbm4b:s6+s4] =	stream.linear.scatter [tilespmem:s28], [sflag:$0x8], $0x3000, $0x38;
	[tilespmem:$0x1B500] =	vst v63  }
0x2b4: {  	_ =	swait.ge [sflag:s7], $0x3400  }
0x2b5: {  	[sflag:s7] =	ssyncset.done $0x0  }
0x2b6: {  	s8 =	simm.s32 $0x0;
	[sflag:s7] =	ssyncadd.s32 $0xFFFFCC00  }
0x2b7: {  	v7 =	vld [tilespmem:s8+$0x0]  }
0x2b8: {  	v11 =	vld [tilespmem:s8+$0x10]  }
0x2b9: {  	v5 =	vld [tilespmem:s8+$0x20]  }
0x2ba: {  	v4 =	vld [tilespmem:s8+$0x30]  }
0x2bb: {  	v3 =	vld [tilespmem:s8+$0x40]  }
0x2bc: {  	v2 =	vld [tilespmem:s8+$0x50]  }
0x2bd: {  	v1 =	vld [tilespmem:s8+$0x60]  }
0x2be: {  	v0 =	vld [tilespmem:s8+$0x70]  }
0x2bf: {  	v12 =	vld [tilespmem:s8+$0xE500]  }
0x2c0: {  	v13 =	vld [tilespmem:s8+$0xE510]  }
0x2c1: {  	v10 =	vld [tilespmem:s8+$0xE520]  }
0x2c2: {  	v9 =	vld [tilespmem:s8+$0xE530]  }
0x2c3: {  	v8 =	vld [tilespmem:s8+$0xE540]  }
0x2c4: {  	v6 =	vld [tilespmem:s8+$0xE550];
	v12 =	vadd.f32 v7, v12  }
0x2c5: {  	s4 =	simm.s32 $0x200;
	v11 =	vadd.f32 v11, v13;
	v7 =	vld [tilespmem:s8+$0xE560]  }
.LBB2_32:
0x2c6: {  	s6 =	sshra.s32 s4, $0x2;
	p0 =	sne.s32 s4, $0xCE00;
	[tilespmem:s8+$0xE500] =	vst v12;
	v5 =	vadd.f32 v5, v10;
	v10 =	vld [tilespmem:s8+$0xE570]  }
0x2c7: {  	v12 =	vld [tilespmem:s6+$0x0];
	[tilespmem:s8+$0xE510] =	vst v11;
	v4 =	vadd.f32 v4, v9  }
0x2c8: {  	v11 =	vld [tilespmem:s6+$0x10];
	[tilespmem:s8+$0xE520] =	vst v5;
	v3 =	vadd.f32 v3, v8  }
0x2c9: {  	v5 =	vld [tilespmem:s6+$0x20];
	[tilespmem:s8+$0xE530] =	vst v4;
	v2 =	vadd.f32 v2, v6  }
0x2ca: {  	v4 =	vld [tilespmem:s6+$0x30];
	[tilespmem:s8+$0xE540] =	vst v3;
	v1 =	vadd.f32 v1, v7  }
0x2cb: {  	v3 =	vld [tilespmem:s6+$0x40];
	[tilespmem:s8+$0xE550] =	vst v2;
	v0 =	vadd.f32 v0, v10  }
0x2cc: {  	v2 =	vld [tilespmem:s6+$0x50];
	[tilespmem:s8+$0xE560] =	vst v1  }
0x2cd: {  	v1 =	vld [tilespmem:s6+$0x60];
	[tilespmem:s8+$0xE570] =	vst v0;
	s8 =	smov.u32 s6  }
0x2ce: {  	v0 =	vld [tilespmem:s8+$0x70]  }
0x2cf: {  	v6 =	vld [tilespmem:s8+$0xE500]  }
0x2d0: {  	v7 =	vld [tilespmem:s8+$0xE510]  }
.Ltmp15:
0x2d1: {  	v10 =	vld [tilespmem:s8+$0xE520];
	(pc) =	sbr.rel @p0 .LBB2_32-.Ltmp15, $4  }
0x2d2: {  	v9 =	vld [tilespmem:s8+$0xE530]  }
0x2d3: {  	v8 =	vld [tilespmem:s8+$0xE540]  }
0x2d4: {  	v12 =	vadd.f32 v12, v6;
	v6 =	vld [tilespmem:s8+$0xE550]  }
0x2d5: {  	s4 =	sadd.s32 $0x200, s4;
	v11 =	vadd.f32 v11, v7;
	v7 =	vld [tilespmem:s8+$0xE560]  }
0x2d6: {  	[tilespmem:s8+$0xE500] =	vst v12;
	v5 =	vadd.f32 v5, v10;
	v10 =	vld [tilespmem:s8+$0xE570]  }
0x2d7: {  	[tilespmem:s8+$0xE510] =	vst v11;
	v4 =	vadd.f32 v4, v9  }
0x2d8: {  	[tilespmem:s8+$0xE520] =	vst v5;
	v3 =	vadd.f32 v3, v8  }
0x2d9: {  	[tilespmem:s8+$0xE530] =	vst v4;
	v2 =	vadd.f32 v2, v6  }
0x2da: {  	[tilespmem:s8+$0xE540] =	vst v3;
	v1 =	vadd.f32 v1, v7  }
0x2db: {  	[tilespmem:s8+$0xE550] =	vst v2;
	v0 =	vadd.f32 v0, v10  }
0x2dc: {  	[tilespmem:s8+$0xE560] =	vst v1  }
0x2dd: {  	s4 =	simm.s32 $0x0;
	s6 =	rddreg [dreg:$0xf];
	[tilespmem:s8+$0xE570] =	vst v0  }
0x2de: {  	[hbm4b:s6+s4] =	stream.linear.scatter [tilespmem:s30], [sflag:$0x9], $0x3400, $0x38;
	[tilespmem:$0x1B500] =	vst v63  }
0x2df: {  	_ =	swait.ge [sflag:s12], $0x3000  }
0x2e0: {  	[sflag:s12] =	ssyncset.done $0x0  }
0x2e1: {  	s8 =	simm.s32 $0x0;
	[sflag:s12] =	ssyncadd.s32 $0xFFFFD000  }
0x2e2: {  	v7 =	vld [tilespmem:s8+$0x3400]  }
0x2e3: {  	v11 =	vld [tilespmem:s8+$0x3410]  }
0x2e4: {  	v5 =	vld [tilespmem:s8+$0x3420]  }
0x2e5: {  	v4 =	vld [tilespmem:s8+$0x3430]  }
0x2e6: {  	v3 =	vld [tilespmem:s8+$0x3440]  }
0x2e7: {  	v2 =	vld [tilespmem:s8+$0x3450]  }
0x2e8: {  	v1 =	vld [tilespmem:s8+$0x3460]  }
0x2e9: {  	v0 =	vld [tilespmem:s8+$0x3470]  }
0x2ea: {  	v12 =	vld [tilespmem:s8+$0x11900]  }
0x2eb: {  	v13 =	vld [tilespmem:s8+$0x11910]  }
0x2ec: {  	v10 =	vld [tilespmem:s8+$0x11920]  }
0x2ed: {  	v9 =	vld [tilespmem:s8+$0x11930]  }
0x2ee: {  	v8 =	vld [tilespmem:s8+$0x11940]  }
0x2ef: {  	v6 =	vld [tilespmem:s8+$0x11950];
	v12 =	vadd.f32 v7, v12  }
0x2f0: {  	s4 =	simm.s32 $0x200;
	v11 =	vadd.f32 v11, v13;
	v7 =	vld [tilespmem:s8+$0x11960]  }
.LBB2_34:
0x2f1: {  	s6 =	sshra.s32 s4, $0x2;
	p0 =	sne.s32 s4, $0xBE00;
	[tilespmem:s8+$0x11900] =	vst v12;
	v5 =	vadd.f32 v5, v10;
	v10 =	vld [tilespmem:s8+$0x11970]  }
0x2f2: {  	v12 =	vld [tilespmem:s6+$0x3400];
	[tilespmem:s8+$0x11910] =	vst v11;
	v4 =	vadd.f32 v4, v9  }
0x2f3: {  	v11 =	vld [tilespmem:s6+$0x3410];
	[tilespmem:s8+$0x11920] =	vst v5;
	v3 =	vadd.f32 v3, v8  }
0x2f4: {  	v5 =	vld [tilespmem:s6+$0x3420];
	[tilespmem:s8+$0x11930] =	vst v4;
	v2 =	vadd.f32 v2, v6  }
0x2f5: {  	v4 =	vld [tilespmem:s6+$0x3430];
	[tilespmem:s8+$0x11940] =	vst v3;
	v1 =	vadd.f32 v1, v7  }
0x2f6: {  	v3 =	vld [tilespmem:s6+$0x3440];
	[tilespmem:s8+$0x11950] =	vst v2;
	v0 =	vadd.f32 v0, v10  }
0x2f7: {  	v2 =	vld [tilespmem:s6+$0x3450];
	[tilespmem:s8+$0x11960] =	vst v1  }
0x2f8: {  	v1 =	vld [tilespmem:s6+$0x3460];
	[tilespmem:s8+$0x11970] =	vst v0;
	s8 =	smov.u32 s6  }
0x2f9: {  	v0 =	vld [tilespmem:s8+$0x3470]  }
0x2fa: {  	v6 =	vld [tilespmem:s8+$0x11900]  }
0x2fb: {  	v7 =	vld [tilespmem:s8+$0x11910]  }
.Ltmp16:
0x2fc: {  	v10 =	vld [tilespmem:s8+$0x11920];
	(pc) =	sbr.rel @p0 .LBB2_34-.Ltmp16, $4  }
0x2fd: {  	v9 =	vld [tilespmem:s8+$0x11930]  }
0x2fe: {  	v8 =	vld [tilespmem:s8+$0x11940]  }
0x2ff: {  	v12 =	vadd.f32 v12, v6;
	v6 =	vld [tilespmem:s8+$0x11950]  }
0x300: {  	s4 =	sadd.s32 $0x200, s4;
	v11 =	vadd.f32 v11, v7;
	v7 =	vld [tilespmem:s8+$0x11960]  }
0x301: {  	[tilespmem:s8+$0x11900] =	vst v12;
	v5 =	vadd.f32 v5, v10;
	v63 =	vld [tilespmem:s8+$0x11970]  }
0x302: {  	[tilespmem:s8+$0x11910] =	vst v11;
	v4 =	vadd.f32 v4, v9  }
0x303: {  	[tilespmem:s8+$0x11920] =	vst v5;
	v3 =	vadd.f32 v3, v8  }
0x304: {  	[tilespmem:s8+$0x11930] =	vst v4;
	v2 =	vadd.f32 v2, v6  }
0x305: {  	[tilespmem:s8+$0x11940] =	vst v3;
	v1 =	vadd.f32 v1, v7  }
0x306: {  	[tilespmem:s8+$0x11950] =	vst v2;
	v0 =	vadd.f32 v0, v63  }
0x307: {  	[tilespmem:s8+$0x11960] =	vst v1  }
0x308: {  	s4 =	rddreg [dreg:$0x10];
	[tilespmem:s8+$0x11970] =	vst v0  }
0x309: {  	[hbm4b:s4+s19] =	stream.linear.scatter [tilespmem:s1], [sflag:$0xA], $0x3000, $0x38;
	[tilespmem:$0x1B500] =	vst v63  }
0x30a: {  	_ =	swait.ge [sflag:s5], $0x3400  }
0x30b: {  	[sflag:s5] =	ssyncset.done $0x0  }
0x30c: {  	[sflag:s5] =	ssyncadd.s32 $0xFFFFCC00  }
0x30d: {  	_ =	swait.ge [sflag:s9], $0x3000  }
0x30e: {  	[sflag:s9] =	ssyncset.done $0x0  }
0x30f: {  	[sflag:s9] =	ssyncadd.s32 $0xFFFFD000  }
0x310: {  	_ =	swait.ge [sflag:s13], $0x3400  }
0x311: {  	[sflag:s13] =	ssyncset.done $0x0  }
0x312: {  	[sflag:s13] =	ssyncadd.s32 $0xFFFFCC00  }
0x313: {  	_ =	swait.ge [sflag:s15], $0x3000  }
0x314: {  	[sflag:s15] =	ssyncset.done $0x0  }
0x315: {  	[sflag:s15] =	ssyncadd.s32 $0xFFFFD000  }
0x316: {  	_ =	swait.ge [sflag:s17], $0x3400  }
0x317: {  	[sflag:s17] =	ssyncset.done $0x0  }
0x318: {  	[sflag:s17] =	ssyncadd.s32 $0xFFFFCC00  }
0x319: {  	_ =	swait.ge [sflag:s18], $0x3000  }
0x31a: {  	s6 =	rddreg [dreg:$0x12]  }
0x31b: {  	s29 =	rddreg [dreg:$0x11];
	s6 =	sadd.s32 $0x1, s6  }
0x31c: {  	p0 =	sne.s32 s6, s29  }
.Ltmp17:
0x31d: {  	_ = 	snop;
	(pc) =	sbr.rel @p0 .LBB2_1-.Ltmp17, $3  }
0x31e: {  	_ =	sdelay $0x1  }
0x31f: {  	[sflag:s18] =	ssyncset.done $0x0  }
0x320: {  	[sflag:s18] =	ssyncadd.s32 $0xFFFFD000  }
0x321: {  	_ =	sfence.sel $0x180000  }
0x322: {  	[bflag:$0x0] =	sbarrier.arrive $0xFFFF  }
0x323: {  	_ =	strace $0x90000047  }
0x324: {  	s0 =	stileid.u32;
	[bflag:$0x2] =	sbarrier.arrive $0xFFFF  }
0x325: {  	p0 =	sne.s32 s0, $0x0;
	s0 =	rddreg [dreg:$0x3]  }
0x326: {  	s0 =	sadd.s32 @!p0 $0x100000, s0  }
0x327: {  	[sflag:s0] =	ssyncadd.tile.s32 @!p0 $0x1;
	_ =	shalt  }
.Lfunc_end2:
_tile_overlayer_lowered:
.L_overlay_start_2:
0x328: {  	(tag) =	ssettag $0x2  }
0x329: {  	s0 =	rddreg [dreg:$0x0];
	s2 =	stileid.u32  }
0x32a: {  	s1 =	rddreg [dreg:$0x1];
	p0 =	sne.s32 s2, $0x0  }
0x32b: {  	s3 =	rddreg [dreg:$0x2];
	[bflag:$0x3] =	sbarrier.arrive $0xFFFF;
	s2 =	simm.s32 @!p0 $0x1C0E  }
0x32c: {  	[timem:s3], [sflag:s2] =	dma.local @!p0 [hbm:s0], s1  }
0x32d: {  	s0 =	simm.s32 @!p0 $0xE  }
0x32e: {  	_ =	swait.ge @!p0 [sflag:s0], s1  }
0x32f: {  	s1 =	ssub.s32 @!p0 $0x0, s1;
	[sflag:s0] =	ssyncset.done @!p0 $0x0  }
0x330: {  	[sflag:s0] =	ssyncadd.s32 @!p0 s1  }
0x331: {  	[bflag:$0x3] =	sbarrier.arrive $0xFFFF  }
0x332: {  	_ =	shalt  }

</sc_bundles>
